<compile_context>
chip_gen: v7x
topology: tpu7x:2x2x1
jax: 0.10.2.dev20260603
libtpu: 0.0.44.dev20260713+nightly
codegen_flags: <defaults>
</compile_context>

<pallas_src>
import functools

import jax
import jax.numpy as jnp
from jax import lax
from jax.experimental import pallas as pl
from jax.experimental.pallas import tpu as pltpu
from jax.experimental.pallas import tpu_sc as plsc

N = 10000
E = 320000
D = 128
DE = 16
H = 64
HP = 128
L = 3

NC = 2
NS = 16
NW = NC * NS

CHUNK = 80
CHUNKS_TOTAL = E // CHUNK
CPW = CHUNKS_TOTAL // NW
NPAD = 10240
ROWS_PER_S = NPAD // NS
ZROWS = 128

GB = 400
GPW = E // NW // GB

BE = 2560
NEB = E // BE


def _msg_body(h_hbm, e_hbm, src_hbm, dst_hbm, out_hbm,
              src_v, dst_v, rows_v, e_v, zbuf_v, sem, acc):
    c = lax.axis_index("c")
    s = lax.axis_index("s")
    wid = s * NC + c

    def _zrow(i, carry):
        for k in range(HP // 16):
            zbuf_v[i, pl.ds(k * 16, 16)] = jnp.zeros((16,), jnp.float32)
        return carry
    lax.fori_loop(0, ZROWS, _zrow, 0)
    for k in range(ROWS_PER_S // ZROWS):
        pltpu.sync_copy(zbuf_v, acc.at[pl.ds(s * ROWS_PER_S + k * ZROWS, ZROWS)])
    plsc.subcore_barrier()

    def _chunk(j, carry):
        eoff = wid * (CPW * CHUNK) + j * CHUNK
        pltpu.sync_copy(src_hbm.at[pl.ds(eoff, CHUNK)], src_v)
        gather = pltpu.async_copy(h_hbm.at[src_v], rows_v, sem)
        pltpu.sync_copy(dst_hbm.at[pl.ds(eoff, CHUNK)], dst_v)
        pltpu.sync_copy(
            e_hbm.at[pl.ds(wid * (CPW * CHUNK // 2) + j * (CHUNK // 2),
                           CHUNK // 2)], e_v)
        gather.wait()

        def _row(i2, carry2):
            for p in range(2):
                for k in range(H // 16):
                    sl = pl.ds(k * 16, 16)
                    esl = pl.ds(p * H + k * 16, 16)
                    rows_v[2 * i2 + p, sl] = jnp.maximum(
                        rows_v[2 * i2 + p, sl] + e_v[i2, esl], 0.0)
            return carry2
        lax.fori_loop(0, CHUNK // 2, _row, 0)
        pltpu.sync_copy(rows_v, acc.at[dst_v], add=True)
        return carry
    lax.fori_loop(0, CPW, _chunk, 0)

    plsc.subcore_barrier()
    for k in range(ROWS_PER_S // ZROWS):
        r0 = s * ROWS_PER_S + k * ZROWS
        pltpu.sync_copy(acc.at[pl.ds(r0, ZROWS)], zbuf_v)
        pltpu.sync_copy(zbuf_v, out_hbm.at[c, pl.ds(r0, ZROWS)])


@functools.cache
def _msg_call():
    return pl.kernel(
        _msg_body,
        out_type=jax.ShapeDtypeStruct((NC, NPAD, HP), jnp.float32),
        mesh=plsc.VectorSubcoreMesh(core_axis_name="c", subcore_axis_name="s",
                                    num_cores=NC, num_subcores=NS),
        scratch_types=[
            pltpu.VMEM((CHUNK,), jnp.int32),
            pltpu.VMEM((CHUNK,), jnp.int32),
            pltpu.VMEM((CHUNK, HP), jnp.float32),
            pltpu.VMEM((CHUNK // 2, HP), jnp.float32),
            pltpu.VMEM((ZROWS, HP), jnp.float32),
            pltpu.SemaphoreType.DMA,
            pltpu.VMEM_SHARED((NPAD, HP), jnp.float32),
        ],
    )


def _gather_body(h_hbm, src_hbm, dst_hbm, out_hbm, idx_v, rows_s, rows_d, sem):
    c = lax.axis_index("c")
    s = lax.axis_index("s")
    wid = s * NC + c
    base = wid * (E // NW)

    def _chunk(j, carry):
        off = base + j * GB
        pltpu.sync_copy(src_hbm.at[pl.ds(off, GB)], idx_v)
        pltpu.async_copy(h_hbm.at[idx_v], rows_s, sem).wait()
        pltpu.sync_copy(dst_hbm.at[pl.ds(off, GB)], idx_v)
        pltpu.async_copy(h_hbm.at[idx_v], rows_d, sem).wait()

        def _row(i, carry2):
            for k in range(H // 16):
                rows_s[i, pl.ds(H + k * 16, 16)] = rows_d[i, pl.ds(k * 16, 16)]
            return carry2
        lax.fori_loop(0, GB, _row, 0)
        pltpu.sync_copy(rows_s, out_hbm.at[pl.ds(off, GB)])
        return carry
    lax.fori_loop(0, GPW, _chunk, 0)


@functools.cache
def _gather_call():
    return pl.kernel(
        _gather_body,
        out_type=jax.ShapeDtypeStruct((E, HP), jnp.float32),
        mesh=plsc.VectorSubcoreMesh(core_axis_name="c", subcore_axis_name="s",
                                    num_cores=NC, num_subcores=NS),
        scratch_types=[
            pltpu.VMEM((GB,), jnp.int32),
            pltpu.VMEM((GB, HP), jnp.float32),
            pltpu.VMEM((GB, HP), jnp.float32),
            pltpu.SemaphoreType.DMA,
        ],
    )



def _mlp2_body(x_ref, W1_ref, b1_ref, W2_ref, b2_ref, out_ref):
    z = jnp.maximum(jnp.dot(x_ref[...], W1_ref[...],
                            preferred_element_type=jnp.float32) + b1_ref[...], 0.0)
    out_ref[...] = jnp.dot(z, W2_ref[...],
                           preferred_element_type=jnp.float32) + b2_ref[...]


def _mlp2_pad_body(x_ref, W1_ref, b1_ref, W2_ref, b2_ref, out_ref):
    z = jnp.maximum(jnp.dot(x_ref[...], W1_ref[...],
                            preferred_element_type=jnp.float32) + b1_ref[...], 0.0)
    r = jnp.dot(z, W2_ref[...], preferred_element_type=jnp.float32) + b2_ref[...]
    out_ref[:, :H] = r
    out_ref[:, H:] = jnp.zeros_like(r)


def _edge_enc_body(ea_ref, W1_ref, b1_ref, W2_ref, b2_ref, out_ref):
    ea = ea_ref[...]
    prior = (1.5 * ea[:, 0] + 0.7 * ea[:, 1] + 0.6 * ea[:, 2] + 0.5 * ea[:, 3]
             - 0.9 * ea[:, 4] - 0.7 * ea[:, 5] - 0.45 * ea[:, 6]
             + 0.15 * ea[:, 7])[:, None]
    ea_aug = jnp.concatenate([ea, prior], axis=-1)
    z = jnp.maximum(jnp.dot(ea_aug, W1_ref[...],
                            preferred_element_type=jnp.float32) + b1_ref[...], 0.0)
    out_ref[...] = jnp.dot(z, W2_ref[...],
                           preferred_element_type=jnp.float32) + b2_ref[...]


def _edge_encode(ea, W1, b1, W2, b2):
    return pl.pallas_call(
        _edge_enc_body,
        grid=(NEB,),
        in_specs=[
            pl.BlockSpec((BE, DE), lambda i: (i, 0)),
            pl.BlockSpec((DE + 1, H), lambda i: (0, 0)),
            pl.BlockSpec((1, H), lambda i: (0, 0)),
            pl.BlockSpec((H, H), lambda i: (0, 0)),
            pl.BlockSpec((1, H), lambda i: (0, 0)),
        ],
        out_specs=pl.BlockSpec((BE, H), lambda i: (i, 0)),
        out_shape=jax.ShapeDtypeStruct((E, H), jnp.float32),
    )(ea, W1, b1, W2, b2)


def _node_encode(x, W1, b1, W2, b2):
    return pl.pallas_call(
        _mlp2_pad_body,
        out_shape=jax.ShapeDtypeStruct((N, HP), jnp.float32),
    )(x, W1, b1, W2, b2)


def _layer_pre_body(h_ref, agg_ref, cW1, cb1, cW2, cb2, out_ref):
    h = h_ref[:, :H]
    z = h + agg_ref[0][:N, :H] + agg_ref[1][:N, :H]
    z = jnp.maximum(jnp.dot(z, cW1[...], preferred_element_type=jnp.float32)
                    + cb1[...], 0.0)
    out_ref[...] = jnp.dot(z, cW2[...], preferred_element_type=jnp.float32) + cb2[...]


def _layer_post_body(h_ref, z_ref, mu_ref, var_ref, bng, bnb,
                     fW1, fb1, fW2, fb2, lng, lnb, out_ref):
    h = h_ref[:, :H]
    z = ((z_ref[...] - mu_ref[...]) / jnp.sqrt(var_ref[...] + 1e-5)
         * bng[...] + bnb[...])
    h = h + jnp.maximum(z, 0.0)
    y = jnp.maximum(jnp.dot(h, fW1[...], preferred_element_type=jnp.float32)
                    + fb1[...], 0.0)
    y = jnp.dot(y, fW2[...], preferred_element_type=jnp.float32) + fb2[...]
    t = h + y
    mu = jnp.mean(t, axis=-1, keepdims=True)
    var = jnp.mean((t - mu) * (t - mu), axis=-1, keepdims=True)
    out_ref[:, :H] = (t - mu) / jnp.sqrt(var + 1e-5) * lng[...] + lnb[...]
    out_ref[:, H:] = jnp.zeros_like(t)


def _layer_update(h, agg, cW1, cb1, cW2, cb2, bng, bnb,
                  fW1, fb1, fW2, fb2, lng, lnb):
    z = pl.pallas_call(
        _layer_pre_body,
        out_shape=jax.ShapeDtypeStruct((N, H), jnp.float32),
    )(h, agg, cW1, cb1, cW2, cb2)
    mu = z.mean(axis=0, keepdims=True)
    var = z.var(axis=0, keepdims=True)
    return pl.pallas_call(
        _layer_post_body,
        out_shape=jax.ShapeDtypeStruct((N, HP), jnp.float32),
    )(h, z, mu, var, bng, bnb, fW1, fb1, fW2, fb2, lng, lnb)


def _head_body(xsd_ref, e_ref, sgW, dgW, egW, gb,
               W1a, W1b, W1c, W1d, hb1, hW2, hb2, hW3, hb3, out_ref):
    xs = xsd_ref[:, :H]
    xd = xsd_ref[:, H:]
    e = e_ref[...]
    g = jax.nn.sigmoid(
        jnp.dot(xs, sgW[...], preferred_element_type=jnp.float32)
        + jnp.dot(xd, dgW[...], preferred_element_type=jnp.float32)
        + jnp.dot(e, egW[...], preferred_element_type=jnp.float32) + gb[...])
    t = g * (xs * xd)
    hd = jnp.maximum(
        jnp.dot(xs, W1a[...], preferred_element_type=jnp.float32)
        + jnp.dot(xd, W1b[...], preferred_element_type=jnp.float32)
        + jnp.dot(e, W1c[...], preferred_element_type=jnp.float32)
        + jnp.dot(t, W1d[...], preferred_element_type=jnp.float32)
        + hb1[...], 0.0)
    hd = jnp.maximum(jnp.dot(hd, hW2[...], preferred_element_type=jnp.float32)
                     + hb2[...], 0.0)
    out_ref[...] = (jnp.dot(hd, hW3[...], preferred_element_type=jnp.float32)
                    + hb3[...])


def _head(xsd, e, sgW, dgW, egW, gb, W1a, W1b, W1c, W1d,
          hb1, hW2, hb2, hW3, hb3):
    wspec = lambda shape: pl.BlockSpec(shape, lambda i: (0,) * len(shape))
    return pl.pallas_call(
        _head_body,
        grid=(NEB,),
        in_specs=[
            pl.BlockSpec((BE, HP), lambda i: (i, 0)),
            pl.BlockSpec((BE, H), lambda i: (i, 0)),
            wspec((H, H)), wspec((H, H)), wspec((H, H)), wspec((1, H)),
            wspec((H, H)), wspec((H, H)), wspec((H, H)), wspec((H, H)),
            wspec((1, H)), wspec((H, H // 2)), wspec((1, H // 2)),
            wspec((H // 2, 1)), wspec((1, 1)),
        ],
        out_specs=pl.BlockSpec((BE, 1), lambda i: (i, 0)),
        out_shape=jax.ShapeDtypeStruct((E, 1), jnp.float32),
    )(xsd, e, sgW, dgW, egW, gb, W1a, W1b, W1c, W1d,
      hb1, hW2, hb2, hW3, hb3)


def kernel(x, edge_index, edge_attr,
           ne_W1, ne_b1, ne_W2, ne_b2,
           ee_W1, ee_b1, ee_W2, ee_b2,
           conv_W1, conv_b1, conv_W2, conv_b2,
           bn_g, bn_b,
           ffn_W1, ffn_b1, ffn_W2, ffn_b2,
           ln_g, ln_b,
           sg_W, sg_b, dg_W, dg_b, eg_W, eg_b,
           h_W1, h_b1, h_W2, h_b2, h_W3, h_b3):
    src = edge_index[0]
    dst = edge_index[1]

    r1 = lambda b: b.reshape(1, -1)

    e = _edge_encode(edge_attr, ee_W1, r1(ee_b1), ee_W2, r1(ee_b2))
    h = _node_encode(x, ne_W1, r1(ne_b1), ne_W2, r1(ne_b2))

    e2 = e.reshape(E // 2, HP)
    for l in range(L):
        agg = _msg_call()(h, e2, src, dst)
        h = _layer_update(h, agg,
                          conv_W1[l], r1(conv_b1[l]), conv_W2[l], r1(conv_b2[l]),
                          r1(bn_g[l]), r1(bn_b[l]),
                          ffn_W1[l], r1(ffn_b1[l]), ffn_W2[l], r1(ffn_b2[l]),
                          r1(ln_g[l]), r1(ln_b[l]))

    xsd = _gather_call()(h, src, dst)

    gb = r1(sg_b + dg_b + eg_b)
    logits = _head(xsd, e, sg_W, dg_W, eg_W, gb,
                   h_W1[0 * H:1 * H], h_W1[1 * H:2 * H],
                   h_W1[2 * H:3 * H], h_W1[3 * H:4 * H],
                   r1(h_b1), h_W2, r1(h_b2), h_W3, r1(h_b3))
    return logits[:, 0]

# --- scband reference (transcript-rebuilt; emitter-appended) ---
"""Pipeline reference for scband-edge-rank-gnnrefined-74208444940768 (READ-ONLY COPY).

The authoritative reference and input builder live on the scoring server;
editing this copy changes nothing except your own understanding.
"""

import jax, jax.numpy as jnp
import numpy as np

N = 10000
E = 320000
D = 128
DE = 16
H = 64
L = 3

PARAM_SPECS = [
    ("ne_W1", (D, H)), ("ne_b1", (H,)), ("ne_W2", (H, H)), ("ne_b2", (H,)),
    ("ee_W1", (DE + 1, H)), ("ee_b1", (H,)), ("ee_W2", (H, H)), ("ee_b2", (H,)),
    ("conv_W1", (L, H, H)), ("conv_b1", (L, H)), ("conv_W2", (L, H, H)), ("conv_b2", (L, H)),
    ("bn_g", (L, H)), ("bn_b", (L, H)),
    ("ffn_W1", (L, H, H)), ("ffn_b1", (L, H)), ("ffn_W2", (L, H, H)), ("ffn_b2", (L, H)),
    ("ln_g", (L, H)), ("ln_b", (L, H)),
    ("sg_W", (H, H)), ("sg_b", (H,)), ("dg_W", (H, H)), ("dg_b", (H,)), ("eg_W", (H, H)), ("eg_b", (H,)),
    ("h_W1", (4 * H, H)), ("h_b1", (H,)), ("h_W2", (H, H // 2)), ("h_b2", (H // 2,)), ("h_W3", (H // 2, 1)), ("h_b3", (1,)),
]
PARAM_NAMES = [n for n, _ in PARAM_SPECS]


def _init_param(key, name, shape):
    if name in ("bn_g", "ln_g"):
        return jnp.ones(shape, jnp.float32)
    if name in ("bn_b", "ln_b") or name.split("_")[-1].startswith("b"):
        return jnp.zeros(shape, jnp.float32)
    fan_in = shape[-2]
    return jax.random.normal(key, shape, jnp.float32) / np.sqrt(fan_in)


def setup_inputs(seed: int = 0) -> dict:
    key = jax.random.key(seed)
    inp = {}
    inp["x"] = jax.random.normal(jax.random.fold_in(key, 100), (N, D), dtype=jnp.float32)
    inp["edge_index"] = jax.random.randint(jax.random.fold_in(key, 101), (2, E), 0, N, dtype=jnp.int32)
    inp["edge_attr"] = jax.random.uniform(jax.random.fold_in(key, 102), (E, DE), dtype=jnp.float32)
    for i, (name, shape) in enumerate(PARAM_SPECS):
        inp[name] = _init_param(jax.random.fold_in(key, i), name, shape)
    return inp


def _forward(x, edge_attr, edge_index, p):
    src = edge_index[0]
    dst = edge_index[1]
    # heuristic edge prior from named feature columns (cols 0..7)
    ea = edge_attr
    prior = (1.5 * ea[:, 0] + 0.7 * ea[:, 1] + 0.6 * ea[:, 2] + 0.5 * ea[:, 3]
             - 0.9 * ea[:, 4] - 0.7 * ea[:, 5] - 0.45 * ea[:, 6] + 0.15 * ea[:, 7])[:, None]
    ea_aug = jnp.concatenate([edge_attr, prior], axis=-1)
    # node / edge encoders (dropout=0.0 -> identity)
    h = jax.nn.relu(x @ p["ne_W1"] + p["ne_b1"]) @ p["ne_W2"] + p["ne_b2"]
    e = jax.nn.relu(ea_aug @ p["ee_W1"] + p["ee_b1"]) @ p["ee_W2"] + p["ee_b2"]
    for l in range(L):
        # GINEConv (eps=0, edge lin is identity since edge_dim == hidden_dim):
        # out = mlp((1+eps)*x + sum_{j->i} relu(x_j + e_ji))
        m = jax.nn.relu(h[src] + e)
        agg = jax.ops.segment_sum(m, dst, num_segments=N)
        z = (h + agg)
        z = jax.nn.relu(z @ p["conv_W1"][l] + p["conv_b1"][l]) @ p["conv_W2"][l] + p["conv_b2"][l]
        # BatchNorm (training-mode batch statistics, biased var, eps=1e-5)
        mu = z.mean(axis=0)
        var = z.var(axis=0)
        z = (z - mu) / jnp.sqrt(var + 1e-5) * p["bn_g"][l] + p["bn_b"][l]
        h = h + jax.nn.relu(z)
        # ResidualMLP: LayerNorm(x + net(x))
        y = jax.nn.relu(h @ p["ffn_W1"][l] + p["ffn_b1"][l]) @ p["ffn_W2"][l] + p["ffn_b2"][l]
        t = h + y
        mu = t.mean(axis=-1, keepdims=True)
        var = t.var(axis=-1, keepdims=True)
        h = (t - mu) / jnp.sqrt(var + 1e-5) * p["ln_g"][l] + p["ln_b"][l]
    xs = h[src]
    xd = h[dst]
    g = jax.nn.sigmoid(xs @ p["sg_W"] + p["sg_b"] + xd @ p["dg_W"] + p["dg_b"] + e @ p["eg_W"] + p["eg_b"])
    er = jnp.concatenate([xs, xd, e, g * (xs * xd)], axis=-1)
    hd = jax.nn.relu(er @ p["h_W1"] + p["h_b1"])
    hd = jax.nn.relu(hd @ p["h_W2"] + p["h_b2"])
    logits = (hd @ p["h_W3"] + p["h_b3"]).squeeze(-1)
    return logits


def reference(x, edge_index, edge_attr,
              ne_W1, ne_b1, ne_W2, ne_b2,
              ee_W1, ee_b1, ee_W2, ee_b2,
              conv_W1, conv_b1, conv_W2, conv_b2,
              bn_g, bn_b,
              ffn_W1, ffn_b1, ffn_W2, ffn_b2,
              ln_g, ln_b,
              sg_W, sg_b, dg_W, dg_b, eg_W, eg_b,
              h_W1, h_b1, h_W2, h_b2, h_W3, h_b3):
    params = dict(zip(PARAM_NAMES, (
        ne_W1, ne_b1, ne_W2, ne_b2,
        ee_W1, ee_b1, ee_W2, ee_b2,
        conv_W1, conv_b1, conv_W2, conv_b2,
        bn_g, bn_b,
        ffn_W1, ffn_b1, ffn_W2, ffn_b2,
        ln_g, ln_b,
        sg_W, sg_b, dg_W, dg_b, eg_W, eg_b,
        h_W1, h_b1, h_W2, h_b2, h_W3, h_b3,
    )))
    return _forward(x, edge_attr, edge_index, params)

if __name__ == "__main__":
    import jax
    _d = setup_inputs()
    print(jax.jit(kernel)(*tuple(_d.values())))

</pallas_src>

<mosaic_0001>
#map = affine_map<(d0, d1) -> (0, 0)>
#map1 = affine_map<(d0, d1) -> (0)>
module attributes {stable_mosaic.version = 14 : i64} {
  func.func @_gather_body(%arg0: i32, %arg1: i32, %arg2: memref<10000x128xf32, #tpu.memory_space<hbm>>, %arg3: memref<320000xi32, #tpu.memory_space<hbm>>, %arg4: memref<320000xi32, #tpu.memory_space<hbm>>, %arg5: memref<320000x128xf32, #tpu.memory_space<hbm>>, %arg6: memref<400xi32, #tpu.memory_space<vmem>>, %arg7: memref<400x128xf32, #tpu.memory_space<vmem>>, %arg8: memref<400x128xf32, #tpu.memory_space<vmem>>, %arg9: memref<!tpu.dma_semaphore, #tpu.memory_space<semaphore_mem>>) attributes {dimension_semantics = [#tpu.dimension_semantics<core_parallel>, #tpu.dimension_semantics<subcore_parallel>], iteration_bounds = array<i64: 2, 16>, scalar_prefetch = 0 : i64, scratch_operands = 4 : i64, tpu.core_type = #tpu.core_type<sc_vector_subcore>, window_params = [{transform_indices = #map}, {transform_indices = #map1}, {transform_indices = #map1}, {transform_indices = #map}]} {
    %mul3A = arith.constant 2 : i32
    %mul3A_0 = arith.muli %arg1, %mul3A : i32
    %add3A = arith.addi %mul3A_0, %arg0 : i32
    %mul3A_1 = arith.constant 10000 : i32
    %mul3A_2 = arith.muli %add3A, %mul3A_1 : i32
    %scan3A = arith.constant 0 : i32
    %scan3A_3 = arith.constant 0 : i32
    %scan3A_4 = arith.constant 25 : i32
    %scan3A_5 = arith.addi %scan3A_3, %scan3A_4 : i32
    %scan3A_6 = arith.constant 1 : i32
    scf.for %scan3A_8 = %scan3A_3 to %scan3A_5 step %scan3A_6  : i32 {
      %mul3A_9 = arith.constant 400 : i32
      %mul3A_10 = arith.muli %scan3A_8, %mul3A_9 : i32
      %add3A_11 = arith.addi %mul3A_2, %mul3A_10 : i32
      "tpu.region"() ({
        %run_scoped3A = tpu.sem_alloc : memref<!tpu.dma_semaphore, #tpu.memory_space<semaphore_mem>>
        %dma_start3A_28 = tpu.memref_slice %arg3[%add3A_11] : memref<320000xi32, #tpu.memory_space<hbm>> -> memref<400xi32, #tpu.memory_space<hbm>>
        %dma_start3A_29 = tpu.memref_slice %arg3[%add3A_11] : memref<320000xi32, #tpu.memory_space<hbm>> -> memref<400xi32, #tpu.memory_space<hbm>>
        tpu.enqueue_dma source(%dma_start3A_29 : memref<400xi32, #tpu.memory_space<hbm>>) target(%arg6 : memref<400xi32, #tpu.memory_space<vmem>>) target_semaphore(%run_scoped3A : memref<!tpu.dma_semaphore, #tpu.memory_space<semaphore_mem>>)
        %dma_wait3A_30 = tpu.memref_slice %arg3[%add3A_11] : memref<320000xi32, #tpu.memory_space<hbm>> -> memref<400xi32, #tpu.memory_space<hbm>>
        %dma_wait3A_31 = tpu.memref_slice %arg3[%add3A_11] : memref<320000xi32, #tpu.memory_space<hbm>> -> memref<400xi32, #tpu.memory_space<hbm>>
        tpu.wait_dma2 semaphore(%run_scoped3A : memref<!tpu.dma_semaphore, #tpu.memory_space<semaphore_mem>>) src(%dma_wait3A_31 : memref<400xi32, #tpu.memory_space<hbm>>) dst(%arg6 : memref<400xi32, #tpu.memory_space<vmem>>)
        tpu.yield
      }) : () -> ()
      %dma_start3A = arith.constant 0 : i32
      %dma_start3A_12 = arith.constant 0 : i32
      %dma_start3A_13 = tpu.memref_slice %arg2[%dma_start3A, %dma_start3A_12] : memref<10000x128xf32, #tpu.memory_space<hbm>> -> memref<10000x128xf32, #tpu.memory_space<hbm>>
      tpu.enqueue_indirect_dma source(%dma_start3A_13 : memref<10000x128xf32, #tpu.memory_space<hbm>>) target(%arg7 : memref<400x128xf32, #tpu.memory_space<vmem>>) offsets(%arg6 : memref<400xi32, #tpu.memory_space<vmem>>) semaphore(%arg9 : memref<!tpu.dma_semaphore, #tpu.memory_space<semaphore_mem>>)
      %dma_wait3A = arith.constant 0 : i32
      %dma_wait3A_14 = arith.constant 0 : i32
      %dma_wait3A_15 = tpu.memref_slice %arg2[%dma_wait3A, %dma_wait3A_14] : memref<10000x128xf32, #tpu.memory_space<hbm>> -> memref<10000x128xf32, #tpu.memory_space<hbm>>
      tpu.wait_indirect_dma semaphore(%arg9 : memref<!tpu.dma_semaphore, #tpu.memory_space<semaphore_mem>>) src(%dma_wait3A_15 : memref<10000x128xf32, #tpu.memory_space<hbm>>) dst(%arg7 : memref<400x128xf32, #tpu.memory_space<vmem>>)
      "tpu.region"() ({
        %run_scoped3A = tpu.sem_alloc : memref<!tpu.dma_semaphore, #tpu.memory_space<semaphore_mem>>
        %dma_start3A_28 = tpu.memref_slice %arg4[%add3A_11] : memref<320000xi32, #tpu.memory_space<hbm>> -> memref<400xi32, #tpu.memory_space<hbm>>
        %dma_start3A_29 = tpu.memref_slice %arg4[%add3A_11] : memref<320000xi32, #tpu.memory_space<hbm>> -> memref<400xi32, #tpu.memory_space<hbm>>
        tpu.enqueue_dma source(%dma_start3A_29 : memref<400xi32, #tpu.memory_space<hbm>>) target(%arg6 : memref<400xi32, #tpu.memory_space<vmem>>) target_semaphore(%run_scoped3A : memref<!tpu.dma_semaphore, #tpu.memory_space<semaphore_mem>>)
        %dma_wait3A_30 = tpu.memref_slice %arg4[%add3A_11] : memref<320000xi32, #tpu.memory_space<hbm>> -> memref<400xi32, #tpu.memory_space<hbm>>
        %dma_wait3A_31 = tpu.memref_slice %arg4[%add3A_11] : memref<320000xi32, #tpu.memory_space<hbm>> -> memref<400xi32, #tpu.memory_space<hbm>>
        tpu.wait_dma2 semaphore(%run_scoped3A : memref<!tpu.dma_semaphore, #tpu.memory_space<semaphore_mem>>) src(%dma_wait3A_31 : memref<400xi32, #tpu.memory_space<hbm>>) dst(%arg6 : memref<400xi32, #tpu.memory_space<vmem>>)
        tpu.yield
      }) : () -> ()
      %dma_start3A_16 = arith.constant 0 : i32
      %dma_start3A_17 = arith.constant 0 : i32
      %dma_start3A_18 = tpu.memref_slice %arg2[%dma_start3A_16, %dma_start3A_17] : memref<10000x128xf32, #tpu.memory_space<hbm>> -> memref<10000x128xf32, #tpu.memory_space<hbm>>
      tpu.enqueue_indirect_dma source(%dma_start3A_18 : memref<10000x128xf32, #tpu.memory_space<hbm>>) target(%arg8 : memref<400x128xf32, #tpu.memory_space<vmem>>) offsets(%arg6 : memref<400xi32, #tpu.memory_space<vmem>>) semaphore(%arg9 : memref<!tpu.dma_semaphore, #tpu.memory_space<semaphore_mem>>)
      %dma_wait3A_19 = arith.constant 0 : i32
      %dma_wait3A_20 = arith.constant 0 : i32
      %dma_wait3A_21 = tpu.memref_slice %arg2[%dma_wait3A_19, %dma_wait3A_20] : memref<10000x128xf32, #tpu.memory_space<hbm>> -> memref<10000x128xf32, #tpu.memory_space<hbm>>
      tpu.wait_indirect_dma semaphore(%arg9 : memref<!tpu.dma_semaphore, #tpu.memory_space<semaphore_mem>>) src(%dma_wait3A_21 : memref<10000x128xf32, #tpu.memory_space<hbm>>) dst(%arg8 : memref<400x128xf32, #tpu.memory_space<vmem>>)
      %scan3A_22 = arith.constant 0 : i32
      %scan3A_23 = arith.constant 0 : i32
      %scan3A_24 = arith.constant 400 : i32
      %scan3A_25 = arith.addi %scan3A_23, %scan3A_24 : i32
      %scan3A_26 = arith.constant 1 : i32
      scf.for %scan3A_28 = %scan3A_23 to %scan3A_25 step %scan3A_26  : i32 {
        %get3A = arith.index_cast %scan3A_28 : i32 to index
        %get3A_29 = arith.constant 0 : index
        %get3A_30 = tpu.vector_load %arg8[%get3A, %get3A_29] {strides = array<i32>} : memref<400x128xf32, #tpu.memory_space<vmem>>, vector<1x16xf32>,
        %get3A_31 = vector.shape_cast %get3A_30 : vector<1x16xf32> to vector<16xf32>
        %swap3A = arith.index_cast %scan3A_28 : i32 to index
        %swap3A_32 = arith.constant 64 : index
        %swap3A_33 = tpu.vector_load %arg7[%swap3A, %swap3A_32] {strides = array<i32>} : memref<400x128xf32, #tpu.memory_space<vmem>>, vector<1x16xf32>,
        %swap3A_34 = vector.shape_cast %swap3A_33 : vector<1x16xf32> to vector<16xf32>
        %swap3A_35 = vector.shape_cast %get3A_31 : vector<16xf32> to vector<1x16xf32>
        tpu.vector_store %arg7[%swap3A, %swap3A_32], %swap3A_35 {strides = array<i32>} : memref<400x128xf32, #tpu.memory_space<vmem>>, vector<1x16xf32>,
        %get3A_36 = arith.index_cast %scan3A_28 : i32 to index
        %get3A_37 = arith.constant 16 : index
        %get3A_38 = tpu.vector_load %arg8[%get3A_36, %get3A_37] {strides = array<i32>} : memref<400x128xf32, #tpu.memory_space<vmem>>, vector<1x16xf32>,
        %get3A_39 = vector.shape_cast %get3A_38 : vector<1x16xf32> to vector<16xf32>
        %swap3A_40 = arith.index_cast %scan3A_28 : i32 to index
        %swap3A_41 = arith.constant 80 : index
        %swap3A_42 = tpu.vector_load %arg7[%swap3A_40, %swap3A_41] {strides = array<i32>} : memref<400x128xf32, #tpu.memory_space<vmem>>, vector<1x16xf32>,
        %swap3A_43 = vector.shape_cast %swap3A_42 : vector<1x16xf32> to vector<16xf32>
        %swap3A_44 = vector.shape_cast %get3A_39 : vector<16xf32> to vector<1x16xf32>
        tpu.vector_store %arg7[%swap3A_40, %swap3A_41], %swap3A_44 {strides = array<i32>} : memref<400x128xf32, #tpu.memory_space<vmem>>, vector<1x16xf32>,
        %get3A_45 = arith.index_cast %scan3A_28 : i32 to index
        %get3A_46 = arith.constant 32 : index
        %get3A_47 = tpu.vector_load %arg8[%get3A_45, %get3A_46] {strides = array<i32>} : memref<400x128xf32, #tpu.memory_space<vmem>>, vector<1x16xf32>,
        %get3A_48 = vector.shape_cast %get3A_47 : vector<1x16xf32> to vector<16xf32>
        %swap3A_49 = arith.index_cast %scan3A_28 : i32 to index
        %swap3A_50 = arith.constant 96 : index
        %swap3A_51 = tpu.vector_load %arg7[%swap3A_49, %swap3A_50] {strides = array<i32>} : memref<400x128xf32, #tpu.memory_space<vmem>>, vector<1x16xf32>,
        %swap3A_52 = vector.shape_cast %swap3A_51 : vector<1x16xf32> to vector<16xf32>
        %swap3A_53 = vector.shape_cast %get3A_48 : vector<16xf32> to vector<1x16xf32>
        tpu.vector_store %arg7[%swap3A_49, %swap3A_50], %swap3A_53 {strides = array<i32>} : memref<400x128xf32, #tpu.memory_space<vmem>>, vector<1x16xf32>,
        %get3A_54 = arith.index_cast %scan3A_28 : i32 to index
        %get3A_55 = arith.constant 48 : index
        %get3A_56 = tpu.vector_load %arg8[%get3A_54, %get3A_55] {strides = array<i32>} : memref<400x128xf32, #tpu.memory_space<vmem>>, vector<1x16xf32>,
        %get3A_57 = vector.shape_cast %get3A_56 : vector<1x16xf32> to vector<16xf32>
        %swap3A_58 = arith.index_cast %scan3A_28 : i32 to index
        %swap3A_59 = arith.constant 112 : index
        %swap3A_60 = tpu.vector_load %arg7[%swap3A_58, %swap3A_59] {strides = array<i32>} : memref<400x128xf32, #tpu.memory_space<vmem>>, vector<1x16xf32>,
        %swap3A_61 = vector.shape_cast %swap3A_60 : vector<1x16xf32> to vector<16xf32>
        %swap3A_62 = vector.shape_cast %get3A_57 : vector<16xf32> to vector<1x16xf32>
        tpu.vector_store %arg7[%swap3A_58, %swap3A_59], %swap3A_62 {strides = array<i32>} : memref<400x128xf32, #tpu.memory_space<vmem>>, vector<1x16xf32>,
      }
      %scan3A_27 = arith.constant 400 : i32
      "tpu.region"() ({
        %run_scoped3A = tpu.sem_alloc : memref<!tpu.dma_semaphore, #tpu.memory_space<semaphore_mem>>
        %dma_start3A_28 = arith.constant 0 : i32
        %dma_start3A_29 = tpu.memref_slice %arg5[%add3A_11, %dma_start3A_28] : memref<320000x128xf32, #tpu.memory_space<hbm>> -> memref<400x128xf32, #tpu.memory_space<hbm>>
        %dma_start3A_30 = arith.constant 0 : i32
        %dma_start3A_31 = tpu.memref_slice %arg5[%add3A_11, %dma_start3A_30] : memref<320000x128xf32, #tpu.memory_space<hbm>> -> memref<400x128xf32, #tpu.memory_space<hbm>>
        tpu.enqueue_dma source(%arg7 : memref<400x128xf32, #tpu.memory_space<vmem>>) target(%dma_start3A_31 : memref<400x128xf32, #tpu.memory_space<hbm>>) target_semaphore(%run_scoped3A : memref<!tpu.dma_semaphore, #tpu.memory_space<semaphore_mem>>)
        %dma_wait3A_32 = arith.constant 0 : i32
        %dma_wait3A_33 = tpu.memref_slice %arg5[%add3A_11, %dma_wait3A_32] : memref<320000x128xf32, #tpu.memory_space<hbm>> -> memref<400x128xf32, #tpu.memory_space<hbm>>
        %dma_wait3A_34 = arith.constant 0 : i32
        %dma_wait3A_35 = tpu.memref_slice %arg5[%add3A_11, %dma_wait3A_34] : memref<320000x128xf32, #tpu.memory_space<hbm>> -> memref<400x128xf32, #tpu.memory_space<hbm>>
        tpu.wait_dma2 semaphore(%run_scoped3A : memref<!tpu.dma_semaphore, #tpu.memory_space<semaphore_mem>>) src(%arg7 : memref<400x128xf32, #tpu.memory_space<vmem>>) dst(%dma_wait3A_35 : memref<400x128xf32, #tpu.memory_space<hbm>>)
        tpu.yield
      }) : () -> ()
    }
    %scan3A_7 = arith.constant 25 : i32
    return
  }
}

#map = affine_map<(d0, d1) -> (0, 0)>
#map1 = affine_map<(d0, d1) -> (0)>
#map2 = affine_map<(d0, d1) -> (0, 0, 0)>
module attributes {stable_mosaic.version = 14 : i64} {
  func.func @_msg_body(%arg0: i32, %arg1: i32, %arg2: memref<10000x128xf32, #tpu.memory_space<hbm>>, %arg3: memref<160000x128xf32, #tpu.memory_space<hbm>>, %arg4: memref<320000xi32, #tpu.memory_space<hbm>>, %arg5: memref<320000xi32, #tpu.memory_space<hbm>>, %arg6: memref<2x10240x128xf32, #tpu.memory_space<hbm>>, %arg7: memref<80xi32, #tpu.memory_space<vmem>>, %arg8: memref<80xi32, #tpu.memory_space<vmem>>, %arg9: memref<80x128xf32, #tpu.memory_space<vmem>>, %arg10: memref<40x128xf32, #tpu.memory_space<vmem>>, %arg11: memref<128x128xf32, #tpu.memory_space<vmem>>, %arg12: memref<!tpu.dma_semaphore, #tpu.memory_space<semaphore_mem>>, %arg13: memref<10240x128xf32, #tpu.memory_space<vmem_shared>>) attributes {dimension_semantics = [#tpu.dimension_semantics<core_parallel>, #tpu.dimension_semantics<subcore_parallel>], iteration_bounds = array<i64: 2, 16>, scalar_prefetch = 0 : i64, scratch_operands = 7 : i64, tpu.core_type = #tpu.core_type<sc_vector_subcore>, window_params = [{transform_indices = #map}, {transform_indices = #map}, {transform_indices = #map1}, {transform_indices = #map1}, {transform_indices = #map2}]} {
    %mul3A = arith.constant 2 : i32
    %mul3A_0 = arith.muli %arg1, %mul3A : i32
    %add3A = arith.addi %mul3A_0, %arg0 : i32
    %scan3A = arith.constant 0 : i32
    %scan3A_1 = arith.constant 0 : i32
    %scan3A_2 = arith.constant 128 : i32
    %scan3A_3 = arith.addi %scan3A_1, %scan3A_2 : i32
    %scan3A_4 = arith.constant 1 : i32
    scf.for %scan3A_53 = %scan3A_1 to %scan3A_3 step %scan3A_4  : i32 {
      %broadcast_in_dim3A = arith.constant 0.000000e+00 : f32
      %broadcast_in_dim3A_54 = vector.broadcast %broadcast_in_dim3A : f32 to vector<16xf32>
      %swap3A = arith.index_cast %scan3A_53 : i32 to index
      %swap3A_55 = arith.constant 0 : index
      %swap3A_56 = tpu.vector_load %arg11[%swap3A, %swap3A_55] {strides = array<i32>} : memref<128x128xf32, #tpu.memory_space<vmem>>, vector<1x16xf32>,
      %swap3A_57 = vector.shape_cast %swap3A_56 : vector<1x16xf32> to vector<16xf32>
      %swap3A_58 = vector.shape_cast %broadcast_in_dim3A_54 : vector<16xf32> to vector<1x16xf32>
      tpu.vector_store %arg11[%swap3A, %swap3A_55], %swap3A_58 {strides = array<i32>} : memref<128x128xf32, #tpu.memory_space<vmem>>, vector<1x16xf32>,
      %broadcast_in_dim3A_59 = arith.constant 0.000000e+00 : f32
      %broadcast_in_dim3A_60 = vector.broadcast %broadcast_in_dim3A_59 : f32 to vector<16xf32>
      %swap3A_61 = arith.index_cast %scan3A_53 : i32 to index
      %swap3A_62 = arith.constant 16 : index
      %swap3A_63 = tpu.vector_load %arg11[%swap3A_61, %swap3A_62] {strides = array<i32>} : memref<128x128xf32, #tpu.memory_space<vmem>>, vector<1x16xf32>,
      %swap3A_64 = vector.shape_cast %swap3A_63 : vector<1x16xf32> to vector<16xf32>
      %swap3A_65 = vector.shape_cast %broadcast_in_dim3A_60 : vector<16xf32> to vector<1x16xf32>
      tpu.vector_store %arg11[%swap3A_61, %swap3A_62], %swap3A_65 {strides = array<i32>} : memref<128x128xf32, #tpu.memory_space<vmem>>, vector<1x16xf32>,
      %broadcast_in_dim3A_66 = arith.constant 0.000000e+00 : f32
      %broadcast_in_dim3A_67 = vector.broadcast %broadcast_in_dim3A_66 : f32 to vector<16xf32>
      %swap3A_68 = arith.index_cast %scan3A_53 : i32 to index
      %swap3A_69 = arith.constant 32 : index
      %swap3A_70 = tpu.vector_load %arg11[%swap3A_68, %swap3A_69] {strides = array<i32>} : memref<128x128xf32, #tpu.memory_space<vmem>>, vector<1x16xf32>,
      %swap3A_71 = vector.shape_cast %swap3A_70 : vector<1x16xf32> to vector<16xf32>
      %swap3A_72 = vector.shape_cast %broadcast_in_dim3A_67 : vector<16xf32> to vector<1x16xf32>
      tpu.vector_store %arg11[%swap3A_68, %swap3A_69], %swap3A_72 {strides = array<i32>} : memref<128x128xf32, #tpu.memory_space<vmem>>, vector<1x16xf32>,
      %broadcast_in_dim3A_73 = arith.constant 0.000000e+00 : f32
      %broadcast_in_dim3A_74 = vector.broadcast %broadcast_in_dim3A_73 : f32 to vector<16xf32>
      %swap3A_75 = arith.index_cast %scan3A_53 : i32 to index
      %swap3A_76 = arith.constant 48 : index
      %swap3A_77 = tpu.vector_load %arg11[%swap3A_75, %swap3A_76] {strides = array<i32>} : memref<128x128xf32, #tpu.memory_space<vmem>>, vector<1x16xf32>,
      %swap3A_78 = vector.shape_cast %swap3A_77 : vector<1x16xf32> to vector<16xf32>
      %swap3A_79 = vector.shape_cast %broadcast_in_dim3A_74 : vector<16xf32> to vector<1x16xf32>
      tpu.vector_store %arg11[%swap3A_75, %swap3A_76], %swap3A_79 {strides = array<i32>} : memref<128x128xf32, #tpu.memory_space<vmem>>, vector<1x16xf32>,
      %broadcast_in_dim3A_80 = arith.constant 0.000000e+00 : f32
      %broadcast_in_dim3A_81 = vector.broadcast %broadcast_in_dim3A_80 : f32 to vector<16xf32>
      %swap3A_82 = arith.index_cast %scan3A_53 : i32 to index
      %swap3A_83 = arith.constant 64 : index
      %swap3A_84 = tpu.vector_load %arg11[%swap3A_82, %swap3A_83] {strides = array<i32>} : memref<128x128xf32, #tpu.memory_space<vmem>>, vector<1x16xf32>,
      %swap3A_85 = vector.shape_cast %swap3A_84 : vector<1x16xf32> to vector<16xf32>
      %swap3A_86 = vector.shape_cast %broadcast_in_dim3A_81 : vector<16xf32> to vector<1x16xf32>
      tpu.vector_store %arg11[%swap3A_82, %swap3A_83], %swap3A_86 {strides = array<i32>} : memref<128x128xf32, #tpu.memory_space<vmem>>, vector<1x16xf32>,
      %broadcast_in_dim3A_87 = arith.constant 0.000000e+00 : f32
      %broadcast_in_dim3A_88 = vector.broadcast %broadcast_in_dim3A_87 : f32 to vector<16xf32>
      %swap3A_89 = arith.index_cast %scan3A_53 : i32 to index
      %swap3A_90 = arith.constant 80 : index
      %swap3A_91 = tpu.vector_load %arg11[%swap3A_89, %swap3A_90] {strides = array<i32>} : memref<128x128xf32, #tpu.memory_space<vmem>>, vector<1x16xf32>,
      %swap3A_92 = vector.shape_cast %swap3A_91 : vector<1x16xf32> to vector<16xf32>
      %swap3A_93 = vector.shape_cast %broadcast_in_dim3A_88 : vector<16xf32> to vector<1x16xf32>
      tpu.vector_store %arg11[%swap3A_89, %swap3A_90], %swap3A_93 {strides = array<i32>} : memref<128x128xf32, #tpu.memory_space<vmem>>, vector<1x16xf32>,
      %broadcast_in_dim3A_94 = arith.constant 0.000000e+00 : f32
      %broadcast_in_dim3A_95 = vector.broadcast %broadcast_in_dim3A_94 : f32 to vector<16xf32>
      %swap3A_96 = arith.index_cast %scan3A_53 : i32 to index
      %swap3A_97 = arith.constant 96 : index
      %swap3A_98 = tpu.vector_load %arg11[%swap3A_96, %swap3A_97] {strides = array<i32>} : memref<128x128xf32, #tpu.memory_space<vmem>>, vector<1x16xf32>,
      %swap3A_99 = vector.shape_cast %swap3A_98 : vector<1x16xf32> to vector<16xf32>
      %swap3A_100 = vector.shape_cast %broadcast_in_dim3A_95 : vector<16xf32> to vector<1x16xf32>
      tpu.vector_store %arg11[%swap3A_96, %swap3A_97], %swap3A_100 {strides = array<i32>} : memref<128x128xf32, #tpu.memory_space<vmem>>, vector<1x16xf32>,
      %broadcast_in_dim3A_101 = arith.constant 0.000000e+00 : f32
      %broadcast_in_dim3A_102 = vector.broadcast %broadcast_in_dim3A_101 : f32 to vector<16xf32>
      %swap3A_103 = arith.index_cast %scan3A_53 : i32 to index
      %swap3A_104 = arith.constant 112 : index
      %swap3A_105 = tpu.vector_load %arg11[%swap3A_103, %swap3A_104] {strides = array<i32>} : memref<128x128xf32, #tpu.memory_space<vmem>>, vector<1x16xf32>,
      %swap3A_106 = vector.shape_cast %swap3A_105 : vector<1x16xf32> to vector<16xf32>
      %swap3A_107 = vector.shape_cast %broadcast_in_dim3A_102 : vector<16xf32> to vector<1x16xf32>
      tpu.vector_store %arg11[%swap3A_103, %swap3A_104], %swap3A_107 {strides = array<i32>} : memref<128x128xf32, #tpu.memory_space<vmem>>, vector<1x16xf32>,
    }
    %scan3A_5 = arith.constant 128 : i32
    %mul3A_6 = arith.constant 640 : i32
    %mul3A_7 = arith.muli %arg1, %mul3A_6 : i32
    %add3A_8 = arith.constant 0 : i32
    %add3A_9 = arith.addi %mul3A_7, %add3A_8 : i32
    "tpu.region"() ({
      %run_scoped3A = tpu.sem_alloc : memref<!tpu.dma_semaphore, #tpu.memory_space<semaphore_mem>>
      %dma_start3A = arith.constant 0 : i32
      %dma_start3A_53 = tpu.memref_slice %arg13[%add3A_9, %dma_start3A] : memref<10240x128xf32, #tpu.memory_space<vmem_shared>> -> memref<128x128xf32, #tpu.memory_space<vmem_shared>>
      %dma_start3A_54 = arith.constant 0 : i32
      %dma_start3A_55 = tpu.memref_slice %arg13[%add3A_9, %dma_start3A_54] : memref<10240x128xf32, #tpu.memory_space<vmem_shared>> -> memref<128x128xf32, #tpu.memory_space<vmem_shared>>
      tpu.enqueue_dma source(%arg11 : memref<128x128xf32, #tpu.memory_space<vmem>>) target(%dma_start3A_55 : memref<128x128xf32, #tpu.memory_space<vmem_shared>>) target_semaphore(%run_scoped3A : memref<!tpu.dma_semaphore, #tpu.memory_space<semaphore_mem>>)
      %dma_wait3A = arith.constant 0 : i32
      %dma_wait3A_56 = tpu.memref_slice %arg13[%add3A_9, %dma_wait3A] : memref<10240x128xf32, #tpu.memory_space<vmem_shared>> -> memref<128x128xf32, #tpu.memory_space<vmem_shared>>
      %dma_wait3A_57 = arith.constant 0 : i32
      %dma_wait3A_58 = tpu.memref_slice %arg13[%add3A_9, %dma_wait3A_57] : memref<10240x128xf32, #tpu.memory_space<vmem_shared>> -> memref<128x128xf32, #tpu.memory_space<vmem_shared>>
      tpu.wait_dma2 semaphore(%run_scoped3A : memref<!tpu.dma_semaphore, #tpu.memory_space<semaphore_mem>>) src(%arg11 : memref<128x128xf32, #tpu.memory_space<vmem>>) dst(%dma_wait3A_58 : memref<128x128xf32, #tpu.memory_space<vmem_shared>>)
      tpu.yield
    }) : () -> ()
    %mul3A_10 = arith.constant 640 : i32
    %mul3A_11 = arith.muli %arg1, %mul3A_10 : i32
    %add3A_12 = arith.constant 128 : i32
    %add3A_13 = arith.addi %mul3A_11, %add3A_12 : i32
    "tpu.region"() ({
      %run_scoped3A = tpu.sem_alloc : memref<!tpu.dma_semaphore, #tpu.memory_space<semaphore_mem>>
      %dma_start3A = arith.constant 0 : i32
      %dma_start3A_53 = tpu.memref_slice %arg13[%add3A_13, %dma_start3A] : memref<10240x128xf32, #tpu.memory_space<vmem_shared>> -> memref<128x128xf32, #tpu.memory_space<vmem_shared>>
      %dma_start3A_54 = arith.constant 0 : i32
      %dma_start3A_55 = tpu.memref_slice %arg13[%add3A_13, %dma_start3A_54] : memref<10240x128xf32, #tpu.memory_space<vmem_shared>> -> memref<128x128xf32, #tpu.memory_space<vmem_shared>>
      tpu.enqueue_dma source(%arg11 : memref<128x128xf32, #tpu.memory_space<vmem>>) target(%dma_start3A_55 : memref<128x128xf32, #tpu.memory_space<vmem_shared>>) target_semaphore(%run_scoped3A : memref<!tpu.dma_semaphore, #tpu.memory_space<semaphore_mem>>)
      %dma_wait3A = arith.constant 0 : i32
      %dma_wait3A_56 = tpu.memref_slice %arg13[%add3A_13, %dma_wait3A] : memref<10240x128xf32, #tpu.memory_space<vmem_shared>> -> memref<128x128xf32, #tpu.memory_space<vmem_shared>>
      %dma_wait3A_57 = arith.constant 0 : i32
      %dma_wait3A_58 = tpu.memref_slice %arg13[%add3A_13, %dma_wait3A_57] : memref<10240x128xf32, #tpu.memory_space<vmem_shared>> -> memref<128x128xf32, #tpu.memory_space<vmem_shared>>
      tpu.wait_dma2 semaphore(%run_scoped3A : memref<!tpu.dma_semaphore, #tpu.memory_space<semaphore_mem>>) src(%arg11 : memref<128x128xf32, #tpu.memory_space<vmem>>) dst(%dma_wait3A_58 : memref<128x128xf32, #tpu.memory_space<vmem_shared>>)
      tpu.yield
    }) : () -> ()
    %mul3A_14 = arith.constant 640 : i32
    %mul3A_15 = arith.muli %arg1, %mul3A_14 : i32
    %add3A_16 = arith.constant 256 : i32
    %add3A_17 = arith.addi %mul3A_15, %add3A_16 : i32
    "tpu.region"() ({
      %run_scoped3A = tpu.sem_alloc : memref<!tpu.dma_semaphore, #tpu.memory_space<semaphore_mem>>
      %dma_start3A = arith.constant 0 : i32
      %dma_start3A_53 = tpu.memref_slice %arg13[%add3A_17, %dma_start3A] : memref<10240x128xf32, #tpu.memory_space<vmem_shared>> -> memref<128x128xf32, #tpu.memory_space<vmem_shared>>
      %dma_start3A_54 = arith.constant 0 : i32
      %dma_start3A_55 = tpu.memref_slice %arg13[%add3A_17, %dma_start3A_54] : memref<10240x128xf32, #tpu.memory_space<vmem_shared>> -> memref<128x128xf32, #tpu.memory_space<vmem_shared>>
      tpu.enqueue_dma source(%arg11 : memref<128x128xf32, #tpu.memory_space<vmem>>) target(%dma_start3A_55 : memref<128x128xf32, #tpu.memory_space<vmem_shared>>) target_semaphore(%run_scoped3A : memref<!tpu.dma_semaphore, #tpu.memory_space<semaphore_mem>>)
      %dma_wait3A = arith.constant 0 : i32
      %dma_wait3A_56 = tpu.memref_slice %arg13[%add3A_17, %dma_wait3A] : memref<10240x128xf32, #tpu.memory_space<vmem_shared>> -> memref<128x128xf32, #tpu.memory_space<vmem_shared>>
      %dma_wait3A_57 = arith.constant 0 : i32
      %dma_wait3A_58 = tpu.memref_slice %arg13[%add3A_17, %dma_wait3A_57] : memref<10240x128xf32, #tpu.memory_space<vmem_shared>> -> memref<128x128xf32, #tpu.memory_space<vmem_shared>>
      tpu.wait_dma2 semaphore(%run_scoped3A : memref<!tpu.dma_semaphore, #tpu.memory_space<semaphore_mem>>) src(%arg11 : memref<128x128xf32, #tpu.memory_space<vmem>>) dst(%dma_wait3A_58 : memref<128x128xf32, #tpu.memory_space<vmem_shared>>)
      tpu.yield
    }) : () -> ()
    %mul3A_18 = arith.constant 640 : i32
    %mul3A_19 = arith.muli %arg1, %mul3A_18 : i32
    %add3A_20 = arith.constant 384 : i32
    %add3A_21 = arith.addi %mul3A_19, %add3A_20 : i32
    "tpu.region"() ({
      %run_scoped3A = tpu.sem_alloc : memref<!tpu.dma_semaphore, #tpu.memory_space<semaphore_mem>>
      %dma_start3A = arith.constant 0 : i32
      %dma_start3A_53 = tpu.memref_slice %arg13[%add3A_21, %dma_start3A] : memref<10240x128xf32, #tpu.memory_space<vmem_shared>> -> memref<128x128xf32, #tpu.memory_space<vmem_shared>>
      %dma_start3A_54 = arith.constant 0 : i32
      %dma_start3A_55 = tpu.memref_slice %arg13[%add3A_21, %dma_start3A_54] : memref<10240x128xf32, #tpu.memory_space<vmem_shared>> -> memref<128x128xf32, #tpu.memory_space<vmem_shared>>
      tpu.enqueue_dma source(%arg11 : memref<128x128xf32, #tpu.memory_space<vmem>>) target(%dma_start3A_55 : memref<128x128xf32, #tpu.memory_space<vmem_shared>>) target_semaphore(%run_scoped3A : memref<!tpu.dma_semaphore, #tpu.memory_space<semaphore_mem>>)
      %dma_wait3A = arith.constant 0 : i32
      %dma_wait3A_56 = tpu.memref_slice %arg13[%add3A_21, %dma_wait3A] : memref<10240x128xf32, #tpu.memory_space<vmem_shared>> -> memref<128x128xf32, #tpu.memory_space<vmem_shared>>
      %dma_wait3A_57 = arith.constant 0 : i32
      %dma_wait3A_58 = tpu.memref_slice %arg13[%add3A_21, %dma_wait3A_57] : memref<10240x128xf32, #tpu.memory_space<vmem_shared>> -> memref<128x128xf32, #tpu.memory_space<vmem_shared>>
      tpu.wait_dma2 semaphore(%run_scoped3A : memref<!tpu.dma_semaphore, #tpu.memory_space<semaphore_mem>>) src(%arg11 : memref<128x128xf32, #tpu.memory_space<vmem>>) dst(%dma_wait3A_58 : memref<128x128xf32, #tpu.memory_space<vmem_shared>>)
      tpu.yield
    }) : () -> ()
    %mul3A_22 = arith.constant 640 : i32
    %mul3A_23 = arith.muli %arg1, %mul3A_22 : i32
    %add3A_24 = arith.constant 512 : i32
    %add3A_25 = arith.addi %mul3A_23, %add3A_24 : i32
    "tpu.region"() ({
      %run_scoped3A = tpu.sem_alloc : memref<!tpu.dma_semaphore, #tpu.memory_space<semaphore_mem>>
      %dma_start3A = arith.constant 0 : i32
      %dma_start3A_53 = tpu.memref_slice %arg13[%add3A_25, %dma_start3A] : memref<10240x128xf32, #tpu.memory_space<vmem_shared>> -> memref<128x128xf32, #tpu.memory_space<vmem_shared>>
      %dma_start3A_54 = arith.constant 0 : i32
      %dma_start3A_55 = tpu.memref_slice %arg13[%add3A_25, %dma_start3A_54] : memref<10240x128xf32, #tpu.memory_space<vmem_shared>> -> memref<128x128xf32, #tpu.memory_space<vmem_shared>>
      tpu.enqueue_dma source(%arg11 : memref<128x128xf32, #tpu.memory_space<vmem>>) target(%dma_start3A_55 : memref<128x128xf32, #tpu.memory_space<vmem_shared>>) target_semaphore(%run_scoped3A : memref<!tpu.dma_semaphore, #tpu.memory_space<semaphore_mem>>)
      %dma_wait3A = arith.constant 0 : i32
      %dma_wait3A_56 = tpu.memref_slice %arg13[%add3A_25, %dma_wait3A] : memref<10240x128xf32, #tpu.memory_space<vmem_shared>> -> memref<128x128xf32, #tpu.memory_space<vmem_shared>>
      %dma_wait3A_57 = arith.constant 0 : i32
      %dma_wait3A_58 = tpu.memref_slice %arg13[%add3A_25, %dma_wait3A_57] : memref<10240x128xf32, #tpu.memory_space<vmem_shared>> -> memref<128x128xf32, #tpu.memory_space<vmem_shared>>
      tpu.wait_dma2 semaphore(%run_scoped3A : memref<!tpu.dma_semaphore, #tpu.memory_space<semaphore_mem>>) src(%arg11 : memref<128x128xf32, #tpu.memory_space<vmem>>) dst(%dma_wait3A_58 : memref<128x128xf32, #tpu.memory_space<vmem_shared>>)
      tpu.yield
    }) : () -> ()
    %barrier3A = arith.constant 0 : index
    tpu.barrier barrier_id(%barrier3A)
    %scan3A_26 = arith.constant 0 : i32
    %scan3A_27 = arith.constant 0 : i32
    %scan3A_28 = arith.constant 125 : i32
    %scan3A_29 = arith.addi %scan3A_27, %scan3A_28 : i32
    %scan3A_30 = arith.constant 1 : i32
    scf.for %scan3A_53 = %scan3A_27 to %scan3A_29 step %scan3A_30  : i32 {
      %mul3A_54 = arith.constant 10000 : i32
      %mul3A_55 = arith.muli %add3A, %mul3A_54 : i32
      %mul3A_56 = arith.constant 80 : i32
      %mul3A_57 = arith.muli %scan3A_53, %mul3A_56 : i32
      %add3A_58 = arith.addi %mul3A_55, %mul3A_57 : i32
      "tpu.region"() ({
        %run_scoped3A = tpu.sem_alloc : memref<!tpu.dma_semaphore, #tpu.memory_space<semaphore_mem>>
        %dma_start3A_74 = tpu.memref_slice %arg4[%add3A_58] : memref<320000xi32, #tpu.memory_space<hbm>> -> memref<80xi32, #tpu.memory_space<hbm>>
        %dma_start3A_75 = tpu.memref_slice %arg4[%add3A_58] : memref<320000xi32, #tpu.memory_space<hbm>> -> memref<80xi32, #tpu.memory_space<hbm>>
        tpu.enqueue_dma source(%dma_start3A_75 : memref<80xi32, #tpu.memory_space<hbm>>) target(%arg7 : memref<80xi32, #tpu.memory_space<vmem>>) target_semaphore(%run_scoped3A : memref<!tpu.dma_semaphore, #tpu.memory_space<semaphore_mem>>)
        %dma_wait3A_76 = tpu.memref_slice %arg4[%add3A_58] : memref<320000xi32, #tpu.memory_space<hbm>> -> memref<80xi32, #tpu.memory_space<hbm>>
        %dma_wait3A_77 = tpu.memref_slice %arg4[%add3A_58] : memref<320000xi32, #tpu.memory_space<hbm>> -> memref<80xi32, #tpu.memory_space<hbm>>
        tpu.wait_dma2 semaphore(%run_scoped3A : memref<!tpu.dma_semaphore, #tpu.memory_space<semaphore_mem>>) src(%dma_wait3A_77 : memref<80xi32, #tpu.memory_space<hbm>>) dst(%arg7 : memref<80xi32, #tpu.memory_space<vmem>>)
        tpu.yield
      }) : () -> ()
      %dma_start3A = arith.constant 0 : i32
      %dma_start3A_59 = arith.constant 0 : i32
      %dma_start3A_60 = tpu.memref_slice %arg2[%dma_start3A, %dma_start3A_59] : memref<10000x128xf32, #tpu.memory_space<hbm>> -> memref<10000x128xf32, #tpu.memory_space<hbm>>
      tpu.enqueue_indirect_dma source(%dma_start3A_60 : memref<10000x128xf32, #tpu.memory_space<hbm>>) target(%arg9 : memref<80x128xf32, #tpu.memory_space<vmem>>) offsets(%arg7 : memref<80xi32, #tpu.memory_space<vmem>>) semaphore(%arg12 : memref<!tpu.dma_semaphore, #tpu.memory_space<semaphore_mem>>)
      "tpu.region"() ({
        %run_scoped3A = tpu.sem_alloc : memref<!tpu.dma_semaphore, #tpu.memory_space<semaphore_mem>>
        %dma_start3A_74 = tpu.memref_slice %arg5[%add3A_58] : memref<320000xi32, #tpu.memory_space<hbm>> -> memref<80xi32, #tpu.memory_space<hbm>>
        %dma_start3A_75 = tpu.memref_slice %arg5[%add3A_58] : memref<320000xi32, #tpu.memory_space<hbm>> -> memref<80xi32, #tpu.memory_space<hbm>>
        tpu.enqueue_dma source(%dma_start3A_75 : memref<80xi32, #tpu.memory_space<hbm>>) target(%arg8 : memref<80xi32, #tpu.memory_space<vmem>>) target_semaphore(%run_scoped3A : memref<!tpu.dma_semaphore, #tpu.memory_space<semaphore_mem>>)
        %dma_wait3A_76 = tpu.memref_slice %arg5[%add3A_58] : memref<320000xi32, #tpu.memory_space<hbm>> -> memref<80xi32, #tpu.memory_space<hbm>>
        %dma_wait3A_77 = tpu.memref_slice %arg5[%add3A_58] : memref<320000xi32, #tpu.memory_space<hbm>> -> memref<80xi32, #tpu.memory_space<hbm>>
        tpu.wait_dma2 semaphore(%run_scoped3A : memref<!tpu.dma_semaphore, #tpu.memory_space<semaphore_mem>>) src(%dma_wait3A_77 : memref<80xi32, #tpu.memory_space<hbm>>) dst(%arg8 : memref<80xi32, #tpu.memory_space<vmem>>)
        tpu.yield
      }) : () -> ()
      %mul3A_61 = arith.constant 5000 : i32
      %mul3A_62 = arith.muli %add3A, %mul3A_61 : i32
      %mul3A_63 = arith.constant 40 : i32
      %mul3A_64 = arith.muli %scan3A_53, %mul3A_63 : i32
      %add3A_65 = arith.addi %mul3A_62, %mul3A_64 : i32
      "tpu.region"() ({
        %run_scoped3A = tpu.sem_alloc : memref<!tpu.dma_semaphore, #tpu.memory_space<semaphore_mem>>
        %dma_start3A_74 = arith.constant 0 : i32
        %dma_start3A_75 = tpu.memref_slice %arg3[%add3A_65, %dma_start3A_74] : memref<160000x128xf32, #tpu.memory_space<hbm>> -> memref<40x128xf32, #tpu.memory_space<hbm>>
        %dma_start3A_76 = arith.constant 0 : i32
        %dma_start3A_77 = tpu.memref_slice %arg3[%add3A_65, %dma_start3A_76] : memref<160000x128xf32, #tpu.memory_space<hbm>> -> memref<40x128xf32, #tpu.memory_space<hbm>>
        tpu.enqueue_dma source(%dma_start3A_77 : memref<40x128xf32, #tpu.memory_space<hbm>>) target(%arg10 : memref<40x128xf32, #tpu.memory_space<vmem>>) target_semaphore(%run_scoped3A : memref<!tpu.dma_semaphore, #tpu.memory_space<semaphore_mem>>)
        %dma_wait3A_78 = arith.constant 0 : i32
        %dma_wait3A_79 = tpu.memref_slice %arg3[%add3A_65, %dma_wait3A_78] : memref<160000x128xf32, #tpu.memory_space<hbm>> -> memref<40x128xf32, #tpu.memory_space<hbm>>
        %dma_wait3A_80 = arith.constant 0 : i32
        %dma_wait3A_81 = tpu.memref_slice %arg3[%add3A_65, %dma_wait3A_80] : memref<160000x128xf32, #tpu.memory_space<hbm>> -> memref<40x128xf32, #tpu.memory_space<hbm>>
        tpu.wait_dma2 semaphore(%run_scoped3A : memref<!tpu.dma_semaphore, #tpu.memory_space<semaphore_mem>>) src(%dma_wait3A_81 : memref<40x128xf32, #tpu.memory_space<hbm>>) dst(%arg10 : memref<40x128xf32, #tpu.memory_space<vmem>>)
        tpu.yield
      }) : () -> ()
      %dma_wait3A = arith.constant 0 : i32
      %dma_wait3A_66 = arith.constant 0 : i32
      %dma_wait3A_67 = tpu.memref_slice %arg2[%dma_wait3A, %dma_wait3A_66] : memref<10000x128xf32, #tpu.memory_space<hbm>> -> memref<10000x128xf32, #tpu.memory_space<hbm>>
      tpu.wait_indirect_dma semaphore(%arg12 : memref<!tpu.dma_semaphore, #tpu.memory_space<semaphore_mem>>) src(%dma_wait3A_67 : memref<10000x128xf32, #tpu.memory_space<hbm>>) dst(%arg9 : memref<80x128xf32, #tpu.memory_space<vmem>>)
      %scan3A_68 = arith.constant 0 : i32
      %scan3A_69 = arith.constant 0 : i32
      %scan3A_70 = arith.constant 40 : i32
      %scan3A_71 = arith.addi %scan3A_69, %scan3A_70 : i32
      %scan3A_72 = arith.constant 1 : i32
      scf.for %scan3A_74 = %scan3A_69 to %scan3A_71 step %scan3A_72  : i32 {
        %mul3A_75 = arith.constant 2 : i32
        %mul3A_76 = arith.muli %mul3A_75, %scan3A_74 : i32
        %add3A_77 = arith.constant 0 : i32
        %add3A_78 = arith.addi %mul3A_76, %add3A_77 : i32
        %get3A = arith.index_cast %add3A_78 : i32 to index
        %get3A_79 = arith.constant 0 : index
        %get3A_80 = tpu.vector_load %arg9[%get3A, %get3A_79] {strides = array<i32>} : memref<80x128xf32, #tpu.memory_space<vmem>>, vector<1x16xf32>,
        %get3A_81 = vector.shape_cast %get3A_80 : vector<1x16xf32> to vector<16xf32>
        %get3A_82 = arith.index_cast %scan3A_74 : i32 to index
        %get3A_83 = arith.constant 0 : index
        %get3A_84 = tpu.vector_load %arg10[%get3A_82, %get3A_83] {strides = array<i32>} : memref<40x128xf32, #tpu.memory_space<vmem>>, vector<1x16xf32>,
        %get3A_85 = vector.shape_cast %get3A_84 : vector<1x16xf32> to vector<16xf32>
        %add3A_86 = arith.addf %get3A_81, %get3A_85 : vector<16xf32>
        %max3A = arith.constant 0.000000e+00 : f32
        %max3A_87 = vector.broadcast %max3A : f32 to vector<16xf32>
        %max3A_88 = arith.maximumf %add3A_86, %max3A_87 : vector<16xf32>
        %mul3A_89 = arith.constant 2 : i32
        %mul3A_90 = arith.muli %mul3A_89, %scan3A_74 : i32
        %add3A_91 = arith.constant 0 : i32
        %add3A_92 = arith.addi %mul3A_90, %add3A_91 : i32
        %swap3A = arith.index_cast %add3A_92 : i32 to index
        %swap3A_93 = arith.constant 0 : index
        %swap3A_94 = tpu.vector_load %arg9[%swap3A, %swap3A_93] {strides = array<i32>} : memref<80x128xf32, #tpu.memory_space<vmem>>, vector<1x16xf32>,
        %swap3A_95 = vector.shape_cast %swap3A_94 : vector<1x16xf32> to vector<16xf32>
        %swap3A_96 = vector.shape_cast %max3A_88 : vector<16xf32> to vector<1x16xf32>
        tpu.vector_store %arg9[%swap3A, %swap3A_93], %swap3A_96 {strides = array<i32>} : memref<80x128xf32, #tpu.memory_space<vmem>>, vector<1x16xf32>,
        %mul3A_97 = arith.constant 2 : i32
        %mul3A_98 = arith.muli %mul3A_97, %scan3A_74 : i32
        %add3A_99 = arith.constant 0 : i32
        %add3A_100 = arith.addi %mul3A_98, %add3A_99 : i32
        %get3A_101 = arith.index_cast %add3A_100 : i32 to index
        %get3A_102 = arith.constant 16 : index
        %get3A_103 = tpu.vector_load %arg9[%get3A_101, %get3A_102] {strides = array<i32>} : memref<80x128xf32, #tpu.memory_space<vmem>>, vector<1x16xf32>,
        %get3A_104 = vector.shape_cast %get3A_103 : vector<1x16xf32> to vector<16xf32>
        %get3A_105 = arith.index_cast %scan3A_74 : i32 to index
        %get3A_106 = arith.constant 16 : index
        %get3A_107 = tpu.vector_load %arg10[%get3A_105, %get3A_106] {strides = array<i32>} : memref<40x128xf32, #tpu.memory_space<vmem>>, vector<1x16xf32>,
        %get3A_108 = vector.shape_cast %get3A_107 : vector<1x16xf32> to vector<16xf32>
        %add3A_109 = arith.addf %get3A_104, %get3A_108 : vector<16xf32>
        %max3A_110 = arith.constant 0.000000e+00 : f32
        %max3A_111 = vector.broadcast %max3A_110 : f32 to vector<16xf32>
        %max3A_112 = arith.maximumf %add3A_109, %max3A_111 : vector<16xf32>
        %mul3A_113 = arith.constant 2 : i32
        %mul3A_114 = arith.muli %mul3A_113, %scan3A_74 : i32
        %add3A_115 = arith.constant 0 : i32
        %add3A_116 = arith.addi %mul3A_114, %add3A_115 : i32
        %swap3A_117 = arith.index_cast %add3A_116 : i32 to index
        %swap3A_118 = arith.constant 16 : index
        %swap3A_119 = tpu.vector_load %arg9[%swap3A_117, %swap3A_118] {strides = array<i32>} : memref<80x128xf32, #tpu.memory_space<vmem>>, vector<1x16xf32>,
        %swap3A_120 = vector.shape_cast %swap3A_119 : vector<1x16xf32> to vector<16xf32>
        %swap3A_121 = vector.shape_cast %max3A_112 : vector<16xf32> to vector<1x16xf32>
        tpu.vector_store %arg9[%swap3A_117, %swap3A_118], %swap3A_121 {strides = array<i32>} : memref<80x128xf32, #tpu.memory_space<vmem>>, vector<1x16xf32>,
        %mul3A_122 = arith.constant 2 : i32
        %mul3A_123 = arith.muli %mul3A_122, %scan3A_74 : i32
        %add3A_124 = arith.constant 0 : i32
        %add3A_125 = arith.addi %mul3A_123, %add3A_124 : i32
        %get3A_126 = arith.index_cast %add3A_125 : i32 to index
        %get3A_127 = arith.constant 32 : index
        %get3A_128 = tpu.vector_load %arg9[%get3A_126, %get3A_127] {strides = array<i32>} : memref<80x128xf32, #tpu.memory_space<vmem>>, vector<1x16xf32>,
        %get3A_129 = vector.shape_cast %get3A_128 : vector<1x16xf32> to vector<16xf32>
        %get3A_130 = arith.index_cast %scan3A_74 : i32 to index
        %get3A_131 = arith.constant 32 : index
        %get3A_132 = tpu.vector_load %arg10[%get3A_130, %get3A_131] {strides = array<i32>} : memref<40x128xf32, #tpu.memory_space<vmem>>, vector<1x16xf32>,
        %get3A_133 = vector.shape_cast %get3A_132 : vector<1x16xf32> to vector<16xf32>
        %add3A_134 = arith.addf %get3A_129, %get3A_133 : vector<16xf32>
        %max3A_135 = arith.constant 0.000000e+00 : f32
        %max3A_136 = vector.broadcast %max3A_135 : f32 to vector<16xf32>
        %max3A_137 = arith.maximumf %add3A_134, %max3A_136 : vector<16xf32>
        %mul3A_138 = arith.constant 2 : i32
        %mul3A_139 = arith.muli %mul3A_138, %scan3A_74 : i32
        %add3A_140 = arith.constant 0 : i32
        %add3A_141 = arith.addi %mul3A_139, %add3A_140 : i32
        %swap3A_142 = arith.index_cast %add3A_141 : i32 to index
        %swap3A_143 = arith.constant 32 : index
        %swap3A_144 = tpu.vector_load %arg9[%swap3A_142, %swap3A_143] {strides = array<i32>} : memref<80x128xf32, #tpu.memory_space<vmem>>, vector<1x16xf32>,
        %swap3A_145 = vector.shape_cast %swap3A_144 : vector<1x16xf32> to vector<16xf32>
        %swap3A_146 = vector.shape_cast %max3A_137 : vector<16xf32> to vector<1x16xf32>
        tpu.vector_store %arg9[%swap3A_142, %swap3A_143], %swap3A_146 {strides = array<i32>} : memref<80x128xf32, #tpu.memory_space<vmem>>, vector<1x16xf32>,
        %mul3A_147 = arith.constant 2 : i32
        %mul3A_148 = arith.muli %mul3A_147, %scan3A_74 : i32
        %add3A_149 = arith.constant 0 : i32
        %add3A_150 = arith.addi %mul3A_148, %add3A_149 : i32
        %get3A_151 = arith.index_cast %add3A_150 : i32 to index
        %get3A_152 = arith.constant 48 : index
        %get3A_153 = tpu.vector_load %arg9[%get3A_151, %get3A_152] {strides = array<i32>} : memref<80x128xf32, #tpu.memory_space<vmem>>, vector<1x16xf32>,
        %get3A_154 = vector.shape_cast %get3A_153 : vector<1x16xf32> to vector<16xf32>
        %get3A_155 = arith.index_cast %scan3A_74 : i32 to index
        %get3A_156 = arith.constant 48 : index
        %get3A_157 = tpu.vector_load %arg10[%get3A_155, %get3A_156] {strides = array<i32>} : memref<40x128xf32, #tpu.memory_space<vmem>>, vector<1x16xf32>,
        %get3A_158 = vector.shape_cast %get3A_157 : vector<1x16xf32> to vector<16xf32>
        %add3A_159 = arith.addf %get3A_154, %get3A_158 : vector<16xf32>
        %max3A_160 = arith.constant 0.000000e+00 : f32
        %max3A_161 = vector.broadcast %max3A_160 : f32 to vector<16xf32>
        %max3A_162 = arith.maximumf %add3A_159, %max3A_161 : vector<16xf32>
        %mul3A_163 = arith.constant 2 : i32
        %mul3A_164 = arith.muli %mul3A_163, %scan3A_74 : i32
        %add3A_165 = arith.constant 0 : i32
        %add3A_166 = arith.addi %mul3A_164, %add3A_165 : i32
        %swap3A_167 = arith.index_cast %add3A_166 : i32 to index
        %swap3A_168 = arith.constant 48 : index
        %swap3A_169 = tpu.vector_load %arg9[%swap3A_167, %swap3A_168] {strides = array<i32>} : memref<80x128xf32, #tpu.memory_space<vmem>>, vector<1x16xf32>,
        %swap3A_170 = vector.shape_cast %swap3A_169 : vector<1x16xf32> to vector<16xf32>
        %swap3A_171 = vector.shape_cast %max3A_162 : vector<16xf32> to vector<1x16xf32>
        tpu.vector_store %arg9[%swap3A_167, %swap3A_168], %swap3A_171 {strides = array<i32>} : memref<80x128xf32, #tpu.memory_space<vmem>>, vector<1x16xf32>,
        %mul3A_172 = arith.constant 2 : i32
        %mul3A_173 = arith.muli %mul3A_172, %scan3A_74 : i32
        %add3A_174 = arith.constant 1 : i32
        %add3A_175 = arith.addi %mul3A_173, %add3A_174 : i32
        %get3A_176 = arith.index_cast %add3A_175 : i32 to index
        %get3A_177 = arith.constant 0 : index
        %get3A_178 = tpu.vector_load %arg9[%get3A_176, %get3A_177] {strides = array<i32>} : memref<80x128xf32, #tpu.memory_space<vmem>>, vector<1x16xf32>,
        %get3A_179 = vector.shape_cast %get3A_178 : vector<1x16xf32> to vector<16xf32>
        %get3A_180 = arith.index_cast %scan3A_74 : i32 to index
        %get3A_181 = arith.constant 64 : index
        %get3A_182 = tpu.vector_load %arg10[%get3A_180, %get3A_181] {strides = array<i32>} : memref<40x128xf32, #tpu.memory_space<vmem>>, vector<1x16xf32>,
        %get3A_183 = vector.shape_cast %get3A_182 : vector<1x16xf32> to vector<16xf32>
        %add3A_184 = arith.addf %get3A_179, %get3A_183 : vector<16xf32>
        %max3A_185 = arith.constant 0.000000e+00 : f32
        %max3A_186 = vector.broadcast %max3A_185 : f32 to vector<16xf32>
        %max3A_187 = arith.maximumf %add3A_184, %max3A_186 : vector<16xf32>
        %mul3A_188 = arith.constant 2 : i32
        %mul3A_189 = arith.muli %mul3A_188, %scan3A_74 : i32
        %add3A_190 = arith.constant 1 : i32
        %add3A_191 = arith.addi %mul3A_189, %add3A_190 : i32
        %swap3A_192 = arith.index_cast %add3A_191 : i32 to index
        %swap3A_193 = arith.constant 0 : index
        %swap3A_194 = tpu.vector_load %arg9[%swap3A_192, %swap3A_193] {strides = array<i32>} : memref<80x128xf32, #tpu.memory_space<vmem>>, vector<1x16xf32>,
        %swap3A_195 = vector.shape_cast %swap3A_194 : vector<1x16xf32> to vector<16xf32>
        %swap3A_196 = vector.shape_cast %max3A_187 : vector<16xf32> to vector<1x16xf32>
        tpu.vector_store %arg9[%swap3A_192, %swap3A_193], %swap3A_196 {strides = array<i32>} : memref<80x128xf32, #tpu.memory_space<vmem>>, vector<1x16xf32>,
        %mul3A_197 = arith.constant 2 : i32
        %mul3A_198 = arith.muli %mul3A_197, %scan3A_74 : i32
        %add3A_199 = arith.constant 1 : i32
        %add3A_200 = arith.addi %mul3A_198, %add3A_199 : i32
        %get3A_201 = arith.index_cast %add3A_200 : i32 to index
        %get3A_202 = arith.constant 16 : index
        %get3A_203 = tpu.vector_load %arg9[%get3A_201, %get3A_202] {strides = array<i32>} : memref<80x128xf32, #tpu.memory_space<vmem>>, vector<1x16xf32>,
        %get3A_204 = vector.shape_cast %get3A_203 : vector<1x16xf32> to vector<16xf32>
        %get3A_205 = arith.index_cast %scan3A_74 : i32 to index
        %get3A_206 = arith.constant 80 : index
        %get3A_207 = tpu.vector_load %arg10[%get3A_205, %get3A_206] {strides = array<i32>} : memref<40x128xf32, #tpu.memory_space<vmem>>, vector<1x16xf32>,
        %get3A_208 = vector.shape_cast %get3A_207 : vector<1x16xf32> to vector<16xf32>
        %add3A_209 = arith.addf %get3A_204, %get3A_208 : vector<16xf32>
        %max3A_210 = arith.constant 0.000000e+00 : f32
        %max3A_211 = vector.broadcast %max3A_210 : f32 to vector<16xf32>
        %max3A_212 = arith.maximumf %add3A_209, %max3A_211 : vector<16xf32>
        %mul3A_213 = arith.constant 2 : i32
        %mul3A_214 = arith.muli %mul3A_213, %scan3A_74 : i32
        %add3A_215 = arith.constant 1 : i32
        %add3A_216 = arith.addi %mul3A_214, %add3A_215 : i32
        %swap3A_217 = arith.index_cast %add3A_216 : i32 to index
        %swap3A_218 = arith.constant 16 : index
        %swap3A_219 = tpu.vector_load %arg9[%swap3A_217, %swap3A_218] {strides = array<i32>} : memref<80x128xf32, #tpu.memory_space<vmem>>, vector<1x16xf32>,
        %swap3A_220 = vector.shape_cast %swap3A_219 : vector<1x16xf32> to vector<16xf32>
        %swap3A_221 = vector.shape_cast %max3A_212 : vector<16xf32> to vector<1x16xf32>
        tpu.vector_store %arg9[%swap3A_217, %swap3A_218], %swap3A_221 {strides = array<i32>} : memref<80x128xf32, #tpu.memory_space<vmem>>, vector<1x16xf32>,
        %mul3A_222 = arith.constant 2 : i32
        %mul3A_223 = arith.muli %mul3A_222, %scan3A_74 : i32
        %add3A_224 = arith.constant 1 : i32
        %add3A_225 = arith.addi %mul3A_223, %add3A_224 : i32
        %get3A_226 = arith.index_cast %add3A_225 : i32 to index
        %get3A_227 = arith.constant 32 : index
        %get3A_228 = tpu.vector_load %arg9[%get3A_226, %get3A_227] {strides = array<i32>} : memref<80x128xf32, #tpu.memory_space<vmem>>, vector<1x16xf32>,
        %get3A_229 = vector.shape_cast %get3A_228 : vector<1x16xf32> to vector<16xf32>
        %get3A_230 = arith.index_cast %scan3A_74 : i32 to index
        %get3A_231 = arith.constant 96 : index
        %get3A_232 = tpu.vector_load %arg10[%get3A_230, %get3A_231] {strides = array<i32>} : memref<40x128xf32, #tpu.memory_space<vmem>>, vector<1x16xf32>,
        %get3A_233 = vector.shape_cast %get3A_232 : vector<1x16xf32> to vector<16xf32>
        %add3A_234 = arith.addf %get3A_229, %get3A_233 : vector<16xf32>
        %max3A_235 = arith.constant 0.000000e+00 : f32
        %max3A_236 = vector.broadcast %max3A_235 : f32 to vector<16xf32>
        %max3A_237 = arith.maximumf %add3A_234, %max3A_236 : vector<16xf32>
        %mul3A_238 = arith.constant 2 : i32
        %mul3A_239 = arith.muli %mul3A_238, %scan3A_74 : i32
        %add3A_240 = arith.constant 1 : i32
        %add3A_241 = arith.addi %mul3A_239, %add3A_240 : i32
        %swap3A_242 = arith.index_cast %add3A_241 : i32 to index
        %swap3A_243 = arith.constant 32 : index
        %swap3A_244 = tpu.vector_load %arg9[%swap3A_242, %swap3A_243] {strides = array<i32>} : memref<80x128xf32, #tpu.memory_space<vmem>>, vector<1x16xf32>,
        %swap3A_245 = vector.shape_cast %swap3A_244 : vector<1x16xf32> to vector<16xf32>
        %swap3A_246 = vector.shape_cast %max3A_237 : vector<16xf32> to vector<1x16xf32>
        tpu.vector_store %arg9[%swap3A_242, %swap3A_243], %swap3A_246 {strides = array<i32>} : memref<80x128xf32, #tpu.memory_space<vmem>>, vector<1x16xf32>,
        %mul3A_247 = arith.constant 2 : i32
        %mul3A_248 = arith.muli %mul3A_247, %scan3A_74 : i32
        %add3A_249 = arith.constant 1 : i32
        %add3A_250 = arith.addi %mul3A_248, %add3A_249 : i32
        %get3A_251 = arith.index_cast %add3A_250 : i32 to index
        %get3A_252 = arith.constant 48 : index
        %get3A_253 = tpu.vector_load %arg9[%get3A_251, %get3A_252] {strides = array<i32>} : memref<80x128xf32, #tpu.memory_space<vmem>>, vector<1x16xf32>,
        %get3A_254 = vector.shape_cast %get3A_253 : vector<1x16xf32> to vector<16xf32>
        %get3A_255 = arith.index_cast %scan3A_74 : i32 to index
        %get3A_256 = arith.constant 112 : index
        %get3A_257 = tpu.vector_load %arg10[%get3A_255, %get3A_256] {strides = array<i32>} : memref<40x128xf32, #tpu.memory_space<vmem>>, vector<1x16xf32>,
        %get3A_258 = vector.shape_cast %get3A_257 : vector<1x16xf32> to vector<16xf32>
        %add3A_259 = arith.addf %get3A_254, %get3A_258 : vector<16xf32>
        %max3A_260 = arith.constant 0.000000e+00 : f32
        %max3A_261 = vector.broadcast %max3A_260 : f32 to vector<16xf32>
        %max3A_262 = arith.maximumf %add3A_259, %max3A_261 : vector<16xf32>
        %mul3A_263 = arith.constant 2 : i32
        %mul3A_264 = arith.muli %mul3A_263, %scan3A_74 : i32
        %add3A_265 = arith.constant 1 : i32
        %add3A_266 = arith.addi %mul3A_264, %add3A_265 : i32
        %swap3A_267 = arith.index_cast %add3A_266 : i32 to index
        %swap3A_268 = arith.constant 48 : index
        %swap3A_269 = tpu.vector_load %arg9[%swap3A_267, %swap3A_268] {strides = array<i32>} : memref<80x128xf32, #tpu.memory_space<vmem>>, vector<1x16xf32>,
        %swap3A_270 = vector.shape_cast %swap3A_269 : vector<1x16xf32> to vector<16xf32>
        %swap3A_271 = vector.shape_cast %max3A_262 : vector<16xf32> to vector<1x16xf32>
        tpu.vector_store %arg9[%swap3A_267, %swap3A_268], %swap3A_271 {strides = array<i32>} : memref<80x128xf32, #tpu.memory_space<vmem>>, vector<1x16xf32>,
      }
      %scan3A_73 = arith.constant 40 : i32
      "tpu.region"() ({
        %run_scoped3A = tpu.sem_alloc : memref<!tpu.dma_semaphore, #tpu.memory_space<semaphore_mem>>
        %dma_start3A_74 = arith.constant 0 : i32
        %dma_start3A_75 = arith.constant 0 : i32
        %dma_start3A_76 = tpu.memref_slice %arg13[%dma_start3A_74, %dma_start3A_75] : memref<10240x128xf32, #tpu.memory_space<vmem_shared>> -> memref<10240x128xf32, #tpu.memory_space<vmem_shared>>
        tpu.enqueue_indirect_dma source(%arg9 : memref<80x128xf32, #tpu.memory_space<vmem>>) target(%dma_start3A_76 : memref<10240x128xf32, #tpu.memory_space<vmem_shared>>) offsets(%arg8 : memref<80xi32, #tpu.memory_space<vmem>>) semaphore(%run_scoped3A : memref<!tpu.dma_semaphore, #tpu.memory_space<semaphore_mem>>) {add = true}
        %dma_wait3A_77 = arith.constant 0 : i32
        %dma_wait3A_78 = arith.constant 0 : i32
        %dma_wait3A_79 = tpu.memref_slice %arg13[%dma_wait3A_77, %dma_wait3A_78] : memref<10240x128xf32, #tpu.memory_space<vmem_shared>> -> memref<10240x128xf32, #tpu.memory_space<vmem_shared>>
        tpu.wait_indirect_dma semaphore(%run_scoped3A : memref<!tpu.dma_semaphore, #tpu.memory_space<semaphore_mem>>) src(%arg9 : memref<80x128xf32, #tpu.memory_space<vmem>>) dst(%dma_wait3A_79 : memref<10240x128xf32, #tpu.memory_space<vmem_shared>>)
        tpu.yield
      }) : () -> ()
    }
    %scan3A_31 = arith.constant 125 : i32
    %barrier3A_32 = arith.constant 0 : index
    tpu.barrier barrier_id(%barrier3A_32)
    %mul3A_33 = arith.constant 640 : i32
    %mul3A_34 = arith.muli %arg1, %mul3A_33 : i32
    %add3A_35 = arith.constant 0 : i32
    %add3A_36 = arith.addi %mul3A_34, %add3A_35 : i32
    "tpu.region"() ({
      %run_scoped3A = tpu.sem_alloc : memref<!tpu.dma_semaphore, #tpu.memory_space<semaphore_mem>>
      %dma_start3A = arith.constant 0 : i32
      %dma_start3A_53 = tpu.memref_slice %arg13[%add3A_36, %dma_start3A] : memref<10240x128xf32, #tpu.memory_space<vmem_shared>> -> memref<128x128xf32, #tpu.memory_space<vmem_shared>>
      %dma_start3A_54 = arith.constant 0 : i32
      %dma_start3A_55 = tpu.memref_slice %arg13[%add3A_36, %dma_start3A_54] : memref<10240x128xf32, #tpu.memory_space<vmem_shared>> -> memref<128x128xf32, #tpu.memory_space<vmem_shared>>
      tpu.enqueue_dma source(%dma_start3A_55 : memref<128x128xf32, #tpu.memory_space<vmem_shared>>) target(%arg11 : memref<128x128xf32, #tpu.memory_space<vmem>>) target_semaphore(%run_scoped3A : memref<!tpu.dma_semaphore, #tpu.memory_space<semaphore_mem>>)
      %dma_wait3A = arith.constant 0 : i32
      %dma_wait3A_56 = tpu.memref_slice %arg13[%add3A_36, %dma_wait3A] : memref<10240x128xf32, #tpu.memory_space<vmem_shared>> -> memref<128x128xf32, #tpu.memory_space<vmem_shared>>
      %dma_wait3A_57 = arith.constant 0 : i32
      %dma_wait3A_58 = tpu.memref_slice %arg13[%add3A_36, %dma_wait3A_57] : memref<10240x128xf32, #tpu.memory_space<vmem_shared>> -> memref<128x128xf32, #tpu.memory_space<vmem_shared>>
      tpu.wait_dma2 semaphore(%run_scoped3A : memref<!tpu.dma_semaphore, #tpu.memory_space<semaphore_mem>>) src(%dma_wait3A_58 : memref<128x128xf32, #tpu.memory_space<vmem_shared>>) dst(%arg11 : memref<128x128xf32, #tpu.memory_space<vmem>>)
      tpu.yield
    }) : () -> ()
    "tpu.region"() ({
      %run_scoped3A = tpu.sem_alloc : memref<!tpu.dma_semaphore, #tpu.memory_space<semaphore_mem>>
      %dma_start3A = arith.constant 0 : i32
      %dma_start3A_53 = tpu.memref_slice %arg6[%arg0, %add3A_36, %dma_start3A] : memref<2x10240x128xf32, #tpu.memory_space<hbm>> -> memref<1x128x128xf32, #tpu.memory_space<hbm>>
      %dma_start3A_54 = tpu.memref_squeeze %dma_start3A_53 : memref<1x128x128xf32, #tpu.memory_space<hbm>> -> memref<128x128xf32, #tpu.memory_space<hbm>>
      %dma_start3A_55 = arith.constant 0 : i32
      %dma_start3A_56 = tpu.memref_slice %arg6[%arg0, %add3A_36, %dma_start3A_55] : memref<2x10240x128xf32, #tpu.memory_space<hbm>> -> memref<1x128x128xf32, #tpu.memory_space<hbm>>
      %dma_start3A_57 = tpu.memref_squeeze %dma_start3A_56 : memref<1x128x128xf32, #tpu.memory_space<hbm>> -> memref<128x128xf32, #tpu.memory_space<hbm>>
      tpu.enqueue_dma source(%arg11 : memref<128x128xf32, #tpu.memory_space<vmem>>) target(%dma_start3A_57 : memref<128x128xf32, #tpu.memory_space<hbm>>) target_semaphore(%run_scoped3A : memref<!tpu.dma_semaphore, #tpu.memory_space<semaphore_mem>>)
      %dma_wait3A = arith.constant 0 : i32
      %dma_wait3A_58 = tpu.memref_slice %arg6[%arg0, %add3A_36, %dma_wait3A] : memref<2x10240x128xf32, #tpu.memory_space<hbm>> -> memref<1x128x128xf32, #tpu.memory_space<hbm>>
      %dma_wait3A_59 = tpu.memref_squeeze %dma_wait3A_58 : memref<1x128x128xf32, #tpu.memory_space<hbm>> -> memref<128x128xf32, #tpu.memory_space<hbm>>
      %dma_wait3A_60 = arith.constant 0 : i32
      %dma_wait3A_61 = tpu.memref_slice %arg6[%arg0, %add3A_36, %dma_wait3A_60] : memref<2x10240x128xf32, #tpu.memory_space<hbm>> -> memref<1x128x128xf32, #tpu.memory_space<hbm>>
      %dma_wait3A_62 = tpu.memref_squeeze %dma_wait3A_61 : memref<1x128x128xf32, #tpu.memory_space<hbm>> -> memref<128x128xf32, #tpu.memory_space<hbm>>
      tpu.wait_dma2 semaphore(%run_scoped3A : memref<!tpu.dma_semaphore, #tpu.memory_space<semaphore_mem>>) src(%arg11 : memref<128x128xf32, #tpu.memory_space<vmem>>) dst(%dma_wait3A_62 : memref<128x128xf32, #tpu.memory_space<hbm>>)
      tpu.yield
    }) : () -> ()
    %mul3A_37 = arith.constant 640 : i32
    %mul3A_38 = arith.muli %arg1, %mul3A_37 : i32
    %add3A_39 = arith.constant 128 : i32
    %add3A_40 = arith.addi %mul3A_38, %add3A_39 : i32
    "tpu.region"() ({
      %run_scoped3A = tpu.sem_alloc : memref<!tpu.dma_semaphore, #tpu.memory_space<semaphore_mem>>
      %dma_start3A = arith.constant 0 : i32
      %dma_start3A_53 = tpu.memref_slice %arg13[%add3A_40, %dma_start3A] : memref<10240x128xf32, #tpu.memory_space<vmem_shared>> -> memref<128x128xf32, #tpu.memory_space<vmem_shared>>
      %dma_start3A_54 = arith.constant 0 : i32
      %dma_start3A_55 = tpu.memref_slice %arg13[%add3A_40, %dma_start3A_54] : memref<10240x128xf32, #tpu.memory_space<vmem_shared>> -> memref<128x128xf32, #tpu.memory_space<vmem_shared>>
      tpu.enqueue_dma source(%dma_start3A_55 : memref<128x128xf32, #tpu.memory_space<vmem_shared>>) target(%arg11 : memref<128x128xf32, #tpu.memory_space<vmem>>) target_semaphore(%run_scoped3A : memref<!tpu.dma_semaphore, #tpu.memory_space<semaphore_mem>>)
      %dma_wait3A = arith.constant 0 : i32
      %dma_wait3A_56 = tpu.memref_slice %arg13[%add3A_40, %dma_wait3A] : memref<10240x128xf32, #tpu.memory_space<vmem_shared>> -> memref<128x128xf32, #tpu.memory_space<vmem_shared>>
      %dma_wait3A_57 = arith.constant 0 : i32
      %dma_wait3A_58 = tpu.memref_slice %arg13[%add3A_40, %dma_wait3A_57] : memref<10240x128xf32, #tpu.memory_space<vmem_shared>> -> memref<128x128xf32, #tpu.memory_space<vmem_shared>>
      tpu.wait_dma2 semaphore(%run_scoped3A : memref<!tpu.dma_semaphore, #tpu.memory_space<semaphore_mem>>) src(%dma_wait3A_58 : memref<128x128xf32, #tpu.memory_space<vmem_shared>>) dst(%arg11 : memref<128x128xf32, #tpu.memory_space<vmem>>)
      tpu.yield
    }) : () -> ()
    "tpu.region"() ({
      %run_scoped3A = tpu.sem_alloc : memref<!tpu.dma_semaphore, #tpu.memory_space<semaphore_mem>>
      %dma_start3A = arith.constant 0 : i32
      %dma_start3A_53 = tpu.memref_slice %arg6[%arg0, %add3A_40, %dma_start3A] : memref<2x10240x128xf32, #tpu.memory_space<hbm>> -> memref<1x128x128xf32, #tpu.memory_space<hbm>>
      %dma_start3A_54 = tpu.memref_squeeze %dma_start3A_53 : memref<1x128x128xf32, #tpu.memory_space<hbm>> -> memref<128x128xf32, #tpu.memory_space<hbm>>
      %dma_start3A_55 = arith.constant 0 : i32
      %dma_start3A_56 = tpu.memref_slice %arg6[%arg0, %add3A_40, %dma_start3A_55] : memref<2x10240x128xf32, #tpu.memory_space<hbm>> -> memref<1x128x128xf32, #tpu.memory_space<hbm>>
      %dma_start3A_57 = tpu.memref_squeeze %dma_start3A_56 : memref<1x128x128xf32, #tpu.memory_space<hbm>> -> memref<128x128xf32, #tpu.memory_space<hbm>>
      tpu.enqueue_dma source(%arg11 : memref<128x128xf32, #tpu.memory_space<vmem>>) target(%dma_start3A_57 : memref<128x128xf32, #tpu.memory_space<hbm>>) target_semaphore(%run_scoped3A : memref<!tpu.dma_semaphore, #tpu.memory_space<semaphore_mem>>)
      %dma_wait3A = arith.constant 0 : i32
      %dma_wait3A_58 = tpu.memref_slice %arg6[%arg0, %add3A_40, %dma_wait3A] : memref<2x10240x128xf32, #tpu.memory_space<hbm>> -> memref<1x128x128xf32, #tpu.memory_space<hbm>>
      %dma_wait3A_59 = tpu.memref_squeeze %dma_wait3A_58 : memref<1x128x128xf32, #tpu.memory_space<hbm>> -> memref<128x128xf32, #tpu.memory_space<hbm>>
      %dma_wait3A_60 = arith.constant 0 : i32
      %dma_wait3A_61 = tpu.memref_slice %arg6[%arg0, %add3A_40, %dma_wait3A_60] : memref<2x10240x128xf32, #tpu.memory_space<hbm>> -> memref<1x128x128xf32, #tpu.memory_space<hbm>>
      %dma_wait3A_62 = tpu.memref_squeeze %dma_wait3A_61 : memref<1x128x128xf32, #tpu.memory_space<hbm>> -> memref<128x128xf32, #tpu.memory_space<hbm>>
      tpu.wait_dma2 semaphore(%run_scoped3A : memref<!tpu.dma_semaphore, #tpu.memory_space<semaphore_mem>>) src(%arg11 : memref<128x128xf32, #tpu.memory_space<vmem>>) dst(%dma_wait3A_62 : memref<128x128xf32, #tpu.memory_space<hbm>>)
      tpu.yield
    }) : () -> ()
    %mul3A_41 = arith.constant 640 : i32
    %mul3A_42 = arith.muli %arg1, %mul3A_41 : i32
    %add3A_43 = arith.constant 256 : i32
    %add3A_44 = arith.addi %mul3A_42, %add3A_43 : i32
    "tpu.region"() ({
      %run_scoped3A = tpu.sem_alloc : memref<!tpu.dma_semaphore, #tpu.memory_space<semaphore_mem>>
      %dma_start3A = arith.constant 0 : i32
      %dma_start3A_53 = tpu.memref_slice %arg13[%add3A_44, %dma_start3A] : memref<10240x128xf32, #tpu.memory_space<vmem_shared>> -> memref<128x128xf32, #tpu.memory_space<vmem_shared>>
      %dma_start3A_54 = arith.constant 0 : i32
      %dma_start3A_55 = tpu.memref_slice %arg13[%add3A_44, %dma_start3A_54] : memref<10240x128xf32, #tpu.memory_space<vmem_shared>> -> memref<128x128xf32, #tpu.memory_space<vmem_shared>>
      tpu.enqueue_dma source(%dma_start3A_55 : memref<128x128xf32, #tpu.memory_space<vmem_shared>>) target(%arg11 : memref<128x128xf32, #tpu.memory_space<vmem>>) target_semaphore(%run_scoped3A : memref<!tpu.dma_semaphore, #tpu.memory_space<semaphore_mem>>)
      %dma_wait3A = arith.constant 0 : i32
      %dma_wait3A_56 = tpu.memref_slice %arg13[%add3A_44, %dma_wait3A] : memref<10240x128xf32, #tpu.memory_space<vmem_shared>> -> memref<128x128xf32, #tpu.memory_space<vmem_shared>>
      %dma_wait3A_57 = arith.constant 0 : i32
      %dma_wait3A_58 = tpu.memref_slice %arg13[%add3A_44, %dma_wait3A_57] : memref<10240x128xf32, #tpu.memory_space<vmem_shared>> -> memref<128x128xf32, #tpu.memory_space<vmem_shared>>
      tpu.wait_dma2 semaphore(%run_scoped3A : memref<!tpu.dma_semaphore, #tpu.memory_space<semaphore_mem>>) src(%dma_wait3A_58 : memref<128x128xf32, #tpu.memory_space<vmem_shared>>) dst(%arg11 : memref<128x128xf32, #tpu.memory_space<vmem>>)
      tpu.yield
    }) : () -> ()
    "tpu.region"() ({
      %run_scoped3A = tpu.sem_alloc : memref<!tpu.dma_semaphore, #tpu.memory_space<semaphore_mem>>
      %dma_start3A = arith.constant 0 : i32
      %dma_start3A_53 = tpu.memref_slice %arg6[%arg0, %add3A_44, %dma_start3A] : memref<2x10240x128xf32, #tpu.memory_space<hbm>> -> memref<1x128x128xf32, #tpu.memory_space<hbm>>
      %dma_start3A_54 = tpu.memref_squeeze %dma_start3A_53 : memref<1x128x128xf32, #tpu.memory_space<hbm>> -> memref<128x128xf32, #tpu.memory_space<hbm>>
      %dma_start3A_55 = arith.constant 0 : i32
      %dma_start3A_56 = tpu.memref_slice %arg6[%arg0, %add3A_44, %dma_start3A_55] : memref<2x10240x128xf32, #tpu.memory_space<hbm>> -> memref<1x128x128xf32, #tpu.memory_space<hbm>>
      %dma_start3A_57 = tpu.memref_squeeze %dma_start3A_56 : memref<1x128x128xf32, #tpu.memory_space<hbm>> -> memref<128x128xf32, #tpu.memory_space<hbm>>
      tpu.enqueue_dma source(%arg11 : memref<128x128xf32, #tpu.memory_space<vmem>>) target(%dma_start3A_57 : memref<128x128xf32, #tpu.memory_space<hbm>>) target_semaphore(%run_scoped3A : memref<!tpu.dma_semaphore, #tpu.memory_space<semaphore_mem>>)
      %dma_wait3A = arith.constant 0 : i32
      %dma_wait3A_58 = tpu.memref_slice %arg6[%arg0, %add3A_44, %dma_wait3A] : memref<2x10240x128xf32, #tpu.memory_space<hbm>> -> memref<1x128x128xf32, #tpu.memory_space<hbm>>
      %dma_wait3A_59 = tpu.memref_squeeze %dma_wait3A_58 : memref<1x128x128xf32, #tpu.memory_space<hbm>> -> memref<128x128xf32, #tpu.memory_space<hbm>>
      %dma_wait3A_60 = arith.constant 0 : i32
      %dma_wait3A_61 = tpu.memref_slice %arg6[%arg0, %add3A_44, %dma_wait3A_60] : memref<2x10240x128xf32, #tpu.memory_space<hbm>> -> memref<1x128x128xf32, #tpu.memory_space<hbm>>
      %dma_wait3A_62 = tpu.memref_squeeze %dma_wait3A_61 : memref<1x128x128xf32, #tpu.memory_space<hbm>> -> memref<128x128xf32, #tpu.memory_space<hbm>>
      tpu.wait_dma2 semaphore(%run_scoped3A : memref<!tpu.dma_semaphore, #tpu.memory_space<semaphore_mem>>) src(%arg11 : memref<128x128xf32, #tpu.memory_space<vmem>>) dst(%dma_wait3A_62 : memref<128x128xf32, #tpu.memory_space<hbm>>)
      tpu.yield
    }) : () -> ()
    %mul3A_45 = arith.constant 640 : i32
    %mul3A_46 = arith.muli %arg1, %mul3A_45 : i32
    %add3A_47 = arith.constant 384 : i32
    %add3A_48 = arith.addi %mul3A_46, %add3A_47 : i32
    "tpu.region"() ({
      %run_scoped3A = tpu.sem_alloc : memref<!tpu.dma_semaphore, #tpu.memory_space<semaphore_mem>>
      %dma_start3A = arith.constant 0 : i32
      %dma_start3A_53 = tpu.memref_slice %arg13[%add3A_48, %dma_start3A] : memref<10240x128xf32, #tpu.memory_space<vmem_shared>> -> memref<128x128xf32, #tpu.memory_space<vmem_shared>>
      %dma_start3A_54 = arith.constant 0 : i32
      %dma_start3A_55 = tpu.memref_slice %arg13[%add3A_48, %dma_start3A_54] : memref<10240x128xf32, #tpu.memory_space<vmem_shared>> -> memref<128x128xf32, #tpu.memory_space<vmem_shared>>
      tpu.enqueue_dma source(%dma_start3A_55 : memref<128x128xf32, #tpu.memory_space<vmem_shared>>) target(%arg11 : memref<128x128xf32, #tpu.memory_space<vmem>>) target_semaphore(%run_scoped3A : memref<!tpu.dma_semaphore, #tpu.memory_space<semaphore_mem>>)
      %dma_wait3A = arith.constant 0 : i32
      %dma_wait3A_56 = tpu.memref_slice %arg13[%add3A_48, %dma_wait3A] : memref<10240x128xf32, #tpu.memory_space<vmem_shared>> -> memref<128x128xf32, #tpu.memory_space<vmem_shared>>
      %dma_wait3A_57 = arith.constant 0 : i32
      %dma_wait3A_58 = tpu.memref_slice %arg13[%add3A_48, %dma_wait3A_57] : memref<10240x128xf32, #tpu.memory_space<vmem_shared>> -> memref<128x128xf32, #tpu.memory_space<vmem_shared>>
      tpu.wait_dma2 semaphore(%run_scoped3A : memref<!tpu.dma_semaphore, #tpu.memory_space<semaphore_mem>>) src(%dma_wait3A_58 : memref<128x128xf32, #tpu.memory_space<vmem_shared>>) dst(%arg11 : memref<128x128xf32, #tpu.memory_space<vmem>>)
      tpu.yield
    }) : () -> ()
    "tpu.region"() ({
      %run_scoped3A = tpu.sem_alloc : memref<!tpu.dma_semaphore, #tpu.memory_space<semaphore_mem>>
      %dma_start3A = arith.constant 0 : i32
      %dma_start3A_53 = tpu.memref_slice %arg6[%arg0, %add3A_48, %dma_start3A] : memref<2x10240x128xf32, #tpu.memory_space<hbm>> -> memref<1x128x128xf32, #tpu.memory_space<hbm>>
      %dma_start3A_54 = tpu.memref_squeeze %dma_start3A_53 : memref<1x128x128xf32, #tpu.memory_space<hbm>> -> memref<128x128xf32, #tpu.memory_space<hbm>>
      %dma_start3A_55 = arith.constant 0 : i32
      %dma_start3A_56 = tpu.memref_slice %arg6[%arg0, %add3A_48, %dma_start3A_55] : memref<2x10240x128xf32, #tpu.memory_space<hbm>> -> memref<1x128x128xf32, #tpu.memory_space<hbm>>
      %dma_start3A_57 = tpu.memref_squeeze %dma_start3A_56 : memref<1x128x128xf32, #tpu.memory_space<hbm>> -> memref<128x128xf32, #tpu.memory_space<hbm>>
      tpu.enqueue_dma source(%arg11 : memref<128x128xf32, #tpu.memory_space<vmem>>) target(%dma_start3A_57 : memref<128x128xf32, #tpu.memory_space<hbm>>) target_semaphore(%run_scoped3A : memref<!tpu.dma_semaphore, #tpu.memory_space<semaphore_mem>>)
      %dma_wait3A = arith.constant 0 : i32
      %dma_wait3A_58 = tpu.memref_slice %arg6[%arg0, %add3A_48, %dma_wait3A] : memref<2x10240x128xf32, #tpu.memory_space<hbm>> -> memref<1x128x128xf32, #tpu.memory_space<hbm>>
      %dma_wait3A_59 = tpu.memref_squeeze %dma_wait3A_58 : memref<1x128x128xf32, #tpu.memory_space<hbm>> -> memref<128x128xf32, #tpu.memory_space<hbm>>
      %dma_wait3A_60 = arith.constant 0 : i32
      %dma_wait3A_61 = tpu.memref_slice %arg6[%arg0, %add3A_48, %dma_wait3A_60] : memref<2x10240x128xf32, #tpu.memory_space<hbm>> -> memref<1x128x128xf32, #tpu.memory_space<hbm>>
      %dma_wait3A_62 = tpu.memref_squeeze %dma_wait3A_61 : memref<1x128x128xf32, #tpu.memory_space<hbm>> -> memref<128x128xf32, #tpu.memory_space<hbm>>
      tpu.wait_dma2 semaphore(%run_scoped3A : memref<!tpu.dma_semaphore, #tpu.memory_space<semaphore_mem>>) src(%arg11 : memref<128x128xf32, #tpu.memory_space<vmem>>) dst(%dma_wait3A_62 : memref<128x128xf32, #tpu.memory_space<hbm>>)
      tpu.yield
    }) : () -> ()
    %mul3A_49 = arith.constant 640 : i32
    %mul3A_50 = arith.muli %arg1, %mul3A_49 : i32
    %add3A_51 = arith.constant 512 : i32
    %add3A_52 = arith.addi %mul3A_50, %add3A_51 : i32
    "tpu.region"() ({
      %run_scoped3A = tpu.sem_alloc : memref<!tpu.dma_semaphore, #tpu.memory_space<semaphore_mem>>
      %dma_start3A = arith.constant 0 : i32
      %dma_start3A_53 = tpu.memref_slice %arg13[%add3A_52, %dma_start3A] : memref<10240x128xf32, #tpu.memory_space<vmem_shared>> -> memref<128x128xf32, #tpu.memory_space<vmem_shared>>
      %dma_start3A_54 = arith.constant 0 : i32
      %dma_start3A_55 = tpu.memref_slice %arg13[%add3A_52, %dma_start3A_54] : memref<10240x128xf32, #tpu.memory_space<vmem_shared>> -> memref<128x128xf32, #tpu.memory_space<vmem_shared>>
      tpu.enqueue_dma source(%dma_start3A_55 : memref<128x128xf32, #tpu.memory_space<vmem_shared>>) target(%arg11 : memref<128x128xf32, #tpu.memory_space<vmem>>) target_semaphore(%run_scoped3A : memref<!tpu.dma_semaphore, #tpu.memory_space<semaphore_mem>>)
      %dma_wait3A = arith.constant 0 : i32
      %dma_wait3A_56 = tpu.memref_slice %arg13[%add3A_52, %dma_wait3A] : memref<10240x128xf32, #tpu.memory_space<vmem_shared>> -> memref<128x128xf32, #tpu.memory_space<vmem_shared>>
      %dma_wait3A_57 = arith.constant 0 : i32
      %dma_wait3A_58 = tpu.memref_slice %arg13[%add3A_52, %dma_wait3A_57] : memref<10240x128xf32, #tpu.memory_space<vmem_shared>> -> memref<128x128xf32, #tpu.memory_space<vmem_shared>>
      tpu.wait_dma2 semaphore(%run_scoped3A : memref<!tpu.dma_semaphore, #tpu.memory_space<semaphore_mem>>) src(%dma_wait3A_58 : memref<128x128xf32, #tpu.memory_space<vmem_shared>>) dst(%arg11 : memref<128x128xf32, #tpu.memory_space<vmem>>)
      tpu.yield
    }) : () -> ()
    "tpu.region"() ({
      %run_scoped3A = tpu.sem_alloc : memref<!tpu.dma_semaphore, #tpu.memory_space<semaphore_mem>>
      %dma_start3A = arith.constant 0 : i32
      %dma_start3A_53 = tpu.memref_slice %arg6[%arg0, %add3A_52, %dma_start3A] : memref<2x10240x128xf32, #tpu.memory_space<hbm>> -> memref<1x128x128xf32, #tpu.memory_space<hbm>>
      %dma_start3A_54 = tpu.memref_squeeze %dma_start3A_53 : memref<1x128x128xf32, #tpu.memory_space<hbm>> -> memref<128x128xf32, #tpu.memory_space<hbm>>
      %dma_start3A_55 = arith.constant 0 : i32
      %dma_start3A_56 = tpu.memref_slice %arg6[%arg0, %add3A_52, %dma_start3A_55] : memref<2x10240x128xf32, #tpu.memory_space<hbm>> -> memref<1x128x128xf32, #tpu.memory_space<hbm>>
      %dma_start3A_57 = tpu.memref_squeeze %dma_start3A_56 : memref<1x128x128xf32, #tpu.memory_space<hbm>> -> memref<128x128xf32, #tpu.memory_space<hbm>>
      tpu.enqueue_dma source(%arg11 : memref<128x128xf32, #tpu.memory_space<vmem>>) target(%dma_start3A_57 : memref<128x128xf32, #tpu.memory_space<hbm>>) target_semaphore(%run_scoped3A : memref<!tpu.dma_semaphore, #tpu.memory_space<semaphore_mem>>)
      %dma_wait3A = arith.constant 0 : i32
      %dma_wait3A_58 = tpu.memref_slice %arg6[%arg0, %add3A_52, %dma_wait3A] : memref<2x10240x128xf32, #tpu.memory_space<hbm>> -> memref<1x128x128xf32, #tpu.memory_space<hbm>>
      %dma_wait3A_59 = tpu.memref_squeeze %dma_wait3A_58 : memref<1x128x128xf32, #tpu.memory_space<hbm>> -> memref<128x128xf32, #tpu.memory_space<hbm>>
      %dma_wait3A_60 = arith.constant 0 : i32
      %dma_wait3A_61 = tpu.memref_slice %arg6[%arg0, %add3A_52, %dma_wait3A_60] : memref<2x10240x128xf32, #tpu.memory_space<hbm>> -> memref<1x128x128xf32, #tpu.memory_space<hbm>>
      %dma_wait3A_62 = tpu.memref_squeeze %dma_wait3A_61 : memref<1x128x128xf32, #tpu.memory_space<hbm>> -> memref<128x128xf32, #tpu.memory_space<hbm>>
      tpu.wait_dma2 semaphore(%run_scoped3A : memref<!tpu.dma_semaphore, #tpu.memory_space<semaphore_mem>>) src(%arg11 : memref<128x128xf32, #tpu.memory_space<vmem>>) dst(%dma_wait3A_62 : memref<128x128xf32, #tpu.memory_space<hbm>>)
      tpu.yield
    }) : () -> ()
    return
  }
}

#map = affine_map<(d0, d1) -> (0, 0)>
#map1 = affine_map<(d0, d1) -> (0)>
#map2 = affine_map<(d0, d1) -> (0, 0, 0)>
module attributes {stable_mosaic.version = 14 : i64} {
  func.func @_msg_body(%arg0: i32, %arg1: i32, %arg2: memref<10000x128xf32, #tpu.memory_space<hbm>>, %arg3: memref<160000x128xf32, #tpu.memory_space<hbm>>, %arg4: memref<320000xi32, #tpu.memory_space<hbm>>, %arg5: memref<320000xi32, #tpu.memory_space<hbm>>, %arg6: memref<2x10240x128xf32, #tpu.memory_space<hbm>>, %arg7: memref<80xi32, #tpu.memory_space<vmem>>, %arg8: memref<80xi32, #tpu.memory_space<vmem>>, %arg9: memref<80x128xf32, #tpu.memory_space<vmem>>, %arg10: memref<40x128xf32, #tpu.memory_space<vmem>>, %arg11: memref<128x128xf32, #tpu.memory_space<vmem>>, %arg12: memref<!tpu.dma_semaphore, #tpu.memory_space<semaphore_mem>>, %arg13: memref<10240x128xf32, #tpu.memory_space<vmem_shared>>) attributes {dimension_semantics = [#tpu.dimension_semantics<core_parallel>, #tpu.dimension_semantics<subcore_parallel>], iteration_bounds = array<i64: 2, 16>, scalar_prefetch = 0 : i64, scratch_operands = 7 : i64, tpu.core_type = #tpu.core_type<sc_vector_subcore>, window_params = [{transform_indices = #map}, {transform_indices = #map}, {transform_indices = #map1}, {transform_indices = #map1}, {transform_indices = #map2}]} {
    %mul3A = arith.constant 2 : i32
    %mul3A_0 = arith.muli %arg1, %mul3A : i32
    %add3A = arith.addi %mul3A_0, %arg0 : i32
    %scan3A = arith.constant 0 : i32
    %scan3A_1 = arith.constant 0 : i32
    %scan3A_2 = arith.constant 128 : i32
    %scan3A_3 = arith.addi %scan3A_1, %scan3A_2 : i32
    %scan3A_4 = arith.constant 1 : i32
    scf.for %scan3A_53 = %scan3A_1 to %scan3A_3 step %scan3A_4  : i32 {
      %broadcast_in_dim3A = arith.constant 0.000000e+00 : f32
      %broadcast_in_dim3A_54 = vector.broadcast %broadcast_in_dim3A : f32 to vector<16xf32>
      %swap3A = arith.index_cast %scan3A_53 : i32 to index
      %swap3A_55 = arith.constant 0 : index
      %swap3A_56 = tpu.vector_load %arg11[%swap3A, %swap3A_55] {strides = array<i32>} : memref<128x128xf32, #tpu.memory_space<vmem>>, vector<1x16xf32>,
      %swap3A_57 = vector.shape_cast %swap3A_56 : vector<1x16xf32> to vector<16xf32>
      %swap3A_58 = vector.shape_cast %broadcast_in_dim3A_54 : vector<16xf32> to vector<1x16xf32>
      tpu.vector_store %arg11[%swap3A, %swap3A_55], %swap3A_58 {strides = array<i32>} : memref<128x128xf32, #tpu.memory_space<vmem>>, vector<1x16xf32>,
      %broadcast_in_dim3A_59 = arith.constant 0.000000e+00 : f32
      %broadcast_in_dim3A_60 = vector.broadcast %broadcast_in_dim3A_59 : f32 to vector<16xf32>
      %swap3A_61 = arith.index_cast %scan3A_53 : i32 to index
      %swap3A_62 = arith.constant 16 : index
      %swap3A_63 = tpu.vector_load %arg11[%swap3A_61, %swap3A_62] {strides = array<i32>} : memref<128x128xf32, #tpu.memory_space<vmem>>, vector<1x16xf32>,
      %swap3A_64 = vector.shape_cast %swap3A_63 : vector<1x16xf32> to vector<16xf32>
      %swap3A_65 = vector.shape_cast %broadcast_in_dim3A_60 : vector<16xf32> to vector<1x16xf32>
      tpu.vector_store %arg11[%swap3A_61, %swap3A_62], %swap3A_65 {strides = array<i32>} : memref<128x128xf32, #tpu.memory_space<vmem>>, vector<1x16xf32>,
      %broadcast_in_dim3A_66 = arith.constant 0.000000e+00 : f32
      %broadcast_in_dim3A_67 = vector.broadcast %broadcast_in_dim3A_66 : f32 to vector<16xf32>
      %swap3A_68 = arith.index_cast %scan3A_53 : i32 to index
      %swap3A_69 = arith.constant 32 : index
      %swap3A_70 = tpu.vector_load %arg11[%swap3A_68, %swap3A_69] {strides = array<i32>} : memref<128x128xf32, #tpu.memory_space<vmem>>, vector<1x16xf32>,
      %swap3A_71 = vector.shape_cast %swap3A_70 : vector<1x16xf32> to vector<16xf32>
      %swap3A_72 = vector.shape_cast %broadcast_in_dim3A_67 : vector<16xf32> to vector<1x16xf32>
      tpu.vector_store %arg11[%swap3A_68, %swap3A_69], %swap3A_72 {strides = array<i32>} : memref<128x128xf32, #tpu.memory_space<vmem>>, vector<1x16xf32>,
      %broadcast_in_dim3A_73 = arith.constant 0.000000e+00 : f32
      %broadcast_in_dim3A_74 = vector.broadcast %broadcast_in_dim3A_73 : f32 to vector<16xf32>
      %swap3A_75 = arith.index_cast %scan3A_53 : i32 to index
      %swap3A_76 = arith.constant 48 : index
      %swap3A_77 = tpu.vector_load %arg11[%swap3A_75, %swap3A_76] {strides = array<i32>} : memref<128x128xf32, #tpu.memory_space<vmem>>, vector<1x16xf32>,
      %swap3A_78 = vector.shape_cast %swap3A_77 : vector<1x16xf32> to vector<16xf32>
      %swap3A_79 = vector.shape_cast %broadcast_in_dim3A_74 : vector<16xf32> to vector<1x16xf32>
      tpu.vector_store %arg11[%swap3A_75, %swap3A_76], %swap3A_79 {strides = array<i32>} : memref<128x128xf32, #tpu.memory_space<vmem>>, vector<1x16xf32>,
      %broadcast_in_dim3A_80 = arith.constant 0.000000e+00 : f32
      %broadcast_in_dim3A_81 = vector.broadcast %broadcast_in_dim3A_80 : f32 to vector<16xf32>
      %swap3A_82 = arith.index_cast %scan3A_53 : i32 to index
      %swap3A_83 = arith.constant 64 : index
      %swap3A_84 = tpu.vector_load %arg11[%swap3A_82, %swap3A_83] {strides = array<i32>} : memref<128x128xf32, #tpu.memory_space<vmem>>, vector<1x16xf32>,
      %swap3A_85 = vector.shape_cast %swap3A_84 : vector<1x16xf32> to vector<16xf32>
      %swap3A_86 = vector.shape_cast %broadcast_in_dim3A_81 : vector<16xf32> to vector<1x16xf32>
      tpu.vector_store %arg11[%swap3A_82, %swap3A_83], %swap3A_86 {strides = array<i32>} : memref<128x128xf32, #tpu.memory_space<vmem>>, vector<1x16xf32>,
      %broadcast_in_dim3A_87 = arith.constant 0.000000e+00 : f32
      %broadcast_in_dim3A_88 = vector.broadcast %broadcast_in_dim3A_87 : f32 to vector<16xf32>
      %swap3A_89 = arith.index_cast %scan3A_53 : i32 to index
      %swap3A_90 = arith.constant 80 : index
      %swap3A_91 = tpu.vector_load %arg11[%swap3A_89, %swap3A_90] {strides = array<i32>} : memref<128x128xf32, #tpu.memory_space<vmem>>, vector<1x16xf32>,
      %swap3A_92 = vector.shape_cast %swap3A_91 : vector<1x16xf32> to vector<16xf32>
      %swap3A_93 = vector.shape_cast %broadcast_in_dim3A_88 : vector<16xf32> to vector<1x16xf32>
      tpu.vector_store %arg11[%swap3A_89, %swap3A_90], %swap3A_93 {strides = array<i32>} : memref<128x128xf32, #tpu.memory_space<vmem>>, vector<1x16xf32>,
      %broadcast_in_dim3A_94 = arith.constant 0.000000e+00 : f32
      %broadcast_in_dim3A_95 = vector.broadcast %broadcast_in_dim3A_94 : f32 to vector<16xf32>
      %swap3A_96 = arith.index_cast %scan3A_53 : i32 to index
      %swap3A_97 = arith.constant 96 : index
      %swap3A_98 = tpu.vector_load %arg11[%swap3A_96, %swap3A_97] {strides = array<i32>} : memref<128x128xf32, #tpu.memory_space<vmem>>, vector<1x16xf32>,
      %swap3A_99 = vector.shape_cast %swap3A_98 : vector<1x16xf32> to vector<16xf32>
      %swap3A_100 = vector.shape_cast %broadcast_in_dim3A_95 : vector<16xf32> to vector<1x16xf32>
      tpu.vector_store %arg11[%swap3A_96, %swap3A_97], %swap3A_100 {strides = array<i32>} : memref<128x128xf32, #tpu.memory_space<vmem>>, vector<1x16xf32>,
      %broadcast_in_dim3A_101 = arith.constant 0.000000e+00 : f32
      %broadcast_in_dim3A_102 = vector.broadcast %broadcast_in_dim3A_101 : f32 to vector<16xf32>
      %swap3A_103 = arith.index_cast %scan3A_53 : i32 to index
      %swap3A_104 = arith.constant 112 : index
      %swap3A_105 = tpu.vector_load %arg11[%swap3A_103, %swap3A_104] {strides = array<i32>} : memref<128x128xf32, #tpu.memory_space<vmem>>, vector<1x16xf32>,
      %swap3A_106 = vector.shape_cast %swap3A_105 : vector<1x16xf32> to vector<16xf32>
      %swap3A_107 = vector.shape_cast %broadcast_in_dim3A_102 : vector<16xf32> to vector<1x16xf32>
      tpu.vector_store %arg11[%swap3A_103, %swap3A_104], %swap3A_107 {strides = array<i32>} : memref<128x128xf32, #tpu.memory_space<vmem>>, vector<1x16xf32>,
    }
    %scan3A_5 = arith.constant 128 : i32
    %mul3A_6 = arith.constant 640 : i32
    %mul3A_7 = arith.muli %arg1, %mul3A_6 : i32
    %add3A_8 = arith.constant 0 : i32
    %add3A_9 = arith.addi %mul3A_7, %add3A_8 : i32
    "tpu.region"() ({
      %run_scoped3A = tpu.sem_alloc : memref<!tpu.dma_semaphore, #tpu.memory_space<semaphore_mem>>
      %dma_start3A = arith.constant 0 : i32
      %dma_start3A_53 = tpu.memref_slice %arg13[%add3A_9, %dma_start3A] : memref<10240x128xf32, #tpu.memory_space<vmem_shared>> -> memref<128x128xf32, #tpu.memory_space<vmem_shared>>
      %dma_start3A_54 = arith.constant 0 : i32
      %dma_start3A_55 = tpu.memref_slice %arg13[%add3A_9, %dma_start3A_54] : memref<10240x128xf32, #tpu.memory_space<vmem_shared>> -> memref<128x128xf32, #tpu.memory_space<vmem_shared>>
      tpu.enqueue_dma source(%arg11 : memref<128x128xf32, #tpu.memory_space<vmem>>) target(%dma_start3A_55 : memref<128x128xf32, #tpu.memory_space<vmem_shared>>) target_semaphore(%run_scoped3A : memref<!tpu.dma_semaphore, #tpu.memory_space<semaphore_mem>>)
      %dma_wait3A = arith.constant 0 : i32
      %dma_wait3A_56 = tpu.memref_slice %arg13[%add3A_9, %dma_wait3A] : memref<10240x128xf32, #tpu.memory_space<vmem_shared>> -> memref<128x128xf32, #tpu.memory_space<vmem_shared>>
      %dma_wait3A_57 = arith.constant 0 : i32
      %dma_wait3A_58 = tpu.memref_slice %arg13[%add3A_9, %dma_wait3A_57] : memref<10240x128xf32, #tpu.memory_space<vmem_shared>> -> memref<128x128xf32, #tpu.memory_space<vmem_shared>>
      tpu.wait_dma2 semaphore(%run_scoped3A : memref<!tpu.dma_semaphore, #tpu.memory_space<semaphore_mem>>) src(%arg11 : memref<128x128xf32, #tpu.memory_space<vmem>>) dst(%dma_wait3A_58 : memref<128x128xf32, #tpu.memory_space<vmem_shared>>)
      tpu.yield
    }) : () -> ()
    %mul3A_10 = arith.constant 640 : i32
    %mul3A_11 = arith.muli %arg1, %mul3A_10 : i32
    %add3A_12 = arith.constant 128 : i32
    %add3A_13 = arith.addi %mul3A_11, %add3A_12 : i32
    "tpu.region"() ({
      %run_scoped3A = tpu.sem_alloc : memref<!tpu.dma_semaphore, #tpu.memory_space<semaphore_mem>>
      %dma_start3A = arith.constant 0 : i32
      %dma_start3A_53 = tpu.memref_slice %arg13[%add3A_13, %dma_start3A] : memref<10240x128xf32, #tpu.memory_space<vmem_shared>> -> memref<128x128xf32, #tpu.memory_space<vmem_shared>>
      %dma_start3A_54 = arith.constant 0 : i32
      %dma_start3A_55 = tpu.memref_slice %arg13[%add3A_13, %dma_start3A_54] : memref<10240x128xf32, #tpu.memory_space<vmem_shared>> -> memref<128x128xf32, #tpu.memory_space<vmem_shared>>
      tpu.enqueue_dma source(%arg11 : memref<128x128xf32, #tpu.memory_space<vmem>>) target(%dma_start3A_55 : memref<128x128xf32, #tpu.memory_space<vmem_shared>>) target_semaphore(%run_scoped3A : memref<!tpu.dma_semaphore, #tpu.memory_space<semaphore_mem>>)
      %dma_wait3A = arith.constant 0 : i32
      %dma_wait3A_56 = tpu.memref_slice %arg13[%add3A_13, %dma_wait3A] : memref<10240x128xf32, #tpu.memory_space<vmem_shared>> -> memref<128x128xf32, #tpu.memory_space<vmem_shared>>
      %dma_wait3A_57 = arith.constant 0 : i32
      %dma_wait3A_58 = tpu.memref_slice %arg13[%add3A_13, %dma_wait3A_57] : memref<10240x128xf32, #tpu.memory_space<vmem_shared>> -> memref<128x128xf32, #tpu.memory_space<vmem_shared>>
      tpu.wait_dma2 semaphore(%run_scoped3A : memref<!tpu.dma_semaphore, #tpu.memory_space<semaphore_mem>>) src(%arg11 : memref<128x128xf32, #tpu.memory_space<vmem>>) dst(%dma_wait3A_58 : memref<128x128xf32, #tpu.memory_space<vmem_shared>>)
      tpu.yield
    }) : () -> ()
    %mul3A_14 = arith.constant 640 : i32
    %mul3A_15 = arith.muli %arg1, %mul3A_14 : i32
    %add3A_16 = arith.constant 256 : i32
    %add3A_17 = arith.addi %mul3A_15, %add3A_16 : i32
    "tpu.region"() ({
      %run_scoped3A = tpu.sem_alloc : memref<!tpu.dma_semaphore, #tpu.memory_space<semaphore_mem>>
      %dma_start3A = arith.constant 0 : i32
      %dma_start3A_53 = tpu.memref_slice %arg13[%add3A_17, %dma_start3A] : memref<10240x128xf32, #tpu.memory_space<vmem_shared>> -> memref<128x128xf32, #tpu.memory_space<vmem_shared>>
      %dma_start3A_54 = arith.constant 0 : i32
      %dma_start3A_55 = tpu.memref_slice %arg13[%add3A_17, %dma_start3A_54] : memref<10240x128xf32, #tpu.memory_space<vmem_shared>> -> memref<128x128xf32, #tpu.memory_space<vmem_shared>>
      tpu.enqueue_dma source(%arg11 : memref<128x128xf32, #tpu.memory_space<vmem>>) target(%dma_start3A_55 : memref<128x128xf32, #tpu.memory_space<vmem_shared>>) target_semaphore(%run_scoped3A : memref<!tpu.dma_semaphore, #tpu.memory_space<semaphore_mem>>)
      %dma_wait3A = arith.constant 0 : i32
      %dma_wait3A_56 = tpu.memref_slice %arg13[%add3A_17, %dma_wait3A] : memref<10240x128xf32, #tpu.memory_space<vmem_shared>> -> memref<128x128xf32, #tpu.memory_space<vmem_shared>>
      %dma_wait3A_57 = arith.constant 0 : i32
      %dma_wait3A_58 = tpu.memref_slice %arg13[%add3A_17, %dma_wait3A_57] : memref<10240x128xf32, #tpu.memory_space<vmem_shared>> -> memref<128x128xf32, #tpu.memory_space<vmem_shared>>
      tpu.wait_dma2 semaphore(%run_scoped3A : memref<!tpu.dma_semaphore, #tpu.memory_space<semaphore_mem>>) src(%arg11 : memref<128x128xf32, #tpu.memory_space<vmem>>) dst(%dma_wait3A_58 : memref<128x128xf32, #tpu.memory_space<vmem_shared>>)
      tpu.yield
    }) : () -> ()
    %mul3A_18 = arith.constant 640 : i32
    %mul3A_19 = arith.muli %arg1, %mul3A_18 : i32
    %add3A_20 = arith.constant 384 : i32
    %add3A_21 = arith.addi %mul3A_19, %add3A_20 : i32
    "tpu.region"() ({
      %run_scoped3A = tpu.sem_alloc : memref<!tpu.dma_semaphore, #tpu.memory_space<semaphore_mem>>
      %dma_start3A = arith.constant 0 : i32
      %dma_start3A_53 = tpu.memref_slice %arg13[%add3A_21, %dma_start3A] : memref<10240x128xf32, #tpu.memory_space<vmem_shared>> -> memref<128x128xf32, #tpu.memory_space<vmem_shared>>
      %dma_start3A_54 = arith.constant 0 : i32
      %dma_start3A_55 = tpu.memref_slice %arg13[%add3A_21, %dma_start3A_54] : memref<10240x128xf32, #tpu.memory_space<vmem_shared>> -> memref<128x128xf32, #tpu.memory_space<vmem_shared>>
      tpu.enqueue_dma source(%arg11 : memref<128x128xf32, #tpu.memory_space<vmem>>) target(%dma_start3A_55 : memref<128x128xf32, #tpu.memory_space<vmem_shared>>) target_semaphore(%run_scoped3A : memref<!tpu.dma_semaphore, #tpu.memory_space<semaphore_mem>>)
      %dma_wait3A = arith.constant 0 : i32
      %dma_wait3A_56 = tpu.memref_slice %arg13[%add3A_21, %dma_wait3A] : memref<10240x128xf32, #tpu.memory_space<vmem_shared>> -> memref<128x128xf32, #tpu.memory_space<vmem_shared>>
      %dma_wait3A_57 = arith.constant 0 : i32
      %dma_wait3A_58 = tpu.memref_slice %arg13[%add3A_21, %dma_wait3A_57] : memref<10240x128xf32, #tpu.memory_space<vmem_shared>> -> memref<128x128xf32, #tpu.memory_space<vmem_shared>>
      tpu.wait_dma2 semaphore(%run_scoped3A : memref<!tpu.dma_semaphore, #tpu.memory_space<semaphore_mem>>) src(%arg11 : memref<128x128xf32, #tpu.memory_space<vmem>>) dst(%dma_wait3A_58 : memref<128x128xf32, #tpu.memory_space<vmem_shared>>)
      tpu.yield
    }) : () -> ()
    %mul3A_22 = arith.constant 640 : i32
    %mul3A_23 = arith.muli %arg1, %mul3A_22 : i32
    %add3A_24 = arith.constant 512 : i32
    %add3A_25 = arith.addi %mul3A_23, %add3A_24 : i32
    "tpu.region"() ({
      %run_scoped3A = tpu.sem_alloc : memref<!tpu.dma_semaphore, #tpu.memory_space<semaphore_mem>>
      %dma_start3A = arith.constant 0 : i32
      %dma_start3A_53 = tpu.memref_slice %arg13[%add3A_25, %dma_start3A] : memref<10240x128xf32, #tpu.memory_space<vmem_shared>> -> memref<128x128xf32, #tpu.memory_space<vmem_shared>>
      %dma_start3A_54 = arith.constant 0 : i32
      %dma_start3A_55 = tpu.memref_slice %arg13[%add3A_25, %dma_start3A_54] : memref<10240x128xf32, #tpu.memory_space<vmem_shared>> -> memref<128x128xf32, #tpu.memory_space<vmem_shared>>
      tpu.enqueue_dma source(%arg11 : memref<128x128xf32, #tpu.memory_space<vmem>>) target(%dma_start3A_55 : memref<128x128xf32, #tpu.memory_space<vmem_shared>>) target_semaphore(%run_scoped3A : memref<!tpu.dma_semaphore, #tpu.memory_space<semaphore_mem>>)
      %dma_wait3A = arith.constant 0 : i32
      %dma_wait3A_56 = tpu.memref_slice %arg13[%add3A_25, %dma_wait3A] : memref<10240x128xf32, #tpu.memory_space<vmem_shared>> -> memref<128x128xf32, #tpu.memory_space<vmem_shared>>
      %dma_wait3A_57 = arith.constant 0 : i32
      %dma_wait3A_58 = tpu.memref_slice %arg13[%add3A_25, %dma_wait3A_57] : memref<10240x128xf32, #tpu.memory_space<vmem_shared>> -> memref<128x128xf32, #tpu.memory_space<vmem_shared>>
      tpu.wait_dma2 semaphore(%run_scoped3A : memref<!tpu.dma_semaphore, #tpu.memory_space<semaphore_mem>>) src(%arg11 : memref<128x128xf32, #tpu.memory_space<vmem>>) dst(%dma_wait3A_58 : memref<128x128xf32, #tpu.memory_space<vmem_shared>>)
      tpu.yield
    }) : () -> ()
    %barrier3A = arith.constant 0 : index
    tpu.barrier barrier_id(%barrier3A)
    %scan3A_26 = arith.constant 0 : i32
    %scan3A_27 = arith.constant 0 : i32
    %scan3A_28 = arith.constant 125 : i32
    %scan3A_29 = arith.addi %scan3A_27, %scan3A_28 : i32
    %scan3A_30 = arith.constant 1 : i32
    scf.for %scan3A_53 = %scan3A_27 to %scan3A_29 step %scan3A_30  : i32 {
      %mul3A_54 = arith.constant 10000 : i32
      %mul3A_55 = arith.muli %add3A, %mul3A_54 : i32
      %mul3A_56 = arith.constant 80 : i32
      %mul3A_57 = arith.muli %scan3A_53, %mul3A_56 : i32
      %add3A_58 = arith.addi %mul3A_55, %mul3A_57 : i32
      "tpu.region"() ({
        %run_scoped3A = tpu.sem_alloc : memref<!tpu.dma_semaphore, #tpu.memory_space<semaphore_mem>>
        %dma_start3A_74 = tpu.memref_slice %arg4[%add3A_58] : memref<320000xi32, #tpu.memory_space<hbm>> -> memref<80xi32, #tpu.memory_space<hbm>>
        %dma_start3A_75 = tpu.memref_slice %arg4[%add3A_58] : memref<320000xi32, #tpu.memory_space<hbm>> -> memref<80xi32, #tpu.memory_space<hbm>>
        tpu.enqueue_dma source(%dma_start3A_75 : memref<80xi32, #tpu.memory_space<hbm>>) target(%arg7 : memref<80xi32, #tpu.memory_space<vmem>>) target_semaphore(%run_scoped3A : memref<!tpu.dma_semaphore, #tpu.memory_space<semaphore_mem>>)
        %dma_wait3A_76 = tpu.memref_slice %arg4[%add3A_58] : memref<320000xi32, #tpu.memory_space<hbm>> -> memref<80xi32, #tpu.memory_space<hbm>>
        %dma_wait3A_77 = tpu.memref_slice %arg4[%add3A_58] : memref<320000xi32, #tpu.memory_space<hbm>> -> memref<80xi32, #tpu.memory_space<hbm>>
        tpu.wait_dma2 semaphore(%run_scoped3A : memref<!tpu.dma_semaphore, #tpu.memory_space<semaphore_mem>>) src(%dma_wait3A_77 : memref<80xi32, #tpu.memory_space<hbm>>) dst(%arg7 : memref<80xi32, #tpu.memory_space<vmem>>)
        tpu.yield
      }) : () -> ()
      %dma_start3A = arith.constant 0 : i32
      %dma_start3A_59 = arith.constant 0 : i32
      %dma_start3A_60 = tpu.memref_slice %arg2[%dma_start3A, %dma_start3A_59] : memref<10000x128xf32, #tpu.memory_space<hbm>> -> memref<10000x128xf32, #tpu.memory_space<hbm>>
      tpu.enqueue_indirect_dma source(%dma_start3A_60 : memref<10000x128xf32, #tpu.memory_space<hbm>>) target(%arg9 : memref<80x128xf32, #tpu.memory_space<vmem>>) offsets(%arg7 : memref<80xi32, #tpu.memory_space<vmem>>) semaphore(%arg12 : memref<!tpu.dma_semaphore, #tpu.memory_space<semaphore_mem>>)
      "tpu.region"() ({
        %run_scoped3A = tpu.sem_alloc : memref<!tpu.dma_semaphore, #tpu.memory_space<semaphore_mem>>
        %dma_start3A_74 = tpu.memref_slice %arg5[%add3A_58] : memref<320000xi32, #tpu.memory_space<hbm>> -> memref<80xi32, #tpu.memory_space<hbm>>
        %dma_start3A_75 = tpu.memref_slice %arg5[%add3A_58] : memref<320000xi32, #tpu.memory_space<hbm>> -> memref<80xi32, #tpu.memory_space<hbm>>
        tpu.enqueue_dma source(%dma_start3A_75 : memref<80xi32, #tpu.memory_space<hbm>>) target(%arg8 : memref<80xi32, #tpu.memory_space<vmem>>) target_semaphore(%run_scoped3A : memref<!tpu.dma_semaphore, #tpu.memory_space<semaphore_mem>>)
        %dma_wait3A_76 = tpu.memref_slice %arg5[%add3A_58] : memref<320000xi32, #tpu.memory_space<hbm>> -> memref<80xi32, #tpu.memory_space<hbm>>
        %dma_wait3A_77 = tpu.memref_slice %arg5[%add3A_58] : memref<320000xi32, #tpu.memory_space<hbm>> -> memref<80xi32, #tpu.memory_space<hbm>>
        tpu.wait_dma2 semaphore(%run_scoped3A : memref<!tpu.dma_semaphore, #tpu.memory_space<semaphore_mem>>) src(%dma_wait3A_77 : memref<80xi32, #tpu.memory_space<hbm>>) dst(%arg8 : memref<80xi32, #tpu.memory_space<vmem>>)
        tpu.yield
      }) : () -> ()
      %mul3A_61 = arith.constant 5000 : i32
      %mul3A_62 = arith.muli %add3A, %mul3A_61 : i32
      %mul3A_63 = arith.constant 40 : i32
      %mul3A_64 = arith.muli %scan3A_53, %mul3A_63 : i32
      %add3A_65 = arith.addi %mul3A_62, %mul3A_64 : i32
      "tpu.region"() ({
        %run_scoped3A = tpu.sem_alloc : memref<!tpu.dma_semaphore, #tpu.memory_space<semaphore_mem>>
        %dma_start3A_74 = arith.constant 0 : i32
        %dma_start3A_75 = tpu.memref_slice %arg3[%add3A_65, %dma_start3A_74] : memref<160000x128xf32, #tpu.memory_space<hbm>> -> memref<40x128xf32, #tpu.memory_space<hbm>>
        %dma_start3A_76 = arith.constant 0 : i32
        %dma_start3A_77 = tpu.memref_slice %arg3[%add3A_65, %dma_start3A_76] : memref<160000x128xf32, #tpu.memory_space<hbm>> -> memref<40x128xf32, #tpu.memory_space<hbm>>
        tpu.enqueue_dma source(%dma_start3A_77 : memref<40x128xf32, #tpu.memory_space<hbm>>) target(%arg10 : memref<40x128xf32, #tpu.memory_space<vmem>>) target_semaphore(%run_scoped3A : memref<!tpu.dma_semaphore, #tpu.memory_space<semaphore_mem>>)
        %dma_wait3A_78 = arith.constant 0 : i32
        %dma_wait3A_79 = tpu.memref_slice %arg3[%add3A_65, %dma_wait3A_78] : memref<160000x128xf32, #tpu.memory_space<hbm>> -> memref<40x128xf32, #tpu.memory_space<hbm>>
        %dma_wait3A_80 = arith.constant 0 : i32
        %dma_wait3A_81 = tpu.memref_slice %arg3[%add3A_65, %dma_wait3A_80] : memref<160000x128xf32, #tpu.memory_space<hbm>> -> memref<40x128xf32, #tpu.memory_space<hbm>>
        tpu.wait_dma2 semaphore(%run_scoped3A : memref<!tpu.dma_semaphore, #tpu.memory_space<semaphore_mem>>) src(%dma_wait3A_81 : memref<40x128xf32, #tpu.memory_space<hbm>>) dst(%arg10 : memref<40x128xf32, #tpu.memory_space<vmem>>)
        tpu.yield
      }) : () -> ()
      %dma_wait3A = arith.constant 0 : i32
      %dma_wait3A_66 = arith.constant 0 : i32
      %dma_wait3A_67 = tpu.memref_slice %arg2[%dma_wait3A, %dma_wait3A_66] : memref<10000x128xf32, #tpu.memory_space<hbm>> -> memref<10000x128xf32, #tpu.memory_space<hbm>>
      tpu.wait_indirect_dma semaphore(%arg12 : memref<!tpu.dma_semaphore, #tpu.memory_space<semaphore_mem>>) src(%dma_wait3A_67 : memref<10000x128xf32, #tpu.memory_space<hbm>>) dst(%arg9 : memref<80x128xf32, #tpu.memory_space<vmem>>)
      %scan3A_68 = arith.constant 0 : i32
      %scan3A_69 = arith.constant 0 : i32
      %scan3A_70 = arith.constant 40 : i32
      %scan3A_71 = arith.addi %scan3A_69, %scan3A_70 : i32
      %scan3A_72 = arith.constant 1 : i32
      scf.for %scan3A_74 = %scan3A_69 to %scan3A_71 step %scan3A_72  : i32 {
        %mul3A_75 = arith.constant 2 : i32
        %mul3A_76 = arith.muli %mul3A_75, %scan3A_74 : i32
        %add3A_77 = arith.constant 0 : i32
        %add3A_78 = arith.addi %mul3A_76, %add3A_77 : i32
        %get3A = arith.index_cast %add3A_78 : i32 to index
        %get3A_79 = arith.constant 0 : index
        %get3A_80 = tpu.vector_load %arg9[%get3A, %get3A_79] {strides = array<i32>} : memref<80x128xf32, #tpu.memory_space<vmem>>, vector<1x16xf32>,
        %get3A_81 = vector.shape_cast %get3A_80 : vector<1x16xf32> to vector<16xf32>
        %get3A_82 = arith.index_cast %scan3A_74 : i32 to index
        %get3A_83 = arith.constant 0 : index
        %get3A_84 = tpu.vector_load %arg10[%get3A_82, %get3A_83] {strides = array<i32>} : memref<40x128xf32, #tpu.memory_space<vmem>>, vector<1x16xf32>,
        %get3A_85 = vector.shape_cast %get3A_84 : vector<1x16xf32> to vector<16xf32>
        %add3A_86 = arith.addf %get3A_81, %get3A_85 : vector<16xf32>
        %max3A = arith.constant 0.000000e+00 : f32
        %max3A_87 = vector.broadcast %max3A : f32 to vector<16xf32>
        %max3A_88 = arith.maximumf %add3A_86, %max3A_87 : vector<16xf32>
        %mul3A_89 = arith.constant 2 : i32
        %mul3A_90 = arith.muli %mul3A_89, %scan3A_74 : i32
        %add3A_91 = arith.constant 0 : i32
        %add3A_92 = arith.addi %mul3A_90, %add3A_91 : i32
        %swap3A = arith.index_cast %add3A_92 : i32 to index
        %swap3A_93 = arith.constant 0 : index
        %swap3A_94 = tpu.vector_load %arg9[%swap3A, %swap3A_93] {strides = array<i32>} : memref<80x128xf32, #tpu.memory_space<vmem>>, vector<1x16xf32>,
        %swap3A_95 = vector.shape_cast %swap3A_94 : vector<1x16xf32> to vector<16xf32>
        %swap3A_96 = vector.shape_cast %max3A_88 : vector<16xf32> to vector<1x16xf32>
        tpu.vector_store %arg9[%swap3A, %swap3A_93], %swap3A_96 {strides = array<i32>} : memref<80x128xf32, #tpu.memory_space<vmem>>, vector<1x16xf32>,
        %mul3A_97 = arith.constant 2 : i32
        %mul3A_98 = arith.muli %mul3A_97, %scan3A_74 : i32
        %add3A_99 = arith.constant 0 : i32
        %add3A_100 = arith.addi %mul3A_98, %add3A_99 : i32
        %get3A_101 = arith.index_cast %add3A_100 : i32 to index
        %get3A_102 = arith.constant 16 : index
        %get3A_103 = tpu.vector_load %arg9[%get3A_101, %get3A_102] {strides = array<i32>} : memref<80x128xf32, #tpu.memory_space<vmem>>, vector<1x16xf32>,
        %get3A_104 = vector.shape_cast %get3A_103 : vector<1x16xf32> to vector<16xf32>
        %get3A_105 = arith.index_cast %scan3A_74 : i32 to index
        %get3A_106 = arith.constant 16 : index
        %get3A_107 = tpu.vector_load %arg10[%get3A_105, %get3A_106] {strides = array<i32>} : memref<40x128xf32, #tpu.memory_space<vmem>>, vector<1x16xf32>,
        %get3A_108 = vector.shape_cast %get3A_107 : vector<1x16xf32> to vector<16xf32>
        %add3A_109 = arith.addf %get3A_104, %get3A_108 : vector<16xf32>
        %max3A_110 = arith.constant 0.000000e+00 : f32
        %max3A_111 = vector.broadcast %max3A_110 : f32 to vector<16xf32>
        %max3A_112 = arith.maximumf %add3A_109, %max3A_111 : vector<16xf32>
        %mul3A_113 = arith.constant 2 : i32
        %mul3A_114 = arith.muli %mul3A_113, %scan3A_74 : i32
        %add3A_115 = arith.constant 0 : i32
        %add3A_116 = arith.addi %mul3A_114, %add3A_115 : i32
        %swap3A_117 = arith.index_cast %add3A_116 : i32 to index
        %swap3A_118 = arith.constant 16 : index
        %swap3A_119 = tpu.vector_load %arg9[%swap3A_117, %swap3A_118] {strides = array<i32>} : memref<80x128xf32, #tpu.memory_space<vmem>>, vector<1x16xf32>,
        %swap3A_120 = vector.shape_cast %swap3A_119 : vector<1x16xf32> to vector<16xf32>
        %swap3A_121 = vector.shape_cast %max3A_112 : vector<16xf32> to vector<1x16xf32>
        tpu.vector_store %arg9[%swap3A_117, %swap3A_118], %swap3A_121 {strides = array<i32>} : memref<80x128xf32, #tpu.memory_space<vmem>>, vector<1x16xf32>,
        %mul3A_122 = arith.constant 2 : i32
        %mul3A_123 = arith.muli %mul3A_122, %scan3A_74 : i32
        %add3A_124 = arith.constant 0 : i32
        %add3A_125 = arith.addi %mul3A_123, %add3A_124 : i32
        %get3A_126 = arith.index_cast %add3A_125 : i32 to index
        %get3A_127 = arith.constant 32 : index
        %get3A_128 = tpu.vector_load %arg9[%get3A_126, %get3A_127] {strides = array<i32>} : memref<80x128xf32, #tpu.memory_space<vmem>>, vector<1x16xf32>,
        %get3A_129 = vector.shape_cast %get3A_128 : vector<1x16xf32> to vector<16xf32>
        %get3A_130 = arith.index_cast %scan3A_74 : i32 to index
        %get3A_131 = arith.constant 32 : index
        %get3A_132 = tpu.vector_load %arg10[%get3A_130, %get3A_131] {strides = array<i32>} : memref<40x128xf32, #tpu.memory_space<vmem>>, vector<1x16xf32>,
        %get3A_133 = vector.shape_cast %get3A_132 : vector<1x16xf32> to vector<16xf32>
        %add3A_134 = arith.addf %get3A_129, %get3A_133 : vector<16xf32>
        %max3A_135 = arith.constant 0.000000e+00 : f32
        %max3A_136 = vector.broadcast %max3A_135 : f32 to vector<16xf32>
        %max3A_137 = arith.maximumf %add3A_134, %max3A_136 : vector<16xf32>
        %mul3A_138 = arith.constant 2 : i32
        %mul3A_139 = arith.muli %mul3A_138, %scan3A_74 : i32
        %add3A_140 = arith.constant 0 : i32
        %add3A_141 = arith.addi %mul3A_139, %add3A_140 : i32
        %swap3A_142 = arith.index_cast %add3A_141 : i32 to index
        %swap3A_143 = arith.constant 32 : index
        %swap3A_144 = tpu.vector_load %arg9[%swap3A_142, %swap3A_143] {strides = array<i32>} : memref<80x128xf32, #tpu.memory_space<vmem>>, vector<1x16xf32>,
        %swap3A_145 = vector.shape_cast %swap3A_144 : vector<1x16xf32> to vector<16xf32>
        %swap3A_146 = vector.shape_cast %max3A_137 : vector<16xf32> to vector<1x16xf32>
        tpu.vector_store %arg9[%swap3A_142, %swap3A_143], %swap3A_146 {strides = array<i32>} : memref<80x128xf32, #tpu.memory_space<vmem>>, vector<1x16xf32>,
        %mul3A_147 = arith.constant 2 : i32
        %mul3A_148 = arith.muli %mul3A_147, %scan3A_74 : i32
        %add3A_149 = arith.constant 0 : i32
        %add3A_150 = arith.addi %mul3A_148, %add3A_149 : i32
        %get3A_151 = arith.index_cast %add3A_150 : i32 to index
        %get3A_152 = arith.constant 48 : index
        %get3A_153 = tpu.vector_load %arg9[%get3A_151, %get3A_152] {strides = array<i32>} : memref<80x128xf32, #tpu.memory_space<vmem>>, vector<1x16xf32>,
        %get3A_154 = vector.shape_cast %get3A_153 : vector<1x16xf32> to vector<16xf32>
        %get3A_155 = arith.index_cast %scan3A_74 : i32 to index
        %get3A_156 = arith.constant 48 : index
        %get3A_157 = tpu.vector_load %arg10[%get3A_155, %get3A_156] {strides = array<i32>} : memref<40x128xf32, #tpu.memory_space<vmem>>, vector<1x16xf32>,
        %get3A_158 = vector.shape_cast %get3A_157 : vector<1x16xf32> to vector<16xf32>
        %add3A_159 = arith.addf %get3A_154, %get3A_158 : vector<16xf32>
        %max3A_160 = arith.constant 0.000000e+00 : f32
        %max3A_161 = vector.broadcast %max3A_160 : f32 to vector<16xf32>
        %max3A_162 = arith.maximumf %add3A_159, %max3A_161 : vector<16xf32>
        %mul3A_163 = arith.constant 2 : i32
        %mul3A_164 = arith.muli %mul3A_163, %scan3A_74 : i32
        %add3A_165 = arith.constant 0 : i32
        %add3A_166 = arith.addi %mul3A_164, %add3A_165 : i32
        %swap3A_167 = arith.index_cast %add3A_166 : i32 to index
        %swap3A_168 = arith.constant 48 : index
        %swap3A_169 = tpu.vector_load %arg9[%swap3A_167, %swap3A_168] {strides = array<i32>} : memref<80x128xf32, #tpu.memory_space<vmem>>, vector<1x16xf32>,
        %swap3A_170 = vector.shape_cast %swap3A_169 : vector<1x16xf32> to vector<16xf32>
        %swap3A_171 = vector.shape_cast %max3A_162 : vector<16xf32> to vector<1x16xf32>
        tpu.vector_store %arg9[%swap3A_167, %swap3A_168], %swap3A_171 {strides = array<i32>} : memref<80x128xf32, #tpu.memory_space<vmem>>, vector<1x16xf32>,
        %mul3A_172 = arith.constant 2 : i32
        %mul3A_173 = arith.muli %mul3A_172, %scan3A_74 : i32
        %add3A_174 = arith.constant 1 : i32
        %add3A_175 = arith.addi %mul3A_173, %add3A_174 : i32
        %get3A_176 = arith.index_cast %add3A_175 : i32 to index
        %get3A_177 = arith.constant 0 : index
        %get3A_178 = tpu.vector_load %arg9[%get3A_176, %get3A_177] {strides = array<i32>} : memref<80x128xf32, #tpu.memory_space<vmem>>, vector<1x16xf32>,
        %get3A_179 = vector.shape_cast %get3A_178 : vector<1x16xf32> to vector<16xf32>
        %get3A_180 = arith.index_cast %scan3A_74 : i32 to index
        %get3A_181 = arith.constant 64 : index
        %get3A_182 = tpu.vector_load %arg10[%get3A_180, %get3A_181] {strides = array<i32>} : memref<40x128xf32, #tpu.memory_space<vmem>>, vector<1x16xf32>,
        %get3A_183 = vector.shape_cast %get3A_182 : vector<1x16xf32> to vector<16xf32>
        %add3A_184 = arith.addf %get3A_179, %get3A_183 : vector<16xf32>
        %max3A_185 = arith.constant 0.000000e+00 : f32
        %max3A_186 = vector.broadcast %max3A_185 : f32 to vector<16xf32>
        %max3A_187 = arith.maximumf %add3A_184, %max3A_186 : vector<16xf32>
        %mul3A_188 = arith.constant 2 : i32
        %mul3A_189 = arith.muli %mul3A_188, %scan3A_74 : i32
        %add3A_190 = arith.constant 1 : i32
        %add3A_191 = arith.addi %mul3A_189, %add3A_190 : i32
        %swap3A_192 = arith.index_cast %add3A_191 : i32 to index
        %swap3A_193 = arith.constant 0 : index
        %swap3A_194 = tpu.vector_load %arg9[%swap3A_192, %swap3A_193] {strides = array<i32>} : memref<80x128xf32, #tpu.memory_space<vmem>>, vector<1x16xf32>,
        %swap3A_195 = vector.shape_cast %swap3A_194 : vector<1x16xf32> to vector<16xf32>
        %swap3A_196 = vector.shape_cast %max3A_187 : vector<16xf32> to vector<1x16xf32>
        tpu.vector_store %arg9[%swap3A_192, %swap3A_193], %swap3A_196 {strides = array<i32>} : memref<80x128xf32, #tpu.memory_space<vmem>>, vector<1x16xf32>,
        %mul3A_197 = arith.constant 2 : i32
        %mul3A_198 = arith.muli %mul3A_197, %scan3A_74 : i32
        %add3A_199 = arith.constant 1 : i32
        %add3A_200 = arith.addi %mul3A_198, %add3A_199 : i32
        %get3A_201 = arith.index_cast %add3A_200 : i32 to index
        %get3A_202 = arith.constant 16 : index
        %get3A_203 = tpu.vector_load %arg9[%get3A_201, %get3A_202] {strides = array<i32>} : memref<80x128xf32, #tpu.memory_space<vmem>>, vector<1x16xf32>,
        %get3A_204 = vector.shape_cast %get3A_203 : vector<1x16xf32> to vector<16xf32>
        %get3A_205 = arith.index_cast %scan3A_74 : i32 to index
        %get3A_206 = arith.constant 80 : index
        %get3A_207 = tpu.vector_load %arg10[%get3A_205, %get3A_206] {strides = array<i32>} : memref<40x128xf32, #tpu.memory_space<vmem>>, vector<1x16xf32>,
        %get3A_208 = vector.shape_cast %get3A_207 : vector<1x16xf32> to vector<16xf32>
        %add3A_209 = arith.addf %get3A_204, %get3A_208 : vector<16xf32>
        %max3A_210 = arith.constant 0.000000e+00 : f32
        %max3A_211 = vector.broadcast %max3A_210 : f32 to vector<16xf32>
        %max3A_212 = arith.maximumf %add3A_209, %max3A_211 : vector<16xf32>
        %mul3A_213 = arith.constant 2 : i32
        %mul3A_214 = arith.muli %mul3A_213, %scan3A_74 : i32
        %add3A_215 = arith.constant 1 : i32
        %add3A_216 = arith.addi %mul3A_214, %add3A_215 : i32
        %swap3A_217 = arith.index_cast %add3A_216 : i32 to index
        %swap3A_218 = arith.constant 16 : index
        %swap3A_219 = tpu.vector_load %arg9[%swap3A_217, %swap3A_218] {strides = array<i32>} : memref<80x128xf32, #tpu.memory_space<vmem>>, vector<1x16xf32>,
        %swap3A_220 = vector.shape_cast %swap3A_219 : vector<1x16xf32> to vector<16xf32>
        %swap3A_221 = vector.shape_cast %max3A_212 : vector<16xf32> to vector<1x16xf32>
        tpu.vector_store %arg9[%swap3A_217, %swap3A_218], %swap3A_221 {strides = array<i32>} : memref<80x128xf32, #tpu.memory_space<vmem>>, vector<1x16xf32>,
        %mul3A_222 = arith.constant 2 : i32
        %mul3A_223 = arith.muli %mul3A_222, %scan3A_74 : i32
        %add3A_224 = arith.constant 1 : i32
        %add3A_225 = arith.addi %mul3A_223, %add3A_224 : i32
        %get3A_226 = arith.index_cast %add3A_225 : i32 to index
        %get3A_227 = arith.constant 32 : index
        %get3A_228 = tpu.vector_load %arg9[%get3A_226, %get3A_227] {strides = array<i32>} : memref<80x128xf32, #tpu.memory_space<vmem>>, vector<1x16xf32>,
        %get3A_229 = vector.shape_cast %get3A_228 : vector<1x16xf32> to vector<16xf32>
        %get3A_230 = arith.index_cast %scan3A_74 : i32 to index
        %get3A_231 = arith.constant 96 : index
        %get3A_232 = tpu.vector_load %arg10[%get3A_230, %get3A_231] {strides = array<i32>} : memref<40x128xf32, #tpu.memory_space<vmem>>, vector<1x16xf32>,
        %get3A_233 = vector.shape_cast %get3A_232 : vector<1x16xf32> to vector<16xf32>
        %add3A_234 = arith.addf %get3A_229, %get3A_233 : vector<16xf32>
        %max3A_235 = arith.constant 0.000000e+00 : f32
        %max3A_236 = vector.broadcast %max3A_235 : f32 to vector<16xf32>
        %max3A_237 = arith.maximumf %add3A_234, %max3A_236 : vector<16xf32>
        %mul3A_238 = arith.constant 2 : i32
        %mul3A_239 = arith.muli %mul3A_238, %scan3A_74 : i32
        %add3A_240 = arith.constant 1 : i32
        %add3A_241 = arith.addi %mul3A_239, %add3A_240 : i32
        %swap3A_242 = arith.index_cast %add3A_241 : i32 to index
        %swap3A_243 = arith.constant 32 : index
        %swap3A_244 = tpu.vector_load %arg9[%swap3A_242, %swap3A_243] {strides = array<i32>} : memref<80x128xf32, #tpu.memory_space<vmem>>, vector<1x16xf32>,
        %swap3A_245 = vector.shape_cast %swap3A_244 : vector<1x16xf32> to vector<16xf32>
        %swap3A_246 = vector.shape_cast %max3A_237 : vector<16xf32> to vector<1x16xf32>
        tpu.vector_store %arg9[%swap3A_242, %swap3A_243], %swap3A_246 {strides = array<i32>} : memref<80x128xf32, #tpu.memory_space<vmem>>, vector<1x16xf32>,
        %mul3A_247 = arith.constant 2 : i32
        %mul3A_248 = arith.muli %mul3A_247, %scan3A_74 : i32
        %add3A_249 = arith.constant 1 : i32
        %add3A_250 = arith.addi %mul3A_248, %add3A_249 : i32
        %get3A_251 = arith.index_cast %add3A_250 : i32 to index
        %get3A_252 = arith.constant 48 : index
        %get3A_253 = tpu.vector_load %arg9[%get3A_251, %get3A_252] {strides = array<i32>} : memref<80x128xf32, #tpu.memory_space<vmem>>, vector<1x16xf32>,
        %get3A_254 = vector.shape_cast %get3A_253 : vector<1x16xf32> to vector<16xf32>
        %get3A_255 = arith.index_cast %scan3A_74 : i32 to index
        %get3A_256 = arith.constant 112 : index
        %get3A_257 = tpu.vector_load %arg10[%get3A_255, %get3A_256] {strides = array<i32>} : memref<40x128xf32, #tpu.memory_space<vmem>>, vector<1x16xf32>,
        %get3A_258 = vector.shape_cast %get3A_257 : vector<1x16xf32> to vector<16xf32>
        %add3A_259 = arith.addf %get3A_254, %get3A_258 : vector<16xf32>
        %max3A_260 = arith.constant 0.000000e+00 : f32
        %max3A_261 = vector.broadcast %max3A_260 : f32 to vector<16xf32>
        %max3A_262 = arith.maximumf %add3A_259, %max3A_261 : vector<16xf32>
        %mul3A_263 = arith.constant 2 : i32
        %mul3A_264 = arith.muli %mul3A_263, %scan3A_74 : i32
        %add3A_265 = arith.constant 1 : i32
        %add3A_266 = arith.addi %mul3A_264, %add3A_265 : i32
        %swap3A_267 = arith.index_cast %add3A_266 : i32 to index
        %swap3A_268 = arith.constant 48 : index
        %swap3A_269 = tpu.vector_load %arg9[%swap3A_267, %swap3A_268] {strides = array<i32>} : memref<80x128xf32, #tpu.memory_space<vmem>>, vector<1x16xf32>,
        %swap3A_270 = vector.shape_cast %swap3A_269 : vector<1x16xf32> to vector<16xf32>
        %swap3A_271 = vector.shape_cast %max3A_262 : vector<16xf32> to vector<1x16xf32>
        tpu.vector_store %arg9[%swap3A_267, %swap3A_268], %swap3A_271 {strides = array<i32>} : memref<80x128xf32, #tpu.memory_space<vmem>>, vector<1x16xf32>,
      }
      %scan3A_73 = arith.constant 40 : i32
      "tpu.region"() ({
        %run_scoped3A = tpu.sem_alloc : memref<!tpu.dma_semaphore, #tpu.memory_space<semaphore_mem>>
        %dma_start3A_74 = arith.constant 0 : i32
        %dma_start3A_75 = arith.constant 0 : i32
        %dma_start3A_76 = tpu.memref_slice %arg13[%dma_start3A_74, %dma_start3A_75] : memref<10240x128xf32, #tpu.memory_space<vmem_shared>> -> memref<10240x128xf32, #tpu.memory_space<vmem_shared>>
        tpu.enqueue_indirect_dma source(%arg9 : memref<80x128xf32, #tpu.memory_space<vmem>>) target(%dma_start3A_76 : memref<10240x128xf32, #tpu.memory_space<vmem_shared>>) offsets(%arg8 : memref<80xi32, #tpu.memory_space<vmem>>) semaphore(%run_scoped3A : memref<!tpu.dma_semaphore, #tpu.memory_space<semaphore_mem>>) {add = true}
        %dma_wait3A_77 = arith.constant 0 : i32
        %dma_wait3A_78 = arith.constant 0 : i32
        %dma_wait3A_79 = tpu.memref_slice %arg13[%dma_wait3A_77, %dma_wait3A_78] : memref<10240x128xf32, #tpu.memory_space<vmem_shared>> -> memref<10240x128xf32, #tpu.memory_space<vmem_shared>>
        tpu.wait_indirect_dma semaphore(%run_scoped3A : memref<!tpu.dma_semaphore, #tpu.memory_space<semaphore_mem>>) src(%arg9 : memref<80x128xf32, #tpu.memory_space<vmem>>) dst(%dma_wait3A_79 : memref<10240x128xf32, #tpu.memory_space<vmem_shared>>)
        tpu.yield
      }) : () -> ()
    }
    %scan3A_31 = arith.constant 125 : i32
    %barrier3A_32 = arith.constant 0 : index
    tpu.barrier barrier_id(%barrier3A_32)
    %mul3A_33 = arith.constant 640 : i32
    %mul3A_34 = arith.muli %arg1, %mul3A_33 : i32
    %add3A_35 = arith.constant 0 : i32
    %add3A_36 = arith.addi %mul3A_34, %add3A_35 : i32
    "tpu.region"() ({
      %run_scoped3A = tpu.sem_alloc : memref<!tpu.dma_semaphore, #tpu.memory_space<semaphore_mem>>
      %dma_start3A = arith.constant 0 : i32
      %dma_start3A_53 = tpu.memref_slice %arg13[%add3A_36, %dma_start3A] : memref<10240x128xf32, #tpu.memory_space<vmem_shared>> -> memref<128x128xf32, #tpu.memory_space<vmem_shared>>
      %dma_start3A_54 = arith.constant 0 : i32
      %dma_start3A_55 = tpu.memref_slice %arg13[%add3A_36, %dma_start3A_54] : memref<10240x128xf32, #tpu.memory_space<vmem_shared>> -> memref<128x128xf32, #tpu.memory_space<vmem_shared>>
      tpu.enqueue_dma source(%dma_start3A_55 : memref<128x128xf32, #tpu.memory_space<vmem_shared>>) target(%arg11 : memref<128x128xf32, #tpu.memory_space<vmem>>) target_semaphore(%run_scoped3A : memref<!tpu.dma_semaphore, #tpu.memory_space<semaphore_mem>>)
      %dma_wait3A = arith.constant 0 : i32
      %dma_wait3A_56 = tpu.memref_slice %arg13[%add3A_36, %dma_wait3A] : memref<10240x128xf32, #tpu.memory_space<vmem_shared>> -> memref<128x128xf32, #tpu.memory_space<vmem_shared>>
      %dma_wait3A_57 = arith.constant 0 : i32
      %dma_wait3A_58 = tpu.memref_slice %arg13[%add3A_36, %dma_wait3A_57] : memref<10240x128xf32, #tpu.memory_space<vmem_shared>> -> memref<128x128xf32, #tpu.memory_space<vmem_shared>>
      tpu.wait_dma2 semaphore(%run_scoped3A : memref<!tpu.dma_semaphore, #tpu.memory_space<semaphore_mem>>) src(%dma_wait3A_58 : memref<128x128xf32, #tpu.memory_space<vmem_shared>>) dst(%arg11 : memref<128x128xf32, #tpu.memory_space<vmem>>)
      tpu.yield
    }) : () -> ()
    "tpu.region"() ({
      %run_scoped3A = tpu.sem_alloc : memref<!tpu.dma_semaphore, #tpu.memory_space<semaphore_mem>>
      %dma_start3A = arith.constant 0 : i32
      %dma_start3A_53 = tpu.memref_slice %arg6[%arg0, %add3A_36, %dma_start3A] : memref<2x10240x128xf32, #tpu.memory_space<hbm>> -> memref<1x128x128xf32, #tpu.memory_space<hbm>>
      %dma_start3A_54 = tpu.memref_squeeze %dma_start3A_53 : memref<1x128x128xf32, #tpu.memory_space<hbm>> -> memref<128x128xf32, #tpu.memory_space<hbm>>
      %dma_start3A_55 = arith.constant 0 : i32
      %dma_start3A_56 = tpu.memref_slice %arg6[%arg0, %add3A_36, %dma_start3A_55] : memref<2x10240x128xf32, #tpu.memory_space<hbm>> -> memref<1x128x128xf32, #tpu.memory_space<hbm>>
      %dma_start3A_57 = tpu.memref_squeeze %dma_start3A_56 : memref<1x128x128xf32, #tpu.memory_space<hbm>> -> memref<128x128xf32, #tpu.memory_space<hbm>>
      tpu.enqueue_dma source(%arg11 : memref<128x128xf32, #tpu.memory_space<vmem>>) target(%dma_start3A_57 : memref<128x128xf32, #tpu.memory_space<hbm>>) target_semaphore(%run_scoped3A : memref<!tpu.dma_semaphore, #tpu.memory_space<semaphore_mem>>)
      %dma_wait3A = arith.constant 0 : i32
      %dma_wait3A_58 = tpu.memref_slice %arg6[%arg0, %add3A_36, %dma_wait3A] : memref<2x10240x128xf32, #tpu.memory_space<hbm>> -> memref<1x128x128xf32, #tpu.memory_space<hbm>>
      %dma_wait3A_59 = tpu.memref_squeeze %dma_wait3A_58 : memref<1x128x128xf32, #tpu.memory_space<hbm>> -> memref<128x128xf32, #tpu.memory_space<hbm>>
      %dma_wait3A_60 = arith.constant 0 : i32
      %dma_wait3A_61 = tpu.memref_slice %arg6[%arg0, %add3A_36, %dma_wait3A_60] : memref<2x10240x128xf32, #tpu.memory_space<hbm>> -> memref<1x128x128xf32, #tpu.memory_space<hbm>>
      %dma_wait3A_62 = tpu.memref_squeeze %dma_wait3A_61 : memref<1x128x128xf32, #tpu.memory_space<hbm>> -> memref<128x128xf32, #tpu.memory_space<hbm>>
      tpu.wait_dma2 semaphore(%run_scoped3A : memref<!tpu.dma_semaphore, #tpu.memory_space<semaphore_mem>>) src(%arg11 : memref<128x128xf32, #tpu.memory_space<vmem>>) dst(%dma_wait3A_62 : memref<128x128xf32, #tpu.memory_space<hbm>>)
      tpu.yield
    }) : () -> ()
    %mul3A_37 = arith.constant 640 : i32
    %mul3A_38 = arith.muli %arg1, %mul3A_37 : i32
    %add3A_39 = arith.constant 128 : i32
    %add3A_40 = arith.addi %mul3A_38, %add3A_39 : i32
    "tpu.region"() ({
      %run_scoped3A = tpu.sem_alloc : memref<!tpu.dma_semaphore, #tpu.memory_space<semaphore_mem>>
      %dma_start3A = arith.constant 0 : i32
      %dma_start3A_53 = tpu.memref_slice %arg13[%add3A_40, %dma_start3A] : memref<10240x128xf32, #tpu.memory_space<vmem_shared>> -> memref<128x128xf32, #tpu.memory_space<vmem_shared>>
      %dma_start3A_54 = arith.constant 0 : i32
      %dma_start3A_55 = tpu.memref_slice %arg13[%add3A_40, %dma_start3A_54] : memref<10240x128xf32, #tpu.memory_space<vmem_shared>> -> memref<128x128xf32, #tpu.memory_space<vmem_shared>>
      tpu.enqueue_dma source(%dma_start3A_55 : memref<128x128xf32, #tpu.memory_space<vmem_shared>>) target(%arg11 : memref<128x128xf32, #tpu.memory_space<vmem>>) target_semaphore(%run_scoped3A : memref<!tpu.dma_semaphore, #tpu.memory_space<semaphore_mem>>)
      %dma_wait3A = arith.constant 0 : i32
      %dma_wait3A_56 = tpu.memref_slice %arg13[%add3A_40, %dma_wait3A] : memref<10240x128xf32, #tpu.memory_space<vmem_shared>> -> memref<128x128xf32, #tpu.memory_space<vmem_shared>>
      %dma_wait3A_57 = arith.constant 0 : i32
      %dma_wait3A_58 = tpu.memref_slice %arg13[%add3A_40, %dma_wait3A_57] : memref<10240x128xf32, #tpu.memory_space<vmem_shared>> -> memref<128x128xf32, #tpu.memory_space<vmem_shared>>
      tpu.wait_dma2 semaphore(%run_scoped3A : memref<!tpu.dma_semaphore, #tpu.memory_space<semaphore_mem>>) src(%dma_wait3A_58 : memref<128x128xf32, #tpu.memory_space<vmem_shared>>) dst(%arg11 : memref<128x128xf32, #tpu.memory_space<vmem>>)
      tpu.yield
    }) : () -> ()
    "tpu.region"() ({
      %run_scoped3A = tpu.sem_alloc : memref<!tpu.dma_semaphore, #tpu.memory_space<semaphore_mem>>
      %dma_start3A = arith.constant 0 : i32
      %dma_start3A_53 = tpu.memref_slice %arg6[%arg0, %add3A_40, %dma_start3A] : memref<2x10240x128xf32, #tpu.memory_space<hbm>> -> memref<1x128x128xf32, #tpu.memory_space<hbm>>
      %dma_start3A_54 = tpu.memref_squeeze %dma_start3A_53 : memref<1x128x128xf32, #tpu.memory_space<hbm>> -> memref<128x128xf32, #tpu.memory_space<hbm>>
      %dma_start3A_55 = arith.constant 0 : i32
      %dma_start3A_56 = tpu.memref_slice %arg6[%arg0, %add3A_40, %dma_start3A_55] : memref<2x10240x128xf32, #tpu.memory_space<hbm>> -> memref<1x128x128xf32, #tpu.memory_space<hbm>>
      %dma_start3A_57 = tpu.memref_squeeze %dma_start3A_56 : memref<1x128x128xf32, #tpu.memory_space<hbm>> -> memref<128x128xf32, #tpu.memory_space<hbm>>
      tpu.enqueue_dma source(%arg11 : memref<128x128xf32, #tpu.memory_space<vmem>>) target(%dma_start3A_57 : memref<128x128xf32, #tpu.memory_space<hbm>>) target_semaphore(%run_scoped3A : memref<!tpu.dma_semaphore, #tpu.memory_space<semaphore_mem>>)
      %dma_wait3A = arith.constant 0 : i32
      %dma_wait3A_58 = tpu.memref_slice %arg6[%arg0, %add3A_40, %dma_wait3A] : memref<2x10240x128xf32, #tpu.memory_space<hbm>> -> memref<1x128x128xf32, #tpu.memory_space<hbm>>
      %dma_wait3A_59 = tpu.memref_squeeze %dma_wait3A_58 : memref<1x128x128xf32, #tpu.memory_space<hbm>> -> memref<128x128xf32, #tpu.memory_space<hbm>>
      %dma_wait3A_60 = arith.constant 0 : i32
      %dma_wait3A_61 = tpu.memref_slice %arg6[%arg0, %add3A_40, %dma_wait3A_60] : memref<2x10240x128xf32, #tpu.memory_space<hbm>> -> memref<1x128x128xf32, #tpu.memory_space<hbm>>
      %dma_wait3A_62 = tpu.memref_squeeze %dma_wait3A_61 : memref<1x128x128xf32, #tpu.memory_space<hbm>> -> memref<128x128xf32, #tpu.memory_space<hbm>>
      tpu.wait_dma2 semaphore(%run_scoped3A : memref<!tpu.dma_semaphore, #tpu.memory_space<semaphore_mem>>) src(%arg11 : memref<128x128xf32, #tpu.memory_space<vmem>>) dst(%dma_wait3A_62 : memref<128x128xf32, #tpu.memory_space<hbm>>)
      tpu.yield
    }) : () -> ()
    %mul3A_41 = arith.constant 640 : i32
    %mul3A_42 = arith.muli %arg1, %mul3A_41 : i32
    %add3A_43 = arith.constant 256 : i32
    %add3A_44 = arith.addi %mul3A_42, %add3A_43 : i32
    "tpu.region"() ({
      %run_scoped3A = tpu.sem_alloc : memref<!tpu.dma_semaphore, #tpu.memory_space<semaphore_mem>>
      %dma_start3A = arith.constant 0 : i32
      %dma_start3A_53 = tpu.memref_slice %arg13[%add3A_44, %dma_start3A] : memref<10240x128xf32, #tpu.memory_space<vmem_shared>> -> memref<128x128xf32, #tpu.memory_space<vmem_shared>>
      %dma_start3A_54 = arith.constant 0 : i32
      %dma_start3A_55 = tpu.memref_slice %arg13[%add3A_44, %dma_start3A_54] : memref<10240x128xf32, #tpu.memory_space<vmem_shared>> -> memref<128x128xf32, #tpu.memory_space<vmem_shared>>
      tpu.enqueue_dma source(%dma_start3A_55 : memref<128x128xf32, #tpu.memory_space<vmem_shared>>) target(%arg11 : memref<128x128xf32, #tpu.memory_space<vmem>>) target_semaphore(%run_scoped3A : memref<!tpu.dma_semaphore, #tpu.memory_space<semaphore_mem>>)
      %dma_wait3A = arith.constant 0 : i32
      %dma_wait3A_56 = tpu.memref_slice %arg13[%add3A_44, %dma_wait3A] : memref<10240x128xf32, #tpu.memory_space<vmem_shared>> -> memref<128x128xf32, #tpu.memory_space<vmem_shared>>
      %dma_wait3A_57 = arith.constant 0 : i32
      %dma_wait3A_58 = tpu.memref_slice %arg13[%add3A_44, %dma_wait3A_57] : memref<10240x128xf32, #tpu.memory_space<vmem_shared>> -> memref<128x128xf32, #tpu.memory_space<vmem_shared>>
      tpu.wait_dma2 semaphore(%run_scoped3A : memref<!tpu.dma_semaphore, #tpu.memory_space<semaphore_mem>>) src(%dma_wait3A_58 : memref<128x128xf32, #tpu.memory_space<vmem_shared>>) dst(%arg11 : memref<128x128xf32, #tpu.memory_space<vmem>>)
      tpu.yield
    }) : () -> ()
    "tpu.region"() ({
      %run_scoped3A = tpu.sem_alloc : memref<!tpu.dma_semaphore, #tpu.memory_space<semaphore_mem>>
      %dma_start3A = arith.constant 0 : i32
      %dma_start3A_53 = tpu.memref_slice %arg6[%arg0, %add3A_44, %dma_start3A] : memref<2x10240x128xf32, #tpu.memory_space<hbm>> -> memref<1x128x128xf32, #tpu.memory_space<hbm>>
      %dma_start3A_54 = tpu.memref_squeeze %dma_start3A_53 : memref<1x128x128xf32, #tpu.memory_space<hbm>> -> memref<128x128xf32, #tpu.memory_space<hbm>>
      %dma_start3A_55 = arith.constant 0 : i32
      %dma_start3A_56 = tpu.memref_slice %arg6[%arg0, %add3A_44, %dma_start3A_55] : memref<2x10240x128xf32, #tpu.memory_space<hbm>> -> memref<1x128x128xf32, #tpu.memory_space<hbm>>
      %dma_start3A_57 = tpu.memref_squeeze %dma_start3A_56 : memref<1x128x128xf32, #tpu.memory_space<hbm>> -> memref<128x128xf32, #tpu.memory_space<hbm>>
      tpu.enqueue_dma source(%arg11 : memref<128x128xf32, #tpu.memory_space<vmem>>) target(%dma_start3A_57 : memref<128x128xf32, #tpu.memory_space<hbm>>) target_semaphore(%run_scoped3A : memref<!tpu.dma_semaphore, #tpu.memory_space<semaphore_mem>>)
      %dma_wait3A = arith.constant 0 : i32
      %dma_wait3A_58 = tpu.memref_slice %arg6[%arg0, %add3A_44, %dma_wait3A] : memref<2x10240x128xf32, #tpu.memory_space<hbm>> -> memref<1x128x128xf32, #tpu.memory_space<hbm>>
      %dma_wait3A_59 = tpu.memref_squeeze %dma_wait3A_58 : memref<1x128x128xf32, #tpu.memory_space<hbm>> -> memref<128x128xf32, #tpu.memory_space<hbm>>
      %dma_wait3A_60 = arith.constant 0 : i32
      %dma_wait3A_61 = tpu.memref_slice %arg6[%arg0, %add3A_44, %dma_wait3A_60] : memref<2x10240x128xf32, #tpu.memory_space<hbm>> -> memref<1x128x128xf32, #tpu.memory_space<hbm>>
      %dma_wait3A_62 = tpu.memref_squeeze %dma_wait3A_61 : memref<1x128x128xf32, #tpu.memory_space<hbm>> -> memref<128x128xf32, #tpu.memory_space<hbm>>
      tpu.wait_dma2 semaphore(%run_scoped3A : memref<!tpu.dma_semaphore, #tpu.memory_space<semaphore_mem>>) src(%arg11 : memref<128x128xf32, #tpu.memory_space<vmem>>) dst(%dma_wait3A_62 : memref<128x128xf32, #tpu.memory_space<hbm>>)
      tpu.yield
    }) : () -> ()
    %mul3A_45 = arith.constant 640 : i32
    %mul3A_46 = arith.muli %arg1, %mul3A_45 : i32
    %add3A_47 = arith.constant 384 : i32
    %add3A_48 = arith.addi %mul3A_46, %add3A_47 : i32
    "tpu.region"() ({
      %run_scoped3A = tpu.sem_alloc : memref<!tpu.dma_semaphore, #tpu.memory_space<semaphore_mem>>
      %dma_start3A = arith.constant 0 : i32
      %dma_start3A_53 = tpu.memref_slice %arg13[%add3A_48, %dma_start3A] : memref<10240x128xf32, #tpu.memory_space<vmem_shared>> -> memref<128x128xf32, #tpu.memory_space<vmem_shared>>
      %dma_start3A_54 = arith.constant 0 : i32
      %dma_start3A_55 = tpu.memref_slice %arg13[%add3A_48, %dma_start3A_54] : memref<10240x128xf32, #tpu.memory_space<vmem_shared>> -> memref<128x128xf32, #tpu.memory_space<vmem_shared>>
      tpu.enqueue_dma source(%dma_start3A_55 : memref<128x128xf32, #tpu.memory_space<vmem_shared>>) target(%arg11 : memref<128x128xf32, #tpu.memory_space<vmem>>) target_semaphore(%run_scoped3A : memref<!tpu.dma_semaphore, #tpu.memory_space<semaphore_mem>>)
      %dma_wait3A = arith.constant 0 : i32
      %dma_wait3A_56 = tpu.memref_slice %arg13[%add3A_48, %dma_wait3A] : memref<10240x128xf32, #tpu.memory_space<vmem_shared>> -> memref<128x128xf32, #tpu.memory_space<vmem_shared>>
      %dma_wait3A_57 = arith.constant 0 : i32
      %dma_wait3A_58 = tpu.memref_slice %arg13[%add3A_48, %dma_wait3A_57] : memref<10240x128xf32, #tpu.memory_space<vmem_shared>> -> memref<128x128xf32, #tpu.memory_space<vmem_shared>>
      tpu.wait_dma2 semaphore(%run_scoped3A : memref<!tpu.dma_semaphore, #tpu.memory_space<semaphore_mem>>) src(%dma_wait3A_58 : memref<128x128xf32, #tpu.memory_space<vmem_shared>>) dst(%arg11 : memref<128x128xf32, #tpu.memory_space<vmem>>)
      tpu.yield
    }) : () -> ()
    "tpu.region"() ({
      %run_scoped3A = tpu.sem_alloc : memref<!tpu.dma_semaphore, #tpu.memory_space<semaphore_mem>>
      %dma_start3A = arith.constant 0 : i32
      %dma_start3A_53 = tpu.memref_slice %arg6[%arg0, %add3A_48, %dma_start3A] : memref<2x10240x128xf32, #tpu.memory_space<hbm>> -> memref<1x128x128xf32, #tpu.memory_space<hbm>>
      %dma_start3A_54 = tpu.memref_squeeze %dma_start3A_53 : memref<1x128x128xf32, #tpu.memory_space<hbm>> -> memref<128x128xf32, #tpu.memory_space<hbm>>
      %dma_start3A_55 = arith.constant 0 : i32
      %dma_start3A_56 = tpu.memref_slice %arg6[%arg0, %add3A_48, %dma_start3A_55] : memref<2x10240x128xf32, #tpu.memory_space<hbm>> -> memref<1x128x128xf32, #tpu.memory_space<hbm>>
      %dma_start3A_57 = tpu.memref_squeeze %dma_start3A_56 : memref<1x128x128xf32, #tpu.memory_space<hbm>> -> memref<128x128xf32, #tpu.memory_space<hbm>>
      tpu.enqueue_dma source(%arg11 : memref<128x128xf32, #tpu.memory_space<vmem>>) target(%dma_start3A_57 : memref<128x128xf32, #tpu.memory_space<hbm>>) target_semaphore(%run_scoped3A : memref<!tpu.dma_semaphore, #tpu.memory_space<semaphore_mem>>)
      %dma_wait3A = arith.constant 0 : i32
      %dma_wait3A_58 = tpu.memref_slice %arg6[%arg0, %add3A_48, %dma_wait3A] : memref<2x10240x128xf32, #tpu.memory_space<hbm>> -> memref<1x128x128xf32, #tpu.memory_space<hbm>>
      %dma_wait3A_59 = tpu.memref_squeeze %dma_wait3A_58 : memref<1x128x128xf32, #tpu.memory_space<hbm>> -> memref<128x128xf32, #tpu.memory_space<hbm>>
      %dma_wait3A_60 = arith.constant 0 : i32
      %dma_wait3A_61 = tpu.memref_slice %arg6[%arg0, %add3A_48, %dma_wait3A_60] : memref<2x10240x128xf32, #tpu.memory_space<hbm>> -> memref<1x128x128xf32, #tpu.memory_space<hbm>>
      %dma_wait3A_62 = tpu.memref_squeeze %dma_wait3A_61 : memref<1x128x128xf32, #tpu.memory_space<hbm>> -> memref<128x128xf32, #tpu.memory_space<hbm>>
      tpu.wait_dma2 semaphore(%run_scoped3A : memref<!tpu.dma_semaphore, #tpu.memory_space<semaphore_mem>>) src(%arg11 : memref<128x128xf32, #tpu.memory_space<vmem>>) dst(%dma_wait3A_62 : memref<128x128xf32, #tpu.memory_space<hbm>>)
      tpu.yield
    }) : () -> ()
    %mul3A_49 = arith.constant 640 : i32
    %mul3A_50 = arith.muli %arg1, %mul3A_49 : i32
    %add3A_51 = arith.constant 512 : i32
    %add3A_52 = arith.addi %mul3A_50, %add3A_51 : i32
    "tpu.region"() ({
      %run_scoped3A = tpu.sem_alloc : memref<!tpu.dma_semaphore, #tpu.memory_space<semaphore_mem>>
      %dma_start3A = arith.constant 0 : i32
      %dma_start3A_53 = tpu.memref_slice %arg13[%add3A_52, %dma_start3A] : memref<10240x128xf32, #tpu.memory_space<vmem_shared>> -> memref<128x128xf32, #tpu.memory_space<vmem_shared>>
      %dma_start3A_54 = arith.constant 0 : i32
      %dma_start3A_55 = tpu.memref_slice %arg13[%add3A_52, %dma_start3A_54] : memref<10240x128xf32, #tpu.memory_space<vmem_shared>> -> memref<128x128xf32, #tpu.memory_space<vmem_shared>>
      tpu.enqueue_dma source(%dma_start3A_55 : memref<128x128xf32, #tpu.memory_space<vmem_shared>>) target(%arg11 : memref<128x128xf32, #tpu.memory_space<vmem>>) target_semaphore(%run_scoped3A : memref<!tpu.dma_semaphore, #tpu.memory_space<semaphore_mem>>)
      %dma_wait3A = arith.constant 0 : i32
      %dma_wait3A_56 = tpu.memref_slice %arg13[%add3A_52, %dma_wait3A] : memref<10240x128xf32, #tpu.memory_space<vmem_shared>> -> memref<128x128xf32, #tpu.memory_space<vmem_shared>>
      %dma_wait3A_57 = arith.constant 0 : i32
      %dma_wait3A_58 = tpu.memref_slice %arg13[%add3A_52, %dma_wait3A_57] : memref<10240x128xf32, #tpu.memory_space<vmem_shared>> -> memref<128x128xf32, #tpu.memory_space<vmem_shared>>
      tpu.wait_dma2 semaphore(%run_scoped3A : memref<!tpu.dma_semaphore, #tpu.memory_space<semaphore_mem>>) src(%dma_wait3A_58 : memref<128x128xf32, #tpu.memory_space<vmem_shared>>) dst(%arg11 : memref<128x128xf32, #tpu.memory_space<vmem>>)
      tpu.yield
    }) : () -> ()
    "tpu.region"() ({
      %run_scoped3A = tpu.sem_alloc : memref<!tpu.dma_semaphore, #tpu.memory_space<semaphore_mem>>
      %dma_start3A = arith.constant 0 : i32
      %dma_start3A_53 = tpu.memref_slice %arg6[%arg0, %add3A_52, %dma_start3A] : memref<2x10240x128xf32, #tpu.memory_space<hbm>> -> memref<1x128x128xf32, #tpu.memory_space<hbm>>
      %dma_start3A_54 = tpu.memref_squeeze %dma_start3A_53 : memref<1x128x128xf32, #tpu.memory_space<hbm>> -> memref<128x128xf32, #tpu.memory_space<hbm>>
      %dma_start3A_55 = arith.constant 0 : i32
      %dma_start3A_56 = tpu.memref_slice %arg6[%arg0, %add3A_52, %dma_start3A_55] : memref<2x10240x128xf32, #tpu.memory_space<hbm>> -> memref<1x128x128xf32, #tpu.memory_space<hbm>>
      %dma_start3A_57 = tpu.memref_squeeze %dma_start3A_56 : memref<1x128x128xf32, #tpu.memory_space<hbm>> -> memref<128x128xf32, #tpu.memory_space<hbm>>
      tpu.enqueue_dma source(%arg11 : memref<128x128xf32, #tpu.memory_space<vmem>>) target(%dma_start3A_57 : memref<128x128xf32, #tpu.memory_space<hbm>>) target_semaphore(%run_scoped3A : memref<!tpu.dma_semaphore, #tpu.memory_space<semaphore_mem>>)
      %dma_wait3A = arith.constant 0 : i32
      %dma_wait3A_58 = tpu.memref_slice %arg6[%arg0, %add3A_52, %dma_wait3A] : memref<2x10240x128xf32, #tpu.memory_space<hbm>> -> memref<1x128x128xf32, #tpu.memory_space<hbm>>
      %dma_wait3A_59 = tpu.memref_squeeze %dma_wait3A_58 : memref<1x128x128xf32, #tpu.memory_space<hbm>> -> memref<128x128xf32, #tpu.memory_space<hbm>>
      %dma_wait3A_60 = arith.constant 0 : i32
      %dma_wait3A_61 = tpu.memref_slice %arg6[%arg0, %add3A_52, %dma_wait3A_60] : memref<2x10240x128xf32, #tpu.memory_space<hbm>> -> memref<1x128x128xf32, #tpu.memory_space<hbm>>
      %dma_wait3A_62 = tpu.memref_squeeze %dma_wait3A_61 : memref<1x128x128xf32, #tpu.memory_space<hbm>> -> memref<128x128xf32, #tpu.memory_space<hbm>>
      tpu.wait_dma2 semaphore(%run_scoped3A : memref<!tpu.dma_semaphore, #tpu.memory_space<semaphore_mem>>) src(%arg11 : memref<128x128xf32, #tpu.memory_space<vmem>>) dst(%dma_wait3A_62 : memref<128x128xf32, #tpu.memory_space<hbm>>)
      tpu.yield
    }) : () -> ()
    return
  }
}

#map = affine_map<(d0, d1) -> (0, 0)>
#map1 = affine_map<(d0, d1) -> (0)>
#map2 = affine_map<(d0, d1) -> (0, 0, 0)>
module attributes {stable_mosaic.version = 14 : i64} {
  func.func @_msg_body(%arg0: i32, %arg1: i32, %arg2: memref<10000x128xf32, #tpu.memory_space<hbm>>, %arg3: memref<160000x128xf32, #tpu.memory_space<hbm>>, %arg4: memref<320000xi32, #tpu.memory_space<hbm>>, %arg5: memref<320000xi32, #tpu.memory_space<hbm>>, %arg6: memref<2x10240x128xf32, #tpu.memory_space<hbm>>, %arg7: memref<80xi32, #tpu.memory_space<vmem>>, %arg8: memref<80xi32, #tpu.memory_space<vmem>>, %arg9: memref<80x128xf32, #tpu.memory_space<vmem>>, %arg10: memref<40x128xf32, #tpu.memory_space<vmem>>, %arg11: memref<128x128xf32, #tpu.memory_space<vmem>>, %arg12: memref<!tpu.dma_semaphore, #tpu.memory_space<semaphore_mem>>, %arg13: memref<10240x128xf32, #tpu.memory_space<vmem_shared>>) attributes {dimension_semantics = [#tpu.dimension_semantics<core_parallel>, #tpu.dimension_semantics<subcore_parallel>], iteration_bounds = array<i64: 2, 16>, scalar_prefetch = 0 : i64, scratch_operands = 7 : i64, tpu.core_type = #tpu.core_type<sc_vector_subcore>, window_params = [{transform_indices = #map}, {transform_indices = #map}, {transform_indices = #map1}, {transform_indices = #map1}, {transform_indices = #map2}]} {
    %mul3A = arith.constant 2 : i32
    %mul3A_0 = arith.muli %arg1, %mul3A : i32
    %add3A = arith.addi %mul3A_0, %arg0 : i32
    %scan3A = arith.constant 0 : i32
    %scan3A_1 = arith.constant 0 : i32
    %scan3A_2 = arith.constant 128 : i32
    %scan3A_3 = arith.addi %scan3A_1, %scan3A_2 : i32
    %scan3A_4 = arith.constant 1 : i32
    scf.for %scan3A_53 = %scan3A_1 to %scan3A_3 step %scan3A_4  : i32 {
      %broadcast_in_dim3A = arith.constant 0.000000e+00 : f32
      %broadcast_in_dim3A_54 = vector.broadcast %broadcast_in_dim3A : f32 to vector<16xf32>
      %swap3A = arith.index_cast %scan3A_53 : i32 to index
      %swap3A_55 = arith.constant 0 : index
      %swap3A_56 = tpu.vector_load %arg11[%swap3A, %swap3A_55] {strides = array<i32>} : memref<128x128xf32, #tpu.memory_space<vmem>>, vector<1x16xf32>,
      %swap3A_57 = vector.shape_cast %swap3A_56 : vector<1x16xf32> to vector<16xf32>
      %swap3A_58 = vector.shape_cast %broadcast_in_dim3A_54 : vector<16xf32> to vector<1x16xf32>
      tpu.vector_store %arg11[%swap3A, %swap3A_55], %swap3A_58 {strides = array<i32>} : memref<128x128xf32, #tpu.memory_space<vmem>>, vector<1x16xf32>,
      %broadcast_in_dim3A_59 = arith.constant 0.000000e+00 : f32
      %broadcast_in_dim3A_60 = vector.broadcast %broadcast_in_dim3A_59 : f32 to vector<16xf32>
      %swap3A_61 = arith.index_cast %scan3A_53 : i32 to index
      %swap3A_62 = arith.constant 16 : index
      %swap3A_63 = tpu.vector_load %arg11[%swap3A_61, %swap3A_62] {strides = array<i32>} : memref<128x128xf32, #tpu.memory_space<vmem>>, vector<1x16xf32>,
      %swap3A_64 = vector.shape_cast %swap3A_63 : vector<1x16xf32> to vector<16xf32>
      %swap3A_65 = vector.shape_cast %broadcast_in_dim3A_60 : vector<16xf32> to vector<1x16xf32>
      tpu.vector_store %arg11[%swap3A_61, %swap3A_62], %swap3A_65 {strides = array<i32>} : memref<128x128xf32, #tpu.memory_space<vmem>>, vector<1x16xf32>,
      %broadcast_in_dim3A_66 = arith.constant 0.000000e+00 : f32
      %broadcast_in_dim3A_67 = vector.broadcast %broadcast_in_dim3A_66 : f32 to vector<16xf32>
      %swap3A_68 = arith.index_cast %scan3A_53 : i32 to index
      %swap3A_69 = arith.constant 32 : index
      %swap3A_70 = tpu.vector_load %arg11[%swap3A_68, %swap3A_69] {strides = array<i32>} : memref<128x128xf32, #tpu.memory_space<vmem>>, vector<1x16xf32>,
      %swap3A_71 = vector.shape_cast %swap3A_70 : vector<1x16xf32> to vector<16xf32>
      %swap3A_72 = vector.shape_cast %broadcast_in_dim3A_67 : vector<16xf32> to vector<1x16xf32>
      tpu.vector_store %arg11[%swap3A_68, %swap3A_69], %swap3A_72 {strides = array<i32>} : memref<128x128xf32, #tpu.memory_space<vmem>>, vector<1x16xf32>,
      %broadcast_in_dim3A_73 = arith.constant 0.000000e+00 : f32
      %broadcast_in_dim3A_74 = vector.broadcast %broadcast_in_dim3A_73 : f32 to vector<16xf32>
      %swap3A_75 = arith.index_cast %scan3A_53 : i32 to index
      %swap3A_76 = arith.constant 48 : index
      %swap3A_77 = tpu.vector_load %arg11[%swap3A_75, %swap3A_76] {strides = array<i32>} : memref<128x128xf32, #tpu.memory_space<vmem>>, vector<1x16xf32>,
      %swap3A_78 = vector.shape_cast %swap3A_77 : vector<1x16xf32> to vector<16xf32>
      %swap3A_79 = vector.shape_cast %broadcast_in_dim3A_74 : vector<16xf32> to vector<1x16xf32>
      tpu.vector_store %arg11[%swap3A_75, %swap3A_76], %swap3A_79 {strides = array<i32>} : memref<128x128xf32, #tpu.memory_space<vmem>>, vector<1x16xf32>,
      %broadcast_in_dim3A_80 = arith.constant 0.000000e+00 : f32
      %broadcast_in_dim3A_81 = vector.broadcast %broadcast_in_dim3A_80 : f32 to vector<16xf32>
      %swap3A_82 = arith.index_cast %scan3A_53 : i32 to index
      %swap3A_83 = arith.constant 64 : index
      %swap3A_84 = tpu.vector_load %arg11[%swap3A_82, %swap3A_83] {strides = array<i32>} : memref<128x128xf32, #tpu.memory_space<vmem>>, vector<1x16xf32>,
      %swap3A_85 = vector.shape_cast %swap3A_84 : vector<1x16xf32> to vector<16xf32>
      %swap3A_86 = vector.shape_cast %broadcast_in_dim3A_81 : vector<16xf32> to vector<1x16xf32>
      tpu.vector_store %arg11[%swap3A_82, %swap3A_83], %swap3A_86 {strides = array<i32>} : memref<128x128xf32, #tpu.memory_space<vmem>>, vector<1x16xf32>,
      %broadcast_in_dim3A_87 = arith.constant 0.000000e+00 : f32
      %broadcast_in_dim3A_88 = vector.broadcast %broadcast_in_dim3A_87 : f32 to vector<16xf32>
      %swap3A_89 = arith.index_cast %scan3A_53 : i32 to index
      %swap3A_90 = arith.constant 80 : index
      %swap3A_91 = tpu.vector_load %arg11[%swap3A_89, %swap3A_90] {strides = array<i32>} : memref<128x128xf32, #tpu.memory_space<vmem>>, vector<1x16xf32>,
      %swap3A_92 = vector.shape_cast %swap3A_91 : vector<1x16xf32> to vector<16xf32>
      %swap3A_93 = vector.shape_cast %broadcast_in_dim3A_88 : vector<16xf32> to vector<1x16xf32>
      tpu.vector_store %arg11[%swap3A_89, %swap3A_90], %swap3A_93 {strides = array<i32>} : memref<128x128xf32, #tpu.memory_space<vmem>>, vector<1x16xf32>,
      %broadcast_in_dim3A_94 = arith.constant 0.000000e+00 : f32
      %broadcast_in_dim3A_95 = vector.broadcast %broadcast_in_dim3A_94 : f32 to vector<16xf32>
      %swap3A_96 = arith.index_cast %scan3A_53 : i32 to index
      %swap3A_97 = arith.constant 96 : index
      %swap3A_98 = tpu.vector_load %arg11[%swap3A_96, %swap3A_97] {strides = array<i32>} : memref<128x128xf32, #tpu.memory_space<vmem>>, vector<1x16xf32>,
      %swap3A_99 = vector.shape_cast %swap3A_98 : vector<1x16xf32> to vector<16xf32>
      %swap3A_100 = vector.shape_cast %broadcast_in_dim3A_95 : vector<16xf32> to vector<1x16xf32>
      tpu.vector_store %arg11[%swap3A_96, %swap3A_97], %swap3A_100 {strides = array<i32>} : memref<128x128xf32, #tpu.memory_space<vmem>>, vector<1x16xf32>,
      %broadcast_in_dim3A_101 = arith.constant 0.000000e+00 : f32
      %broadcast_in_dim3A_102 = vector.broadcast %broadcast_in_dim3A_101 : f32 to vector<16xf32>
      %swap3A_103 = arith.index_cast %scan3A_53 : i32 to index
      %swap3A_104 = arith.constant 112 : index
      %swap3A_105 = tpu.vector_load %arg11[%swap3A_103, %swap3A_104] {strides = array<i32>} : memref<128x128xf32, #tpu.memory_space<vmem>>, vector<1x16xf32>,
      %swap3A_106 = vector.shape_cast %swap3A_105 : vector<1x16xf32> to vector<16xf32>
      %swap3A_107 = vector.shape_cast %broadcast_in_dim3A_102 : vector<16xf32> to vector<1x16xf32>
      tpu.vector_store %arg11[%swap3A_103, %swap3A_104], %swap3A_107 {strides = array<i32>} : memref<128x128xf32, #tpu.memory_space<vmem>>, vector<1x16xf32>,
    }
    %scan3A_5 = arith.constant 128 : i32
    %mul3A_6 = arith.constant 640 : i32
    %mul3A_7 = arith.muli %arg1, %mul3A_6 : i32
    %add3A_8 = arith.constant 0 : i32
    %add3A_9 = arith.addi %mul3A_7, %add3A_8 : i32
    "tpu.region"() ({
      %run_scoped3A = tpu.sem_alloc : memref<!tpu.dma_semaphore, #tpu.memory_space<semaphore_mem>>
      %dma_start3A = arith.constant 0 : i32
      %dma_start3A_53 = tpu.memref_slice %arg13[%add3A_9, %dma_start3A] : memref<10240x128xf32, #tpu.memory_space<vmem_shared>> -> memref<128x128xf32, #tpu.memory_space<vmem_shared>>
      %dma_start3A_54 = arith.constant 0 : i32
      %dma_start3A_55 = tpu.memref_slice %arg13[%add3A_9, %dma_start3A_54] : memref<10240x128xf32, #tpu.memory_space<vmem_shared>> -> memref<128x128xf32, #tpu.memory_space<vmem_shared>>
      tpu.enqueue_dma source(%arg11 : memref<128x128xf32, #tpu.memory_space<vmem>>) target(%dma_start3A_55 : memref<128x128xf32, #tpu.memory_space<vmem_shared>>) target_semaphore(%run_scoped3A : memref<!tpu.dma_semaphore, #tpu.memory_space<semaphore_mem>>)
      %dma_wait3A = arith.constant 0 : i32
      %dma_wait3A_56 = tpu.memref_slice %arg13[%add3A_9, %dma_wait3A] : memref<10240x128xf32, #tpu.memory_space<vmem_shared>> -> memref<128x128xf32, #tpu.memory_space<vmem_shared>>
      %dma_wait3A_57 = arith.constant 0 : i32
      %dma_wait3A_58 = tpu.memref_slice %arg13[%add3A_9, %dma_wait3A_57] : memref<10240x128xf32, #tpu.memory_space<vmem_shared>> -> memref<128x128xf32, #tpu.memory_space<vmem_shared>>
      tpu.wait_dma2 semaphore(%run_scoped3A : memref<!tpu.dma_semaphore, #tpu.memory_space<semaphore_mem>>) src(%arg11 : memref<128x128xf32, #tpu.memory_space<vmem>>) dst(%dma_wait3A_58 : memref<128x128xf32, #tpu.memory_space<vmem_shared>>)
      tpu.yield
    }) : () -> ()
    %mul3A_10 = arith.constant 640 : i32
    %mul3A_11 = arith.muli %arg1, %mul3A_10 : i32
    %add3A_12 = arith.constant 128 : i32
    %add3A_13 = arith.addi %mul3A_11, %add3A_12 : i32
    "tpu.region"() ({
      %run_scoped3A = tpu.sem_alloc : memref<!tpu.dma_semaphore, #tpu.memory_space<semaphore_mem>>
      %dma_start3A = arith.constant 0 : i32
      %dma_start3A_53 = tpu.memref_slice %arg13[%add3A_13, %dma_start3A] : memref<10240x128xf32, #tpu.memory_space<vmem_shared>> -> memref<128x128xf32, #tpu.memory_space<vmem_shared>>
      %dma_start3A_54 = arith.constant 0 : i32
      %dma_start3A_55 = tpu.memref_slice %arg13[%add3A_13, %dma_start3A_54] : memref<10240x128xf32, #tpu.memory_space<vmem_shared>> -> memref<128x128xf32, #tpu.memory_space<vmem_shared>>
      tpu.enqueue_dma source(%arg11 : memref<128x128xf32, #tpu.memory_space<vmem>>) target(%dma_start3A_55 : memref<128x128xf32, #tpu.memory_space<vmem_shared>>) target_semaphore(%run_scoped3A : memref<!tpu.dma_semaphore, #tpu.memory_space<semaphore_mem>>)
      %dma_wait3A = arith.constant 0 : i32
      %dma_wait3A_56 = tpu.memref_slice %arg13[%add3A_13, %dma_wait3A] : memref<10240x128xf32, #tpu.memory_space<vmem_shared>> -> memref<128x128xf32, #tpu.memory_space<vmem_shared>>
      %dma_wait3A_57 = arith.constant 0 : i32
      %dma_wait3A_58 = tpu.memref_slice %arg13[%add3A_13, %dma_wait3A_57] : memref<10240x128xf32, #tpu.memory_space<vmem_shared>> -> memref<128x128xf32, #tpu.memory_space<vmem_shared>>
      tpu.wait_dma2 semaphore(%run_scoped3A : memref<!tpu.dma_semaphore, #tpu.memory_space<semaphore_mem>>) src(%arg11 : memref<128x128xf32, #tpu.memory_space<vmem>>) dst(%dma_wait3A_58 : memref<128x128xf32, #tpu.memory_space<vmem_shared>>)
      tpu.yield
    }) : () -> ()
    %mul3A_14 = arith.constant 640 : i32
    %mul3A_15 = arith.muli %arg1, %mul3A_14 : i32
    %add3A_16 = arith.constant 256 : i32
    %add3A_17 = arith.addi %mul3A_15, %add3A_16 : i32
    "tpu.region"() ({
      %run_scoped3A = tpu.sem_alloc : memref<!tpu.dma_semaphore, #tpu.memory_space<semaphore_mem>>
      %dma_start3A = arith.constant 0 : i32
      %dma_start3A_53 = tpu.memref_slice %arg13[%add3A_17, %dma_start3A] : memref<10240x128xf32, #tpu.memory_space<vmem_shared>> -> memref<128x128xf32, #tpu.memory_space<vmem_shared>>
      %dma_start3A_54 = arith.constant 0 : i32
      %dma_start3A_55 = tpu.memref_slice %arg13[%add3A_17, %dma_start3A_54] : memref<10240x128xf32, #tpu.memory_space<vmem_shared>> -> memref<128x128xf32, #tpu.memory_space<vmem_shared>>
      tpu.enqueue_dma source(%arg11 : memref<128x128xf32, #tpu.memory_space<vmem>>) target(%dma_start3A_55 : memref<128x128xf32, #tpu.memory_space<vmem_shared>>) target_semaphore(%run_scoped3A : memref<!tpu.dma_semaphore, #tpu.memory_space<semaphore_mem>>)
      %dma_wait3A = arith.constant 0 : i32
      %dma_wait3A_56 = tpu.memref_slice %arg13[%add3A_17, %dma_wait3A] : memref<10240x128xf32, #tpu.memory_space<vmem_shared>> -> memref<128x128xf32, #tpu.memory_space<vmem_shared>>
      %dma_wait3A_57 = arith.constant 0 : i32
      %dma_wait3A_58 = tpu.memref_slice %arg13[%add3A_17, %dma_wait3A_57] : memref<10240x128xf32, #tpu.memory_space<vmem_shared>> -> memref<128x128xf32, #tpu.memory_space<vmem_shared>>
      tpu.wait_dma2 semaphore(%run_scoped3A : memref<!tpu.dma_semaphore, #tpu.memory_space<semaphore_mem>>) src(%arg11 : memref<128x128xf32, #tpu.memory_space<vmem>>) dst(%dma_wait3A_58 : memref<128x128xf32, #tpu.memory_space<vmem_shared>>)
      tpu.yield
    }) : () -> ()
    %mul3A_18 = arith.constant 640 : i32
    %mul3A_19 = arith.muli %arg1, %mul3A_18 : i32
    %add3A_20 = arith.constant 384 : i32
    %add3A_21 = arith.addi %mul3A_19, %add3A_20 : i32
    "tpu.region"() ({
      %run_scoped3A = tpu.sem_alloc : memref<!tpu.dma_semaphore, #tpu.memory_space<semaphore_mem>>
      %dma_start3A = arith.constant 0 : i32
      %dma_start3A_53 = tpu.memref_slice %arg13[%add3A_21, %dma_start3A] : memref<10240x128xf32, #tpu.memory_space<vmem_shared>> -> memref<128x128xf32, #tpu.memory_space<vmem_shared>>
      %dma_start3A_54 = arith.constant 0 : i32
      %dma_start3A_55 = tpu.memref_slice %arg13[%add3A_21, %dma_start3A_54] : memref<10240x128xf32, #tpu.memory_space<vmem_shared>> -> memref<128x128xf32, #tpu.memory_space<vmem_shared>>
      tpu.enqueue_dma source(%arg11 : memref<128x128xf32, #tpu.memory_space<vmem>>) target(%dma_start3A_55 : memref<128x128xf32, #tpu.memory_space<vmem_shared>>) target_semaphore(%run_scoped3A : memref<!tpu.dma_semaphore, #tpu.memory_space<semaphore_mem>>)
      %dma_wait3A = arith.constant 0 : i32
      %dma_wait3A_56 = tpu.memref_slice %arg13[%add3A_21, %dma_wait3A] : memref<10240x128xf32, #tpu.memory_space<vmem_shared>> -> memref<128x128xf32, #tpu.memory_space<vmem_shared>>
      %dma_wait3A_57 = arith.constant 0 : i32
      %dma_wait3A_58 = tpu.memref_slice %arg13[%add3A_21, %dma_wait3A_57] : memref<10240x128xf32, #tpu.memory_space<vmem_shared>> -> memref<128x128xf32, #tpu.memory_space<vmem_shared>>
      tpu.wait_dma2 semaphore(%run_scoped3A : memref<!tpu.dma_semaphore, #tpu.memory_space<semaphore_mem>>) src(%arg11 : memref<128x128xf32, #tpu.memory_space<vmem>>) dst(%dma_wait3A_58 : memref<128x128xf32, #tpu.memory_space<vmem_shared>>)
      tpu.yield
    }) : () -> ()
    %mul3A_22 = arith.constant 640 : i32
    %mul3A_23 = arith.muli %arg1, %mul3A_22 : i32
    %add3A_24 = arith.constant 512 : i32
    %add3A_25 = arith.addi %mul3A_23, %add3A_24 : i32
    "tpu.region"() ({
      %run_scoped3A = tpu.sem_alloc : memref<!tpu.dma_semaphore, #tpu.memory_space<semaphore_mem>>
      %dma_start3A = arith.constant 0 : i32
      %dma_start3A_53 = tpu.memref_slice %arg13[%add3A_25, %dma_start3A] : memref<10240x128xf32, #tpu.memory_space<vmem_shared>> -> memref<128x128xf32, #tpu.memory_space<vmem_shared>>
      %dma_start3A_54 = arith.constant 0 : i32
      %dma_start3A_55 = tpu.memref_slice %arg13[%add3A_25, %dma_start3A_54] : memref<10240x128xf32, #tpu.memory_space<vmem_shared>> -> memref<128x128xf32, #tpu.memory_space<vmem_shared>>
      tpu.enqueue_dma source(%arg11 : memref<128x128xf32, #tpu.memory_space<vmem>>) target(%dma_start3A_55 : memref<128x128xf32, #tpu.memory_space<vmem_shared>>) target_semaphore(%run_scoped3A : memref<!tpu.dma_semaphore, #tpu.memory_space<semaphore_mem>>)
      %dma_wait3A = arith.constant 0 : i32
      %dma_wait3A_56 = tpu.memref_slice %arg13[%add3A_25, %dma_wait3A] : memref<10240x128xf32, #tpu.memory_space<vmem_shared>> -> memref<128x128xf32, #tpu.memory_space<vmem_shared>>
      %dma_wait3A_57 = arith.constant 0 : i32
      %dma_wait3A_58 = tpu.memref_slice %arg13[%add3A_25, %dma_wait3A_57] : memref<10240x128xf32, #tpu.memory_space<vmem_shared>> -> memref<128x128xf32, #tpu.memory_space<vmem_shared>>
      tpu.wait_dma2 semaphore(%run_scoped3A : memref<!tpu.dma_semaphore, #tpu.memory_space<semaphore_mem>>) src(%arg11 : memref<128x128xf32, #tpu.memory_space<vmem>>) dst(%dma_wait3A_58 : memref<128x128xf32, #tpu.memory_space<vmem_shared>>)
      tpu.yield
    }) : () -> ()
    %barrier3A = arith.constant 0 : index
    tpu.barrier barrier_id(%barrier3A)
    %scan3A_26 = arith.constant 0 : i32
    %scan3A_27 = arith.constant 0 : i32
    %scan3A_28 = arith.constant 125 : i32
    %scan3A_29 = arith.addi %scan3A_27, %scan3A_28 : i32
    %scan3A_30 = arith.constant 1 : i32
    scf.for %scan3A_53 = %scan3A_27 to %scan3A_29 step %scan3A_30  : i32 {
      %mul3A_54 = arith.constant 10000 : i32
      %mul3A_55 = arith.muli %add3A, %mul3A_54 : i32
      %mul3A_56 = arith.constant 80 : i32
      %mul3A_57 = arith.muli %scan3A_53, %mul3A_56 : i32
      %add3A_58 = arith.addi %mul3A_55, %mul3A_57 : i32
      "tpu.region"() ({
        %run_scoped3A = tpu.sem_alloc : memref<!tpu.dma_semaphore, #tpu.memory_space<semaphore_mem>>
        %dma_start3A_74 = tpu.memref_slice %arg4[%add3A_58] : memref<320000xi32, #tpu.memory_space<hbm>> -> memref<80xi32, #tpu.memory_space<hbm>>
        %dma_start3A_75 = tpu.memref_slice %arg4[%add3A_58] : memref<320000xi32, #tpu.memory_space<hbm>> -> memref<80xi32, #tpu.memory_space<hbm>>
        tpu.enqueue_dma source(%dma_start3A_75 : memref<80xi32, #tpu.memory_space<hbm>>) target(%arg7 : memref<80xi32, #tpu.memory_space<vmem>>) target_semaphore(%run_scoped3A : memref<!tpu.dma_semaphore, #tpu.memory_space<semaphore_mem>>)
        %dma_wait3A_76 = tpu.memref_slice %arg4[%add3A_58] : memref<320000xi32, #tpu.memory_space<hbm>> -> memref<80xi32, #tpu.memory_space<hbm>>
        %dma_wait3A_77 = tpu.memref_slice %arg4[%add3A_58] : memref<320000xi32, #tpu.memory_space<hbm>> -> memref<80xi32, #tpu.memory_space<hbm>>
        tpu.wait_dma2 semaphore(%run_scoped3A : memref<!tpu.dma_semaphore, #tpu.memory_space<semaphore_mem>>) src(%dma_wait3A_77 : memref<80xi32, #tpu.memory_space<hbm>>) dst(%arg7 : memref<80xi32, #tpu.memory_space<vmem>>)
        tpu.yield
      }) : () -> ()
      %dma_start3A = arith.constant 0 : i32
      %dma_start3A_59 = arith.constant 0 : i32
      %dma_start3A_60 = tpu.memref_slice %arg2[%dma_start3A, %dma_start3A_59] : memref<10000x128xf32, #tpu.memory_space<hbm>> -> memref<10000x128xf32, #tpu.memory_space<hbm>>
      tpu.enqueue_indirect_dma source(%dma_start3A_60 : memref<10000x128xf32, #tpu.memory_space<hbm>>) target(%arg9 : memref<80x128xf32, #tpu.memory_space<vmem>>) offsets(%arg7 : memref<80xi32, #tpu.memory_space<vmem>>) semaphore(%arg12 : memref<!tpu.dma_semaphore, #tpu.memory_space<semaphore_mem>>)
      "tpu.region"() ({
        %run_scoped3A = tpu.sem_alloc : memref<!tpu.dma_semaphore, #tpu.memory_space<semaphore_mem>>
        %dma_start3A_74 = tpu.memref_slice %arg5[%add3A_58] : memref<320000xi32, #tpu.memory_space<hbm>> -> memref<80xi32, #tpu.memory_space<hbm>>
        %dma_start3A_75 = tpu.memref_slice %arg5[%add3A_58] : memref<320000xi32, #tpu.memory_space<hbm>> -> memref<80xi32, #tpu.memory_space<hbm>>
        tpu.enqueue_dma source(%dma_start3A_75 : memref<80xi32, #tpu.memory_space<hbm>>) target(%arg8 : memref<80xi32, #tpu.memory_space<vmem>>) target_semaphore(%run_scoped3A : memref<!tpu.dma_semaphore, #tpu.memory_space<semaphore_mem>>)
        %dma_wait3A_76 = tpu.memref_slice %arg5[%add3A_58] : memref<320000xi32, #tpu.memory_space<hbm>> -> memref<80xi32, #tpu.memory_space<hbm>>
        %dma_wait3A_77 = tpu.memref_slice %arg5[%add3A_58] : memref<320000xi32, #tpu.memory_space<hbm>> -> memref<80xi32, #tpu.memory_space<hbm>>
        tpu.wait_dma2 semaphore(%run_scoped3A : memref<!tpu.dma_semaphore, #tpu.memory_space<semaphore_mem>>) src(%dma_wait3A_77 : memref<80xi32, #tpu.memory_space<hbm>>) dst(%arg8 : memref<80xi32, #tpu.memory_space<vmem>>)
        tpu.yield
      }) : () -> ()
      %mul3A_61 = arith.constant 5000 : i32
      %mul3A_62 = arith.muli %add3A, %mul3A_61 : i32
      %mul3A_63 = arith.constant 40 : i32
      %mul3A_64 = arith.muli %scan3A_53, %mul3A_63 : i32
      %add3A_65 = arith.addi %mul3A_62, %mul3A_64 : i32
      "tpu.region"() ({
        %run_scoped3A = tpu.sem_alloc : memref<!tpu.dma_semaphore, #tpu.memory_space<semaphore_mem>>
        %dma_start3A_74 = arith.constant 0 : i32
        %dma_start3A_75 = tpu.memref_slice %arg3[%add3A_65, %dma_start3A_74] : memref<160000x128xf32, #tpu.memory_space<hbm>> -> memref<40x128xf32, #tpu.memory_space<hbm>>
        %dma_start3A_76 = arith.constant 0 : i32
        %dma_start3A_77 = tpu.memref_slice %arg3[%add3A_65, %dma_start3A_76] : memref<160000x128xf32, #tpu.memory_space<hbm>> -> memref<40x128xf32, #tpu.memory_space<hbm>>
        tpu.enqueue_dma source(%dma_start3A_77 : memref<40x128xf32, #tpu.memory_space<hbm>>) target(%arg10 : memref<40x128xf32, #tpu.memory_space<vmem>>) target_semaphore(%run_scoped3A : memref<!tpu.dma_semaphore, #tpu.memory_space<semaphore_mem>>)
        %dma_wait3A_78 = arith.constant 0 : i32
        %dma_wait3A_79 = tpu.memref_slice %arg3[%add3A_65, %dma_wait3A_78] : memref<160000x128xf32, #tpu.memory_space<hbm>> -> memref<40x128xf32, #tpu.memory_space<hbm>>
        %dma_wait3A_80 = arith.constant 0 : i32
        %dma_wait3A_81 = tpu.memref_slice %arg3[%add3A_65, %dma_wait3A_80] : memref<160000x128xf32, #tpu.memory_space<hbm>> -> memref<40x128xf32, #tpu.memory_space<hbm>>
        tpu.wait_dma2 semaphore(%run_scoped3A : memref<!tpu.dma_semaphore, #tpu.memory_space<semaphore_mem>>) src(%dma_wait3A_81 : memref<40x128xf32, #tpu.memory_space<hbm>>) dst(%arg10 : memref<40x128xf32, #tpu.memory_space<vmem>>)
        tpu.yield
      }) : () -> ()
      %dma_wait3A = arith.constant 0 : i32
      %dma_wait3A_66 = arith.constant 0 : i32
      %dma_wait3A_67 = tpu.memref_slice %arg2[%dma_wait3A, %dma_wait3A_66] : memref<10000x128xf32, #tpu.memory_space<hbm>> -> memref<10000x128xf32, #tpu.memory_space<hbm>>
      tpu.wait_indirect_dma semaphore(%arg12 : memref<!tpu.dma_semaphore, #tpu.memory_space<semaphore_mem>>) src(%dma_wait3A_67 : memref<10000x128xf32, #tpu.memory_space<hbm>>) dst(%arg9 : memref<80x128xf32, #tpu.memory_space<vmem>>)
      %scan3A_68 = arith.constant 0 : i32
      %scan3A_69 = arith.constant 0 : i32
      %scan3A_70 = arith.constant 40 : i32
      %scan3A_71 = arith.addi %scan3A_69, %scan3A_70 : i32
      %scan3A_72 = arith.constant 1 : i32
      scf.for %scan3A_74 = %scan3A_69 to %scan3A_71 step %scan3A_72  : i32 {
        %mul3A_75 = arith.constant 2 : i32
        %mul3A_76 = arith.muli %mul3A_75, %scan3A_74 : i32
        %add3A_77 = arith.constant 0 : i32
        %add3A_78 = arith.addi %mul3A_76, %add3A_77 : i32
        %get3A = arith.index_cast %add3A_78 : i32 to index
        %get3A_79 = arith.constant 0 : index
        %get3A_80 = tpu.vector_load %arg9[%get3A, %get3A_79] {strides = array<i32>} : memref<80x128xf32, #tpu.memory_space<vmem>>, vector<1x16xf32>,
        %get3A_81 = vector.shape_cast %get3A_80 : vector<1x16xf32> to vector<16xf32>
        %get3A_82 = arith.index_cast %scan3A_74 : i32 to index
        %get3A_83 = arith.constant 0 : index
        %get3A_84 = tpu.vector_load %arg10[%get3A_82, %get3A_83] {strides = array<i32>} : memref<40x128xf32, #tpu.memory_space<vmem>>, vector<1x16xf32>,
        %get3A_85 = vector.shape_cast %get3A_84 : vector<1x16xf32> to vector<16xf32>
        %add3A_86 = arith.addf %get3A_81, %get3A_85 : vector<16xf32>
        %max3A = arith.constant 0.000000e+00 : f32
        %max3A_87 = vector.broadcast %max3A : f32 to vector<16xf32>
        %max3A_88 = arith.maximumf %add3A_86, %max3A_87 : vector<16xf32>
        %mul3A_89 = arith.constant 2 : i32
        %mul3A_90 = arith.muli %mul3A_89, %scan3A_74 : i32
        %add3A_91 = arith.constant 0 : i32
        %add3A_92 = arith.addi %mul3A_90, %add3A_91 : i32
        %swap3A = arith.index_cast %add3A_92 : i32 to index
        %swap3A_93 = arith.constant 0 : index
        %swap3A_94 = tpu.vector_load %arg9[%swap3A, %swap3A_93] {strides = array<i32>} : memref<80x128xf32, #tpu.memory_space<vmem>>, vector<1x16xf32>,
        %swap3A_95 = vector.shape_cast %swap3A_94 : vector<1x16xf32> to vector<16xf32>
        %swap3A_96 = vector.shape_cast %max3A_88 : vector<16xf32> to vector<1x16xf32>
        tpu.vector_store %arg9[%swap3A, %swap3A_93], %swap3A_96 {strides = array<i32>} : memref<80x128xf32, #tpu.memory_space<vmem>>, vector<1x16xf32>,
        %mul3A_97 = arith.constant 2 : i32
        %mul3A_98 = arith.muli %mul3A_97, %scan3A_74 : i32
        %add3A_99 = arith.constant 0 : i32
        %add3A_100 = arith.addi %mul3A_98, %add3A_99 : i32
        %get3A_101 = arith.index_cast %add3A_100 : i32 to index
        %get3A_102 = arith.constant 16 : index
        %get3A_103 = tpu.vector_load %arg9[%get3A_101, %get3A_102] {strides = array<i32>} : memref<80x128xf32, #tpu.memory_space<vmem>>, vector<1x16xf32>,
        %get3A_104 = vector.shape_cast %get3A_103 : vector<1x16xf32> to vector<16xf32>
        %get3A_105 = arith.index_cast %scan3A_74 : i32 to index
        %get3A_106 = arith.constant 16 : index
        %get3A_107 = tpu.vector_load %arg10[%get3A_105, %get3A_106] {strides = array<i32>} : memref<40x128xf32, #tpu.memory_space<vmem>>, vector<1x16xf32>,
        %get3A_108 = vector.shape_cast %get3A_107 : vector<1x16xf32> to vector<16xf32>
        %add3A_109 = arith.addf %get3A_104, %get3A_108 : vector<16xf32>
        %max3A_110 = arith.constant 0.000000e+00 : f32
        %max3A_111 = vector.broadcast %max3A_110 : f32 to vector<16xf32>
        %max3A_112 = arith.maximumf %add3A_109, %max3A_111 : vector<16xf32>
        %mul3A_113 = arith.constant 2 : i32
        %mul3A_114 = arith.muli %mul3A_113, %scan3A_74 : i32
        %add3A_115 = arith.constant 0 : i32
        %add3A_116 = arith.addi %mul3A_114, %add3A_115 : i32
        %swap3A_117 = arith.index_cast %add3A_116 : i32 to index
        %swap3A_118 = arith.constant 16 : index
        %swap3A_119 = tpu.vector_load %arg9[%swap3A_117, %swap3A_118] {strides = array<i32>} : memref<80x128xf32, #tpu.memory_space<vmem>>, vector<1x16xf32>,
        %swap3A_120 = vector.shape_cast %swap3A_119 : vector<1x16xf32> to vector<16xf32>
        %swap3A_121 = vector.shape_cast %max3A_112 : vector<16xf32> to vector<1x16xf32>
        tpu.vector_store %arg9[%swap3A_117, %swap3A_118], %swap3A_121 {strides = array<i32>} : memref<80x128xf32, #tpu.memory_space<vmem>>, vector<1x16xf32>,
        %mul3A_122 = arith.constant 2 : i32
        %mul3A_123 = arith.muli %mul3A_122, %scan3A_74 : i32
        %add3A_124 = arith.constant 0 : i32
        %add3A_125 = arith.addi %mul3A_123, %add3A_124 : i32
        %get3A_126 = arith.index_cast %add3A_125 : i32 to index
        %get3A_127 = arith.constant 32 : index
        %get3A_128 = tpu.vector_load %arg9[%get3A_126, %get3A_127] {strides = array<i32>} : memref<80x128xf32, #tpu.memory_space<vmem>>, vector<1x16xf32>,
        %get3A_129 = vector.shape_cast %get3A_128 : vector<1x16xf32> to vector<16xf32>
        %get3A_130 = arith.index_cast %scan3A_74 : i32 to index
        %get3A_131 = arith.constant 32 : index
        %get3A_132 = tpu.vector_load %arg10[%get3A_130, %get3A_131] {strides = array<i32>} : memref<40x128xf32, #tpu.memory_space<vmem>>, vector<1x16xf32>,
        %get3A_133 = vector.shape_cast %get3A_132 : vector<1x16xf32> to vector<16xf32>
        %add3A_134 = arith.addf %get3A_129, %get3A_133 : vector<16xf32>
        %max3A_135 = arith.constant 0.000000e+00 : f32
        %max3A_136 = vector.broadcast %max3A_135 : f32 to vector<16xf32>
        %max3A_137 = arith.maximumf %add3A_134, %max3A_136 : vector<16xf32>
        %mul3A_138 = arith.constant 2 : i32
        %mul3A_139 = arith.muli %mul3A_138, %scan3A_74 : i32
        %add3A_140 = arith.constant 0 : i32
        %add3A_141 = arith.addi %mul3A_139, %add3A_140 : i32
        %swap3A_142 = arith.index_cast %add3A_141 : i32 to index
        %swap3A_143 = arith.constant 32 : index
        %swap3A_144 = tpu.vector_load %arg9[%swap3A_142, %swap3A_143] {strides = array<i32>} : memref<80x128xf32, #tpu.memory_space<vmem>>, vector<1x16xf32>,
        %swap3A_145 = vector.shape_cast %swap3A_144 : vector<1x16xf32> to vector<16xf32>
        %swap3A_146 = vector.shape_cast %max3A_137 : vector<16xf32> to vector<1x16xf32>
        tpu.vector_store %arg9[%swap3A_142, %swap3A_143], %swap3A_146 {strides = array<i32>} : memref<80x128xf32, #tpu.memory_space<vmem>>, vector<1x16xf32>,
        %mul3A_147 = arith.constant 2 : i32
        %mul3A_148 = arith.muli %mul3A_147, %scan3A_74 : i32
        %add3A_149 = arith.constant 0 : i32
        %add3A_150 = arith.addi %mul3A_148, %add3A_149 : i32
        %get3A_151 = arith.index_cast %add3A_150 : i32 to index
        %get3A_152 = arith.constant 48 : index
        %get3A_153 = tpu.vector_load %arg9[%get3A_151, %get3A_152] {strides = array<i32>} : memref<80x128xf32, #tpu.memory_space<vmem>>, vector<1x16xf32>,
        %get3A_154 = vector.shape_cast %get3A_153 : vector<1x16xf32> to vector<16xf32>
        %get3A_155 = arith.index_cast %scan3A_74 : i32 to index
        %get3A_156 = arith.constant 48 : index
        %get3A_157 = tpu.vector_load %arg10[%get3A_155, %get3A_156] {strides = array<i32>} : memref<40x128xf32, #tpu.memory_space<vmem>>, vector<1x16xf32>,
        %get3A_158 = vector.shape_cast %get3A_157 : vector<1x16xf32> to vector<16xf32>
        %add3A_159 = arith.addf %get3A_154, %get3A_158 : vector<16xf32>
        %max3A_160 = arith.constant 0.000000e+00 : f32
        %max3A_161 = vector.broadcast %max3A_160 : f32 to vector<16xf32>
        %max3A_162 = arith.maximumf %add3A_159, %max3A_161 : vector<16xf32>
        %mul3A_163 = arith.constant 2 : i32
        %mul3A_164 = arith.muli %mul3A_163, %scan3A_74 : i32
        %add3A_165 = arith.constant 0 : i32
        %add3A_166 = arith.addi %mul3A_164, %add3A_165 : i32
        %swap3A_167 = arith.index_cast %add3A_166 : i32 to index
        %swap3A_168 = arith.constant 48 : index
        %swap3A_169 = tpu.vector_load %arg9[%swap3A_167, %swap3A_168] {strides = array<i32>} : memref<80x128xf32, #tpu.memory_space<vmem>>, vector<1x16xf32>,
        %swap3A_170 = vector.shape_cast %swap3A_169 : vector<1x16xf32> to vector<16xf32>
        %swap3A_171 = vector.shape_cast %max3A_162 : vector<16xf32> to vector<1x16xf32>
        tpu.vector_store %arg9[%swap3A_167, %swap3A_168], %swap3A_171 {strides = array<i32>} : memref<80x128xf32, #tpu.memory_space<vmem>>, vector<1x16xf32>,
        %mul3A_172 = arith.constant 2 : i32
        %mul3A_173 = arith.muli %mul3A_172, %scan3A_74 : i32
        %add3A_174 = arith.constant 1 : i32
        %add3A_175 = arith.addi %mul3A_173, %add3A_174 : i32
        %get3A_176 = arith.index_cast %add3A_175 : i32 to index
        %get3A_177 = arith.constant 0 : index
        %get3A_178 = tpu.vector_load %arg9[%get3A_176, %get3A_177] {strides = array<i32>} : memref<80x128xf32, #tpu.memory_space<vmem>>, vector<1x16xf32>,
        %get3A_179 = vector.shape_cast %get3A_178 : vector<1x16xf32> to vector<16xf32>
        %get3A_180 = arith.index_cast %scan3A_74 : i32 to index
        %get3A_181 = arith.constant 64 : index
        %get3A_182 = tpu.vector_load %arg10[%get3A_180, %get3A_181] {strides = array<i32>} : memref<40x128xf32, #tpu.memory_space<vmem>>, vector<1x16xf32>,
        %get3A_183 = vector.shape_cast %get3A_182 : vector<1x16xf32> to vector<16xf32>
        %add3A_184 = arith.addf %get3A_179, %get3A_183 : vector<16xf32>
        %max3A_185 = arith.constant 0.000000e+00 : f32
        %max3A_186 = vector.broadcast %max3A_185 : f32 to vector<16xf32>
        %max3A_187 = arith.maximumf %add3A_184, %max3A_186 : vector<16xf32>
        %mul3A_188 = arith.constant 2 : i32
        %mul3A_189 = arith.muli %mul3A_188, %scan3A_74 : i32
        %add3A_190 = arith.constant 1 : i32
        %add3A_191 = arith.addi %mul3A_189, %add3A_190 : i32
        %swap3A_192 = arith.index_cast %add3A_191 : i32 to index
        %swap3A_193 = arith.constant 0 : index
        %swap3A_194 = tpu.vector_load %arg9[%swap3A_192, %swap3A_193] {strides = array<i32>} : memref<80x128xf32, #tpu.memory_space<vmem>>, vector<1x16xf32>,
        %swap3A_195 = vector.shape_cast %swap3A_194 : vector<1x16xf32> to vector<16xf32>
        %swap3A_196 = vector.shape_cast %max3A_187 : vector<16xf32> to vector<1x16xf32>
        tpu.vector_store %arg9[%swap3A_192, %swap3A_193], %swap3A_196 {strides = array<i32>} : memref<80x128xf32, #tpu.memory_space<vmem>>, vector<1x16xf32>,
        %mul3A_197 = arith.constant 2 : i32
        %mul3A_198 = arith.muli %mul3A_197, %scan3A_74 : i32
        %add3A_199 = arith.constant 1 : i32
        %add3A_200 = arith.addi %mul3A_198, %add3A_199 : i32
        %get3A_201 = arith.index_cast %add3A_200 : i32 to index
        %get3A_202 = arith.constant 16 : index
        %get3A_203 = tpu.vector_load %arg9[%get3A_201, %get3A_202] {strides = array<i32>} : memref<80x128xf32, #tpu.memory_space<vmem>>, vector<1x16xf32>,
        %get3A_204 = vector.shape_cast %get3A_203 : vector<1x16xf32> to vector<16xf32>
        %get3A_205 = arith.index_cast %scan3A_74 : i32 to index
        %get3A_206 = arith.constant 80 : index
        %get3A_207 = tpu.vector_load %arg10[%get3A_205, %get3A_206] {strides = array<i32>} : memref<40x128xf32, #tpu.memory_space<vmem>>, vector<1x16xf32>,
        %get3A_208 = vector.shape_cast %get3A_207 : vector<1x16xf32> to vector<16xf32>
        %add3A_209 = arith.addf %get3A_204, %get3A_208 : vector<16xf32>
        %max3A_210 = arith.constant 0.000000e+00 : f32
        %max3A_211 = vector.broadcast %max3A_210 : f32 to vector<16xf32>
        %max3A_212 = arith.maximumf %add3A_209, %max3A_211 : vector<16xf32>
        %mul3A_213 = arith.constant 2 : i32
        %mul3A_214 = arith.muli %mul3A_213, %scan3A_74 : i32
        %add3A_215 = arith.constant 1 : i32
        %add3A_216 = arith.addi %mul3A_214, %add3A_215 : i32
        %swap3A_217 = arith.index_cast %add3A_216 : i32 to index
        %swap3A_218 = arith.constant 16 : index
        %swap3A_219 = tpu.vector_load %arg9[%swap3A_217, %swap3A_218] {strides = array<i32>} : memref<80x128xf32, #tpu.memory_space<vmem>>, vector<1x16xf32>,
        %swap3A_220 = vector.shape_cast %swap3A_219 : vector<1x16xf32> to vector<16xf32>
        %swap3A_221 = vector.shape_cast %max3A_212 : vector<16xf32> to vector<1x16xf32>
        tpu.vector_store %arg9[%swap3A_217, %swap3A_218], %swap3A_221 {strides = array<i32>} : memref<80x128xf32, #tpu.memory_space<vmem>>, vector<1x16xf32>,
        %mul3A_222 = arith.constant 2 : i32
        %mul3A_223 = arith.muli %mul3A_222, %scan3A_74 : i32
        %add3A_224 = arith.constant 1 : i32
        %add3A_225 = arith.addi %mul3A_223, %add3A_224 : i32
        %get3A_226 = arith.index_cast %add3A_225 : i32 to index
        %get3A_227 = arith.constant 32 : index
        %get3A_228 = tpu.vector_load %arg9[%get3A_226, %get3A_227] {strides = array<i32>} : memref<80x128xf32, #tpu.memory_space<vmem>>, vector<1x16xf32>,
        %get3A_229 = vector.shape_cast %get3A_228 : vector<1x16xf32> to vector<16xf32>
        %get3A_230 = arith.index_cast %scan3A_74 : i32 to index
        %get3A_231 = arith.constant 96 : index
        %get3A_232 = tpu.vector_load %arg10[%get3A_230, %get3A_231] {strides = array<i32>} : memref<40x128xf32, #tpu.memory_space<vmem>>, vector<1x16xf32>,
        %get3A_233 = vector.shape_cast %get3A_232 : vector<1x16xf32> to vector<16xf32>
        %add3A_234 = arith.addf %get3A_229, %get3A_233 : vector<16xf32>
        %max3A_235 = arith.constant 0.000000e+00 : f32
        %max3A_236 = vector.broadcast %max3A_235 : f32 to vector<16xf32>
        %max3A_237 = arith.maximumf %add3A_234, %max3A_236 : vector<16xf32>
        %mul3A_238 = arith.constant 2 : i32
        %mul3A_239 = arith.muli %mul3A_238, %scan3A_74 : i32
        %add3A_240 = arith.constant 1 : i32
        %add3A_241 = arith.addi %mul3A_239, %add3A_240 : i32
        %swap3A_242 = arith.index_cast %add3A_241 : i32 to index
        %swap3A_243 = arith.constant 32 : index
        %swap3A_244 = tpu.vector_load %arg9[%swap3A_242, %swap3A_243] {strides = array<i32>} : memref<80x128xf32, #tpu.memory_space<vmem>>, vector<1x16xf32>,
        %swap3A_245 = vector.shape_cast %swap3A_244 : vector<1x16xf32> to vector<16xf32>
        %swap3A_246 = vector.shape_cast %max3A_237 : vector<16xf32> to vector<1x16xf32>
        tpu.vector_store %arg9[%swap3A_242, %swap3A_243], %swap3A_246 {strides = array<i32>} : memref<80x128xf32, #tpu.memory_space<vmem>>, vector<1x16xf32>,
        %mul3A_247 = arith.constant 2 : i32
        %mul3A_248 = arith.muli %mul3A_247, %scan3A_74 : i32
        %add3A_249 = arith.constant 1 : i32
        %add3A_250 = arith.addi %mul3A_248, %add3A_249 : i32
        %get3A_251 = arith.index_cast %add3A_250 : i32 to index
        %get3A_252 = arith.constant 48 : index
        %get3A_253 = tpu.vector_load %arg9[%get3A_251, %get3A_252] {strides = array<i32>} : memref<80x128xf32, #tpu.memory_space<vmem>>, vector<1x16xf32>,
        %get3A_254 = vector.shape_cast %get3A_253 : vector<1x16xf32> to vector<16xf32>
        %get3A_255 = arith.index_cast %scan3A_74 : i32 to index
        %get3A_256 = arith.constant 112 : index
        %get3A_257 = tpu.vector_load %arg10[%get3A_255, %get3A_256] {strides = array<i32>} : memref<40x128xf32, #tpu.memory_space<vmem>>, vector<1x16xf32>,
        %get3A_258 = vector.shape_cast %get3A_257 : vector<1x16xf32> to vector<16xf32>
        %add3A_259 = arith.addf %get3A_254, %get3A_258 : vector<16xf32>
        %max3A_260 = arith.constant 0.000000e+00 : f32
        %max3A_261 = vector.broadcast %max3A_260 : f32 to vector<16xf32>
        %max3A_262 = arith.maximumf %add3A_259, %max3A_261 : vector<16xf32>
        %mul3A_263 = arith.constant 2 : i32
        %mul3A_264 = arith.muli %mul3A_263, %scan3A_74 : i32
        %add3A_265 = arith.constant 1 : i32
        %add3A_266 = arith.addi %mul3A_264, %add3A_265 : i32
        %swap3A_267 = arith.index_cast %add3A_266 : i32 to index
        %swap3A_268 = arith.constant 48 : index
        %swap3A_269 = tpu.vector_load %arg9[%swap3A_267, %swap3A_268] {strides = array<i32>} : memref<80x128xf32, #tpu.memory_space<vmem>>, vector<1x16xf32>,
        %swap3A_270 = vector.shape_cast %swap3A_269 : vector<1x16xf32> to vector<16xf32>
        %swap3A_271 = vector.shape_cast %max3A_262 : vector<16xf32> to vector<1x16xf32>
        tpu.vector_store %arg9[%swap3A_267, %swap3A_268], %swap3A_271 {strides = array<i32>} : memref<80x128xf32, #tpu.memory_space<vmem>>, vector<1x16xf32>,
      }
      %scan3A_73 = arith.constant 40 : i32
      "tpu.region"() ({
        %run_scoped3A = tpu.sem_alloc : memref<!tpu.dma_semaphore, #tpu.memory_space<semaphore_mem>>
        %dma_start3A_74 = arith.constant 0 : i32
        %dma_start3A_75 = arith.constant 0 : i32
        %dma_start3A_76 = tpu.memref_slice %arg13[%dma_start3A_74, %dma_start3A_75] : memref<10240x128xf32, #tpu.memory_space<vmem_shared>> -> memref<10240x128xf32, #tpu.memory_space<vmem_shared>>
        tpu.enqueue_indirect_dma source(%arg9 : memref<80x128xf32, #tpu.memory_space<vmem>>) target(%dma_start3A_76 : memref<10240x128xf32, #tpu.memory_space<vmem_shared>>) offsets(%arg8 : memref<80xi32, #tpu.memory_space<vmem>>) semaphore(%run_scoped3A : memref<!tpu.dma_semaphore, #tpu.memory_space<semaphore_mem>>) {add = true}
        %dma_wait3A_77 = arith.constant 0 : i32
        %dma_wait3A_78 = arith.constant 0 : i32
        %dma_wait3A_79 = tpu.memref_slice %arg13[%dma_wait3A_77, %dma_wait3A_78] : memref<10240x128xf32, #tpu.memory_space<vmem_shared>> -> memref<10240x128xf32, #tpu.memory_space<vmem_shared>>
        tpu.wait_indirect_dma semaphore(%run_scoped3A : memref<!tpu.dma_semaphore, #tpu.memory_space<semaphore_mem>>) src(%arg9 : memref<80x128xf32, #tpu.memory_space<vmem>>) dst(%dma_wait3A_79 : memref<10240x128xf32, #tpu.memory_space<vmem_shared>>)
        tpu.yield
      }) : () -> ()
    }
    %scan3A_31 = arith.constant 125 : i32
    %barrier3A_32 = arith.constant 0 : index
    tpu.barrier barrier_id(%barrier3A_32)
    %mul3A_33 = arith.constant 640 : i32
    %mul3A_34 = arith.muli %arg1, %mul3A_33 : i32
    %add3A_35 = arith.constant 0 : i32
    %add3A_36 = arith.addi %mul3A_34, %add3A_35 : i32
    "tpu.region"() ({
      %run_scoped3A = tpu.sem_alloc : memref<!tpu.dma_semaphore, #tpu.memory_space<semaphore_mem>>
      %dma_start3A = arith.constant 0 : i32
      %dma_start3A_53 = tpu.memref_slice %arg13[%add3A_36, %dma_start3A] : memref<10240x128xf32, #tpu.memory_space<vmem_shared>> -> memref<128x128xf32, #tpu.memory_space<vmem_shared>>
      %dma_start3A_54 = arith.constant 0 : i32
      %dma_start3A_55 = tpu.memref_slice %arg13[%add3A_36, %dma_start3A_54] : memref<10240x128xf32, #tpu.memory_space<vmem_shared>> -> memref<128x128xf32, #tpu.memory_space<vmem_shared>>
      tpu.enqueue_dma source(%dma_start3A_55 : memref<128x128xf32, #tpu.memory_space<vmem_shared>>) target(%arg11 : memref<128x128xf32, #tpu.memory_space<vmem>>) target_semaphore(%run_scoped3A : memref<!tpu.dma_semaphore, #tpu.memory_space<semaphore_mem>>)
      %dma_wait3A = arith.constant 0 : i32
      %dma_wait3A_56 = tpu.memref_slice %arg13[%add3A_36, %dma_wait3A] : memref<10240x128xf32, #tpu.memory_space<vmem_shared>> -> memref<128x128xf32, #tpu.memory_space<vmem_shared>>
      %dma_wait3A_57 = arith.constant 0 : i32
      %dma_wait3A_58 = tpu.memref_slice %arg13[%add3A_36, %dma_wait3A_57] : memref<10240x128xf32, #tpu.memory_space<vmem_shared>> -> memref<128x128xf32, #tpu.memory_space<vmem_shared>>
      tpu.wait_dma2 semaphore(%run_scoped3A : memref<!tpu.dma_semaphore, #tpu.memory_space<semaphore_mem>>) src(%dma_wait3A_58 : memref<128x128xf32, #tpu.memory_space<vmem_shared>>) dst(%arg11 : memref<128x128xf32, #tpu.memory_space<vmem>>)
      tpu.yield
    }) : () -> ()
    "tpu.region"() ({
      %run_scoped3A = tpu.sem_alloc : memref<!tpu.dma_semaphore, #tpu.memory_space<semaphore_mem>>
      %dma_start3A = arith.constant 0 : i32
      %dma_start3A_53 = tpu.memref_slice %arg6[%arg0, %add3A_36, %dma_start3A] : memref<2x10240x128xf32, #tpu.memory_space<hbm>> -> memref<1x128x128xf32, #tpu.memory_space<hbm>>
      %dma_start3A_54 = tpu.memref_squeeze %dma_start3A_53 : memref<1x128x128xf32, #tpu.memory_space<hbm>> -> memref<128x128xf32, #tpu.memory_space<hbm>>
      %dma_start3A_55 = arith.constant 0 : i32
      %dma_start3A_56 = tpu.memref_slice %arg6[%arg0, %add3A_36, %dma_start3A_55] : memref<2x10240x128xf32, #tpu.memory_space<hbm>> -> memref<1x128x128xf32, #tpu.memory_space<hbm>>
      %dma_start3A_57 = tpu.memref_squeeze %dma_start3A_56 : memref<1x128x128xf32, #tpu.memory_space<hbm>> -> memref<128x128xf32, #tpu.memory_space<hbm>>
      tpu.enqueue_dma source(%arg11 : memref<128x128xf32, #tpu.memory_space<vmem>>) target(%dma_start3A_57 : memref<128x128xf32, #tpu.memory_space<hbm>>) target_semaphore(%run_scoped3A : memref<!tpu.dma_semaphore, #tpu.memory_space<semaphore_mem>>)
      %dma_wait3A = arith.constant 0 : i32
      %dma_wait3A_58 = tpu.memref_slice %arg6[%arg0, %add3A_36, %dma_wait3A] : memref<2x10240x128xf32, #tpu.memory_space<hbm>> -> memref<1x128x128xf32, #tpu.memory_space<hbm>>
      %dma_wait3A_59 = tpu.memref_squeeze %dma_wait3A_58 : memref<1x128x128xf32, #tpu.memory_space<hbm>> -> memref<128x128xf32, #tpu.memory_space<hbm>>
      %dma_wait3A_60 = arith.constant 0 : i32
      %dma_wait3A_61 = tpu.memref_slice %arg6[%arg0, %add3A_36, %dma_wait3A_60] : memref<2x10240x128xf32, #tpu.memory_space<hbm>> -> memref<1x128x128xf32, #tpu.memory_space<hbm>>
      %dma_wait3A_62 = tpu.memref_squeeze %dma_wait3A_61 : memref<1x128x128xf32, #tpu.memory_space<hbm>> -> memref<128x128xf32, #tpu.memory_space<hbm>>
      tpu.wait_dma2 semaphore(%run_scoped3A : memref<!tpu.dma_semaphore, #tpu.memory_space<semaphore_mem>>) src(%arg11 : memref<128x128xf32, #tpu.memory_space<vmem>>) dst(%dma_wait3A_62 : memref<128x128xf32, #tpu.memory_space<hbm>>)
      tpu.yield
    }) : () -> ()
    %mul3A_37 = arith.constant 640 : i32
    %mul3A_38 = arith.muli %arg1, %mul3A_37 : i32
    %add3A_39 = arith.constant 128 : i32
    %add3A_40 = arith.addi %mul3A_38, %add3A_39 : i32
    "tpu.region"() ({
      %run_scoped3A = tpu.sem_alloc : memref<!tpu.dma_semaphore, #tpu.memory_space<semaphore_mem>>
      %dma_start3A = arith.constant 0 : i32
      %dma_start3A_53 = tpu.memref_slice %arg13[%add3A_40, %dma_start3A] : memref<10240x128xf32, #tpu.memory_space<vmem_shared>> -> memref<128x128xf32, #tpu.memory_space<vmem_shared>>
      %dma_start3A_54 = arith.constant 0 : i32
      %dma_start3A_55 = tpu.memref_slice %arg13[%add3A_40, %dma_start3A_54] : memref<10240x128xf32, #tpu.memory_space<vmem_shared>> -> memref<128x128xf32, #tpu.memory_space<vmem_shared>>
      tpu.enqueue_dma source(%dma_start3A_55 : memref<128x128xf32, #tpu.memory_space<vmem_shared>>) target(%arg11 : memref<128x128xf32, #tpu.memory_space<vmem>>) target_semaphore(%run_scoped3A : memref<!tpu.dma_semaphore, #tpu.memory_space<semaphore_mem>>)
      %dma_wait3A = arith.constant 0 : i32
      %dma_wait3A_56 = tpu.memref_slice %arg13[%add3A_40, %dma_wait3A] : memref<10240x128xf32, #tpu.memory_space<vmem_shared>> -> memref<128x128xf32, #tpu.memory_space<vmem_shared>>
      %dma_wait3A_57 = arith.constant 0 : i32
      %dma_wait3A_58 = tpu.memref_slice %arg13[%add3A_40, %dma_wait3A_57] : memref<10240x128xf32, #tpu.memory_space<vmem_shared>> -> memref<128x128xf32, #tpu.memory_space<vmem_shared>>
      tpu.wait_dma2 semaphore(%run_scoped3A : memref<!tpu.dma_semaphore, #tpu.memory_space<semaphore_mem>>) src(%dma_wait3A_58 : memref<128x128xf32, #tpu.memory_space<vmem_shared>>) dst(%arg11 : memref<128x128xf32, #tpu.memory_space<vmem>>)
      tpu.yield
    }) : () -> ()
    "tpu.region"() ({
      %run_scoped3A = tpu.sem_alloc : memref<!tpu.dma_semaphore, #tpu.memory_space<semaphore_mem>>
      %dma_start3A = arith.constant 0 : i32
      %dma_start3A_53 = tpu.memref_slice %arg6[%arg0, %add3A_40, %dma_start3A] : memref<2x10240x128xf32, #tpu.memory_space<hbm>> -> memref<1x128x128xf32, #tpu.memory_space<hbm>>
      %dma_start3A_54 = tpu.memref_squeeze %dma_start3A_53 : memref<1x128x128xf32, #tpu.memory_space<hbm>> -> memref<128x128xf32, #tpu.memory_space<hbm>>
      %dma_start3A_55 = arith.constant 0 : i32
      %dma_start3A_56 = tpu.memref_slice %arg6[%arg0, %add3A_40, %dma_start3A_55] : memref<2x10240x128xf32, #tpu.memory_space<hbm>> -> memref<1x128x128xf32, #tpu.memory_space<hbm>>
      %dma_start3A_57 = tpu.memref_squeeze %dma_start3A_56 : memref<1x128x128xf32, #tpu.memory_space<hbm>> -> memref<128x128xf32, #tpu.memory_space<hbm>>
      tpu.enqueue_dma source(%arg11 : memref<128x128xf32, #tpu.memory_space<vmem>>) target(%dma_start3A_57 : memref<128x128xf32, #tpu.memory_space<hbm>>) target_semaphore(%run_scoped3A : memref<!tpu.dma_semaphore, #tpu.memory_space<semaphore_mem>>)
      %dma_wait3A = arith.constant 0 : i32
      %dma_wait3A_58 = tpu.memref_slice %arg6[%arg0, %add3A_40, %dma_wait3A] : memref<2x10240x128xf32, #tpu.memory_space<hbm>> -> memref<1x128x128xf32, #tpu.memory_space<hbm>>
      %dma_wait3A_59 = tpu.memref_squeeze %dma_wait3A_58 : memref<1x128x128xf32, #tpu.memory_space<hbm>> -> memref<128x128xf32, #tpu.memory_space<hbm>>
      %dma_wait3A_60 = arith.constant 0 : i32
      %dma_wait3A_61 = tpu.memref_slice %arg6[%arg0, %add3A_40, %dma_wait3A_60] : memref<2x10240x128xf32, #tpu.memory_space<hbm>> -> memref<1x128x128xf32, #tpu.memory_space<hbm>>
      %dma_wait3A_62 = tpu.memref_squeeze %dma_wait3A_61 : memref<1x128x128xf32, #tpu.memory_space<hbm>> -> memref<128x128xf32, #tpu.memory_space<hbm>>
      tpu.wait_dma2 semaphore(%run_scoped3A : memref<!tpu.dma_semaphore, #tpu.memory_space<semaphore_mem>>) src(%arg11 : memref<128x128xf32, #tpu.memory_space<vmem>>) dst(%dma_wait3A_62 : memref<128x128xf32, #tpu.memory_space<hbm>>)
      tpu.yield
    }) : () -> ()
    %mul3A_41 = arith.constant 640 : i32
    %mul3A_42 = arith.muli %arg1, %mul3A_41 : i32
    %add3A_43 = arith.constant 256 : i32
    %add3A_44 = arith.addi %mul3A_42, %add3A_43 : i32
    "tpu.region"() ({
      %run_scoped3A = tpu.sem_alloc : memref<!tpu.dma_semaphore, #tpu.memory_space<semaphore_mem>>
      %dma_start3A = arith.constant 0 : i32
      %dma_start3A_53 = tpu.memref_slice %arg13[%add3A_44, %dma_start3A] : memref<10240x128xf32, #tpu.memory_space<vmem_shared>> -> memref<128x128xf32, #tpu.memory_space<vmem_shared>>
      %dma_start3A_54 = arith.constant 0 : i32
      %dma_start3A_55 = tpu.memref_slice %arg13[%add3A_44, %dma_start3A_54] : memref<10240x128xf32, #tpu.memory_space<vmem_shared>> -> memref<128x128xf32, #tpu.memory_space<vmem_shared>>
      tpu.enqueue_dma source(%dma_start3A_55 : memref<128x128xf32, #tpu.memory_space<vmem_shared>>) target(%arg11 : memref<128x128xf32, #tpu.memory_space<vmem>>) target_semaphore(%run_scoped3A : memref<!tpu.dma_semaphore, #tpu.memory_space<semaphore_mem>>)
      %dma_wait3A = arith.constant 0 : i32
      %dma_wait3A_56 = tpu.memref_slice %arg13[%add3A_44, %dma_wait3A] : memref<10240x128xf32, #tpu.memory_space<vmem_shared>> -> memref<128x128xf32, #tpu.memory_space<vmem_shared>>
      %dma_wait3A_57 = arith.constant 0 : i32
      %dma_wait3A_58 = tpu.memref_slice %arg13[%add3A_44, %dma_wait3A_57] : memref<10240x128xf32, #tpu.memory_space<vmem_shared>> -> memref<128x128xf32, #tpu.memory_space<vmem_shared>>
      tpu.wait_dma2 semaphore(%run_scoped3A : memref<!tpu.dma_semaphore, #tpu.memory_space<semaphore_mem>>) src(%dma_wait3A_58 : memref<128x128xf32, #tpu.memory_space<vmem_shared>>) dst(%arg11 : memref<128x128xf32, #tpu.memory_space<vmem>>)
      tpu.yield
    }) : () -> ()
    "tpu.region"() ({
      %run_scoped3A = tpu.sem_alloc : memref<!tpu.dma_semaphore, #tpu.memory_space<semaphore_mem>>
      %dma_start3A = arith.constant 0 : i32
      %dma_start3A_53 = tpu.memref_slice %arg6[%arg0, %add3A_44, %dma_start3A] : memref<2x10240x128xf32, #tpu.memory_space<hbm>> -> memref<1x128x128xf32, #tpu.memory_space<hbm>>
      %dma_start3A_54 = tpu.memref_squeeze %dma_start3A_53 : memref<1x128x128xf32, #tpu.memory_space<hbm>> -> memref<128x128xf32, #tpu.memory_space<hbm>>
      %dma_start3A_55 = arith.constant 0 : i32
      %dma_start3A_56 = tpu.memref_slice %arg6[%arg0, %add3A_44, %dma_start3A_55] : memref<2x10240x128xf32, #tpu.memory_space<hbm>> -> memref<1x128x128xf32, #tpu.memory_space<hbm>>
      %dma_start3A_57 = tpu.memref_squeeze %dma_start3A_56 : memref<1x128x128xf32, #tpu.memory_space<hbm>> -> memref<128x128xf32, #tpu.memory_space<hbm>>
      tpu.enqueue_dma source(%arg11 : memref<128x128xf32, #tpu.memory_space<vmem>>) target(%dma_start3A_57 : memref<128x128xf32, #tpu.memory_space<hbm>>) target_semaphore(%run_scoped3A : memref<!tpu.dma_semaphore, #tpu.memory_space<semaphore_mem>>)
      %dma_wait3A = arith.constant 0 : i32
      %dma_wait3A_58 = tpu.memref_slice %arg6[%arg0, %add3A_44, %dma_wait3A] : memref<2x10240x128xf32, #tpu.memory_space<hbm>> -> memref<1x128x128xf32, #tpu.memory_space<hbm>>
      %dma_wait3A_59 = tpu.memref_squeeze %dma_wait3A_58 : memref<1x128x128xf32, #tpu.memory_space<hbm>> -> memref<128x128xf32, #tpu.memory_space<hbm>>
      %dma_wait3A_60 = arith.constant 0 : i32
      %dma_wait3A_61 = tpu.memref_slice %arg6[%arg0, %add3A_44, %dma_wait3A_60] : memref<2x10240x128xf32, #tpu.memory_space<hbm>> -> memref<1x128x128xf32, #tpu.memory_space<hbm>>
      %dma_wait3A_62 = tpu.memref_squeeze %dma_wait3A_61 : memref<1x128x128xf32, #tpu.memory_space<hbm>> -> memref<128x128xf32, #tpu.memory_space<hbm>>
      tpu.wait_dma2 semaphore(%run_scoped3A : memref<!tpu.dma_semaphore, #tpu.memory_space<semaphore_mem>>) src(%arg11 : memref<128x128xf32, #tpu.memory_space<vmem>>) dst(%dma_wait3A_62 : memref<128x128xf32, #tpu.memory_space<hbm>>)
      tpu.yield
    }) : () -> ()
    %mul3A_45 = arith.constant 640 : i32
    %mul3A_46 = arith.muli %arg1, %mul3A_45 : i32
    %add3A_47 = arith.constant 384 : i32
    %add3A_48 = arith.addi %mul3A_46, %add3A_47 : i32
    "tpu.region"() ({
      %run_scoped3A = tpu.sem_alloc : memref<!tpu.dma_semaphore, #tpu.memory_space<semaphore_mem>>
      %dma_start3A = arith.constant 0 : i32
      %dma_start3A_53 = tpu.memref_slice %arg13[%add3A_48, %dma_start3A] : memref<10240x128xf32, #tpu.memory_space<vmem_shared>> -> memref<128x128xf32, #tpu.memory_space<vmem_shared>>
      %dma_start3A_54 = arith.constant 0 : i32
      %dma_start3A_55 = tpu.memref_slice %arg13[%add3A_48, %dma_start3A_54] : memref<10240x128xf32, #tpu.memory_space<vmem_shared>> -> memref<128x128xf32, #tpu.memory_space<vmem_shared>>
      tpu.enqueue_dma source(%dma_start3A_55 : memref<128x128xf32, #tpu.memory_space<vmem_shared>>) target(%arg11 : memref<128x128xf32, #tpu.memory_space<vmem>>) target_semaphore(%run_scoped3A : memref<!tpu.dma_semaphore, #tpu.memory_space<semaphore_mem>>)
      %dma_wait3A = arith.constant 0 : i32
      %dma_wait3A_56 = tpu.memref_slice %arg13[%add3A_48, %dma_wait3A] : memref<10240x128xf32, #tpu.memory_space<vmem_shared>> -> memref<128x128xf32, #tpu.memory_space<vmem_shared>>
      %dma_wait3A_57 = arith.constant 0 : i32
      %dma_wait3A_58 = tpu.memref_slice %arg13[%add3A_48, %dma_wait3A_57] : memref<10240x128xf32, #tpu.memory_space<vmem_shared>> -> memref<128x128xf32, #tpu.memory_space<vmem_shared>>
      tpu.wait_dma2 semaphore(%run_scoped3A : memref<!tpu.dma_semaphore, #tpu.memory_space<semaphore_mem>>) src(%dma_wait3A_58 : memref<128x128xf32, #tpu.memory_space<vmem_shared>>) dst(%arg11 : memref<128x128xf32, #tpu.memory_space<vmem>>)
      tpu.yield
    }) : () -> ()
    "tpu.region"() ({
      %run_scoped3A = tpu.sem_alloc : memref<!tpu.dma_semaphore, #tpu.memory_space<semaphore_mem>>
      %dma_start3A = arith.constant 0 : i32
      %dma_start3A_53 = tpu.memref_slice %arg6[%arg0, %add3A_48, %dma_start3A] : memref<2x10240x128xf32, #tpu.memory_space<hbm>> -> memref<1x128x128xf32, #tpu.memory_space<hbm>>
      %dma_start3A_54 = tpu.memref_squeeze %dma_start3A_53 : memref<1x128x128xf32, #tpu.memory_space<hbm>> -> memref<128x128xf32, #tpu.memory_space<hbm>>
      %dma_start3A_55 = arith.constant 0 : i32
      %dma_start3A_56 = tpu.memref_slice %arg6[%arg0, %add3A_48, %dma_start3A_55] : memref<2x10240x128xf32, #tpu.memory_space<hbm>> -> memref<1x128x128xf32, #tpu.memory_space<hbm>>
      %dma_start3A_57 = tpu.memref_squeeze %dma_start3A_56 : memref<1x128x128xf32, #tpu.memory_space<hbm>> -> memref<128x128xf32, #tpu.memory_space<hbm>>
      tpu.enqueue_dma source(%arg11 : memref<128x128xf32, #tpu.memory_space<vmem>>) target(%dma_start3A_57 : memref<128x128xf32, #tpu.memory_space<hbm>>) target_semaphore(%run_scoped3A : memref<!tpu.dma_semaphore, #tpu.memory_space<semaphore_mem>>)
      %dma_wait3A = arith.constant 0 : i32
      %dma_wait3A_58 = tpu.memref_slice %arg6[%arg0, %add3A_48, %dma_wait3A] : memref<2x10240x128xf32, #tpu.memory_space<hbm>> -> memref<1x128x128xf32, #tpu.memory_space<hbm>>
      %dma_wait3A_59 = tpu.memref_squeeze %dma_wait3A_58 : memref<1x128x128xf32, #tpu.memory_space<hbm>> -> memref<128x128xf32, #tpu.memory_space<hbm>>
      %dma_wait3A_60 = arith.constant 0 : i32
      %dma_wait3A_61 = tpu.memref_slice %arg6[%arg0, %add3A_48, %dma_wait3A_60] : memref<2x10240x128xf32, #tpu.memory_space<hbm>> -> memref<1x128x128xf32, #tpu.memory_space<hbm>>
      %dma_wait3A_62 = tpu.memref_squeeze %dma_wait3A_61 : memref<1x128x128xf32, #tpu.memory_space<hbm>> -> memref<128x128xf32, #tpu.memory_space<hbm>>
      tpu.wait_dma2 semaphore(%run_scoped3A : memref<!tpu.dma_semaphore, #tpu.memory_space<semaphore_mem>>) src(%arg11 : memref<128x128xf32, #tpu.memory_space<vmem>>) dst(%dma_wait3A_62 : memref<128x128xf32, #tpu.memory_space<hbm>>)
      tpu.yield
    }) : () -> ()
    %mul3A_49 = arith.constant 640 : i32
    %mul3A_50 = arith.muli %arg1, %mul3A_49 : i32
    %add3A_51 = arith.constant 512 : i32
    %add3A_52 = arith.addi %mul3A_50, %add3A_51 : i32
    "tpu.region"() ({
      %run_scoped3A = tpu.sem_alloc : memref<!tpu.dma_semaphore, #tpu.memory_space<semaphore_mem>>
      %dma_start3A = arith.constant 0 : i32
      %dma_start3A_53 = tpu.memref_slice %arg13[%add3A_52, %dma_start3A] : memref<10240x128xf32, #tpu.memory_space<vmem_shared>> -> memref<128x128xf32, #tpu.memory_space<vmem_shared>>
      %dma_start3A_54 = arith.constant 0 : i32
      %dma_start3A_55 = tpu.memref_slice %arg13[%add3A_52, %dma_start3A_54] : memref<10240x128xf32, #tpu.memory_space<vmem_shared>> -> memref<128x128xf32, #tpu.memory_space<vmem_shared>>
      tpu.enqueue_dma source(%dma_start3A_55 : memref<128x128xf32, #tpu.memory_space<vmem_shared>>) target(%arg11 : memref<128x128xf32, #tpu.memory_space<vmem>>) target_semaphore(%run_scoped3A : memref<!tpu.dma_semaphore, #tpu.memory_space<semaphore_mem>>)
      %dma_wait3A = arith.constant 0 : i32
      %dma_wait3A_56 = tpu.memref_slice %arg13[%add3A_52, %dma_wait3A] : memref<10240x128xf32, #tpu.memory_space<vmem_shared>> -> memref<128x128xf32, #tpu.memory_space<vmem_shared>>
      %dma_wait3A_57 = arith.constant 0 : i32
      %dma_wait3A_58 = tpu.memref_slice %arg13[%add3A_52, %dma_wait3A_57] : memref<10240x128xf32, #tpu.memory_space<vmem_shared>> -> memref<128x128xf32, #tpu.memory_space<vmem_shared>>
      tpu.wait_dma2 semaphore(%run_scoped3A : memref<!tpu.dma_semaphore, #tpu.memory_space<semaphore_mem>>) src(%dma_wait3A_58 : memref<128x128xf32, #tpu.memory_space<vmem_shared>>) dst(%arg11 : memref<128x128xf32, #tpu.memory_space<vmem>>)
      tpu.yield
    }) : () -> ()
    "tpu.region"() ({
      %run_scoped3A = tpu.sem_alloc : memref<!tpu.dma_semaphore, #tpu.memory_space<semaphore_mem>>
      %dma_start3A = arith.constant 0 : i32
      %dma_start3A_53 = tpu.memref_slice %arg6[%arg0, %add3A_52, %dma_start3A] : memref<2x10240x128xf32, #tpu.memory_space<hbm>> -> memref<1x128x128xf32, #tpu.memory_space<hbm>>
      %dma_start3A_54 = tpu.memref_squeeze %dma_start3A_53 : memref<1x128x128xf32, #tpu.memory_space<hbm>> -> memref<128x128xf32, #tpu.memory_space<hbm>>
      %dma_start3A_55 = arith.constant 0 : i32
      %dma_start3A_56 = tpu.memref_slice %arg6[%arg0, %add3A_52, %dma_start3A_55] : memref<2x10240x128xf32, #tpu.memory_space<hbm>> -> memref<1x128x128xf32, #tpu.memory_space<hbm>>
      %dma_start3A_57 = tpu.memref_squeeze %dma_start3A_56 : memref<1x128x128xf32, #tpu.memory_space<hbm>> -> memref<128x128xf32, #tpu.memory_space<hbm>>
      tpu.enqueue_dma source(%arg11 : memref<128x128xf32, #tpu.memory_space<vmem>>) target(%dma_start3A_57 : memref<128x128xf32, #tpu.memory_space<hbm>>) target_semaphore(%run_scoped3A : memref<!tpu.dma_semaphore, #tpu.memory_space<semaphore_mem>>)
      %dma_wait3A = arith.constant 0 : i32
      %dma_wait3A_58 = tpu.memref_slice %arg6[%arg0, %add3A_52, %dma_wait3A] : memref<2x10240x128xf32, #tpu.memory_space<hbm>> -> memref<1x128x128xf32, #tpu.memory_space<hbm>>
      %dma_wait3A_59 = tpu.memref_squeeze %dma_wait3A_58 : memref<1x128x128xf32, #tpu.memory_space<hbm>> -> memref<128x128xf32, #tpu.memory_space<hbm>>
      %dma_wait3A_60 = arith.constant 0 : i32
      %dma_wait3A_61 = tpu.memref_slice %arg6[%arg0, %add3A_52, %dma_wait3A_60] : memref<2x10240x128xf32, #tpu.memory_space<hbm>> -> memref<1x128x128xf32, #tpu.memory_space<hbm>>
      %dma_wait3A_62 = tpu.memref_squeeze %dma_wait3A_61 : memref<1x128x128xf32, #tpu.memory_space<hbm>> -> memref<128x128xf32, #tpu.memory_space<hbm>>
      tpu.wait_dma2 semaphore(%run_scoped3A : memref<!tpu.dma_semaphore, #tpu.memory_space<semaphore_mem>>) src(%arg11 : memref<128x128xf32, #tpu.memory_space<vmem>>) dst(%dma_wait3A_62 : memref<128x128xf32, #tpu.memory_space<hbm>>)
      tpu.yield
    }) : () -> ()
    return
  }
}

module attributes {stable_mosaic.version = 14 : i64} {
  func.func @_edge_enc_body(%arg0: i32, %arg1: memref<2560x16xf32, #tpu.memory_space<vmem>>, %arg2: memref<17x64xf32, #tpu.memory_space<vmem>>, %arg3: memref<1x64xf32, #tpu.memory_space<vmem>>, %arg4: memref<64x64xf32, #tpu.memory_space<vmem>>, %arg5: memref<1x64xf32, #tpu.memory_space<vmem>>, %arg6: memref<2560x64xf32, #tpu.memory_space<vmem>>) attributes {dimension_semantics = [#tpu.dimension_semantics<arbitrary>], iteration_bounds = array<i64: 125>, scalar_prefetch = 0 : i64, scratch_operands = 0 : i64, tpu.core_type = #tpu.core_type<tc>, window_params = [{transform_indices = @transform_0, window_bounds = array<i64: 2560, 16>}, {pipeline_mode = #tpu.pipeline_mode<synchronous>, transform_indices = @transform_1, window_bounds = array<i64: 17, 64>}, {pipeline_mode = #tpu.pipeline_mode<synchronous>, transform_indices = @transform_2, window_bounds = array<i64: 1, 64>}, {pipeline_mode = #tpu.pipeline_mode<synchronous>, transform_indices = @transform_3, window_bounds = array<i64: 64, 64>}, {pipeline_mode = #tpu.pipeline_mode<synchronous>, transform_indices = @transform_4, window_bounds = array<i64: 1, 64>}, {transform_indices = @transform_5, window_bounds = array<i64: 2560, 64>}]} {
    %get3A = arith.constant 0 : index
    %get3A_0 = arith.constant 0 : index
    %get3A_1 = vector.load %arg1[%get3A, %get3A_0] : memref<2560x16xf32, #tpu.memory_space<vmem>>, vector<2560x16xf32>
    %slice3A = vector.extract_strided_slice %get3A_1 {offsets = [0, 0], sizes = [2560, 1], strides = [1, 1]} : vector<2560x16xf32> to vector<2560x1xf32>
    %squeeze3A = vector.shape_cast %slice3A : vector<2560x1xf32> to vector<2560xf32>
    %mul3A = arith.constant 1.500000e+00 : f32
    %mul3A_2 = vector.broadcast %mul3A : f32 to vector<2560xf32>
    %mul3A_3 = arith.mulf %mul3A_2, %squeeze3A : vector<2560xf32>
    %slice3A_4 = vector.extract_strided_slice %get3A_1 {offsets = [0, 1], sizes = [2560, 1], strides = [1, 1]} : vector<2560x16xf32> to vector<2560x1xf32>
    %squeeze3A_5 = vector.shape_cast %slice3A_4 : vector<2560x1xf32> to vector<2560xf32>
    %mul3A_6 = arith.constant 0.699999988 : f32
    %mul3A_7 = vector.broadcast %mul3A_6 : f32 to vector<2560xf32>
    %mul3A_8 = arith.mulf %mul3A_7, %squeeze3A_5 : vector<2560xf32>
    %add3A = arith.addf %mul3A_3, %mul3A_8 : vector<2560xf32>
    %slice3A_9 = vector.extract_strided_slice %get3A_1 {offsets = [0, 2], sizes = [2560, 1], strides = [1, 1]} : vector<2560x16xf32> to vector<2560x1xf32>
    %squeeze3A_10 = vector.shape_cast %slice3A_9 : vector<2560x1xf32> to vector<2560xf32>
    %mul3A_11 = arith.constant 6.000000e-01 : f32
    %mul3A_12 = vector.broadcast %mul3A_11 : f32 to vector<2560xf32>
    %mul3A_13 = arith.mulf %mul3A_12, %squeeze3A_10 : vector<2560xf32>
    %add3A_14 = arith.addf %add3A, %mul3A_13 : vector<2560xf32>
    %slice3A_15 = vector.extract_strided_slice %get3A_1 {offsets = [0, 3], sizes = [2560, 1], strides = [1, 1]} : vector<2560x16xf32> to vector<2560x1xf32>
    %squeeze3A_16 = vector.shape_cast %slice3A_15 : vector<2560x1xf32> to vector<2560xf32>
    %mul3A_17 = arith.constant 5.000000e-01 : f32
    %mul3A_18 = vector.broadcast %mul3A_17 : f32 to vector<2560xf32>
    %mul3A_19 = arith.mulf %mul3A_18, %squeeze3A_16 : vector<2560xf32>
    %add3A_20 = arith.addf %add3A_14, %mul3A_19 : vector<2560xf32>
    %slice3A_21 = vector.extract_strided_slice %get3A_1 {offsets = [0, 4], sizes = [2560, 1], strides = [1, 1]} : vector<2560x16xf32> to vector<2560x1xf32>
    %squeeze3A_22 = vector.shape_cast %slice3A_21 : vector<2560x1xf32> to vector<2560xf32>
    %mul3A_23 = arith.constant 0.899999976 : f32
    %mul3A_24 = vector.broadcast %mul3A_23 : f32 to vector<2560xf32>
    %mul3A_25 = arith.mulf %mul3A_24, %squeeze3A_22 : vector<2560xf32>
    %sub3A = arith.subf %add3A_20, %mul3A_25 : vector<2560xf32>
    %slice3A_26 = vector.extract_strided_slice %get3A_1 {offsets = [0, 5], sizes = [2560, 1], strides = [1, 1]} : vector<2560x16xf32> to vector<2560x1xf32>
    %squeeze3A_27 = vector.shape_cast %slice3A_26 : vector<2560x1xf32> to vector<2560xf32>
    %mul3A_28 = arith.constant 0.699999988 : f32
    %mul3A_29 = vector.broadcast %mul3A_28 : f32 to vector<2560xf32>
    %mul3A_30 = arith.mulf %mul3A_29, %squeeze3A_27 : vector<2560xf32>
    %sub3A_31 = arith.subf %sub3A, %mul3A_30 : vector<2560xf32>
    %slice3A_32 = vector.extract_strided_slice %get3A_1 {offsets = [0, 6], sizes = [2560, 1], strides = [1, 1]} : vector<2560x16xf32> to vector<2560x1xf32>
    %squeeze3A_33 = vector.shape_cast %slice3A_32 : vector<2560x1xf32> to vector<2560xf32>
    %mul3A_34 = arith.constant 4.500000e-01 : f32
    %mul3A_35 = vector.broadcast %mul3A_34 : f32 to vector<2560xf32>
    %mul3A_36 = arith.mulf %mul3A_35, %squeeze3A_33 : vector<2560xf32>
    %sub3A_37 = arith.subf %sub3A_31, %mul3A_36 : vector<2560xf32>
    %slice3A_38 = vector.extract_strided_slice %get3A_1 {offsets = [0, 7], sizes = [2560, 1], strides = [1, 1]} : vector<2560x16xf32> to vector<2560x1xf32>
    %squeeze3A_39 = vector.shape_cast %slice3A_38 : vector<2560x1xf32> to vector<2560xf32>
    %mul3A_40 = arith.constant 1.500000e-01 : f32
    %mul3A_41 = vector.broadcast %mul3A_40 : f32 to vector<2560xf32>
    %mul3A_42 = arith.mulf %mul3A_41, %squeeze3A_39 : vector<2560xf32>
    %add3A_43 = arith.addf %sub3A_37, %mul3A_42 : vector<2560xf32>
    %broadcast_in_dim3A = vector.shape_cast %add3A_43 : vector<2560xf32> to vector<2560x1xf32>
    %concatenate3A = tpu.concatenate %get3A_1, %broadcast_in_dim3A in 1 : vector<2560x16xf32>, vector<2560x1xf32> -> vector<2560x17xf32>
    %get3A_44 = arith.constant 0 : index
    %get3A_45 = arith.constant 0 : index
    %get3A_46 = vector.load %arg2[%get3A_44, %get3A_45] : memref<17x64xf32, #tpu.memory_space<vmem>>, vector<17x64xf32>
    %dot_general3A = arith.constant dense<0.000000e+00> : vector<2560x64xf32>
    %dot_general3A_47 = tpu.matmul %concatenate3A, %get3A_46, %dot_general3A {dimension_numbers = #tpu.dot_dimension_numbers<[1], [0], [0], [1], [0, 0, 1, 1], [], []>, transpose_lhs_hint = false} : vector<2560x17xf32>, vector<17x64xf32>, vector<2560x64xf32> -> vector<2560x64xf32>
    %get3A_48 = arith.constant 0 : index
    %get3A_49 = arith.constant 0 : index
    %get3A_50 = vector.load %arg3[%get3A_48, %get3A_49] : memref<1x64xf32, #tpu.memory_space<vmem>>, vector<1x64xf32>
    %add3A_51 = vector.broadcast %get3A_50 : vector<1x64xf32> to vector<2560x64xf32>
    %add3A_52 = arith.addf %dot_general3A_47, %add3A_51 : vector<2560x64xf32>
    %max3A = arith.constant 0.000000e+00 : f32
    %max3A_53 = vector.broadcast %max3A : f32 to vector<2560x64xf32>
    %max3A_54 = arith.maximumf %add3A_52, %max3A_53 : vector<2560x64xf32>
    %get3A_55 = arith.constant 0 : index
    %get3A_56 = arith.constant 0 : index
    %get3A_57 = vector.load %arg4[%get3A_55, %get3A_56] : memref<64x64xf32, #tpu.memory_space<vmem>>, vector<64x64xf32>
    %dot_general3A_58 = arith.constant dense<0.000000e+00> : vector<2560x64xf32>
    %dot_general3A_59 = tpu.matmul %max3A_54, %get3A_57, %dot_general3A_58 {dimension_numbers = #tpu.dot_dimension_numbers<[1], [0], [0], [1], [0, 0, 1, 1], [], []>, transpose_lhs_hint = false} : vector<2560x64xf32>, vector<64x64xf32>, vector<2560x64xf32> -> vector<2560x64xf32>
    %get3A_60 = arith.constant 0 : index
    %get3A_61 = arith.constant 0 : index
    %get3A_62 = vector.load %arg5[%get3A_60, %get3A_61] : memref<1x64xf32, #tpu.memory_space<vmem>>, vector<1x64xf32>
    %add3A_63 = vector.broadcast %get3A_62 : vector<1x64xf32> to vector<2560x64xf32>
    %add3A_64 = arith.addf %dot_general3A_59, %add3A_63 : vector<2560x64xf32>
    %swap3A = arith.constant 0 : index
    %swap3A_65 = arith.constant 0 : index
    %swap3A_66 = vector.load %arg6[%swap3A, %swap3A_65] : memref<2560x64xf32, #tpu.memory_space<vmem>>, vector<2560x64xf32>
    tpu.vector_store %arg6[%swap3A, %swap3A_65], %add3A_64 {strides = array<i32>} : memref<2560x64xf32, #tpu.memory_space<vmem>>, vector<2560x64xf32>,
    return
  }
  func.func @transform_0(%arg0: i32) -> (i32, i32) {
    %c0_i32 = arith.constant 0 : i32
    %c0_i32_0 = arith.constant 0 : i32
    return %arg0, %c0_i32 : i32, i32
  }
  func.func @transform_1(%arg0: i32) -> (i32, i32) {
    %c0_i32 = arith.constant 0 : i32
    %c0_i32_0 = arith.constant 0 : i32
    %c0_i32_1 = arith.constant 0 : i32
    return %c0_i32, %c0_i32_0 : i32, i32
  }
  func.func @transform_2(%arg0: i32) -> (i32, i32) {
    %c0_i32 = arith.constant 0 : i32
    %c0_i32_0 = arith.constant 0 : i32
    %c0_i32_1 = arith.constant 0 : i32
    return %c0_i32, %c0_i32_0 : i32, i32
  }
  func.func @transform_3(%arg0: i32) -> (i32, i32) {
    %c0_i32 = arith.constant 0 : i32
    %c0_i32_0 = arith.constant 0 : i32
    %c0_i32_1 = arith.constant 0 : i32
    return %c0_i32, %c0_i32_0 : i32, i32
  }
  func.func @transform_4(%arg0: i32) -> (i32, i32) {
    %c0_i32 = arith.constant 0 : i32
    %c0_i32_0 = arith.constant 0 : i32
    %c0_i32_1 = arith.constant 0 : i32
    return %c0_i32, %c0_i32_0 : i32, i32
  }
  func.func @transform_5(%arg0: i32) -> (i32, i32) {
    %c0_i32 = arith.constant 0 : i32
    %c0_i32_0 = arith.constant 0 : i32
    return %arg0, %c0_i32 : i32, i32
  }
}

module attributes {stable_mosaic.version = 14 : i64} {
  func.func @_mlp2_pad_body(%arg0: memref<10000x128xf32, #tpu.memory_space<vmem>>, %arg1: memref<128x64xf32, #tpu.memory_space<vmem>>, %arg2: memref<1x64xf32, #tpu.memory_space<vmem>>, %arg3: memref<64x64xf32, #tpu.memory_space<vmem>>, %arg4: memref<1x64xf32, #tpu.memory_space<vmem>>, %arg5: memref<10000x128xf32, #tpu.memory_space<vmem>>) attributes {dimension_semantics = [], scalar_prefetch = 0 : i64, scratch_operands = 0 : i64, tpu.core_type = #tpu.core_type<tc>} {
    %get3A = arith.constant 0 : index
    %get3A_0 = arith.constant 0 : index
    %get3A_1 = vector.load %arg0[%get3A, %get3A_0] : memref<10000x128xf32, #tpu.memory_space<vmem>>, vector<10000x128xf32>
    %get3A_2 = arith.constant 0 : index
    %get3A_3 = arith.constant 0 : index
    %get3A_4 = vector.load %arg1[%get3A_2, %get3A_3] : memref<128x64xf32, #tpu.memory_space<vmem>>, vector<128x64xf32>
    %dot_general3A = arith.constant dense<0.000000e+00> : vector<10000x64xf32>
    %dot_general3A_5 = tpu.matmul %get3A_1, %get3A_4, %dot_general3A {dimension_numbers = #tpu.dot_dimension_numbers<[1], [0], [0], [1], [0, 0, 1, 1], [], []>, transpose_lhs_hint = false} : vector<10000x128xf32>, vector<128x64xf32>, vector<10000x64xf32> -> vector<10000x64xf32>
    %get3A_6 = arith.constant 0 : index
    %get3A_7 = arith.constant 0 : index
    %get3A_8 = vector.load %arg2[%get3A_6, %get3A_7] : memref<1x64xf32, #tpu.memory_space<vmem>>, vector<1x64xf32>
    %add3A = vector.broadcast %get3A_8 : vector<1x64xf32> to vector<10000x64xf32>
    %add3A_9 = arith.addf %dot_general3A_5, %add3A : vector<10000x64xf32>
    %max3A = arith.constant 0.000000e+00 : f32
    %max3A_10 = vector.broadcast %max3A : f32 to vector<10000x64xf32>
    %max3A_11 = arith.maximumf %add3A_9, %max3A_10 : vector<10000x64xf32>
    %get3A_12 = arith.constant 0 : index
    %get3A_13 = arith.constant 0 : index
    %get3A_14 = vector.load %arg3[%get3A_12, %get3A_13] : memref<64x64xf32, #tpu.memory_space<vmem>>, vector<64x64xf32>
    %dot_general3A_15 = arith.constant dense<0.000000e+00> : vector<10000x64xf32>
    %dot_general3A_16 = tpu.matmul %max3A_11, %get3A_14, %dot_general3A_15 {dimension_numbers = #tpu.dot_dimension_numbers<[1], [0], [0], [1], [0, 0, 1, 1], [], []>, transpose_lhs_hint = false} : vector<10000x64xf32>, vector<64x64xf32>, vector<10000x64xf32> -> vector<10000x64xf32>
    %get3A_17 = arith.constant 0 : index
    %get3A_18 = arith.constant 0 : index
    %get3A_19 = vector.load %arg4[%get3A_17, %get3A_18] : memref<1x64xf32, #tpu.memory_space<vmem>>, vector<1x64xf32>
    %add3A_20 = vector.broadcast %get3A_19 : vector<1x64xf32> to vector<10000x64xf32>
    %add3A_21 = arith.addf %dot_general3A_16, %add3A_20 : vector<10000x64xf32>
    %swap3A = arith.constant 0 : index
    %swap3A_22 = arith.constant 0 : index
    %swap3A_23 = vector.load %arg5[%swap3A, %swap3A_22] : memref<10000x128xf32, #tpu.memory_space<vmem>>, vector<10000x64xf32>
    tpu.vector_store %arg5[%swap3A, %swap3A_22], %add3A_21 {strides = array<i32>} : memref<10000x128xf32, #tpu.memory_space<vmem>>, vector<10000x64xf32>,
    %broadcast_in_dim3A = arith.constant 0.000000e+00 : f32
    %broadcast_in_dim3A_24 = vector.broadcast %broadcast_in_dim3A : f32 to vector<10000x64xf32>
    %swap3A_25 = arith.constant 0 : index
    %swap3A_26 = arith.constant 64 : index
    %swap3A_27 = vector.load %arg5[%swap3A_25, %swap3A_26] : memref<10000x128xf32, #tpu.memory_space<vmem>>, vector<10000x64xf32>
    tpu.vector_store %arg5[%swap3A_25, %swap3A_26], %broadcast_in_dim3A_24 {strides = array<i32>} : memref<10000x128xf32, #tpu.memory_space<vmem>>, vector<10000x64xf32>,
    return
  }
}

module attributes {stable_mosaic.version = 14 : i64} {
  func.func @_layer_pre_body(%arg0: memref<10000x128xf32, #tpu.memory_space<vmem>>, %arg1: memref<2x10240x128xf32, #tpu.memory_space<vmem>>, %arg2: memref<64x64xf32, #tpu.memory_space<vmem>>, %arg3: memref<1x64xf32, #tpu.memory_space<vmem>>, %arg4: memref<64x64xf32, #tpu.memory_space<vmem>>, %arg5: memref<1x64xf32, #tpu.memory_space<vmem>>, %arg6: memref<10000x64xf32, #tpu.memory_space<vmem>>) attributes {dimension_semantics = [], scalar_prefetch = 0 : i64, scratch_operands = 0 : i64, tpu.core_type = #tpu.core_type<tc>} {
    %get3A = arith.constant 0 : index
    %get3A_0 = arith.constant 0 : index
    %get3A_1 = vector.load %arg0[%get3A, %get3A_0] : memref<10000x128xf32, #tpu.memory_space<vmem>>, vector<10000x64xf32>
    %get3A_2 = arith.constant 0 : index
    %get3A_3 = arith.constant 0 : index
    %get3A_4 = arith.constant 0 : index
    %get3A_5 = vector.load %arg1[%get3A_2, %get3A_3, %get3A_4] : memref<2x10240x128xf32, #tpu.memory_space<vmem>>, vector<1x10240x128xf32>
    %get3A_6 = vector.shape_cast %get3A_5 : vector<1x10240x128xf32> to vector<10240x128xf32>
    %slice3A = vector.extract_strided_slice %get3A_6 {offsets = [0, 0], sizes = [10000, 64], strides = [1, 1]} : vector<10240x128xf32> to vector<10000x64xf32>
    %add3A = arith.addf %get3A_1, %slice3A : vector<10000x64xf32>
    %get3A_7 = arith.constant 1 : index
    %get3A_8 = arith.constant 0 : index
    %get3A_9 = arith.constant 0 : index
    %get3A_10 = vector.load %arg1[%get3A_7, %get3A_8, %get3A_9] : memref<2x10240x128xf32, #tpu.memory_space<vmem>>, vector<1x10240x128xf32>
    %get3A_11 = vector.shape_cast %get3A_10 : vector<1x10240x128xf32> to vector<10240x128xf32>
    %slice3A_12 = vector.extract_strided_slice %get3A_11 {offsets = [0, 0], sizes = [10000, 64], strides = [1, 1]} : vector<10240x128xf32> to vector<10000x64xf32>
    %add3A_13 = arith.addf %add3A, %slice3A_12 : vector<10000x64xf32>
    %get3A_14 = arith.constant 0 : index
    %get3A_15 = arith.constant 0 : index
    %get3A_16 = vector.load %arg2[%get3A_14, %get3A_15] : memref<64x64xf32, #tpu.memory_space<vmem>>, vector<64x64xf32>
    %dot_general3A = arith.constant dense<0.000000e+00> : vector<10000x64xf32>
    %dot_general3A_17 = tpu.matmul %add3A_13, %get3A_16, %dot_general3A {dimension_numbers = #tpu.dot_dimension_numbers<[1], [0], [0], [1], [0, 0, 1, 1], [], []>, transpose_lhs_hint = false} : vector<10000x64xf32>, vector<64x64xf32>, vector<10000x64xf32> -> vector<10000x64xf32>
    %get3A_18 = arith.constant 0 : index
    %get3A_19 = arith.constant 0 : index
    %get3A_20 = vector.load %arg3[%get3A_18, %get3A_19] : memref<1x64xf32, #tpu.memory_space<vmem>>, vector<1x64xf32>
    %add3A_21 = vector.broadcast %get3A_20 : vector<1x64xf32> to vector<10000x64xf32>
    %add3A_22 = arith.addf %dot_general3A_17, %add3A_21 : vector<10000x64xf32>
    %max3A = arith.constant 0.000000e+00 : f32
    %max3A_23 = vector.broadcast %max3A : f32 to vector<10000x64xf32>
    %max3A_24 = arith.maximumf %add3A_22, %max3A_23 : vector<10000x64xf32>
    %get3A_25 = arith.constant 0 : index
    %get3A_26 = arith.constant 0 : index
    %get3A_27 = vector.load %arg4[%get3A_25, %get3A_26] : memref<64x64xf32, #tpu.memory_space<vmem>>, vector<64x64xf32>
    %dot_general3A_28 = arith.constant dense<0.000000e+00> : vector<10000x64xf32>
    %dot_general3A_29 = tpu.matmul %max3A_24, %get3A_27, %dot_general3A_28 {dimension_numbers = #tpu.dot_dimension_numbers<[1], [0], [0], [1], [0, 0, 1, 1], [], []>, transpose_lhs_hint = false} : vector<10000x64xf32>, vector<64x64xf32>, vector<10000x64xf32> -> vector<10000x64xf32>
    %get3A_30 = arith.constant 0 : index
    %get3A_31 = arith.constant 0 : index
    %get3A_32 = vector.load %arg5[%get3A_30, %get3A_31] : memref<1x64xf32, #tpu.memory_space<vmem>>, vector<1x64xf32>
    %add3A_33 = vector.broadcast %get3A_32 : vector<1x64xf32> to vector<10000x64xf32>
    %add3A_34 = arith.addf %dot_general3A_29, %add3A_33 : vector<10000x64xf32>
    %swap3A = arith.constant 0 : index
    %swap3A_35 = arith.constant 0 : index
    %swap3A_36 = vector.load %arg6[%swap3A, %swap3A_35] : memref<10000x64xf32, #tpu.memory_space<vmem>>, vector<10000x64xf32>
    tpu.vector_store %arg6[%swap3A, %swap3A_35], %add3A_34 {strides = array<i32>} : memref<10000x64xf32, #tpu.memory_space<vmem>>, vector<10000x64xf32>,
    return
  }
}

module attributes {stable_mosaic.version = 14 : i64} {
  func.func @_layer_post_body(%arg0: memref<10000x128xf32, #tpu.memory_space<vmem>>, %arg1: memref<10000x64xf32, #tpu.memory_space<vmem>>, %arg2: memref<1x64xf32, #tpu.memory_space<vmem>>, %arg3: memref<1x64xf32, #tpu.memory_space<vmem>>, %arg4: memref<1x64xf32, #tpu.memory_space<vmem>>, %arg5: memref<1x64xf32, #tpu.memory_space<vmem>>, %arg6: memref<64x64xf32, #tpu.memory_space<vmem>>, %arg7: memref<1x64xf32, #tpu.memory_space<vmem>>, %arg8: memref<64x64xf32, #tpu.memory_space<vmem>>, %arg9: memref<1x64xf32, #tpu.memory_space<vmem>>, %arg10: memref<1x64xf32, #tpu.memory_space<vmem>>, %arg11: memref<1x64xf32, #tpu.memory_space<vmem>>, %arg12: memref<10000x128xf32, #tpu.memory_space<vmem>>) attributes {dimension_semantics = [], scalar_prefetch = 0 : i64, scratch_operands = 0 : i64, tpu.core_type = #tpu.core_type<tc>} {
    %get3A = arith.constant 0 : index
    %get3A_0 = arith.constant 0 : index
    %get3A_1 = vector.load %arg0[%get3A, %get3A_0] : memref<10000x128xf32, #tpu.memory_space<vmem>>, vector<10000x64xf32>
    %get3A_2 = arith.constant 0 : index
    %get3A_3 = arith.constant 0 : index
    %get3A_4 = vector.load %arg1[%get3A_2, %get3A_3] : memref<10000x64xf32, #tpu.memory_space<vmem>>, vector<10000x64xf32>
    %get3A_5 = arith.constant 0 : index
    %get3A_6 = arith.constant 0 : index
    %get3A_7 = vector.load %arg2[%get3A_5, %get3A_6] : memref<1x64xf32, #tpu.memory_space<vmem>>, vector<1x64xf32>
    %sub3A = vector.broadcast %get3A_7 : vector<1x64xf32> to vector<10000x64xf32>
    %sub3A_8 = arith.subf %get3A_4, %sub3A : vector<10000x64xf32>
    %get3A_9 = arith.constant 0 : index
    %get3A_10 = arith.constant 0 : index
    %get3A_11 = vector.load %arg3[%get3A_9, %get3A_10] : memref<1x64xf32, #tpu.memory_space<vmem>>, vector<1x64xf32>
    %add3A = arith.constant 9.99999974E-6 : f32
    %add3A_12 = vector.broadcast %add3A : f32 to vector<1x64xf32>
    %add3A_13 = arith.addf %get3A_11, %add3A_12 : vector<1x64xf32>
    %sqrt3A = math.sqrt %add3A_13 : vector<1x64xf32>
    %div3A = vector.broadcast %sqrt3A : vector<1x64xf32> to vector<10000x64xf32>
    %div3A_14 = arith.divf %sub3A_8, %div3A : vector<10000x64xf32>
    %get3A_15 = arith.constant 0 : index
    %get3A_16 = arith.constant 0 : index
    %get3A_17 = vector.load %arg4[%get3A_15, %get3A_16] : memref<1x64xf32, #tpu.memory_space<vmem>>, vector<1x64xf32>
    %mul3A = vector.broadcast %get3A_17 : vector<1x64xf32> to vector<10000x64xf32>
    %mul3A_18 = arith.mulf %div3A_14, %mul3A : vector<10000x64xf32>
    %get3A_19 = arith.constant 0 : index
    %get3A_20 = arith.constant 0 : index
    %get3A_21 = vector.load %arg5[%get3A_19, %get3A_20] : memref<1x64xf32, #tpu.memory_space<vmem>>, vector<1x64xf32>
    %add3A_22 = vector.broadcast %get3A_21 : vector<1x64xf32> to vector<10000x64xf32>
    %add3A_23 = arith.addf %mul3A_18, %add3A_22 : vector<10000x64xf32>
    %max3A = arith.constant 0.000000e+00 : f32
    %max3A_24 = vector.broadcast %max3A : f32 to vector<10000x64xf32>
    %max3A_25 = arith.maximumf %add3A_23, %max3A_24 : vector<10000x64xf32>
    %add3A_26 = arith.addf %get3A_1, %max3A_25 : vector<10000x64xf32>
    %get3A_27 = arith.constant 0 : index
    %get3A_28 = arith.constant 0 : index
    %get3A_29 = vector.load %arg6[%get3A_27, %get3A_28] : memref<64x64xf32, #tpu.memory_space<vmem>>, vector<64x64xf32>
    %dot_general3A = arith.constant dense<0.000000e+00> : vector<10000x64xf32>
    %dot_general3A_30 = tpu.matmul %add3A_26, %get3A_29, %dot_general3A {dimension_numbers = #tpu.dot_dimension_numbers<[1], [0], [0], [1], [0, 0, 1, 1], [], []>, transpose_lhs_hint = false} : vector<10000x64xf32>, vector<64x64xf32>, vector<10000x64xf32> -> vector<10000x64xf32>
    %get3A_31 = arith.constant 0 : index
    %get3A_32 = arith.constant 0 : index
    %get3A_33 = vector.load %arg7[%get3A_31, %get3A_32] : memref<1x64xf32, #tpu.memory_space<vmem>>, vector<1x64xf32>
    %add3A_34 = vector.broadcast %get3A_33 : vector<1x64xf32> to vector<10000x64xf32>
    %add3A_35 = arith.addf %dot_general3A_30, %add3A_34 : vector<10000x64xf32>
    %max3A_36 = arith.constant 0.000000e+00 : f32
    %max3A_37 = vector.broadcast %max3A_36 : f32 to vector<10000x64xf32>
    %max3A_38 = arith.maximumf %add3A_35, %max3A_37 : vector<10000x64xf32>
    %get3A_39 = arith.constant 0 : index
    %get3A_40 = arith.constant 0 : index
    %get3A_41 = vector.load %arg8[%get3A_39, %get3A_40] : memref<64x64xf32, #tpu.memory_space<vmem>>, vector<64x64xf32>
    %dot_general3A_42 = arith.constant dense<0.000000e+00> : vector<10000x64xf32>
    %dot_general3A_43 = tpu.matmul %max3A_38, %get3A_41, %dot_general3A_42 {dimension_numbers = #tpu.dot_dimension_numbers<[1], [0], [0], [1], [0, 0, 1, 1], [], []>, transpose_lhs_hint = false} : vector<10000x64xf32>, vector<64x64xf32>, vector<10000x64xf32> -> vector<10000x64xf32>
    %get3A_44 = arith.constant 0 : index
    %get3A_45 = arith.constant 0 : index
    %get3A_46 = vector.load %arg9[%get3A_44, %get3A_45] : memref<1x64xf32, #tpu.memory_space<vmem>>, vector<1x64xf32>
    %add3A_47 = vector.broadcast %get3A_46 : vector<1x64xf32> to vector<10000x64xf32>
    %add3A_48 = arith.addf %dot_general3A_43, %add3A_47 : vector<10000x64xf32>
    %add3A_49 = arith.addf %add3A_26, %add3A_48 : vector<10000x64xf32>
    %reduce_sum3A = arith.constant dense<0.000000e+00> : vector<10000xf32>
    %reduce_sum3A_50 = vector.multi_reduction <add>, %add3A_49, %reduce_sum3A [1] : vector<10000x64xf32> to vector<10000xf32>
    %broadcast_in_dim3A = vector.shape_cast %reduce_sum3A_50 : vector<10000xf32> to vector<10000x1xf32>
    %div3A_51 = arith.constant 6.400000e+01 : f32
    %div3A_52 = vector.broadcast %div3A_51 : f32 to vector<10000x1xf32>
    %div3A_53 = arith.divf %broadcast_in_dim3A, %div3A_52 : vector<10000x1xf32>
    %sub3A_54 = vector.broadcast %div3A_53 : vector<10000x1xf32> to vector<10000x64xf32>
    %sub3A_55 = arith.subf %add3A_49, %sub3A_54 : vector<10000x64xf32>
    %sub3A_56 = vector.broadcast %div3A_53 : vector<10000x1xf32> to vector<10000x64xf32>
    %sub3A_57 = arith.subf %add3A_49, %sub3A_56 : vector<10000x64xf32>
    %mul3A_58 = arith.mulf %sub3A_55, %sub3A_57 : vector<10000x64xf32>
    %reduce_sum3A_59 = arith.constant dense<0.000000e+00> : vector<10000xf32>
    %reduce_sum3A_60 = vector.multi_reduction <add>, %mul3A_58, %reduce_sum3A_59 [1] : vector<10000x64xf32> to vector<10000xf32>
    %broadcast_in_dim3A_61 = vector.shape_cast %reduce_sum3A_60 : vector<10000xf32> to vector<10000x1xf32>
    %div3A_62 = arith.constant 6.400000e+01 : f32
    %div3A_63 = vector.broadcast %div3A_62 : f32 to vector<10000x1xf32>
    %div3A_64 = arith.divf %broadcast_in_dim3A_61, %div3A_63 : vector<10000x1xf32>
    %sub3A_65 = vector.broadcast %div3A_53 : vector<10000x1xf32> to vector<10000x64xf32>
    %sub3A_66 = arith.subf %add3A_49, %sub3A_65 : vector<10000x64xf32>
    %add3A_67 = arith.constant 9.99999974E-6 : f32
    %add3A_68 = vector.broadcast %add3A_67 : f32 to vector<10000x1xf32>
    %add3A_69 = arith.addf %div3A_64, %add3A_68 : vector<10000x1xf32>
    %sqrt3A_70 = math.sqrt %add3A_69 : vector<10000x1xf32>
    %div3A_71 = vector.broadcast %sqrt3A_70 : vector<10000x1xf32> to vector<10000x64xf32>
    %div3A_72 = arith.divf %sub3A_66, %div3A_71 : vector<10000x64xf32>
    %get3A_73 = arith.constant 0 : index
    %get3A_74 = arith.constant 0 : index
    %get3A_75 = vector.load %arg10[%get3A_73, %get3A_74] : memref<1x64xf32, #tpu.memory_space<vmem>>, vector<1x64xf32>
    %mul3A_76 = vector.broadcast %get3A_75 : vector<1x64xf32> to vector<10000x64xf32>
    %mul3A_77 = arith.mulf %div3A_72, %mul3A_76 : vector<10000x64xf32>
    %get3A_78 = arith.constant 0 : index
    %get3A_79 = arith.constant 0 : index
    %get3A_80 = vector.load %arg11[%get3A_78, %get3A_79] : memref<1x64xf32, #tpu.memory_space<vmem>>, vector<1x64xf32>
    %add3A_81 = vector.broadcast %get3A_80 : vector<1x64xf32> to vector<10000x64xf32>
    %add3A_82 = arith.addf %mul3A_77, %add3A_81 : vector<10000x64xf32>
    %swap3A = arith.constant 0 : index
    %swap3A_83 = arith.constant 0 : index
    %swap3A_84 = vector.load %arg12[%swap3A, %swap3A_83] : memref<10000x128xf32, #tpu.memory_space<vmem>>, vector<10000x64xf32>
    tpu.vector_store %arg12[%swap3A, %swap3A_83], %add3A_82 {strides = array<i32>} : memref<10000x128xf32, #tpu.memory_space<vmem>>, vector<10000x64xf32>,
    %broadcast_in_dim3A_85 = arith.constant 0.000000e+00 : f32
    %broadcast_in_dim3A_86 = vector.broadcast %broadcast_in_dim3A_85 : f32 to vector<10000x64xf32>
    %swap3A_87 = arith.constant 0 : index
    %swap3A_88 = arith.constant 64 : index
    %swap3A_89 = vector.load %arg12[%swap3A_87, %swap3A_88] : memref<10000x128xf32, #tpu.memory_space<vmem>>, vector<10000x64xf32>
    tpu.vector_store %arg12[%swap3A_87, %swap3A_88], %broadcast_in_dim3A_86 {strides = array<i32>} : memref<10000x128xf32, #tpu.memory_space<vmem>>, vector<10000x64xf32>,
    return
  }
}

module attributes {stable_mosaic.version = 14 : i64} {
  func.func @_head_body(%arg0: i32, %arg1: memref<2560x128xf32, #tpu.memory_space<vmem>>, %arg2: memref<2560x64xf32, #tpu.memory_space<vmem>>, %arg3: memref<64x64xf32, #tpu.memory_space<vmem>>, %arg4: memref<64x64xf32, #tpu.memory_space<vmem>>, %arg5: memref<64x64xf32, #tpu.memory_space<vmem>>, %arg6: memref<1x64xf32, #tpu.memory_space<vmem>>, %arg7: memref<64x64xf32, #tpu.memory_space<vmem>>, %arg8: memref<64x64xf32, #tpu.memory_space<vmem>>, %arg9: memref<64x64xf32, #tpu.memory_space<vmem>>, %arg10: memref<64x64xf32, #tpu.memory_space<vmem>>, %arg11: memref<1x64xf32, #tpu.memory_space<vmem>>, %arg12: memref<64x32xf32, #tpu.memory_space<vmem>>, %arg13: memref<1x32xf32, #tpu.memory_space<vmem>>, %arg14: memref<32x1xf32, #tpu.memory_space<vmem>>, %arg15: memref<1x1xf32, #tpu.memory_space<vmem>>, %arg16: memref<2560x1xf32, #tpu.memory_space<vmem>>) attributes {dimension_semantics = [#tpu.dimension_semantics<arbitrary>], iteration_bounds = array<i64: 125>, scalar_prefetch = 0 : i64, scratch_operands = 0 : i64, tpu.core_type = #tpu.core_type<tc>, window_params = [{transform_indices = @transform_0, window_bounds = array<i64: 2560, 128>}, {transform_indices = @transform_1, window_bounds = array<i64: 2560, 64>}, {pipeline_mode = #tpu.pipeline_mode<synchronous>, transform_indices = @transform_2, window_bounds = array<i64: 64, 64>}, {pipeline_mode = #tpu.pipeline_mode<synchronous>, transform_indices = @transform_3, window_bounds = array<i64: 64, 64>}, {pipeline_mode = #tpu.pipeline_mode<synchronous>, transform_indices = @transform_4, window_bounds = array<i64: 64, 64>}, {pipeline_mode = #tpu.pipeline_mode<synchronous>, transform_indices = @transform_5, window_bounds = array<i64: 1, 64>}, {pipeline_mode = #tpu.pipeline_mode<synchronous>, transform_indices = @transform_6, window_bounds = array<i64: 64, 64>}, {pipeline_mode = #tpu.pipeline_mode<synchronous>, transform_indices = @transform_7, window_bounds = array<i64: 64, 64>}, {pipeline_mode = #tpu.pipeline_mode<synchronous>, transform_indices = @transform_8, window_bounds = array<i64: 64, 64>}, {pipeline_mode = #tpu.pipeline_mode<synchronous>, transform_indices = @transform_9, window_bounds = array<i64: 64, 64>}, {pipeline_mode = #tpu.pipeline_mode<synchronous>, transform_indices = @transform_10, window_bounds = array<i64: 1, 64>}, {pipeline_mode = #tpu.pipeline_mode<synchronous>, transform_indices = @transform_11, window_bounds = array<i64: 64, 32>}, {pipeline_mode = #tpu.pipeline_mode<synchronous>, transform_indices = @transform_12, window_bounds = array<i64: 1, 32>}, {pipeline_mode = #tpu.pipeline_mode<synchronous>, transform_indices = @transform_13, window_bounds = array<i64: 32, 1>}, {pipeline_mode = #tpu.pipeline_mode<synchronous>, transform_indices = @transform_14, window_bounds = array<i64: 1, 1>}, {transform_indices = @transform_15, window_bounds = array<i64: 2560, 1>}]} {
    %get3A = arith.constant 0 : index
    %get3A_0 = arith.constant 0 : index
    %get3A_1 = vector.load %arg1[%get3A, %get3A_0] : memref<2560x128xf32, #tpu.memory_space<vmem>>, vector<2560x64xf32>
    %get3A_2 = arith.constant 0 : index
    %get3A_3 = arith.constant 64 : index
    %get3A_4 = vector.load %arg1[%get3A_2, %get3A_3] : memref<2560x128xf32, #tpu.memory_space<vmem>>, vector<2560x64xf32>
    %get3A_5 = arith.constant 0 : index
    %get3A_6 = arith.constant 0 : index
    %get3A_7 = vector.load %arg2[%get3A_5, %get3A_6] : memref<2560x64xf32, #tpu.memory_space<vmem>>, vector<2560x64xf32>
    %get3A_8 = arith.constant 0 : index
    %get3A_9 = arith.constant 0 : index
    %get3A_10 = vector.load %arg3[%get3A_8, %get3A_9] : memref<64x64xf32, #tpu.memory_space<vmem>>, vector<64x64xf32>
    %dot_general3A = arith.constant dense<0.000000e+00> : vector<2560x64xf32>
    %dot_general3A_11 = tpu.matmul %get3A_1, %get3A_10, %dot_general3A {dimension_numbers = #tpu.dot_dimension_numbers<[1], [0], [0], [1], [0, 0, 1, 1], [], []>, transpose_lhs_hint = false} : vector<2560x64xf32>, vector<64x64xf32>, vector<2560x64xf32> -> vector<2560x64xf32>
    %get3A_12 = arith.constant 0 : index
    %get3A_13 = arith.constant 0 : index
    %get3A_14 = vector.load %arg4[%get3A_12, %get3A_13] : memref<64x64xf32, #tpu.memory_space<vmem>>, vector<64x64xf32>
    %dot_general3A_15 = arith.constant dense<0.000000e+00> : vector<2560x64xf32>
    %dot_general3A_16 = tpu.matmul %get3A_4, %get3A_14, %dot_general3A_15 {dimension_numbers = #tpu.dot_dimension_numbers<[1], [0], [0], [1], [0, 0, 1, 1], [], []>, transpose_lhs_hint = false} : vector<2560x64xf32>, vector<64x64xf32>, vector<2560x64xf32> -> vector<2560x64xf32>
    %add3A = arith.addf %dot_general3A_11, %dot_general3A_16 : vector<2560x64xf32>
    %get3A_17 = arith.constant 0 : index
    %get3A_18 = arith.constant 0 : index
    %get3A_19 = vector.load %arg5[%get3A_17, %get3A_18] : memref<64x64xf32, #tpu.memory_space<vmem>>, vector<64x64xf32>
    %dot_general3A_20 = arith.constant dense<0.000000e+00> : vector<2560x64xf32>
    %dot_general3A_21 = tpu.matmul %get3A_7, %get3A_19, %dot_general3A_20 {dimension_numbers = #tpu.dot_dimension_numbers<[1], [0], [0], [1], [0, 0, 1, 1], [], []>, transpose_lhs_hint = false} : vector<2560x64xf32>, vector<64x64xf32>, vector<2560x64xf32> -> vector<2560x64xf32>
    %add3A_22 = arith.addf %add3A, %dot_general3A_21 : vector<2560x64xf32>
    %get3A_23 = arith.constant 0 : index
    %get3A_24 = arith.constant 0 : index
    %get3A_25 = vector.load %arg6[%get3A_23, %get3A_24] : memref<1x64xf32, #tpu.memory_space<vmem>>, vector<1x64xf32>
    %add3A_26 = vector.broadcast %get3A_25 : vector<1x64xf32> to vector<2560x64xf32>
    %add3A_27 = arith.addf %add3A_22, %add3A_26 : vector<2560x64xf32>
    %logistic3A = arith.negf %add3A_27 : vector<2560x64xf32>
    %logistic3A_28 = math.exp %logistic3A : vector<2560x64xf32>
    %logistic3A_29 = arith.constant 1.000000e+00 : f32
    %logistic3A_30 = vector.broadcast %logistic3A_29 : f32 to vector<2560x64xf32>
    %logistic3A_31 = arith.addf %logistic3A_30, %logistic3A_28 : vector<2560x64xf32>
    %logistic3A_32 = arith.divf %logistic3A_30, %logistic3A_31 : vector<2560x64xf32>
    %mul3A = arith.mulf %get3A_1, %get3A_4 : vector<2560x64xf32>
    %mul3A_33 = arith.mulf %logistic3A_32, %mul3A : vector<2560x64xf32>
    %get3A_34 = arith.constant 0 : index
    %get3A_35 = arith.constant 0 : index
    %get3A_36 = vector.load %arg7[%get3A_34, %get3A_35] : memref<64x64xf32, #tpu.memory_space<vmem>>, vector<64x64xf32>
    %dot_general3A_37 = arith.constant dense<0.000000e+00> : vector<2560x64xf32>
    %dot_general3A_38 = tpu.matmul %get3A_1, %get3A_36, %dot_general3A_37 {dimension_numbers = #tpu.dot_dimension_numbers<[1], [0], [0], [1], [0, 0, 1, 1], [], []>, transpose_lhs_hint = false} : vector<2560x64xf32>, vector<64x64xf32>, vector<2560x64xf32> -> vector<2560x64xf32>
    %get3A_39 = arith.constant 0 : index
    %get3A_40 = arith.constant 0 : index
    %get3A_41 = vector.load %arg8[%get3A_39, %get3A_40] : memref<64x64xf32, #tpu.memory_space<vmem>>, vector<64x64xf32>
    %dot_general3A_42 = arith.constant dense<0.000000e+00> : vector<2560x64xf32>
    %dot_general3A_43 = tpu.matmul %get3A_4, %get3A_41, %dot_general3A_42 {dimension_numbers = #tpu.dot_dimension_numbers<[1], [0], [0], [1], [0, 0, 1, 1], [], []>, transpose_lhs_hint = false} : vector<2560x64xf32>, vector<64x64xf32>, vector<2560x64xf32> -> vector<2560x64xf32>
    %add3A_44 = arith.addf %dot_general3A_38, %dot_general3A_43 : vector<2560x64xf32>
    %get3A_45 = arith.constant 0 : index
    %get3A_46 = arith.constant 0 : index
    %get3A_47 = vector.load %arg9[%get3A_45, %get3A_46] : memref<64x64xf32, #tpu.memory_space<vmem>>, vector<64x64xf32>
    %dot_general3A_48 = arith.constant dense<0.000000e+00> : vector<2560x64xf32>
    %dot_general3A_49 = tpu.matmul %get3A_7, %get3A_47, %dot_general3A_48 {dimension_numbers = #tpu.dot_dimension_numbers<[1], [0], [0], [1], [0, 0, 1, 1], [], []>, transpose_lhs_hint = false} : vector<2560x64xf32>, vector<64x64xf32>, vector<2560x64xf32> -> vector<2560x64xf32>
    %add3A_50 = arith.addf %add3A_44, %dot_general3A_49 : vector<2560x64xf32>
    %get3A_51 = arith.constant 0 : index
    %get3A_52 = arith.constant 0 : index
    %get3A_53 = vector.load %arg10[%get3A_51, %get3A_52] : memref<64x64xf32, #tpu.memory_space<vmem>>, vector<64x64xf32>
    %dot_general3A_54 = arith.constant dense<0.000000e+00> : vector<2560x64xf32>
    %dot_general3A_55 = tpu.matmul %mul3A_33, %get3A_53, %dot_general3A_54 {dimension_numbers = #tpu.dot_dimension_numbers<[1], [0], [0], [1], [0, 0, 1, 1], [], []>, transpose_lhs_hint = false} : vector<2560x64xf32>, vector<64x64xf32>, vector<2560x64xf32> -> vector<2560x64xf32>
    %add3A_56 = arith.addf %add3A_50, %dot_general3A_55 : vector<2560x64xf32>
    %get3A_57 = arith.constant 0 : index
    %get3A_58 = arith.constant 0 : index
    %get3A_59 = vector.load %arg11[%get3A_57, %get3A_58] : memref<1x64xf32, #tpu.memory_space<vmem>>, vector<1x64xf32>
    %add3A_60 = vector.broadcast %get3A_59 : vector<1x64xf32> to vector<2560x64xf32>
    %add3A_61 = arith.addf %add3A_56, %add3A_60 : vector<2560x64xf32>
    %max3A = arith.constant 0.000000e+00 : f32
    %max3A_62 = vector.broadcast %max3A : f32 to vector<2560x64xf32>
    %max3A_63 = arith.maximumf %add3A_61, %max3A_62 : vector<2560x64xf32>
    %get3A_64 = arith.constant 0 : index
    %get3A_65 = arith.constant 0 : index
    %get3A_66 = vector.load %arg12[%get3A_64, %get3A_65] : memref<64x32xf32, #tpu.memory_space<vmem>>, vector<64x32xf32>
    %dot_general3A_67 = arith.constant dense<0.000000e+00> : vector<2560x32xf32>
    %dot_general3A_68 = tpu.matmul %max3A_63, %get3A_66, %dot_general3A_67 {dimension_numbers = #tpu.dot_dimension_numbers<[1], [0], [0], [1], [0, 0, 1, 1], [], []>, transpose_lhs_hint = false} : vector<2560x64xf32>, vector<64x32xf32>, vector<2560x32xf32> -> vector<2560x32xf32>
    %get3A_69 = arith.constant 0 : index
    %get3A_70 = arith.constant 0 : index
    %get3A_71 = vector.load %arg13[%get3A_69, %get3A_70] : memref<1x32xf32, #tpu.memory_space<vmem>>, vector<1x32xf32>
    %add3A_72 = vector.broadcast %get3A_71 : vector<1x32xf32> to vector<2560x32xf32>
    %add3A_73 = arith.addf %dot_general3A_68, %add3A_72 : vector<2560x32xf32>
    %max3A_74 = arith.constant 0.000000e+00 : f32
    %max3A_75 = vector.broadcast %max3A_74 : f32 to vector<2560x32xf32>
    %max3A_76 = arith.maximumf %add3A_73, %max3A_75 : vector<2560x32xf32>
    %get3A_77 = arith.constant 0 : index
    %get3A_78 = arith.constant 0 : index
    %get3A_79 = vector.load %arg14[%get3A_77, %get3A_78] : memref<32x1xf32, #tpu.memory_space<vmem>>, vector<32x1xf32>
    %dot_general3A_80 = arith.constant dense<0.000000e+00> : vector<2560x1xf32>
    %dot_general3A_81 = tpu.matmul %max3A_76, %get3A_79, %dot_general3A_80 {dimension_numbers = #tpu.dot_dimension_numbers<[1], [0], [0], [1], [0, 0, 1, 1], [], []>, transpose_lhs_hint = false} : vector<2560x32xf32>, vector<32x1xf32>, vector<2560x1xf32> -> vector<2560x1xf32>
    %get3A_82 = arith.constant 0 : index
    %get3A_83 = arith.constant 0 : index
    %get3A_84 = vector.load %arg15[%get3A_82, %get3A_83] : memref<1x1xf32, #tpu.memory_space<vmem>>, vector<1x1xf32>
    %add3A_85 = vector.broadcast %get3A_84 : vector<1x1xf32> to vector<2560x1xf32>
    %add3A_86 = arith.addf %dot_general3A_81, %add3A_85 : vector<2560x1xf32>
    %swap3A = arith.constant 0 : index
    %swap3A_87 = arith.constant 0 : index
    %swap3A_88 = vector.load %arg16[%swap3A, %swap3A_87] : memref<2560x1xf32, #tpu.memory_space<vmem>>, vector<2560x1xf32>
    tpu.vector_store %arg16[%swap3A, %swap3A_87], %add3A_86 {strides = array<i32>} : memref<2560x1xf32, #tpu.memory_space<vmem>>, vector<2560x1xf32>,
    return
  }
  func.func @transform_0(%arg0: i32) -> (i32, i32) {
    %c0_i32 = arith.constant 0 : i32
    %c0_i32_0 = arith.constant 0 : i32
    return %arg0, %c0_i32 : i32, i32
  }
  func.func @transform_1(%arg0: i32) -> (i32, i32) {
    %c0_i32 = arith.constant 0 : i32
    %c0_i32_0 = arith.constant 0 : i32
    return %arg0, %c0_i32 : i32, i32
  }
  func.func @transform_2(%arg0: i32) -> (i32, i32) {
    %c0_i32 = arith.constant 0 : i32
    %c0_i32_0 = arith.constant 0 : i32
    %c0_i32_1 = arith.constant 0 : i32
    return %c0_i32, %c0_i32_0 : i32, i32
  }
  func.func @transform_3(%arg0: i32) -> (i32, i32) {
    %c0_i32 = arith.constant 0 : i32
    %c0_i32_0 = arith.constant 0 : i32
    %c0_i32_1 = arith.constant 0 : i32
    return %c0_i32, %c0_i32_0 : i32, i32
  }
  func.func @transform_4(%arg0: i32) -> (i32, i32) {
    %c0_i32 = arith.constant 0 : i32
    %c0_i32_0 = arith.constant 0 : i32
    %c0_i32_1 = arith.constant 0 : i32
    return %c0_i32, %c0_i32_0 : i32, i32
  }
  func.func @transform_5(%arg0: i32) -> (i32, i32) {
    %c0_i32 = arith.constant 0 : i32
    %c0_i32_0 = arith.constant 0 : i32
    %c0_i32_1 = arith.constant 0 : i32
    return %c0_i32, %c0_i32_0 : i32, i32
  }
  func.func @transform_6(%arg0: i32) -> (i32, i32) {
    %c0_i32 = arith.constant 0 : i32
    %c0_i32_0 = arith.constant 0 : i32
    %c0_i32_1 = arith.constant 0 : i32
    return %c0_i32, %c0_i32_0 : i32, i32
  }
  func.func @transform_7(%arg0: i32) -> (i32, i32) {
    %c0_i32 = arith.constant 0 : i32
    %c0_i32_0 = arith.constant 0 : i32
    %c0_i32_1 = arith.constant 0 : i32
    return %c0_i32, %c0_i32_0 : i32, i32
  }
  func.func @transform_8(%arg0: i32) -> (i32, i32) {
    %c0_i32 = arith.constant 0 : i32
    %c0_i32_0 = arith.constant 0 : i32
    %c0_i32_1 = arith.constant 0 : i32
    return %c0_i32, %c0_i32_0 : i32, i32
  }
  func.func @transform_9(%arg0: i32) -> (i32, i32) {
    %c0_i32 = arith.constant 0 : i32
    %c0_i32_0 = arith.constant 0 : i32
    %c0_i32_1 = arith.constant 0 : i32
    return %c0_i32, %c0_i32_0 : i32, i32
  }
  func.func @transform_10(%arg0: i32) -> (i32, i32) {
    %c0_i32 = arith.constant 0 : i32
    %c0_i32_0 = arith.constant 0 : i32
    %c0_i32_1 = arith.constant 0 : i32
    return %c0_i32, %c0_i32_0 : i32, i32
  }
  func.func @transform_11(%arg0: i32) -> (i32, i32) {
    %c0_i32 = arith.constant 0 : i32
    %c0_i32_0 = arith.constant 0 : i32
    %c0_i32_1 = arith.constant 0 : i32
    return %c0_i32, %c0_i32_0 : i32, i32
  }
  func.func @transform_12(%arg0: i32) -> (i32, i32) {
    %c0_i32 = arith.constant 0 : i32
    %c0_i32_0 = arith.constant 0 : i32
    %c0_i32_1 = arith.constant 0 : i32
    return %c0_i32, %c0_i32_0 : i32, i32
  }
  func.func @transform_13(%arg0: i32) -> (i32, i32) {
    %c0_i32 = arith.constant 0 : i32
    %c0_i32_0 = arith.constant 0 : i32
    %c0_i32_1 = arith.constant 0 : i32
    return %c0_i32, %c0_i32_0 : i32, i32
  }
  func.func @transform_14(%arg0: i32) -> (i32, i32) {
    %c0_i32 = arith.constant 0 : i32
    %c0_i32_0 = arith.constant 0 : i32
    %c0_i32_1 = arith.constant 0 : i32
    return %c0_i32, %c0_i32_0 : i32, i32
  }
  func.func @transform_15(%arg0: i32) -> (i32, i32) {
    %c0_i32 = arith.constant 0 : i32
    %c0_i32_0 = arith.constant 0 : i32
    return %arg0, %c0_i32 : i32, i32
  }
}

</mosaic_0001>

<sc_bundles>
// kernel: kernel.15.cloned.1.call-start
scs
__scs_entry_jumppad:
0x0: {  	(pc) =	sbr.rel $0x88, $3  }
0x1: {  	(tag) =	ssettag $0x0;
	lr =	simm.s32 $0x1  }
0x2: {  	[smem:$0x3F7E] =	sst lr;
	_ =	strace $0xD0000000  }
0x3: {  	_ = 	snop  }
0x4: {  	_ = 	snop  }
0x5: {  	_ = 	snop  }
0x6: {  	_ = 	snop  }
0x7: {  	_ = 	snop  }
__scs_overlays_trampoline_lowered:
0x8: {  	[smem:$0x3F8D] =	sst s0  }
0x9: {  	[smem:$0x3F8E] =	sst s1  }
0xa: {  	[smem:$0x3F8F] =	sst s2  }
0xb: {  	[smem:$0x3F90] =	sst s3  }
0xc: {  	[smem:$0x3F91] =	sst s4  }
0xd: {  	[smem:$0x3F92] =	sst s5  }
0xe: {  	[smem:$0x3F93] =	sst s6  }
0xf: {  	[smem:$0x3F94] =	sst s7  }
0x10: {  	[smem:$0x3F95] =	sst s8  }
0x11: {  	[smem:$0x3F96] =	sst s9;
	s0 =	simm.s32 @!p0 $0x0  }
0x12: {  	s1 =	sld [smem:$0x3F7C];
	s0 =	simm.s32 @p0 $0x1  }
0x13: {  	[smem:$0x3F97] =	sst s0;
	s0 =	simm.s32 @!p1 $0x0  }
0x14: {  	s2 =	sld [smem:$0x3F7B];
	s0 =	simm.s32 @p1 $0x1  }
0x15: {  	[smem:$0x3F98] =	sst s0;
	s0 =	simm.s32 @!p2 $0x0  }
0x16: {  	s3 =	sld [smem:$0x3FDB];
	s0 =	simm.s32 @p2 $0x1  }
0x17: {  	s4 =	simm.s32 $0x1BF5;
	[smem:$0x3F9A] =	sst s0  }
0x18: {  	s0 =	sld [smem:$0x3F7D];
	_ =	swait.ge [sflag:s4], $0x0  }
0x19: {  	s7 =	sld [smem:$0x3F7E]  }
0x1a: {  	s8 =	sadd.s32 $0xFFFFE003, lr  }
0x1b: {  	s9 =	sadd.s32 $0xFFFFFEF7, lr;
	s5 =	simm.s32 $0xFFFFFFFF;
	p2 =	slt.u32 s8, $0xFFFFF086  }
0x1c: {  	p1 =	slt.u32 s9, $0xF7A;
	s5 =	simm.s32 @!p2 $0x0  }
0x1d: {  	s5 =	simm.s32 @p1 $0x1;
	p0 =	seq.s32 s7, s2  }
0x1e: {  	s7 =	smul.u32 @!p0 $0xF7A, s2;
	p2 =	seq.s32 @!p0 s5, $0x0  }
0x1f: {  	s9 =	smul.u32 $0xF7A, s1;
	s8 =	simm.s32 @!p0 $0x1BF5;
	p2 =	por !p2, p0  }
0x20: {  	[sflag:s8] =	ssyncset.s32 @!p0 $0xFFFFF086;
	s6 =	sadd.s32 @!p0 s3, s7;
	s7 =	simm.s32 @!p0 $0x108  }
0x21: {  	s3 =	sadd.s32 s3, s9;
	s6 =	sadd.s32 @!p0 $0x88, s6;
	s7 =	simm.s32 @p2 $0x1082  }
0x22: {  	[simem:s7], [sflag:s8] =	dma.local @!p0 [hbm:s6], $0xF7A  }
0x23: {  	s9 =	sor.u32 $0xD0000000, s2;
	s6 =	simm.s32 $0x108;
	_ =	swait.ge @!p0 [sflag:s8], $0x0  }
0x24: {  	s3 =	sadd.s32 $0x88, s3;
	s6 =	simm.s32 @!p1 $0x1082;
	[sflag:s4] =	ssyncset.s32 $0xFFFFF086  }
0x25: {  	[simem:s6], [sflag:s4] =	dma.local [hbm:s3], $0xF7A  }
0x26: {  	[smem:$0x3F7E] =	sst s1;
	(tag) =	ssettag s2;
	_ =	strace s9  }
0x27: {  	s1 =	sld [smem:$0x3F8E]  }
0x28: {  	s2 =	sld [smem:$0x3F8F]  }
0x29: {  	s4 =	sld [smem:$0x3F91]  }
0x2a: {  	p0 =	seq.s32 s5, $0x0;
	s5 =	sld [smem:$0x3F92]  }
0x2b: {  	s6 =	sld [smem:$0x3F93]  }
0x2c: {  	s7 =	sld [smem:$0x3F94]  }
0x2d: {  	s3 =	simm.s32 $0x108;
	s8 =	sld [smem:$0x3F95]  }
0x2e: {  	s3 =	simm.s32 @!p0 $0x1082;
	s9 =	sld [smem:$0x3F96]  }
0x2f: {  	lr =	sadd.s32 s0, s3;
	s0 =	sld [smem:$0x3F8D]  }
0x30: {  	s3 =	sld [smem:$0x3F90]  }
0x31: {  	[smem:$0x3F99] =	sst s10  }
0x32: {  	s10 =	sld [smem:$0x3F97];
	_ =	sdelay $0x3  }
0x33: {  	p0 =	seq.s32 s10, $0x1;
	s10 =	sld [smem:$0x3F99];
	_ =	sdelay $0x3  }
0x34: {  	[smem:$0x3F99] =	sst s10  }
0x35: {  	s10 =	sld [smem:$0x3F98];
	_ =	sdelay $0x3  }
0x36: {  	p1 =	seq.s32 s10, $0x1;
	s10 =	sld [smem:$0x3F99];
	_ =	sdelay $0x3  }
0x37: {  	[smem:$0x3F99] =	sst s10  }
0x38: {  	s10 =	sld [smem:$0x3F9A]  }
0x39: {  	_ = 	snop;
	(pc) =	sbr.ind lr, $3  }
0x3a: {  	_ = 	snop  }
0x3b: {  	_ = 	snop  }
0x3c: {  	p2 =	seq.s32 s10, $0x1;
	s10 =	sld [smem:$0x3F99]  }
0x3d: {  	_ =	shalt  }
0x3e: {  	_ =	shalt  }
0x3f: {  	_ =	shalt  }
0x40: {  	_ =	shalt  }
0x41: {  	_ =	shalt  }
0x42: {  	_ =	shalt  }
0x43: {  	_ =	shalt  }
0x44: {  	_ =	shalt  }
0x45: {  	_ =	shalt  }
0x46: {  	_ =	shalt  }
0x47: {  	_ =	shalt  }
0x48: {  	_ =	shalt  }
0x49: {  	_ =	shalt  }
0x4a: {  	_ =	shalt  }
0x4b: {  	_ =	shalt  }
0x4c: {  	_ =	shalt  }
0x4d: {  	_ =	shalt  }
0x4e: {  	_ =	shalt  }
0x4f: {  	_ =	shalt  }
0x50: {  	_ =	shalt  }
0x51: {  	_ =	shalt  }
0x52: {  	_ =	shalt  }
0x53: {  	_ =	shalt  }
0x54: {  	_ =	shalt  }
0x55: {  	_ =	shalt  }
0x56: {  	_ =	shalt  }
0x57: {  	_ =	shalt  }
0x58: {  	_ =	shalt  }
0x59: {  	_ =	shalt  }
0x5a: {  	_ =	shalt  }
0x5b: {  	_ =	shalt  }
0x5c: {  	_ =	shalt  }
0x5d: {  	_ =	shalt  }
0x5e: {  	_ =	shalt  }
0x5f: {  	_ =	shalt  }
0x60: {  	_ =	shalt  }
0x61: {  	_ =	shalt  }
0x62: {  	_ =	shalt  }
0x63: {  	_ =	shalt  }
0x64: {  	_ =	shalt  }
0x65: {  	_ =	shalt  }
0x66: {  	_ =	shalt  }
0x67: {  	_ =	shalt  }
0x68: {  	_ =	shalt  }
0x69: {  	_ =	shalt  }
0x6a: {  	_ =	shalt  }
0x6b: {  	_ =	shalt  }
0x6c: {  	_ =	shalt  }
0x6d: {  	_ =	shalt  }
0x6e: {  	_ =	shalt  }
0x6f: {  	_ =	shalt  }
0x70: {  	_ =	shalt  }
0x71: {  	_ =	shalt  }
0x72: {  	_ =	shalt  }
0x73: {  	_ =	shalt  }
0x74: {  	_ =	shalt  }
0x75: {  	_ =	shalt  }
0x76: {  	_ =	shalt  }
0x77: {  	_ =	shalt  }
0x78: {  	_ =	shalt  }
0x79: {  	_ =	shalt  }
0x7a: {  	_ =	shalt  }
0x7b: {  	_ =	shalt  }
0x7c: {  	_ =	shalt  }
0x7d: {  	_ =	shalt  }
0x7e: {  	_ =	shalt  }
0x7f: {  	_ =	shalt  }
0x80: {  	_ =	shalt  }
0x81: {  	_ =	shalt  }
0x82: {  	_ =	shalt  }
0x83: {  	_ =	shalt  }
0x84: {  	_ =	shalt  }
0x85: {  	_ =	shalt  }
0x86: {  	_ =	shalt  }
0x87: {  	_ =	shalt  }
.Lfunc_end0:
.L_simem_size_0:
called_computation_lowered:
.L_overlay_start_0:
0x88: {  	s2 =	sld [smem:$0x3FD9]  }
0x89: {  	s3 =	sld [smem:$0x3FFE];
	_ =	sdelay $0x1  }
0x8a: {  	s1 =	srdreg.scid  }
0x8b: {  	s0 =	sand.u32 $0x1, s1  }
0x8c: {  	s17 =	sshll.u32 s0, $0xA;
	s2 =	sadd.s32 s3, s2  }
0x8d: {  	s2 =	sadd.s32 s2, s17  }
0x8e: {  	[smem:$0x3FA5] =	sst s2  }
0x8f: {  	_ = 	snop  }
0x90: {  	s2 =	sld [smem:$0x3FD0];
	(tm) =	ssettm $0x1  }
0x91: {  	s18 =	sld [smem:$0x3FFB];
	_ =	sdelay $0x3  }
0x92: {  	_ =	strace s18  }
0x93: {  	s3 =	sld [smem:$0x3FFC];
	_ =	sdelay $0x3  }
0x94: {  	_ =	strace s3  }
0x95: {  	s3 =	sld [smem:$0x3FFD];
	_ =	sdelay $0x3  }
0x96: {  	_ =	strace s3  }
0x97: {  	_ =	strace $0x8FFFFFFF  }
0x98: {  	s19 =	sld [smem:$0x3FDB];
	_ =	sdelay $0x1  }
0x99: {  	s4 =	simm.s32 $_scs_section_size  }
0x9a: {  	s5 =	simm.s32 $_size__tile_overlayer_lowered;
	s6 =	simm.s32 $_tile_overlayer_lowered  }
0x9b: {  	s22 =	simm.s32 $0x1BFF;
	s21 =	sshll.u32 s6, $0x1;
	s3 =	sadd.s32 s4, s19  }
0x9c: {  	s7 =	simm.s32 $0x0;
	s20 =	sshll.u32 s5, $0x1;
	s5 =	sadd.s32 s21, s3  }
0x9d: {  	[timem:s7], [sflag:s22] =	dma.local [hbm:s5], s20  }
0x9e: {  	_ =	swait.ge [sflag:s22], s20  }
0x9f: {  	s4 =	ssub.s32 $0x0, s20;
	[sflag:s22] =	ssyncset.done $0x0  }
0xa0: {  	[sflag:s22] =	ssyncadd.s32 s4;
	_ =	sdelay $0x1  }
0xa1: {  	s23 =	simm.s32 $0x1B8B  }
0xa2: {  	_ =	swait.ge [sflag:s23], $0x1  }
0xa3: {  	[sflag:s23] =	ssyncset.done $0x0  }
0xa4: {  	s25 =	simm.s32 $0x1B8E;
	s24 =	sld [smem:$0x3FFE];
	[sflag:s23] =	ssyncadd.s32 $0xFFFFFFFF  }
0xa5: {  	s26 =	simm.s32 $execute0_lowered;
	[smem:$0x3FD2] =	sst s25  }
0xa6: {  	s5 =	sshll.u32 s26, $0x1;
	_ =	strace $0x80000046;
	[dreg:$0x1] =	wrdreg $0xFFFFFFFF  }
0xa7: {  	s28 =	simm.s32 $_size_execute0_lowered;
	s3 =	sadd.s32 s3, s5;
	[dreg:$0x0] =	wrdreg $0x0  }
0xa8: {  	s5 =	sshll.u32 s28, $0x1;
	[dreg:$0x2] =	wrdreg s3  }
0xa9: {  	[dreg:$0x3] =	wrdreg s5  }
0xaa: {  	[dreg:$0x4] =	wrdreg $0xC0  }
0xab: {  	_ =	task [dreg:s7], $0x5FFFF  }
0xac: {  	[dreg:$0x1] =	wrdreg $0xFFFFFFFF  }
0xad: {  	[dreg:$0x0] =	wrdreg $0x60  }
0xae: {  	[dreg:$0x2] =	wrdreg s24  }
0xaf: {  	[dreg:$0x3] =	wrdreg s2  }
0xb0: {  	[dreg:$0x4] =	wrdreg $0x7D000  }
0xb1: {  	[dreg:$0x5] =	wrdreg $0x9  }
0xb2: {  	_ =	task.clear_ibuf [dreg:s7], $0x6FFFF;
	_ =	strace $0x90000046  }
0xb3: {  	s29 =	simm.s32 $0x9;
	_ =	strace $0x80000048  }
0xb4: {  	_ =	swait.ge [sflag:s29], $0x1  }
0xb5: {  	[sflag:s29] =	ssyncadd.s32 $0xFFFFFFFF  }
0xb6: {  	_ =	strace $0x90000048  }
0xb7: {  	_ =	sfence  }
0xb8: {  	s30 =	sld [smem:$0x0];
	_ =	sdelay $0x2  }
0xb9: {  	s31 =	sshll.u32 s1, $0xD;
	s1 =	sshrl.u32 s1, $0x2  }
0xba: {  	s3 =	sand.u32 $0x4000, s31;
	s1 =	sadd.s32 s1, s30  }
0xbb: {  	s0 =	sor.u32 s3, s0;
	s1 =	sshll.u32 s1, $0x11  }
0xbc: {  	s0 =	sor.u32 s1, s0  }
0xbd: {  	s0 =	sadd.s32 $0x8F2B, s0  }
0xbe: {  	[sflag:s0] =	ssyncadd.remote.s32 $0x1  }
0xbf: {  	_ =	sfence.sel $0xFFFF  }
0xc0: {  	[dreg:$0x0] =	wrdreg $0xFFFFFFFF;
	(pc) =	sbr.abs _section_cstart, $3  }
0xc1: {  	[dreg:$0x1] =	wrdreg $0xFFFFFFFF  }
0xc2: {  	_ =	task.clear_ibuf [dreg:s7], $0x2FFFF;
	_ =	strace $0x9FFFFFFF  }
0xc3: {  	(tm) =	ssettm $0x7FFFFFFF  }
tec
execute0_lowered:
.L_overlay_start_1:
0x0: {  	(tag) =	ssettag $0x1  }
0x1: {  	s0 =	rddreg [dreg:$0x0]  }
0x2: {  	s2 =	rddreg [dreg:$0x1];
	s1 =	srdreg.scid  }
0x3: {  	s8 =	stileid.u32;
	s3 =	rddreg [dreg:$0x2];
	s4 =	simm.s32 $0x0  }
0x4: {  	s20 =	simm.s32 $0x3D00;
	s21 =	simm.s32 $0x2;
	s22 =	simm.s32 $0x50  }
0x5: {  	s23 =	simm.s32 $0x100;
	s24 =	simm.s32 $0x80;
	s25 =	simm.s32 $0x2900  }
0x6: {  	s28 =	simm.s32 $0x0;
	s29 =	simm.s32 $0x0;
	s1 =	sand.u32 $0x1, s1  }
0x7: {  	s5 =	sshll.u32 s8, $0x1;
	[smem:$0x7FF] =	sst s4;
	s7 =	smul.u32 $0x50000, s8  }
0x8: {  	s14 =	smul.u32 $0x14000, s8;
	s12 =	sor.u32 s1, s5;
	_ =	strace $0x80000047  }
0x9: {  	s5 =	sadd.s32 $0x281400, s0;
	s26 =	ssub.s32 $0x2, s1;
	s1 =	smul.u32 $0x140000, s1  }
0xa: {  	s6 =	smul.u32 $0x13880, s12;
	s9 =	sshrl.u32 s26, $0x1;
	s7 =	sshrl.u32 s7, $0x2  }
0xb: {  	s15 =	sadd.s32 $0x4000, s14;
	s16 =	sadd.s32 $0x8000, s14;
	s17 =	sadd.s32 $0xC000, s14  }
0xc: {  	s18 =	sadd.s32 $0x10000, s14;
	s12 =	smul.u32 $0x2710, s12;
	s19 =	ssub.s32 s26, s9  }
0xd: {  	s7 =	sadd.s32 s7, s3;
	s8 =	sadd.s32 s15, s3;
	s9 =	sadd.s32 s16, s3  }
0xe: {  	s10 =	sadd.s32 s17, s3;
	s11 =	sadd.s32 s18, s3;
	s14 =	sadd.s32 s14, s1  }
0xf: {  	s15 =	sadd.s32 s1, s15;
	s30 =	sadd.s32 s1, s16;
	s31 =	sadd.s32 s1, s17  }
0x10: {  	s1 =	sadd.s32 s1, s18;
	s26 =	simm.s32 $0x1;
	s13 =	sadd.s32 s6, s0  }
0x11: {  	s6 =	sadd.s32 $0x6600, s0;
	s0 =	sadd.s32 $0x2A8600, s0;
	s14 =	sshrl.u32 s14, $0x3  }
0x12: {  	s15 =	sshrl.u32 s15, $0x3;
	s17 =	sshrl.u32 s31, $0x3;
	s1 =	sshrl.u32 s1, $0x3  }
0x13: {  	s19 =	smax.u32 s19, $0x1;
	s13 =	sadd.s32 $0x10400, s13;
	s14 =	sadd.s32 s0, s14  }
0x14: {  	s15 =	sadd.s32 s0, s15;
	[dreg:$0x4] =	wrdreg s14;
	s14 =	sshrl.u32 s30, $0x3  }
0x15: {  	v0 =	vimm.f32 $0.0e+00;
	s17 =	sadd.s32 s0, s17;
	s18 =	sadd.s32 s0, s1;
	s16 =	sadd.s32 s0, s14  }
.LBB2_1:
0x16: {  	s0 =	simm.s32 $0x0;
	s1 =	simm.s32 $0x200  }
.LBB2_2:
0x17: {  	p0 =	sne.s32 s1, $0xFE00;
	[tilespmem:s0+$0x3D70] =	vst v0  }
0x18: {  	[tilespmem:s0+$0x3D00] =	vst v0  }
0x19: {  	[tilespmem:s0+$0x3D10] =	vst v0  }
.Ltmp0:
0x1a: {  	[tilespmem:s0+$0x3D20] =	vst v0;
	(pc) =	sbr.rel @p0 .LBB2_2-.Ltmp0, $4  }
0x1b: {  	[tilespmem:s0+$0x3D30] =	vst v0  }
0x1c: {  	[tilespmem:s0+$0x3D40] =	vst v0  }
0x1d: {  	[tilespmem:s0+$0x3D50] =	vst v0  }
0x1e: {  	[tilespmem:s0+$0x3D60] =	vst v0;
	s0 =	sshra.s32 s1, $0x2;
	s1 =	sadd.s32 $0x200, s1  }
0x1f: {  	[tilespmem:s0+$0x3D70] =	vst v0  }
0x20: {  	[tilespmem:s0+$0x3D00] =	vst v0  }
0x21: {  	[tilespmem:s0+$0x3D10] =	vst v0  }
0x22: {  	[tilespmem:s0+$0x3D20] =	vst v0  }
0x23: {  	[tilespmem:s0+$0x3D30] =	vst v0  }
0x24: {  	[tilespmem:s0+$0x3D40] =	vst v0  }
0x25: {  	[tilespmem:s0+$0x3D50] =	vst v0  }
0x26: {  	[tilespmem:s0+$0x3D60] =	vst v0  }
0x27: {  	[spmem:s7] =	stream.linear.scatter [tilespmem:s20], [sflag:$0x2], $0x4000, $0x38;
	[tilespmem:$0x1BD00] =	vst v63  }
0x28: {  	_ =	swait.ge [sflag:s21], $0x4000  }
0x29: {  	[sflag:s21] =	ssyncset.done $0x0  }
0x2a: {  	[sflag:s21] =	ssyncadd.s32 $0xFFFFC000  }
0x2b: {  	[spmem:s8] =	stream.linear.scatter [tilespmem:s20], [sflag:$0x2], $0x4000, $0x38;
	[tilespmem:$0x1BD00] =	vst v63  }
0x2c: {  	_ =	swait.ge [sflag:s21], $0x4000  }
0x2d: {  	[sflag:s21] =	ssyncset.done $0x0  }
0x2e: {  	[sflag:s21] =	ssyncadd.s32 $0xFFFFC000  }
0x2f: {  	[spmem:s9] =	stream.linear.scatter [tilespmem:s20], [sflag:$0x2], $0x4000, $0x38;
	[tilespmem:$0x1BD00] =	vst v63  }
0x30: {  	_ =	swait.ge [sflag:s21], $0x4000  }
0x31: {  	[sflag:s21] =	ssyncset.done $0x0  }
0x32: {  	[sflag:s21] =	ssyncadd.s32 $0xFFFFC000  }
0x33: {  	[spmem:s10] =	stream.linear.scatter [tilespmem:s20], [sflag:$0x2], $0x4000, $0x38;
	[tilespmem:$0x1BD00] =	vst v63  }
0x34: {  	_ =	swait.ge [sflag:s21], $0x4000  }
0x35: {  	[sflag:s21] =	ssyncset.done $0x0  }
0x36: {  	[sflag:s21] =	ssyncadd.s32 $0xFFFFC000  }
0x37: {  	[spmem:s11] =	stream.linear.scatter [tilespmem:s20], [sflag:$0x2], $0x4000, $0x38;
	[tilespmem:$0x1BD00] =	vst v63  }
0x38: {  	_ =	swait.ge [sflag:s21], $0x4000  }
0x39: {  	[sflag:s21] =	ssyncset.done $0x0  }
0x3a: {  	[sflag:s21] =	ssyncadd.s32 $0xFFFFC000  }
0x3b: {  	s30 =	simm.s32 $0x0;
	[bflag:$0x0] =	sbarrier.arrive $0xFFFF  }
.LBB2_4:
0x3c: {  	s0 =	smul.u32 $0x50, s30;
	_ =	sdelay $0x1  }
0x3d: {  	s0 =	sadd.s32 s12, s0  }
0x3e: {  	s0 =	sshrl.u32 s0, $0x3  }
0x3f: {  	s1 =	sadd.s32 s6, s0  }
0x40: {  	[tilespmem:s29], [sflag:$0x2] =	stream.linear.gather [hbm4b:s1+s29], $0x50, $0x38;
	[tilespmem:$0x1BD00] =	vst v63  }
0x41: {  	_ =	swait.ge [sflag:s21], $0x50  }
0x42: {  	[sflag:s21] =	ssyncset.done $0x0  }
0x43: {  	[sflag:s21] =	ssyncadd.s32 $0xFFFFFFB0  }
0x44: {  	[tilespmem:s23], [sflag:$0x1] =	stream.indirect.gather [hbm4b:s5+s22], $0x80, s29, s22, $0xb8;
	[tilespmem:$0x1BD00] =	vst v63  }
0x45: {  	s0 =	sadd.s32 s2, s0  }
0x46: {  	[tilespmem:s24], [sflag:$0x2] =	stream.linear.gather [hbm4b:s0+s29], $0x50, $0x38;
	[tilespmem:$0x1BD00] =	vst v63  }
0x47: {  	s14 =	smul.u32 $0x280, s30;
	_ =	swait.ge [sflag:s21], $0x50  }
0x48: {  	[sflag:s21] =	ssyncset.done $0x0  }
0x49: {  	s0 =	sadd.s32 s13, s14;
	[sflag:s21] =	ssyncadd.s32 $0xFFFFFFB0  }
0x4a: {  	[tilespmem:s25], [sflag:$0x2] =	stream.linear.gather [hbm4b:s0+s29], $0x1400, $0x38;
	[tilespmem:$0x1BD00] =	vst v63  }
0x4b: {  	_ =	swait.ge [sflag:s21], $0x1400  }
0x4c: {  	[sflag:s21] =	ssyncset.done $0x0  }
0x4d: {  	[sflag:s21] =	ssyncadd.s32 $0xFFFFEC00  }
0x4e: {  	_ =	swait.ge [sflag:s26], $0x2800  }
0x4f: {  	[sflag:s26] =	ssyncset.done $0x0  }
0x50: {  	s31 =	simm.s32 $0x180;
	[sflag:s26] =	ssyncadd.s32 $0xFFFFD800  }
0x51: {  	s1 =	simm.s32 $0x180;
	s14 =	simm.s32 $0x200;
	s0 =	simm.s32 $0x0;
	v1 =	vld [tilespmem:s31+$0xFFFFFF80]  }
.LBB2_5:
0x52: {  	p0 =	sne.s32 s14, $0x4E00;
	v2 =	vld [tilespmem:s0+$0x2900];
	_ =	sdelay $0x4  }
0x53: {  	v1 =	vadd.f32 v2, v1;
	_ =	sdelay $0x1  }
0x54: {  	v1 =	vmax.f32 v1, $0.0e+00  }
0x55: {  	[tilespmem:s31+$0xFFFFFF80] =	vst v1;
	v1 =	vld [tilespmem:s31+$0xFFFFFF90]  }
0x56: {  	v2 =	vld [tilespmem:s0+$0x2910];
	_ =	sdelay $0x4  }
0x57: {  	v1 =	vadd.f32 v2, v1;
	_ =	sdelay $0x1  }
0x58: {  	v1 =	vmax.f32 v1, $0.0e+00  }
0x59: {  	[tilespmem:s31+$0xFFFFFF90] =	vst v1;
	v1 =	vld [tilespmem:s31+$0xFFFFFFA0]  }
0x5a: {  	v2 =	vld [tilespmem:s0+$0x2920];
	_ =	sdelay $0x4  }
0x5b: {  	v1 =	vadd.f32 v2, v1;
	_ =	sdelay $0x1  }
0x5c: {  	v1 =	vmax.f32 v1, $0.0e+00  }
0x5d: {  	[tilespmem:s31+$0xFFFFFFA0] =	vst v1;
	v1 =	vld [tilespmem:s31+$0xFFFFFFB0]  }
0x5e: {  	v2 =	vld [tilespmem:s0+$0x2930];
	_ =	sdelay $0x4  }
0x5f: {  	v1 =	vadd.f32 v2, v1;
	_ =	sdelay $0x1  }
0x60: {  	v1 =	vmax.f32 v1, $0.0e+00  }
0x61: {  	[tilespmem:s31+$0xFFFFFFB0] =	vst v1;
	v1 =	vld [tilespmem:s31+$0x0]  }
0x62: {  	v2 =	vld [tilespmem:s0+$0x2940];
	_ =	sdelay $0x4  }
0x63: {  	v1 =	vadd.f32 v2, v1;
	_ =	sdelay $0x1  }
0x64: {  	v1 =	vmax.f32 v1, $0.0e+00  }
0x65: {  	[tilespmem:s31+$0x0] =	vst v1;
	v1 =	vld [tilespmem:s31+$0x10]  }
0x66: {  	v2 =	vld [tilespmem:s0+$0x2950];
	_ =	sdelay $0x4  }
0x67: {  	v1 =	vadd.f32 v2, v1;
	_ =	sdelay $0x1  }
0x68: {  	v1 =	vmax.f32 v1, $0.0e+00  }
0x69: {  	[tilespmem:s31+$0x10] =	vst v1;
	v1 =	vld [tilespmem:s31+$0x20]  }
0x6a: {  	v2 =	vld [tilespmem:s0+$0x2960];
	_ =	sdelay $0x4  }
0x6b: {  	v1 =	vadd.f32 v2, v1;
	_ =	sdelay $0x1  }
0x6c: {  	v1 =	vmax.f32 v1, $0.0e+00  }
0x6d: {  	[tilespmem:s31+$0x20] =	vst v1;
	v1 =	vld [tilespmem:s31+$0x30]  }
0x6e: {  	v2 =	vld [tilespmem:s0+$0x2970];
	_ =	sdelay $0x3  }
.Ltmp1:
0x6f: {  	(pc) =	sbr.rel @p0 .LBB2_5-.Ltmp1, $3  }
0x70: {  	v1 =	vadd.f32 v2, v1;
	_ =	sdelay $0x1  }
0x71: {  	s31 =	sadd.s32 $0x100, s31;
	v2 =	vmax.f32 v1, $0.0e+00  }
0x72: {  	s0 =	sshra.s32 s14, $0x2;
	s14 =	sadd.s32 $0x200, s14;
	v1 =	vld [tilespmem:s31+$0xFFFFFF80];
	[tilespmem:s1+$0x30] =	vst v2;
	s1 =	smov.u32 s31  }
0x73: {  	v2 =	vld [tilespmem:s0+$0x2900];
	_ =	sdelay $0x4  }
0x74: {  	v1 =	vadd.f32 v2, v1;
	_ =	sdelay $0x1  }
0x75: {  	v1 =	vmax.f32 v1, $0.0e+00  }
0x76: {  	[tilespmem:s31+$0xFFFFFF80] =	vst v1;
	v1 =	vld [tilespmem:s31+$0xFFFFFF90]  }
0x77: {  	v2 =	vld [tilespmem:s0+$0x2910];
	_ =	sdelay $0x4  }
0x78: {  	v1 =	vadd.f32 v2, v1;
	_ =	sdelay $0x1  }
0x79: {  	v1 =	vmax.f32 v1, $0.0e+00  }
0x7a: {  	[tilespmem:s31+$0xFFFFFF90] =	vst v1;
	v1 =	vld [tilespmem:s31+$0xFFFFFFA0]  }
0x7b: {  	v2 =	vld [tilespmem:s0+$0x2920];
	_ =	sdelay $0x4  }
0x7c: {  	v1 =	vadd.f32 v2, v1;
	_ =	sdelay $0x1  }
0x7d: {  	v1 =	vmax.f32 v1, $0.0e+00  }
0x7e: {  	[tilespmem:s31+$0xFFFFFFA0] =	vst v1;
	v1 =	vld [tilespmem:s31+$0xFFFFFFB0]  }
0x7f: {  	v2 =	vld [tilespmem:s0+$0x2930];
	_ =	sdelay $0x4  }
0x80: {  	v1 =	vadd.f32 v2, v1;
	_ =	sdelay $0x1  }
0x81: {  	v1 =	vmax.f32 v1, $0.0e+00  }
0x82: {  	[tilespmem:s31+$0xFFFFFFB0] =	vst v1;
	v1 =	vld [tilespmem:s31+$0x0]  }
0x83: {  	v2 =	vld [tilespmem:s0+$0x2940];
	_ =	sdelay $0x4  }
0x84: {  	v1 =	vadd.f32 v2, v1;
	_ =	sdelay $0x1  }
0x85: {  	v1 =	vmax.f32 v1, $0.0e+00  }
0x86: {  	[tilespmem:s31+$0x0] =	vst v1;
	v1 =	vld [tilespmem:s31+$0x10]  }
0x87: {  	v2 =	vld [tilespmem:s0+$0x2950];
	_ =	sdelay $0x4  }
0x88: {  	v1 =	vadd.f32 v2, v1;
	_ =	sdelay $0x1  }
0x89: {  	v1 =	vmax.f32 v1, $0.0e+00  }
0x8a: {  	[tilespmem:s31+$0x10] =	vst v1;
	v1 =	vld [tilespmem:s31+$0x20]  }
0x8b: {  	v2 =	vld [tilespmem:s0+$0x2960];
	_ =	sdelay $0x4  }
0x8c: {  	v1 =	vadd.f32 v2, v1;
	_ =	sdelay $0x1  }
0x8d: {  	v1 =	vmax.f32 v1, $0.0e+00  }
0x8e: {  	[tilespmem:s31+$0x20] =	vst v1;
	v1 =	vld [tilespmem:s31+$0x30]  }
0x8f: {  	v2 =	vld [tilespmem:s0+$0x2970];
	_ =	sdelay $0x4  }
0x90: {  	v1 =	vadd.f32 v2, v1  }
0x91: {  	s30 =	sadd.s32 $0x1, s30  }
0x92: {  	p0 =	sne.s32 s30, $0x7D;
	v1 =	vmax.f32 v1, $0.0e+00  }
.Ltmp2:
0x93: {  	[tilespmem:s1+$0x30] =	vst v1;
	(pc) =	sbr.rel @p0 .LBB2_4-.Ltmp2, $4  }
0x94: {  	[spmem:s3] =	stream.indirect.scatter.add.f32 [tilespmem:s23], [sflag:$0x2], $0x80, s24, s22, $0xb8;
	[tilespmem:$0x1BD00] =	vst v63  }
0x95: {  	_ =	swait.ge [sflag:s21], $0x2800  }
0x96: {  	[sflag:s21] =	ssyncset.done $0x0  }
0x97: {  	[sflag:s21] =	ssyncadd.s32 $0xFFFFD800  }
0x98: {  	[bflag:$0x0] =	sbarrier.arrive $0xFFFF  }
0x99: {  	[tilespmem:s20], [sflag:$0x2] =	stream.linear.gather [spmem:s7], $0x4000, $0x38;
	[tilespmem:$0x1BD00] =	vst v63  }
0x9a: {  	_ =	swait.ge [sflag:s21], $0x4000  }
0x9b: {  	[sflag:s21] =	ssyncset.done $0x0  }
0x9c: {  	s0 =	rddreg [dreg:$0x4];
	[sflag:s21] =	ssyncadd.s32 $0xFFFFC000  }
0x9d: {  	[hbm4b:s0+s4] =	stream.linear.scatter [tilespmem:s20], [sflag:$0x2], $0x4000, $0x38;
	[tilespmem:$0x1BD00] =	vst v63  }
0x9e: {  	_ =	swait.ge [sflag:s21], $0x4000  }
0x9f: {  	[sflag:s21] =	ssyncset.done $0x0  }
0xa0: {  	[sflag:s21] =	ssyncadd.s32 $0xFFFFC000  }
0xa1: {  	[tilespmem:s20], [sflag:$0x2] =	stream.linear.gather [spmem:s8], $0x4000, $0x38;
	[tilespmem:$0x1BD00] =	vst v63  }
0xa2: {  	_ =	swait.ge [sflag:s21], $0x4000  }
0xa3: {  	[sflag:s21] =	ssyncset.done $0x0  }
0xa4: {  	[sflag:s21] =	ssyncadd.s32 $0xFFFFC000  }
0xa5: {  	[hbm4b:s15+s4] =	stream.linear.scatter [tilespmem:s20], [sflag:$0x2], $0x4000, $0x38;
	[tilespmem:$0x1BD00] =	vst v63  }
0xa6: {  	_ =	swait.ge [sflag:s21], $0x4000  }
0xa7: {  	[sflag:s21] =	ssyncset.done $0x0  }
0xa8: {  	[sflag:s21] =	ssyncadd.s32 $0xFFFFC000  }
0xa9: {  	[tilespmem:s20], [sflag:$0x2] =	stream.linear.gather [spmem:s9], $0x4000, $0x38;
	[tilespmem:$0x1BD00] =	vst v63  }
0xaa: {  	_ =	swait.ge [sflag:s21], $0x4000  }
0xab: {  	[sflag:s21] =	ssyncset.done $0x0  }
0xac: {  	[sflag:s21] =	ssyncadd.s32 $0xFFFFC000  }
0xad: {  	[hbm4b:s16+s4] =	stream.linear.scatter [tilespmem:s20], [sflag:$0x2], $0x4000, $0x38;
	[tilespmem:$0x1BD00] =	vst v63  }
0xae: {  	_ =	swait.ge [sflag:s21], $0x4000  }
0xaf: {  	[sflag:s21] =	ssyncset.done $0x0  }
0xb0: {  	[sflag:s21] =	ssyncadd.s32 $0xFFFFC000  }
0xb1: {  	[tilespmem:s20], [sflag:$0x2] =	stream.linear.gather [spmem:s10], $0x4000, $0x38;
	[tilespmem:$0x1BD00] =	vst v63  }
0xb2: {  	_ =	swait.ge [sflag:s21], $0x4000  }
0xb3: {  	[sflag:s21] =	ssyncset.done $0x0  }
0xb4: {  	[sflag:s21] =	ssyncadd.s32 $0xFFFFC000  }
0xb5: {  	[hbm4b:s17+s4] =	stream.linear.scatter [tilespmem:s20], [sflag:$0x2], $0x4000, $0x38;
	[tilespmem:$0x1BD00] =	vst v63  }
0xb6: {  	_ =	swait.ge [sflag:s21], $0x4000  }
0xb7: {  	[sflag:s21] =	ssyncset.done $0x0  }
0xb8: {  	[sflag:s21] =	ssyncadd.s32 $0xFFFFC000  }
0xb9: {  	[tilespmem:s20], [sflag:$0x2] =	stream.linear.gather [spmem:s11], $0x4000, $0x38;
	[tilespmem:$0x1BD00] =	vst v63  }
0xba: {  	s28 =	sadd.s32 $0x1, s28;
	_ =	swait.ge [sflag:s21], $0x4000  }
0xbb: {  	p0 =	sne.s32 s28, s19;
	[sflag:s21] =	ssyncset.done $0x0  }
.Ltmp3:
0xbc: {  	[sflag:s21] =	ssyncadd.s32 $0xFFFFC000;
	(pc) =	sbr.rel @p0 .LBB2_1-.Ltmp3, $4  }
0xbd: {  	[hbm4b:s18+s4] =	stream.linear.scatter [tilespmem:s20], [sflag:$0x2], $0x4000, $0x38;
	[tilespmem:$0x1BD00] =	vst v63  }
0xbe: {  	_ =	swait.ge [sflag:s21], $0x4000  }
0xbf: {  	[sflag:s21] =	ssyncset.done $0x0  }
0xc0: {  	[sflag:s21] =	ssyncadd.s32 $0xFFFFC000  }
0xc1: {  	_ =	sfence.sel $0x180000  }
0xc2: {  	[bflag:$0x0] =	sbarrier.arrive $0xFFFF  }
0xc3: {  	_ =	strace $0x90000047  }
0xc4: {  	s0 =	stileid.u32;
	[bflag:$0x2] =	sbarrier.arrive $0xFFFF  }
0xc5: {  	p0 =	sne.s32 s0, $0x0;
	s0 =	rddreg [dreg:$0x3]  }
0xc6: {  	s0 =	sadd.s32 @!p0 $0x100000, s0  }
0xc7: {  	[sflag:s0] =	ssyncadd.tile.s32 @!p0 $0x1;
	_ =	shalt  }
.Lfunc_end2:
_tile_overlayer_lowered:
.L_overlay_start_2:
0xc8: {  	(tag) =	ssettag $0x2  }
0xc9: {  	s0 =	rddreg [dreg:$0x0];
	s2 =	stileid.u32  }
0xca: {  	s1 =	rddreg [dreg:$0x1];
	p0 =	sne.s32 s2, $0x0  }
0xcb: {  	s3 =	rddreg [dreg:$0x2];
	[bflag:$0x3] =	sbarrier.arrive $0xFFFF;
	s2 =	simm.s32 @!p0 $0x1C02  }
0xcc: {  	[timem:s3], [sflag:s2] =	dma.local @!p0 [hbm:s0], s1  }
0xcd: {  	s0 =	simm.s32 @!p0 $0x2  }
0xce: {  	_ =	swait.ge @!p0 [sflag:s0], s1  }
0xcf: {  	s1 =	ssub.s32 @!p0 $0x0, s1;
	[sflag:s0] =	ssyncset.done @!p0 $0x0  }
0xd0: {  	[sflag:s0] =	ssyncadd.s32 @!p0 s1  }
0xd1: {  	[bflag:$0x3] =	sbarrier.arrive $0xFFFF  }
0xd2: {  	_ =	shalt  }

// kernel: kernel.18.cloned.1.call-start
scs
__scs_entry_jumppad:
0x0: {  	(pc) =	sbr.rel $0x88, $3  }
0x1: {  	(tag) =	ssettag $0x0;
	lr =	simm.s32 $0x1  }
0x2: {  	[smem:$0x3F7E] =	sst lr;
	_ =	strace $0xD0000000  }
0x3: {  	_ = 	snop  }
0x4: {  	_ = 	snop  }
0x5: {  	_ = 	snop  }
0x6: {  	_ = 	snop  }
0x7: {  	_ = 	snop  }
__scs_overlays_trampoline_lowered:
0x8: {  	[smem:$0x3F8D] =	sst s0  }
0x9: {  	[smem:$0x3F8E] =	sst s1  }
0xa: {  	[smem:$0x3F8F] =	sst s2  }
0xb: {  	[smem:$0x3F90] =	sst s3  }
0xc: {  	[smem:$0x3F91] =	sst s4  }
0xd: {  	[smem:$0x3F92] =	sst s5  }
0xe: {  	[smem:$0x3F93] =	sst s6  }
0xf: {  	[smem:$0x3F94] =	sst s7  }
0x10: {  	[smem:$0x3F95] =	sst s8  }
0x11: {  	[smem:$0x3F96] =	sst s9;
	s0 =	simm.s32 @!p0 $0x0  }
0x12: {  	s1 =	sld [smem:$0x3F7C];
	s0 =	simm.s32 @p0 $0x1  }
0x13: {  	[smem:$0x3F97] =	sst s0;
	s0 =	simm.s32 @!p1 $0x0  }
0x14: {  	s2 =	sld [smem:$0x3F7B];
	s0 =	simm.s32 @p1 $0x1  }
0x15: {  	[smem:$0x3F98] =	sst s0;
	s0 =	simm.s32 @!p2 $0x0  }
0x16: {  	s3 =	sld [smem:$0x3FDB];
	s0 =	simm.s32 @p2 $0x1  }
0x17: {  	s4 =	simm.s32 $0x1BF5;
	[smem:$0x3F9A] =	sst s0  }
0x18: {  	s0 =	sld [smem:$0x3F7D];
	_ =	swait.ge [sflag:s4], $0x0  }
0x19: {  	s7 =	sld [smem:$0x3F7E]  }
0x1a: {  	s8 =	sadd.s32 $0xFFFFE003, lr  }
0x1b: {  	s9 =	sadd.s32 $0xFFFFFEF7, lr;
	s5 =	simm.s32 $0xFFFFFFFF;
	p2 =	slt.u32 s8, $0xFFFFF086  }
0x1c: {  	p1 =	slt.u32 s9, $0xF7A;
	s5 =	simm.s32 @!p2 $0x0  }
0x1d: {  	s5 =	simm.s32 @p1 $0x1;
	p0 =	seq.s32 s7, s2  }
0x1e: {  	s7 =	smul.u32 @!p0 $0xF7A, s2;
	p2 =	seq.s32 @!p0 s5, $0x0  }
0x1f: {  	s9 =	smul.u32 $0xF7A, s1;
	s8 =	simm.s32 @!p0 $0x1BF5;
	p2 =	por !p2, p0  }
0x20: {  	[sflag:s8] =	ssyncset.s32 @!p0 $0xFFFFF086;
	s6 =	sadd.s32 @!p0 s3, s7;
	s7 =	simm.s32 @!p0 $0x108  }
0x21: {  	s3 =	sadd.s32 s3, s9;
	s6 =	sadd.s32 @!p0 $0x88, s6;
	s7 =	simm.s32 @p2 $0x1082  }
0x22: {  	[simem:s7], [sflag:s8] =	dma.local @!p0 [hbm:s6], $0xF7A  }
0x23: {  	s9 =	sor.u32 $0xD0000000, s2;
	s6 =	simm.s32 $0x108;
	_ =	swait.ge @!p0 [sflag:s8], $0x0  }
0x24: {  	s3 =	sadd.s32 $0x88, s3;
	s6 =	simm.s32 @!p1 $0x1082;
	[sflag:s4] =	ssyncset.s32 $0xFFFFF086  }
0x25: {  	[simem:s6], [sflag:s4] =	dma.local [hbm:s3], $0xF7A  }
0x26: {  	[smem:$0x3F7E] =	sst s1;
	(tag) =	ssettag s2;
	_ =	strace s9  }
0x27: {  	s1 =	sld [smem:$0x3F8E]  }
0x28: {  	s2 =	sld [smem:$0x3F8F]  }
0x29: {  	s4 =	sld [smem:$0x3F91]  }
0x2a: {  	p0 =	seq.s32 s5, $0x0;
	s5 =	sld [smem:$0x3F92]  }
0x2b: {  	s6 =	sld [smem:$0x3F93]  }
0x2c: {  	s7 =	sld [smem:$0x3F94]  }
0x2d: {  	s3 =	simm.s32 $0x108;
	s8 =	sld [smem:$0x3F95]  }
0x2e: {  	s3 =	simm.s32 @!p0 $0x1082;
	s9 =	sld [smem:$0x3F96]  }
0x2f: {  	lr =	sadd.s32 s0, s3;
	s0 =	sld [smem:$0x3F8D]  }
0x30: {  	s3 =	sld [smem:$0x3F90]  }
0x31: {  	[smem:$0x3F99] =	sst s10  }
0x32: {  	s10 =	sld [smem:$0x3F97];
	_ =	sdelay $0x3  }
0x33: {  	p0 =	seq.s32 s10, $0x1;
	s10 =	sld [smem:$0x3F99];
	_ =	sdelay $0x3  }
0x34: {  	[smem:$0x3F99] =	sst s10  }
0x35: {  	s10 =	sld [smem:$0x3F98];
	_ =	sdelay $0x3  }
0x36: {  	p1 =	seq.s32 s10, $0x1;
	s10 =	sld [smem:$0x3F99];
	_ =	sdelay $0x3  }
0x37: {  	[smem:$0x3F99] =	sst s10  }
0x38: {  	s10 =	sld [smem:$0x3F9A]  }
0x39: {  	_ = 	snop;
	(pc) =	sbr.ind lr, $3  }
0x3a: {  	_ = 	snop  }
0x3b: {  	_ = 	snop  }
0x3c: {  	p2 =	seq.s32 s10, $0x1;
	s10 =	sld [smem:$0x3F99]  }
0x3d: {  	_ =	shalt  }
0x3e: {  	_ =	shalt  }
0x3f: {  	_ =	shalt  }
0x40: {  	_ =	shalt  }
0x41: {  	_ =	shalt  }
0x42: {  	_ =	shalt  }
0x43: {  	_ =	shalt  }
0x44: {  	_ =	shalt  }
0x45: {  	_ =	shalt  }
0x46: {  	_ =	shalt  }
0x47: {  	_ =	shalt  }
0x48: {  	_ =	shalt  }
0x49: {  	_ =	shalt  }
0x4a: {  	_ =	shalt  }
0x4b: {  	_ =	shalt  }
0x4c: {  	_ =	shalt  }
0x4d: {  	_ =	shalt  }
0x4e: {  	_ =	shalt  }
0x4f: {  	_ =	shalt  }
0x50: {  	_ =	shalt  }
0x51: {  	_ =	shalt  }
0x52: {  	_ =	shalt  }
0x53: {  	_ =	shalt  }
0x54: {  	_ =	shalt  }
0x55: {  	_ =	shalt  }
0x56: {  	_ =	shalt  }
0x57: {  	_ =	shalt  }
0x58: {  	_ =	shalt  }
0x59: {  	_ =	shalt  }
0x5a: {  	_ =	shalt  }
0x5b: {  	_ =	shalt  }
0x5c: {  	_ =	shalt  }
0x5d: {  	_ =	shalt  }
0x5e: {  	_ =	shalt  }
0x5f: {  	_ =	shalt  }
0x60: {  	_ =	shalt  }
0x61: {  	_ =	shalt  }
0x62: {  	_ =	shalt  }
0x63: {  	_ =	shalt  }
0x64: {  	_ =	shalt  }
0x65: {  	_ =	shalt  }
0x66: {  	_ =	shalt  }
0x67: {  	_ =	shalt  }
0x68: {  	_ =	shalt  }
0x69: {  	_ =	shalt  }
0x6a: {  	_ =	shalt  }
0x6b: {  	_ =	shalt  }
0x6c: {  	_ =	shalt  }
0x6d: {  	_ =	shalt  }
0x6e: {  	_ =	shalt  }
0x6f: {  	_ =	shalt  }
0x70: {  	_ =	shalt  }
0x71: {  	_ =	shalt  }
0x72: {  	_ =	shalt  }
0x73: {  	_ =	shalt  }
0x74: {  	_ =	shalt  }
0x75: {  	_ =	shalt  }
0x76: {  	_ =	shalt  }
0x77: {  	_ =	shalt  }
0x78: {  	_ =	shalt  }
0x79: {  	_ =	shalt  }
0x7a: {  	_ =	shalt  }
0x7b: {  	_ =	shalt  }
0x7c: {  	_ =	shalt  }
0x7d: {  	_ =	shalt  }
0x7e: {  	_ =	shalt  }
0x7f: {  	_ =	shalt  }
0x80: {  	_ =	shalt  }
0x81: {  	_ =	shalt  }
0x82: {  	_ =	shalt  }
0x83: {  	_ =	shalt  }
0x84: {  	_ =	shalt  }
0x85: {  	_ =	shalt  }
0x86: {  	_ =	shalt  }
0x87: {  	_ =	shalt  }
.Lfunc_end0:
.L_simem_size_0:
called_computation.1_lowered:
.L_overlay_start_0:
0x88: {  	s2 =	sld [smem:$0x3FD9]  }
0x89: {  	s3 =	sld [smem:$0x3FFE];
	_ =	sdelay $0x1  }
0x8a: {  	s1 =	srdreg.scid  }
0x8b: {  	s0 =	sand.u32 $0x1, s1  }
0x8c: {  	s17 =	sshll.u32 s0, $0xA;
	s2 =	sadd.s32 s3, s2  }
0x8d: {  	s2 =	sadd.s32 s2, s17  }
0x8e: {  	[smem:$0x3FA5] =	sst s2  }
0x8f: {  	_ = 	snop  }
0x90: {  	s2 =	sld [smem:$0x3FD0];
	(tm) =	ssettm $0x1  }
0x91: {  	s18 =	sld [smem:$0x3FFB];
	_ =	sdelay $0x3  }
0x92: {  	_ =	strace s18  }
0x93: {  	s3 =	sld [smem:$0x3FFC];
	_ =	sdelay $0x3  }
0x94: {  	_ =	strace s3  }
0x95: {  	s3 =	sld [smem:$0x3FFD];
	_ =	sdelay $0x3  }
0x96: {  	_ =	strace s3  }
0x97: {  	_ =	strace $0x8FFFFFFF  }
0x98: {  	s19 =	sld [smem:$0x3FDB];
	_ =	sdelay $0x1  }
0x99: {  	s4 =	simm.s32 $_scs_section_size  }
0x9a: {  	s5 =	simm.s32 $_size__tile_overlayer_lowered;
	s6 =	simm.s32 $_tile_overlayer_lowered  }
0x9b: {  	s22 =	simm.s32 $0x1BFF;
	s21 =	sshll.u32 s6, $0x1;
	s3 =	sadd.s32 s4, s19  }
0x9c: {  	s7 =	simm.s32 $0x0;
	s20 =	sshll.u32 s5, $0x1;
	s5 =	sadd.s32 s21, s3  }
0x9d: {  	[timem:s7], [sflag:s22] =	dma.local [hbm:s5], s20  }
0x9e: {  	_ =	swait.ge [sflag:s22], s20  }
0x9f: {  	s4 =	ssub.s32 $0x0, s20;
	[sflag:s22] =	ssyncset.done $0x0  }
0xa0: {  	[sflag:s22] =	ssyncadd.s32 s4;
	_ =	sdelay $0x1  }
0xa1: {  	s23 =	simm.s32 $0x1B8B  }
0xa2: {  	_ =	swait.ge [sflag:s23], $0x1  }
0xa3: {  	[sflag:s23] =	ssyncset.done $0x0  }
0xa4: {  	s25 =	simm.s32 $0x1B8E;
	s24 =	sld [smem:$0x3FFE];
	[sflag:s23] =	ssyncadd.s32 $0xFFFFFFFF  }
0xa5: {  	s26 =	simm.s32 $execute0_lowered;
	[smem:$0x3FD2] =	sst s25  }
0xa6: {  	s5 =	sshll.u32 s26, $0x1;
	_ =	strace $0x80000049;
	[dreg:$0x1] =	wrdreg $0xFFFFFFFF  }
0xa7: {  	s28 =	simm.s32 $_size_execute0_lowered;
	s3 =	sadd.s32 s3, s5;
	[dreg:$0x0] =	wrdreg $0x0  }
0xa8: {  	s5 =	sshll.u32 s28, $0x1;
	[dreg:$0x2] =	wrdreg s3  }
0xa9: {  	[dreg:$0x3] =	wrdreg s5  }
0xaa: {  	[dreg:$0x4] =	wrdreg $0xC0  }
0xab: {  	_ =	task [dreg:s7], $0x5FFFF  }
0xac: {  	[dreg:$0x1] =	wrdreg $0xFFFFFFFF  }
0xad: {  	[dreg:$0x0] =	wrdreg $0x60  }
0xae: {  	[dreg:$0x2] =	wrdreg s24  }
0xaf: {  	[dreg:$0x3] =	wrdreg s2  }
0xb0: {  	[dreg:$0x4] =	wrdreg $0x7D000  }
0xb1: {  	[dreg:$0x5] =	wrdreg $0x9  }
0xb2: {  	_ =	task.clear_ibuf [dreg:s7], $0x6FFFF;
	_ =	strace $0x90000049  }
0xb3: {  	s29 =	simm.s32 $0x9;
	_ =	strace $0x8000004B  }
0xb4: {  	_ =	swait.ge [sflag:s29], $0x1  }
0xb5: {  	[sflag:s29] =	ssyncadd.s32 $0xFFFFFFFF  }
0xb6: {  	_ =	strace $0x9000004B  }
0xb7: {  	_ =	sfence  }
0xb8: {  	s30 =	sld [smem:$0x0];
	_ =	sdelay $0x2  }
0xb9: {  	s31 =	sshll.u32 s1, $0xD;
	s1 =	sshrl.u32 s1, $0x2  }
0xba: {  	s3 =	sand.u32 $0x4000, s31;
	s1 =	sadd.s32 s1, s30  }
0xbb: {  	s0 =	sor.u32 s3, s0;
	s1 =	sshll.u32 s1, $0x11  }
0xbc: {  	s0 =	sor.u32 s1, s0  }
0xbd: {  	s0 =	sadd.s32 $0x8F2B, s0  }
0xbe: {  	[sflag:s0] =	ssyncadd.remote.s32 $0x1  }
0xbf: {  	_ =	sfence.sel $0xFFFF  }
0xc0: {  	[dreg:$0x0] =	wrdreg $0xFFFFFFFF;
	(pc) =	sbr.abs _section_cstart, $3  }
0xc1: {  	[dreg:$0x1] =	wrdreg $0xFFFFFFFF  }
0xc2: {  	_ =	task.clear_ibuf [dreg:s7], $0x2FFFF;
	_ =	strace $0x9FFFFFFF  }
0xc3: {  	(tm) =	ssettm $0x7FFFFFFF  }
tec
execute0_lowered:
.L_overlay_start_1:
0x0: {  	(tag) =	ssettag $0x1  }
0x1: {  	s0 =	rddreg [dreg:$0x0]  }
0x2: {  	s2 =	rddreg [dreg:$0x1];
	s1 =	srdreg.scid  }
0x3: {  	s8 =	stileid.u32;
	s3 =	rddreg [dreg:$0x2];
	s4 =	simm.s32 $0x0  }
0x4: {  	s20 =	simm.s32 $0x3D00;
	s21 =	simm.s32 $0x2;
	s22 =	simm.s32 $0x50  }
0x5: {  	s23 =	simm.s32 $0x100;
	s24 =	simm.s32 $0x80;
	s25 =	simm.s32 $0x2900  }
0x6: {  	s28 =	simm.s32 $0x0;
	s29 =	simm.s32 $0x0;
	s1 =	sand.u32 $0x1, s1  }
0x7: {  	s5 =	sshll.u32 s8, $0x1;
	[smem:$0x7FF] =	sst s4;
	s7 =	smul.u32 $0x50000, s8  }
0x8: {  	s14 =	smul.u32 $0x14000, s8;
	s12 =	sor.u32 s1, s5;
	_ =	strace $0x8000004A  }
0x9: {  	s5 =	sadd.s32 $0x281400, s0;
	s26 =	ssub.s32 $0x2, s1;
	s1 =	smul.u32 $0x140000, s1  }
0xa: {  	s6 =	smul.u32 $0x13880, s12;
	s9 =	sshrl.u32 s26, $0x1;
	s7 =	sshrl.u32 s7, $0x2  }
0xb: {  	s15 =	sadd.s32 $0x4000, s14;
	s16 =	sadd.s32 $0x8000, s14;
	s17 =	sadd.s32 $0xC000, s14  }
0xc: {  	s18 =	sadd.s32 $0x10000, s14;
	s12 =	smul.u32 $0x2710, s12;
	s19 =	ssub.s32 s26, s9  }
0xd: {  	s7 =	sadd.s32 s7, s3;
	s8 =	sadd.s32 s15, s3;
	s9 =	sadd.s32 s16, s3  }
0xe: {  	s10 =	sadd.s32 s17, s3;
	s11 =	sadd.s32 s18, s3;
	s14 =	sadd.s32 s14, s1  }
0xf: {  	s15 =	sadd.s32 s1, s15;
	s30 =	sadd.s32 s1, s16;
	s31 =	sadd.s32 s1, s17  }
0x10: {  	s1 =	sadd.s32 s1, s18;
	s26 =	simm.s32 $0x1;
	s13 =	sadd.s32 s6, s0  }
0x11: {  	s6 =	sadd.s32 $0x6600, s0;
	s0 =	sadd.s32 $0x2A8600, s0;
	s14 =	sshrl.u32 s14, $0x3  }
0x12: {  	s15 =	sshrl.u32 s15, $0x3;
	s17 =	sshrl.u32 s31, $0x3;
	s1 =	sshrl.u32 s1, $0x3  }
0x13: {  	s19 =	smax.u32 s19, $0x1;
	s13 =	sadd.s32 $0x10400, s13;
	s14 =	sadd.s32 s0, s14  }
0x14: {  	s15 =	sadd.s32 s0, s15;
	[dreg:$0x4] =	wrdreg s14;
	s14 =	sshrl.u32 s30, $0x3  }
0x15: {  	v0 =	vimm.f32 $0.0e+00;
	s17 =	sadd.s32 s0, s17;
	s18 =	sadd.s32 s0, s1;
	s16 =	sadd.s32 s0, s14  }
.LBB2_1:
0x16: {  	s0 =	simm.s32 $0x0;
	s1 =	simm.s32 $0x200  }
.LBB2_2:
0x17: {  	p0 =	sne.s32 s1, $0xFE00;
	[tilespmem:s0+$0x3D70] =	vst v0  }
0x18: {  	[tilespmem:s0+$0x3D00] =	vst v0  }
0x19: {  	[tilespmem:s0+$0x3D10] =	vst v0  }
.Ltmp0:
0x1a: {  	[tilespmem:s0+$0x3D20] =	vst v0;
	(pc) =	sbr.rel @p0 .LBB2_2-.Ltmp0, $4  }
0x1b: {  	[tilespmem:s0+$0x3D30] =	vst v0  }
0x1c: {  	[tilespmem:s0+$0x3D40] =	vst v0  }
0x1d: {  	[tilespmem:s0+$0x3D50] =	vst v0  }
0x1e: {  	[tilespmem:s0+$0x3D60] =	vst v0;
	s0 =	sshra.s32 s1, $0x2;
	s1 =	sadd.s32 $0x200, s1  }
0x1f: {  	[tilespmem:s0+$0x3D70] =	vst v0  }
0x20: {  	[tilespmem:s0+$0x3D00] =	vst v0  }
0x21: {  	[tilespmem:s0+$0x3D10] =	vst v0  }
0x22: {  	[tilespmem:s0+$0x3D20] =	vst v0  }
0x23: {  	[tilespmem:s0+$0x3D30] =	vst v0  }
0x24: {  	[tilespmem:s0+$0x3D40] =	vst v0  }
0x25: {  	[tilespmem:s0+$0x3D50] =	vst v0  }
0x26: {  	[tilespmem:s0+$0x3D60] =	vst v0  }
0x27: {  	[spmem:s7] =	stream.linear.scatter [tilespmem:s20], [sflag:$0x2], $0x4000, $0x38;
	[tilespmem:$0x1BD00] =	vst v63  }
0x28: {  	_ =	swait.ge [sflag:s21], $0x4000  }
0x29: {  	[sflag:s21] =	ssyncset.done $0x0  }
0x2a: {  	[sflag:s21] =	ssyncadd.s32 $0xFFFFC000  }
0x2b: {  	[spmem:s8] =	stream.linear.scatter [tilespmem:s20], [sflag:$0x2], $0x4000, $0x38;
	[tilespmem:$0x1BD00] =	vst v63  }
0x2c: {  	_ =	swait.ge [sflag:s21], $0x4000  }
0x2d: {  	[sflag:s21] =	ssyncset.done $0x0  }
0x2e: {  	[sflag:s21] =	ssyncadd.s32 $0xFFFFC000  }
0x2f: {  	[spmem:s9] =	stream.linear.scatter [tilespmem:s20], [sflag:$0x2], $0x4000, $0x38;
	[tilespmem:$0x1BD00] =	vst v63  }
0x30: {  	_ =	swait.ge [sflag:s21], $0x4000  }
0x31: {  	[sflag:s21] =	ssyncset.done $0x0  }
0x32: {  	[sflag:s21] =	ssyncadd.s32 $0xFFFFC000  }
0x33: {  	[spmem:s10] =	stream.linear.scatter [tilespmem:s20], [sflag:$0x2], $0x4000, $0x38;
	[tilespmem:$0x1BD00] =	vst v63  }
0x34: {  	_ =	swait.ge [sflag:s21], $0x4000  }
0x35: {  	[sflag:s21] =	ssyncset.done $0x0  }
0x36: {  	[sflag:s21] =	ssyncadd.s32 $0xFFFFC000  }
0x37: {  	[spmem:s11] =	stream.linear.scatter [tilespmem:s20], [sflag:$0x2], $0x4000, $0x38;
	[tilespmem:$0x1BD00] =	vst v63  }
0x38: {  	_ =	swait.ge [sflag:s21], $0x4000  }
0x39: {  	[sflag:s21] =	ssyncset.done $0x0  }
0x3a: {  	[sflag:s21] =	ssyncadd.s32 $0xFFFFC000  }
0x3b: {  	s30 =	simm.s32 $0x0;
	[bflag:$0x0] =	sbarrier.arrive $0xFFFF  }
.LBB2_4:
0x3c: {  	s0 =	smul.u32 $0x50, s30;
	_ =	sdelay $0x1  }
0x3d: {  	s0 =	sadd.s32 s12, s0  }
0x3e: {  	s0 =	sshrl.u32 s0, $0x3  }
0x3f: {  	s1 =	sadd.s32 s6, s0  }
0x40: {  	[tilespmem:s29], [sflag:$0x2] =	stream.linear.gather [hbm4b:s1+s29], $0x50, $0x38;
	[tilespmem:$0x1BD00] =	vst v63  }
0x41: {  	_ =	swait.ge [sflag:s21], $0x50  }
0x42: {  	[sflag:s21] =	ssyncset.done $0x0  }
0x43: {  	[sflag:s21] =	ssyncadd.s32 $0xFFFFFFB0  }
0x44: {  	[tilespmem:s23], [sflag:$0x1] =	stream.indirect.gather [hbm4b:s5+s22], $0x80, s29, s22, $0xb8;
	[tilespmem:$0x1BD00] =	vst v63  }
0x45: {  	s0 =	sadd.s32 s2, s0  }
0x46: {  	[tilespmem:s24], [sflag:$0x2] =	stream.linear.gather [hbm4b:s0+s29], $0x50, $0x38;
	[tilespmem:$0x1BD00] =	vst v63  }
0x47: {  	s14 =	smul.u32 $0x280, s30;
	_ =	swait.ge [sflag:s21], $0x50  }
0x48: {  	[sflag:s21] =	ssyncset.done $0x0  }
0x49: {  	s0 =	sadd.s32 s13, s14;
	[sflag:s21] =	ssyncadd.s32 $0xFFFFFFB0  }
0x4a: {  	[tilespmem:s25], [sflag:$0x2] =	stream.linear.gather [hbm4b:s0+s29], $0x1400, $0x38;
	[tilespmem:$0x1BD00] =	vst v63  }
0x4b: {  	_ =	swait.ge [sflag:s21], $0x1400  }
0x4c: {  	[sflag:s21] =	ssyncset.done $0x0  }
0x4d: {  	[sflag:s21] =	ssyncadd.s32 $0xFFFFEC00  }
0x4e: {  	_ =	swait.ge [sflag:s26], $0x2800  }
0x4f: {  	[sflag:s26] =	ssyncset.done $0x0  }
0x50: {  	s31 =	simm.s32 $0x180;
	[sflag:s26] =	ssyncadd.s32 $0xFFFFD800  }
0x51: {  	s1 =	simm.s32 $0x180;
	s14 =	simm.s32 $0x200;
	s0 =	simm.s32 $0x0;
	v1 =	vld [tilespmem:s31+$0xFFFFFF80]  }
.LBB2_5:
0x52: {  	p0 =	sne.s32 s14, $0x4E00;
	v2 =	vld [tilespmem:s0+$0x2900];
	_ =	sdelay $0x4  }
0x53: {  	v1 =	vadd.f32 v2, v1;
	_ =	sdelay $0x1  }
0x54: {  	v1 =	vmax.f32 v1, $0.0e+00  }
0x55: {  	[tilespmem:s31+$0xFFFFFF80] =	vst v1;
	v1 =	vld [tilespmem:s31+$0xFFFFFF90]  }
0x56: {  	v2 =	vld [tilespmem:s0+$0x2910];
	_ =	sdelay $0x4  }
0x57: {  	v1 =	vadd.f32 v2, v1;
	_ =	sdelay $0x1  }
0x58: {  	v1 =	vmax.f32 v1, $0.0e+00  }
0x59: {  	[tilespmem:s31+$0xFFFFFF90] =	vst v1;
	v1 =	vld [tilespmem:s31+$0xFFFFFFA0]  }
0x5a: {  	v2 =	vld [tilespmem:s0+$0x2920];
	_ =	sdelay $0x4  }
0x5b: {  	v1 =	vadd.f32 v2, v1;
	_ =	sdelay $0x1  }
0x5c: {  	v1 =	vmax.f32 v1, $0.0e+00  }
0x5d: {  	[tilespmem:s31+$0xFFFFFFA0] =	vst v1;
	v1 =	vld [tilespmem:s31+$0xFFFFFFB0]  }
0x5e: {  	v2 =	vld [tilespmem:s0+$0x2930];
	_ =	sdelay $0x4  }
0x5f: {  	v1 =	vadd.f32 v2, v1;
	_ =	sdelay $0x1  }
0x60: {  	v1 =	vmax.f32 v1, $0.0e+00  }
0x61: {  	[tilespmem:s31+$0xFFFFFFB0] =	vst v1;
	v1 =	vld [tilespmem:s31+$0x0]  }
0x62: {  	v2 =	vld [tilespmem:s0+$0x2940];
	_ =	sdelay $0x4  }
0x63: {  	v1 =	vadd.f32 v2, v1;
	_ =	sdelay $0x1  }
0x64: {  	v1 =	vmax.f32 v1, $0.0e+00  }
0x65: {  	[tilespmem:s31+$0x0] =	vst v1;
	v1 =	vld [tilespmem:s31+$0x10]  }
0x66: {  	v2 =	vld [tilespmem:s0+$0x2950];
	_ =	sdelay $0x4  }
0x67: {  	v1 =	vadd.f32 v2, v1;
	_ =	sdelay $0x1  }
0x68: {  	v1 =	vmax.f32 v1, $0.0e+00  }
0x69: {  	[tilespmem:s31+$0x10] =	vst v1;
	v1 =	vld [tilespmem:s31+$0x20]  }
0x6a: {  	v2 =	vld [tilespmem:s0+$0x2960];
	_ =	sdelay $0x4  }
0x6b: {  	v1 =	vadd.f32 v2, v1;
	_ =	sdelay $0x1  }
0x6c: {  	v1 =	vmax.f32 v1, $0.0e+00  }
0x6d: {  	[tilespmem:s31+$0x20] =	vst v1;
	v1 =	vld [tilespmem:s31+$0x30]  }
0x6e: {  	v2 =	vld [tilespmem:s0+$0x2970];
	_ =	sdelay $0x3  }
.Ltmp1:
0x6f: {  	(pc) =	sbr.rel @p0 .LBB2_5-.Ltmp1, $3  }
0x70: {  	v1 =	vadd.f32 v2, v1;
	_ =	sdelay $0x1  }
0x71: {  	s31 =	sadd.s32 $0x100, s31;
	v2 =	vmax.f32 v1, $0.0e+00  }
0x72: {  	s0 =	sshra.s32 s14, $0x2;
	s14 =	sadd.s32 $0x200, s14;
	v1 =	vld [tilespmem:s31+$0xFFFFFF80];
	[tilespmem:s1+$0x30] =	vst v2;
	s1 =	smov.u32 s31  }
0x73: {  	v2 =	vld [tilespmem:s0+$0x2900];
	_ =	sdelay $0x4  }
0x74: {  	v1 =	vadd.f32 v2, v1;
	_ =	sdelay $0x1  }
0x75: {  	v1 =	vmax.f32 v1, $0.0e+00  }
0x76: {  	[tilespmem:s31+$0xFFFFFF80] =	vst v1;
	v1 =	vld [tilespmem:s31+$0xFFFFFF90]  }
0x77: {  	v2 =	vld [tilespmem:s0+$0x2910];
	_ =	sdelay $0x4  }
0x78: {  	v1 =	vadd.f32 v2, v1;
	_ =	sdelay $0x1  }
0x79: {  	v1 =	vmax.f32 v1, $0.0e+00  }
0x7a: {  	[tilespmem:s31+$0xFFFFFF90] =	vst v1;
	v1 =	vld [tilespmem:s31+$0xFFFFFFA0]  }
0x7b: {  	v2 =	vld [tilespmem:s0+$0x2920];
	_ =	sdelay $0x4  }
0x7c: {  	v1 =	vadd.f32 v2, v1;
	_ =	sdelay $0x1  }
0x7d: {  	v1 =	vmax.f32 v1, $0.0e+00  }
0x7e: {  	[tilespmem:s31+$0xFFFFFFA0] =	vst v1;
	v1 =	vld [tilespmem:s31+$0xFFFFFFB0]  }
0x7f: {  	v2 =	vld [tilespmem:s0+$0x2930];
	_ =	sdelay $0x4  }
0x80: {  	v1 =	vadd.f32 v2, v1;
	_ =	sdelay $0x1  }
0x81: {  	v1 =	vmax.f32 v1, $0.0e+00  }
0x82: {  	[tilespmem:s31+$0xFFFFFFB0] =	vst v1;
	v1 =	vld [tilespmem:s31+$0x0]  }
0x83: {  	v2 =	vld [tilespmem:s0+$0x2940];
	_ =	sdelay $0x4  }
0x84: {  	v1 =	vadd.f32 v2, v1;
	_ =	sdelay $0x1  }
0x85: {  	v1 =	vmax.f32 v1, $0.0e+00  }
0x86: {  	[tilespmem:s31+$0x0] =	vst v1;
	v1 =	vld [tilespmem:s31+$0x10]  }
0x87: {  	v2 =	vld [tilespmem:s0+$0x2950];
	_ =	sdelay $0x4  }
0x88: {  	v1 =	vadd.f32 v2, v1;
	_ =	sdelay $0x1  }
0x89: {  	v1 =	vmax.f32 v1, $0.0e+00  }
0x8a: {  	[tilespmem:s31+$0x10] =	vst v1;
	v1 =	vld [tilespmem:s31+$0x20]  }
0x8b: {  	v2 =	vld [tilespmem:s0+$0x2960];
	_ =	sdelay $0x4  }
0x8c: {  	v1 =	vadd.f32 v2, v1;
	_ =	sdelay $0x1  }
0x8d: {  	v1 =	vmax.f32 v1, $0.0e+00  }
0x8e: {  	[tilespmem:s31+$0x20] =	vst v1;
	v1 =	vld [tilespmem:s31+$0x30]  }
0x8f: {  	v2 =	vld [tilespmem:s0+$0x2970];
	_ =	sdelay $0x4  }
0x90: {  	v1 =	vadd.f32 v2, v1  }
0x91: {  	s30 =	sadd.s32 $0x1, s30  }
0x92: {  	p0 =	sne.s32 s30, $0x7D;
	v1 =	vmax.f32 v1, $0.0e+00  }
.Ltmp2:
0x93: {  	[tilespmem:s1+$0x30] =	vst v1;
	(pc) =	sbr.rel @p0 .LBB2_4-.Ltmp2, $4  }
0x94: {  	[spmem:s3] =	stream.indirect.scatter.add.f32 [tilespmem:s23], [sflag:$0x2], $0x80, s24, s22, $0xb8;
	[tilespmem:$0x1BD00] =	vst v63  }
0x95: {  	_ =	swait.ge [sflag:s21], $0x2800  }
0x96: {  	[sflag:s21] =	ssyncset.done $0x0  }
0x97: {  	[sflag:s21] =	ssyncadd.s32 $0xFFFFD800  }
0x98: {  	[bflag:$0x0] =	sbarrier.arrive $0xFFFF  }
0x99: {  	[tilespmem:s20], [sflag:$0x2] =	stream.linear.gather [spmem:s7], $0x4000, $0x38;
	[tilespmem:$0x1BD00] =	vst v63  }
0x9a: {  	_ =	swait.ge [sflag:s21], $0x4000  }
0x9b: {  	[sflag:s21] =	ssyncset.done $0x0  }
0x9c: {  	s0 =	rddreg [dreg:$0x4];
	[sflag:s21] =	ssyncadd.s32 $0xFFFFC000  }
0x9d: {  	[hbm4b:s0+s4] =	stream.linear.scatter [tilespmem:s20], [sflag:$0x2], $0x4000, $0x38;
	[tilespmem:$0x1BD00] =	vst v63  }
0x9e: {  	_ =	swait.ge [sflag:s21], $0x4000  }
0x9f: {  	[sflag:s21] =	ssyncset.done $0x0  }
0xa0: {  	[sflag:s21] =	ssyncadd.s32 $0xFFFFC000  }
0xa1: {  	[tilespmem:s20], [sflag:$0x2] =	stream.linear.gather [spmem:s8], $0x4000, $0x38;
	[tilespmem:$0x1BD00] =	vst v63  }
0xa2: {  	_ =	swait.ge [sflag:s21], $0x4000  }
0xa3: {  	[sflag:s21] =	ssyncset.done $0x0  }
0xa4: {  	[sflag:s21] =	ssyncadd.s32 $0xFFFFC000  }
0xa5: {  	[hbm4b:s15+s4] =	stream.linear.scatter [tilespmem:s20], [sflag:$0x2], $0x4000, $0x38;
	[tilespmem:$0x1BD00] =	vst v63  }
0xa6: {  	_ =	swait.ge [sflag:s21], $0x4000  }
0xa7: {  	[sflag:s21] =	ssyncset.done $0x0  }
0xa8: {  	[sflag:s21] =	ssyncadd.s32 $0xFFFFC000  }
0xa9: {  	[tilespmem:s20], [sflag:$0x2] =	stream.linear.gather [spmem:s9], $0x4000, $0x38;
	[tilespmem:$0x1BD00] =	vst v63  }
0xaa: {  	_ =	swait.ge [sflag:s21], $0x4000  }
0xab: {  	[sflag:s21] =	ssyncset.done $0x0  }
0xac: {  	[sflag:s21] =	ssyncadd.s32 $0xFFFFC000  }
0xad: {  	[hbm4b:s16+s4] =	stream.linear.scatter [tilespmem:s20], [sflag:$0x2], $0x4000, $0x38;
	[tilespmem:$0x1BD00] =	vst v63  }
0xae: {  	_ =	swait.ge [sflag:s21], $0x4000  }
0xaf: {  	[sflag:s21] =	ssyncset.done $0x0  }
0xb0: {  	[sflag:s21] =	ssyncadd.s32 $0xFFFFC000  }
0xb1: {  	[tilespmem:s20], [sflag:$0x2] =	stream.linear.gather [spmem:s10], $0x4000, $0x38;
	[tilespmem:$0x1BD00] =	vst v63  }
0xb2: {  	_ =	swait.ge [sflag:s21], $0x4000  }
0xb3: {  	[sflag:s21] =	ssyncset.done $0x0  }
0xb4: {  	[sflag:s21] =	ssyncadd.s32 $0xFFFFC000  }
0xb5: {  	[hbm4b:s17+s4] =	stream.linear.scatter [tilespmem:s20], [sflag:$0x2], $0x4000, $0x38;
	[tilespmem:$0x1BD00] =	vst v63  }
0xb6: {  	_ =	swait.ge [sflag:s21], $0x4000  }
0xb7: {  	[sflag:s21] =	ssyncset.done $0x0  }
0xb8: {  	[sflag:s21] =	ssyncadd.s32 $0xFFFFC000  }
0xb9: {  	[tilespmem:s20], [sflag:$0x2] =	stream.linear.gather [spmem:s11], $0x4000, $0x38;
	[tilespmem:$0x1BD00] =	vst v63  }
0xba: {  	s28 =	sadd.s32 $0x1, s28;
	_ =	swait.ge [sflag:s21], $0x4000  }
0xbb: {  	p0 =	sne.s32 s28, s19;
	[sflag:s21] =	ssyncset.done $0x0  }
.Ltmp3:
0xbc: {  	[sflag:s21] =	ssyncadd.s32 $0xFFFFC000;
	(pc) =	sbr.rel @p0 .LBB2_1-.Ltmp3, $4  }
0xbd: {  	[hbm4b:s18+s4] =	stream.linear.scatter [tilespmem:s20], [sflag:$0x2], $0x4000, $0x38;
	[tilespmem:$0x1BD00] =	vst v63  }
0xbe: {  	_ =	swait.ge [sflag:s21], $0x4000  }
0xbf: {  	[sflag:s21] =	ssyncset.done $0x0  }
0xc0: {  	[sflag:s21] =	ssyncadd.s32 $0xFFFFC000  }
0xc1: {  	_ =	sfence.sel $0x180000  }
0xc2: {  	[bflag:$0x0] =	sbarrier.arrive $0xFFFF  }
0xc3: {  	_ =	strace $0x9000004A  }
0xc4: {  	s0 =	stileid.u32;
	[bflag:$0x2] =	sbarrier.arrive $0xFFFF  }
0xc5: {  	p0 =	sne.s32 s0, $0x0;
	s0 =	rddreg [dreg:$0x3]  }
0xc6: {  	s0 =	sadd.s32 @!p0 $0x100000, s0  }
0xc7: {  	[sflag:s0] =	ssyncadd.tile.s32 @!p0 $0x1;
	_ =	shalt  }
.Lfunc_end2:
_tile_overlayer_lowered:
.L_overlay_start_2:
0xc8: {  	(tag) =	ssettag $0x2  }
0xc9: {  	s0 =	rddreg [dreg:$0x0];
	s2 =	stileid.u32  }
0xca: {  	s1 =	rddreg [dreg:$0x1];
	p0 =	sne.s32 s2, $0x0  }
0xcb: {  	s3 =	rddreg [dreg:$0x2];
	[bflag:$0x3] =	sbarrier.arrive $0xFFFF;
	s2 =	simm.s32 @!p0 $0x1C02  }
0xcc: {  	[timem:s3], [sflag:s2] =	dma.local @!p0 [hbm:s0], s1  }
0xcd: {  	s0 =	simm.s32 @!p0 $0x2  }
0xce: {  	_ =	swait.ge @!p0 [sflag:s0], s1  }
0xcf: {  	s1 =	ssub.s32 @!p0 $0x0, s1;
	[sflag:s0] =	ssyncset.done @!p0 $0x0  }
0xd0: {  	[sflag:s0] =	ssyncadd.s32 @!p0 s1  }
0xd1: {  	[bflag:$0x3] =	sbarrier.arrive $0xFFFF  }
0xd2: {  	_ =	shalt  }

// kernel: kernel.21.cloned.1.call-start
scs
__scs_entry_jumppad:
0x0: {  	(pc) =	sbr.rel $0x88, $3  }
0x1: {  	(tag) =	ssettag $0x0;
	lr =	simm.s32 $0x1  }
0x2: {  	[smem:$0x3F7E] =	sst lr;
	_ =	strace $0xD0000000  }
0x3: {  	_ = 	snop  }
0x4: {  	_ = 	snop  }
0x5: {  	_ = 	snop  }
0x6: {  	_ = 	snop  }
0x7: {  	_ = 	snop  }
__scs_overlays_trampoline_lowered:
0x8: {  	[smem:$0x3F8D] =	sst s0  }
0x9: {  	[smem:$0x3F8E] =	sst s1  }
0xa: {  	[smem:$0x3F8F] =	sst s2  }
0xb: {  	[smem:$0x3F90] =	sst s3  }
0xc: {  	[smem:$0x3F91] =	sst s4  }
0xd: {  	[smem:$0x3F92] =	sst s5  }
0xe: {  	[smem:$0x3F93] =	sst s6  }
0xf: {  	[smem:$0x3F94] =	sst s7  }
0x10: {  	[smem:$0x3F95] =	sst s8  }
0x11: {  	[smem:$0x3F96] =	sst s9;
	s0 =	simm.s32 @!p0 $0x0  }
0x12: {  	s1 =	sld [smem:$0x3F7C];
	s0 =	simm.s32 @p0 $0x1  }
0x13: {  	[smem:$0x3F97] =	sst s0;
	s0 =	simm.s32 @!p1 $0x0  }
0x14: {  	s2 =	sld [smem:$0x3F7B];
	s0 =	simm.s32 @p1 $0x1  }
0x15: {  	[smem:$0x3F98] =	sst s0;
	s0 =	simm.s32 @!p2 $0x0  }
0x16: {  	s3 =	sld [smem:$0x3FDB];
	s0 =	simm.s32 @p2 $0x1  }
0x17: {  	s4 =	simm.s32 $0x1BF5;
	[smem:$0x3F9A] =	sst s0  }
0x18: {  	s0 =	sld [smem:$0x3F7D];
	_ =	swait.ge [sflag:s4], $0x0  }
0x19: {  	s7 =	sld [smem:$0x3F7E]  }
0x1a: {  	s8 =	sadd.s32 $0xFFFFE003, lr  }
0x1b: {  	s9 =	sadd.s32 $0xFFFFFEF7, lr;
	s5 =	simm.s32 $0xFFFFFFFF;
	p2 =	slt.u32 s8, $0xFFFFF086  }
0x1c: {  	p1 =	slt.u32 s9, $0xF7A;
	s5 =	simm.s32 @!p2 $0x0  }
0x1d: {  	s5 =	simm.s32 @p1 $0x1;
	p0 =	seq.s32 s7, s2  }
0x1e: {  	s7 =	smul.u32 @!p0 $0xF7A, s2;
	p2 =	seq.s32 @!p0 s5, $0x0  }
0x1f: {  	s9 =	smul.u32 $0xF7A, s1;
	s8 =	simm.s32 @!p0 $0x1BF5;
	p2 =	por !p2, p0  }
0x20: {  	[sflag:s8] =	ssyncset.s32 @!p0 $0xFFFFF086;
	s6 =	sadd.s32 @!p0 s3, s7;
	s7 =	simm.s32 @!p0 $0x108  }
0x21: {  	s3 =	sadd.s32 s3, s9;
	s6 =	sadd.s32 @!p0 $0x88, s6;
	s7 =	simm.s32 @p2 $0x1082  }
0x22: {  	[simem:s7], [sflag:s8] =	dma.local @!p0 [hbm:s6], $0xF7A  }
0x23: {  	s9 =	sor.u32 $0xD0000000, s2;
	s6 =	simm.s32 $0x108;
	_ =	swait.ge @!p0 [sflag:s8], $0x0  }
0x24: {  	s3 =	sadd.s32 $0x88, s3;
	s6 =	simm.s32 @!p1 $0x1082;
	[sflag:s4] =	ssyncset.s32 $0xFFFFF086  }
0x25: {  	[simem:s6], [sflag:s4] =	dma.local [hbm:s3], $0xF7A  }
0x26: {  	[smem:$0x3F7E] =	sst s1;
	(tag) =	ssettag s2;
	_ =	strace s9  }
0x27: {  	s1 =	sld [smem:$0x3F8E]  }
0x28: {  	s2 =	sld [smem:$0x3F8F]  }
0x29: {  	s4 =	sld [smem:$0x3F91]  }
0x2a: {  	p0 =	seq.s32 s5, $0x0;
	s5 =	sld [smem:$0x3F92]  }
0x2b: {  	s6 =	sld [smem:$0x3F93]  }
0x2c: {  	s7 =	sld [smem:$0x3F94]  }
0x2d: {  	s3 =	simm.s32 $0x108;
	s8 =	sld [smem:$0x3F95]  }
0x2e: {  	s3 =	simm.s32 @!p0 $0x1082;
	s9 =	sld [smem:$0x3F96]  }
0x2f: {  	lr =	sadd.s32 s0, s3;
	s0 =	sld [smem:$0x3F8D]  }
0x30: {  	s3 =	sld [smem:$0x3F90]  }
0x31: {  	[smem:$0x3F99] =	sst s10  }
0x32: {  	s10 =	sld [smem:$0x3F97];
	_ =	sdelay $0x3  }
0x33: {  	p0 =	seq.s32 s10, $0x1;
	s10 =	sld [smem:$0x3F99];
	_ =	sdelay $0x3  }
0x34: {  	[smem:$0x3F99] =	sst s10  }
0x35: {  	s10 =	sld [smem:$0x3F98];
	_ =	sdelay $0x3  }
0x36: {  	p1 =	seq.s32 s10, $0x1;
	s10 =	sld [smem:$0x3F99];
	_ =	sdelay $0x3  }
0x37: {  	[smem:$0x3F99] =	sst s10  }
0x38: {  	s10 =	sld [smem:$0x3F9A]  }
0x39: {  	_ = 	snop;
	(pc) =	sbr.ind lr, $3  }
0x3a: {  	_ = 	snop  }
0x3b: {  	_ = 	snop  }
0x3c: {  	p2 =	seq.s32 s10, $0x1;
	s10 =	sld [smem:$0x3F99]  }
0x3d: {  	_ =	shalt  }
0x3e: {  	_ =	shalt  }
0x3f: {  	_ =	shalt  }
0x40: {  	_ =	shalt  }
0x41: {  	_ =	shalt  }
0x42: {  	_ =	shalt  }
0x43: {  	_ =	shalt  }
0x44: {  	_ =	shalt  }
0x45: {  	_ =	shalt  }
0x46: {  	_ =	shalt  }
0x47: {  	_ =	shalt  }
0x48: {  	_ =	shalt  }
0x49: {  	_ =	shalt  }
0x4a: {  	_ =	shalt  }
0x4b: {  	_ =	shalt  }
0x4c: {  	_ =	shalt  }
0x4d: {  	_ =	shalt  }
0x4e: {  	_ =	shalt  }
0x4f: {  	_ =	shalt  }
0x50: {  	_ =	shalt  }
0x51: {  	_ =	shalt  }
0x52: {  	_ =	shalt  }
0x53: {  	_ =	shalt  }
0x54: {  	_ =	shalt  }
0x55: {  	_ =	shalt  }
0x56: {  	_ =	shalt  }
0x57: {  	_ =	shalt  }
0x58: {  	_ =	shalt  }
0x59: {  	_ =	shalt  }
0x5a: {  	_ =	shalt  }
0x5b: {  	_ =	shalt  }
0x5c: {  	_ =	shalt  }
0x5d: {  	_ =	shalt  }
0x5e: {  	_ =	shalt  }
0x5f: {  	_ =	shalt  }
0x60: {  	_ =	shalt  }
0x61: {  	_ =	shalt  }
0x62: {  	_ =	shalt  }
0x63: {  	_ =	shalt  }
0x64: {  	_ =	shalt  }
0x65: {  	_ =	shalt  }
0x66: {  	_ =	shalt  }
0x67: {  	_ =	shalt  }
0x68: {  	_ =	shalt  }
0x69: {  	_ =	shalt  }
0x6a: {  	_ =	shalt  }
0x6b: {  	_ =	shalt  }
0x6c: {  	_ =	shalt  }
0x6d: {  	_ =	shalt  }
0x6e: {  	_ =	shalt  }
0x6f: {  	_ =	shalt  }
0x70: {  	_ =	shalt  }
0x71: {  	_ =	shalt  }
0x72: {  	_ =	shalt  }
0x73: {  	_ =	shalt  }
0x74: {  	_ =	shalt  }
0x75: {  	_ =	shalt  }
0x76: {  	_ =	shalt  }
0x77: {  	_ =	shalt  }
0x78: {  	_ =	shalt  }
0x79: {  	_ =	shalt  }
0x7a: {  	_ =	shalt  }
0x7b: {  	_ =	shalt  }
0x7c: {  	_ =	shalt  }
0x7d: {  	_ =	shalt  }
0x7e: {  	_ =	shalt  }
0x7f: {  	_ =	shalt  }
0x80: {  	_ =	shalt  }
0x81: {  	_ =	shalt  }
0x82: {  	_ =	shalt  }
0x83: {  	_ =	shalt  }
0x84: {  	_ =	shalt  }
0x85: {  	_ =	shalt  }
0x86: {  	_ =	shalt  }
0x87: {  	_ =	shalt  }
.Lfunc_end0:
.L_simem_size_0:
called_computation.2_lowered:
.L_overlay_start_0:
0x88: {  	s2 =	sld [smem:$0x3FD9]  }
0x89: {  	s3 =	sld [smem:$0x3FFE];
	_ =	sdelay $0x1  }
0x8a: {  	s1 =	srdreg.scid  }
0x8b: {  	s0 =	sand.u32 $0x1, s1  }
0x8c: {  	s17 =	sshll.u32 s0, $0xA;
	s2 =	sadd.s32 s3, s2  }
0x8d: {  	s2 =	sadd.s32 s2, s17  }
0x8e: {  	[smem:$0x3FA5] =	sst s2  }
0x8f: {  	_ = 	snop  }
0x90: {  	s2 =	sld [smem:$0x3FD0];
	(tm) =	ssettm $0x1  }
0x91: {  	s18 =	sld [smem:$0x3FFB];
	_ =	sdelay $0x3  }
0x92: {  	_ =	strace s18  }
0x93: {  	s3 =	sld [smem:$0x3FFC];
	_ =	sdelay $0x3  }
0x94: {  	_ =	strace s3  }
0x95: {  	s3 =	sld [smem:$0x3FFD];
	_ =	sdelay $0x3  }
0x96: {  	_ =	strace s3  }
0x97: {  	_ =	strace $0x8FFFFFFF  }
0x98: {  	s19 =	sld [smem:$0x3FDB];
	_ =	sdelay $0x1  }
0x99: {  	s4 =	simm.s32 $_scs_section_size  }
0x9a: {  	s5 =	simm.s32 $_size__tile_overlayer_lowered;
	s6 =	simm.s32 $_tile_overlayer_lowered  }
0x9b: {  	s22 =	simm.s32 $0x1BFF;
	s21 =	sshll.u32 s6, $0x1;
	s3 =	sadd.s32 s4, s19  }
0x9c: {  	s7 =	simm.s32 $0x0;
	s20 =	sshll.u32 s5, $0x1;
	s5 =	sadd.s32 s21, s3  }
0x9d: {  	[timem:s7], [sflag:s22] =	dma.local [hbm:s5], s20  }
0x9e: {  	_ =	swait.ge [sflag:s22], s20  }
0x9f: {  	s4 =	ssub.s32 $0x0, s20;
	[sflag:s22] =	ssyncset.done $0x0  }
0xa0: {  	[sflag:s22] =	ssyncadd.s32 s4;
	_ =	sdelay $0x1  }
0xa1: {  	s23 =	simm.s32 $0x1B8B  }
0xa2: {  	_ =	swait.ge [sflag:s23], $0x1  }
0xa3: {  	[sflag:s23] =	ssyncset.done $0x0  }
0xa4: {  	s25 =	simm.s32 $0x1B8E;
	s24 =	sld [smem:$0x3FFE];
	[sflag:s23] =	ssyncadd.s32 $0xFFFFFFFF  }
0xa5: {  	s26 =	simm.s32 $execute0_lowered;
	[smem:$0x3FD2] =	sst s25  }
0xa6: {  	s5 =	sshll.u32 s26, $0x1;
	_ =	strace $0x8000004C;
	[dreg:$0x1] =	wrdreg $0xFFFFFFFF  }
0xa7: {  	s28 =	simm.s32 $_size_execute0_lowered;
	s3 =	sadd.s32 s3, s5;
	[dreg:$0x0] =	wrdreg $0x0  }
0xa8: {  	s5 =	sshll.u32 s28, $0x1;
	[dreg:$0x2] =	wrdreg s3  }
0xa9: {  	[dreg:$0x3] =	wrdreg s5  }
0xaa: {  	[dreg:$0x4] =	wrdreg $0xC0  }
0xab: {  	_ =	task [dreg:s7], $0x5FFFF  }
0xac: {  	[dreg:$0x1] =	wrdreg $0xFFFFFFFF  }
0xad: {  	[dreg:$0x0] =	wrdreg $0x60  }
0xae: {  	[dreg:$0x2] =	wrdreg s24  }
0xaf: {  	[dreg:$0x3] =	wrdreg s2  }
0xb0: {  	[dreg:$0x4] =	wrdreg $0x7D000  }
0xb1: {  	[dreg:$0x5] =	wrdreg $0x9  }
0xb2: {  	_ =	task.clear_ibuf [dreg:s7], $0x6FFFF;
	_ =	strace $0x9000004C  }
0xb3: {  	s29 =	simm.s32 $0x9;
	_ =	strace $0x8000004E  }
0xb4: {  	_ =	swait.ge [sflag:s29], $0x1  }
0xb5: {  	[sflag:s29] =	ssyncadd.s32 $0xFFFFFFFF  }
0xb6: {  	_ =	strace $0x9000004E  }
0xb7: {  	_ =	sfence  }
0xb8: {  	s30 =	sld [smem:$0x0];
	_ =	sdelay $0x2  }
0xb9: {  	s31 =	sshll.u32 s1, $0xD;
	s1 =	sshrl.u32 s1, $0x2  }
0xba: {  	s3 =	sand.u32 $0x4000, s31;
	s1 =	sadd.s32 s1, s30  }
0xbb: {  	s0 =	sor.u32 s3, s0;
	s1 =	sshll.u32 s1, $0x11  }
0xbc: {  	s0 =	sor.u32 s1, s0  }
0xbd: {  	s0 =	sadd.s32 $0x8F2B, s0  }
0xbe: {  	[sflag:s0] =	ssyncadd.remote.s32 $0x1  }
0xbf: {  	_ =	sfence.sel $0xFFFF  }
0xc0: {  	[dreg:$0x0] =	wrdreg $0xFFFFFFFF;
	(pc) =	sbr.abs _section_cstart, $3  }
0xc1: {  	[dreg:$0x1] =	wrdreg $0xFFFFFFFF  }
0xc2: {  	_ =	task.clear_ibuf [dreg:s7], $0x2FFFF;
	_ =	strace $0x9FFFFFFF  }
0xc3: {  	(tm) =	ssettm $0x7FFFFFFF  }
tec
execute0_lowered:
.L_overlay_start_1:
0x0: {  	(tag) =	ssettag $0x1  }
0x1: {  	s0 =	rddreg [dreg:$0x0]  }
0x2: {  	s2 =	rddreg [dreg:$0x1];
	s1 =	srdreg.scid  }
0x3: {  	s8 =	stileid.u32;
	s3 =	rddreg [dreg:$0x2];
	s4 =	simm.s32 $0x0  }
0x4: {  	s20 =	simm.s32 $0x3D00;
	s21 =	simm.s32 $0x2;
	s22 =	simm.s32 $0x50  }
0x5: {  	s23 =	simm.s32 $0x100;
	s24 =	simm.s32 $0x80;
	s25 =	simm.s32 $0x2900  }
0x6: {  	s28 =	simm.s32 $0x0;
	s29 =	simm.s32 $0x0;
	s1 =	sand.u32 $0x1, s1  }
0x7: {  	s5 =	sshll.u32 s8, $0x1;
	[smem:$0x7FF] =	sst s4;
	s7 =	smul.u32 $0x50000, s8  }
0x8: {  	s14 =	smul.u32 $0x14000, s8;
	s12 =	sor.u32 s1, s5;
	_ =	strace $0x8000004D  }
0x9: {  	s5 =	sadd.s32 $0x281400, s0;
	s26 =	ssub.s32 $0x2, s1;
	s1 =	smul.u32 $0x140000, s1  }
0xa: {  	s6 =	smul.u32 $0x13880, s12;
	s9 =	sshrl.u32 s26, $0x1;
	s7 =	sshrl.u32 s7, $0x2  }
0xb: {  	s15 =	sadd.s32 $0x4000, s14;
	s16 =	sadd.s32 $0x8000, s14;
	s17 =	sadd.s32 $0xC000, s14  }
0xc: {  	s18 =	sadd.s32 $0x10000, s14;
	s12 =	smul.u32 $0x2710, s12;
	s19 =	ssub.s32 s26, s9  }
0xd: {  	s7 =	sadd.s32 s7, s3;
	s8 =	sadd.s32 s15, s3;
	s9 =	sadd.s32 s16, s3  }
0xe: {  	s10 =	sadd.s32 s17, s3;
	s11 =	sadd.s32 s18, s3;
	s14 =	sadd.s32 s14, s1  }
0xf: {  	s15 =	sadd.s32 s1, s15;
	s30 =	sadd.s32 s1, s16;
	s31 =	sadd.s32 s1, s17  }
0x10: {  	s1 =	sadd.s32 s1, s18;
	s26 =	simm.s32 $0x1;
	s13 =	sadd.s32 s6, s0  }
0x11: {  	s6 =	sadd.s32 $0x6600, s0;
	s0 =	sadd.s32 $0x2A8600, s0;
	s14 =	sshrl.u32 s14, $0x3  }
0x12: {  	s15 =	sshrl.u32 s15, $0x3;
	s17 =	sshrl.u32 s31, $0x3;
	s1 =	sshrl.u32 s1, $0x3  }
0x13: {  	s19 =	smax.u32 s19, $0x1;
	s13 =	sadd.s32 $0x10400, s13;
	s14 =	sadd.s32 s0, s14  }
0x14: {  	s15 =	sadd.s32 s0, s15;
	[dreg:$0x4] =	wrdreg s14;
	s14 =	sshrl.u32 s30, $0x3  }
0x15: {  	v0 =	vimm.f32 $0.0e+00;
	s17 =	sadd.s32 s0, s17;
	s18 =	sadd.s32 s0, s1;
	s16 =	sadd.s32 s0, s14  }
.LBB2_1:
0x16: {  	s0 =	simm.s32 $0x0;
	s1 =	simm.s32 $0x200  }
.LBB2_2:
0x17: {  	p0 =	sne.s32 s1, $0xFE00;
	[tilespmem:s0+$0x3D70] =	vst v0  }
0x18: {  	[tilespmem:s0+$0x3D00] =	vst v0  }
0x19: {  	[tilespmem:s0+$0x3D10] =	vst v0  }
.Ltmp0:
0x1a: {  	[tilespmem:s0+$0x3D20] =	vst v0;
	(pc) =	sbr.rel @p0 .LBB2_2-.Ltmp0, $4  }
0x1b: {  	[tilespmem:s0+$0x3D30] =	vst v0  }
0x1c: {  	[tilespmem:s0+$0x3D40] =	vst v0  }
0x1d: {  	[tilespmem:s0+$0x3D50] =	vst v0  }
0x1e: {  	[tilespmem:s0+$0x3D60] =	vst v0;
	s0 =	sshra.s32 s1, $0x2;
	s1 =	sadd.s32 $0x200, s1  }
0x1f: {  	[tilespmem:s0+$0x3D70] =	vst v0  }
0x20: {  	[tilespmem:s0+$0x3D00] =	vst v0  }
0x21: {  	[tilespmem:s0+$0x3D10] =	vst v0  }
0x22: {  	[tilespmem:s0+$0x3D20] =	vst v0  }
0x23: {  	[tilespmem:s0+$0x3D30] =	vst v0  }
0x24: {  	[tilespmem:s0+$0x3D40] =	vst v0  }
0x25: {  	[tilespmem:s0+$0x3D50] =	vst v0  }
0x26: {  	[tilespmem:s0+$0x3D60] =	vst v0  }
0x27: {  	[spmem:s7] =	stream.linear.scatter [tilespmem:s20], [sflag:$0x2], $0x4000, $0x38;
	[tilespmem:$0x1BD00] =	vst v63  }
0x28: {  	_ =	swait.ge [sflag:s21], $0x4000  }
0x29: {  	[sflag:s21] =	ssyncset.done $0x0  }
0x2a: {  	[sflag:s21] =	ssyncadd.s32 $0xFFFFC000  }
0x2b: {  	[spmem:s8] =	stream.linear.scatter [tilespmem:s20], [sflag:$0x2], $0x4000, $0x38;
	[tilespmem:$0x1BD00] =	vst v63  }
0x2c: {  	_ =	swait.ge [sflag:s21], $0x4000  }
0x2d: {  	[sflag:s21] =	ssyncset.done $0x0  }
0x2e: {  	[sflag:s21] =	ssyncadd.s32 $0xFFFFC000  }
0x2f: {  	[spmem:s9] =	stream.linear.scatter [tilespmem:s20], [sflag:$0x2], $0x4000, $0x38;
	[tilespmem:$0x1BD00] =	vst v63  }
0x30: {  	_ =	swait.ge [sflag:s21], $0x4000  }
0x31: {  	[sflag:s21] =	ssyncset.done $0x0  }
0x32: {  	[sflag:s21] =	ssyncadd.s32 $0xFFFFC000  }
0x33: {  	[spmem:s10] =	stream.linear.scatter [tilespmem:s20], [sflag:$0x2], $0x4000, $0x38;
	[tilespmem:$0x1BD00] =	vst v63  }
0x34: {  	_ =	swait.ge [sflag:s21], $0x4000  }
0x35: {  	[sflag:s21] =	ssyncset.done $0x0  }
0x36: {  	[sflag:s21] =	ssyncadd.s32 $0xFFFFC000  }
0x37: {  	[spmem:s11] =	stream.linear.scatter [tilespmem:s20], [sflag:$0x2], $0x4000, $0x38;
	[tilespmem:$0x1BD00] =	vst v63  }
0x38: {  	_ =	swait.ge [sflag:s21], $0x4000  }
0x39: {  	[sflag:s21] =	ssyncset.done $0x0  }
0x3a: {  	[sflag:s21] =	ssyncadd.s32 $0xFFFFC000  }
0x3b: {  	s30 =	simm.s32 $0x0;
	[bflag:$0x0] =	sbarrier.arrive $0xFFFF  }
.LBB2_4:
0x3c: {  	s0 =	smul.u32 $0x50, s30;
	_ =	sdelay $0x1  }
0x3d: {  	s0 =	sadd.s32 s12, s0  }
0x3e: {  	s0 =	sshrl.u32 s0, $0x3  }
0x3f: {  	s1 =	sadd.s32 s6, s0  }
0x40: {  	[tilespmem:s29], [sflag:$0x2] =	stream.linear.gather [hbm4b:s1+s29], $0x50, $0x38;
	[tilespmem:$0x1BD00] =	vst v63  }
0x41: {  	_ =	swait.ge [sflag:s21], $0x50  }
0x42: {  	[sflag:s21] =	ssyncset.done $0x0  }
0x43: {  	[sflag:s21] =	ssyncadd.s32 $0xFFFFFFB0  }
0x44: {  	[tilespmem:s23], [sflag:$0x1] =	stream.indirect.gather [hbm4b:s5+s22], $0x80, s29, s22, $0xb8;
	[tilespmem:$0x1BD00] =	vst v63  }
0x45: {  	s0 =	sadd.s32 s2, s0  }
0x46: {  	[tilespmem:s24], [sflag:$0x2] =	stream.linear.gather [hbm4b:s0+s29], $0x50, $0x38;
	[tilespmem:$0x1BD00] =	vst v63  }
0x47: {  	s14 =	smul.u32 $0x280, s30;
	_ =	swait.ge [sflag:s21], $0x50  }
0x48: {  	[sflag:s21] =	ssyncset.done $0x0  }
0x49: {  	s0 =	sadd.s32 s13, s14;
	[sflag:s21] =	ssyncadd.s32 $0xFFFFFFB0  }
0x4a: {  	[tilespmem:s25], [sflag:$0x2] =	stream.linear.gather [hbm4b:s0+s29], $0x1400, $0x38;
	[tilespmem:$0x1BD00] =	vst v63  }
0x4b: {  	_ =	swait.ge [sflag:s21], $0x1400  }
0x4c: {  	[sflag:s21] =	ssyncset.done $0x0  }
0x4d: {  	[sflag:s21] =	ssyncadd.s32 $0xFFFFEC00  }
0x4e: {  	_ =	swait.ge [sflag:s26], $0x2800  }
0x4f: {  	[sflag:s26] =	ssyncset.done $0x0  }
0x50: {  	s31 =	simm.s32 $0x180;
	[sflag:s26] =	ssyncadd.s32 $0xFFFFD800  }
0x51: {  	s1 =	simm.s32 $0x180;
	s14 =	simm.s32 $0x200;
	s0 =	simm.s32 $0x0;
	v1 =	vld [tilespmem:s31+$0xFFFFFF80]  }
.LBB2_5:
0x52: {  	p0 =	sne.s32 s14, $0x4E00;
	v2 =	vld [tilespmem:s0+$0x2900];
	_ =	sdelay $0x4  }
0x53: {  	v1 =	vadd.f32 v2, v1;
	_ =	sdelay $0x1  }
0x54: {  	v1 =	vmax.f32 v1, $0.0e+00  }
0x55: {  	[tilespmem:s31+$0xFFFFFF80] =	vst v1;
	v1 =	vld [tilespmem:s31+$0xFFFFFF90]  }
0x56: {  	v2 =	vld [tilespmem:s0+$0x2910];
	_ =	sdelay $0x4  }
0x57: {  	v1 =	vadd.f32 v2, v1;
	_ =	sdelay $0x1  }
0x58: {  	v1 =	vmax.f32 v1, $0.0e+00  }
0x59: {  	[tilespmem:s31+$0xFFFFFF90] =	vst v1;
	v1 =	vld [tilespmem:s31+$0xFFFFFFA0]  }
0x5a: {  	v2 =	vld [tilespmem:s0+$0x2920];
	_ =	sdelay $0x4  }
0x5b: {  	v1 =	vadd.f32 v2, v1;
	_ =	sdelay $0x1  }
0x5c: {  	v1 =	vmax.f32 v1, $0.0e+00  }
0x5d: {  	[tilespmem:s31+$0xFFFFFFA0] =	vst v1;
	v1 =	vld [tilespmem:s31+$0xFFFFFFB0]  }
0x5e: {  	v2 =	vld [tilespmem:s0+$0x2930];
	_ =	sdelay $0x4  }
0x5f: {  	v1 =	vadd.f32 v2, v1;
	_ =	sdelay $0x1  }
0x60: {  	v1 =	vmax.f32 v1, $0.0e+00  }
0x61: {  	[tilespmem:s31+$0xFFFFFFB0] =	vst v1;
	v1 =	vld [tilespmem:s31+$0x0]  }
0x62: {  	v2 =	vld [tilespmem:s0+$0x2940];
	_ =	sdelay $0x4  }
0x63: {  	v1 =	vadd.f32 v2, v1;
	_ =	sdelay $0x1  }
0x64: {  	v1 =	vmax.f32 v1, $0.0e+00  }
0x65: {  	[tilespmem:s31+$0x0] =	vst v1;
	v1 =	vld [tilespmem:s31+$0x10]  }
0x66: {  	v2 =	vld [tilespmem:s0+$0x2950];
	_ =	sdelay $0x4  }
0x67: {  	v1 =	vadd.f32 v2, v1;
	_ =	sdelay $0x1  }
0x68: {  	v1 =	vmax.f32 v1, $0.0e+00  }
0x69: {  	[tilespmem:s31+$0x10] =	vst v1;
	v1 =	vld [tilespmem:s31+$0x20]  }
0x6a: {  	v2 =	vld [tilespmem:s0+$0x2960];
	_ =	sdelay $0x4  }
0x6b: {  	v1 =	vadd.f32 v2, v1;
	_ =	sdelay $0x1  }
0x6c: {  	v1 =	vmax.f32 v1, $0.0e+00  }
0x6d: {  	[tilespmem:s31+$0x20] =	vst v1;
	v1 =	vld [tilespmem:s31+$0x30]  }
0x6e: {  	v2 =	vld [tilespmem:s0+$0x2970];
	_ =	sdelay $0x3  }
.Ltmp1:
0x6f: {  	(pc) =	sbr.rel @p0 .LBB2_5-.Ltmp1, $3  }
0x70: {  	v1 =	vadd.f32 v2, v1;
	_ =	sdelay $0x1  }
0x71: {  	s31 =	sadd.s32 $0x100, s31;
	v2 =	vmax.f32 v1, $0.0e+00  }
0x72: {  	s0 =	sshra.s32 s14, $0x2;
	s14 =	sadd.s32 $0x200, s14;
	v1 =	vld [tilespmem:s31+$0xFFFFFF80];
	[tilespmem:s1+$0x30] =	vst v2;
	s1 =	smov.u32 s31  }
0x73: {  	v2 =	vld [tilespmem:s0+$0x2900];
	_ =	sdelay $0x4  }
0x74: {  	v1 =	vadd.f32 v2, v1;
	_ =	sdelay $0x1  }
0x75: {  	v1 =	vmax.f32 v1, $0.0e+00  }
0x76: {  	[tilespmem:s31+$0xFFFFFF80] =	vst v1;
	v1 =	vld [tilespmem:s31+$0xFFFFFF90]  }
0x77: {  	v2 =	vld [tilespmem:s0+$0x2910];
	_ =	sdelay $0x4  }
0x78: {  	v1 =	vadd.f32 v2, v1;
	_ =	sdelay $0x1  }
0x79: {  	v1 =	vmax.f32 v1, $0.0e+00  }
0x7a: {  	[tilespmem:s31+$0xFFFFFF90] =	vst v1;
	v1 =	vld [tilespmem:s31+$0xFFFFFFA0]  }
0x7b: {  	v2 =	vld [tilespmem:s0+$0x2920];
	_ =	sdelay $0x4  }
0x7c: {  	v1 =	vadd.f32 v2, v1;
	_ =	sdelay $0x1  }
0x7d: {  	v1 =	vmax.f32 v1, $0.0e+00  }
0x7e: {  	[tilespmem:s31+$0xFFFFFFA0] =	vst v1;
	v1 =	vld [tilespmem:s31+$0xFFFFFFB0]  }
0x7f: {  	v2 =	vld [tilespmem:s0+$0x2930];
	_ =	sdelay $0x4  }
0x80: {  	v1 =	vadd.f32 v2, v1;
	_ =	sdelay $0x1  }
0x81: {  	v1 =	vmax.f32 v1, $0.0e+00  }
0x82: {  	[tilespmem:s31+$0xFFFFFFB0] =	vst v1;
	v1 =	vld [tilespmem:s31+$0x0]  }
0x83: {  	v2 =	vld [tilespmem:s0+$0x2940];
	_ =	sdelay $0x4  }
0x84: {  	v1 =	vadd.f32 v2, v1;
	_ =	sdelay $0x1  }
0x85: {  	v1 =	vmax.f32 v1, $0.0e+00  }
0x86: {  	[tilespmem:s31+$0x0] =	vst v1;
	v1 =	vld [tilespmem:s31+$0x10]  }
0x87: {  	v2 =	vld [tilespmem:s0+$0x2950];
	_ =	sdelay $0x4  }
0x88: {  	v1 =	vadd.f32 v2, v1;
	_ =	sdelay $0x1  }
0x89: {  	v1 =	vmax.f32 v1, $0.0e+00  }
0x8a: {  	[tilespmem:s31+$0x10] =	vst v1;
	v1 =	vld [tilespmem:s31+$0x20]  }
0x8b: {  	v2 =	vld [tilespmem:s0+$0x2960];
	_ =	sdelay $0x4  }
0x8c: {  	v1 =	vadd.f32 v2, v1;
	_ =	sdelay $0x1  }
0x8d: {  	v1 =	vmax.f32 v1, $0.0e+00  }
0x8e: {  	[tilespmem:s31+$0x20] =	vst v1;
	v1 =	vld [tilespmem:s31+$0x30]  }
0x8f: {  	v2 =	vld [tilespmem:s0+$0x2970];
	_ =	sdelay $0x4  }
0x90: {  	v1 =	vadd.f32 v2, v1  }
0x91: {  	s30 =	sadd.s32 $0x1, s30  }
0x92: {  	p0 =	sne.s32 s30, $0x7D;
	v1 =	vmax.f32 v1, $0.0e+00  }
.Ltmp2:
0x93: {  	[tilespmem:s1+$0x30] =	vst v1;
	(pc) =	sbr.rel @p0 .LBB2_4-.Ltmp2, $4  }
0x94: {  	[spmem:s3] =	stream.indirect.scatter.add.f32 [tilespmem:s23], [sflag:$0x2], $0x80, s24, s22, $0xb8;
	[tilespmem:$0x1BD00] =	vst v63  }
0x95: {  	_ =	swait.ge [sflag:s21], $0x2800  }
0x96: {  	[sflag:s21] =	ssyncset.done $0x0  }
0x97: {  	[sflag:s21] =	ssyncadd.s32 $0xFFFFD800  }
0x98: {  	[bflag:$0x0] =	sbarrier.arrive $0xFFFF  }
0x99: {  	[tilespmem:s20], [sflag:$0x2] =	stream.linear.gather [spmem:s7], $0x4000, $0x38;
	[tilespmem:$0x1BD00] =	vst v63  }
0x9a: {  	_ =	swait.ge [sflag:s21], $0x4000  }
0x9b: {  	[sflag:s21] =	ssyncset.done $0x0  }
0x9c: {  	s0 =	rddreg [dreg:$0x4];
	[sflag:s21] =	ssyncadd.s32 $0xFFFFC000  }
0x9d: {  	[hbm4b:s0+s4] =	stream.linear.scatter [tilespmem:s20], [sflag:$0x2], $0x4000, $0x38;
	[tilespmem:$0x1BD00] =	vst v63  }
0x9e: {  	_ =	swait.ge [sflag:s21], $0x4000  }
0x9f: {  	[sflag:s21] =	ssyncset.done $0x0  }
0xa0: {  	[sflag:s21] =	ssyncadd.s32 $0xFFFFC000  }
0xa1: {  	[tilespmem:s20], [sflag:$0x2] =	stream.linear.gather [spmem:s8], $0x4000, $0x38;
	[tilespmem:$0x1BD00] =	vst v63  }
0xa2: {  	_ =	swait.ge [sflag:s21], $0x4000  }
0xa3: {  	[sflag:s21] =	ssyncset.done $0x0  }
0xa4: {  	[sflag:s21] =	ssyncadd.s32 $0xFFFFC000  }
0xa5: {  	[hbm4b:s15+s4] =	stream.linear.scatter [tilespmem:s20], [sflag:$0x2], $0x4000, $0x38;
	[tilespmem:$0x1BD00] =	vst v63  }
0xa6: {  	_ =	swait.ge [sflag:s21], $0x4000  }
0xa7: {  	[sflag:s21] =	ssyncset.done $0x0  }
0xa8: {  	[sflag:s21] =	ssyncadd.s32 $0xFFFFC000  }
0xa9: {  	[tilespmem:s20], [sflag:$0x2] =	stream.linear.gather [spmem:s9], $0x4000, $0x38;
	[tilespmem:$0x1BD00] =	vst v63  }
0xaa: {  	_ =	swait.ge [sflag:s21], $0x4000  }
0xab: {  	[sflag:s21] =	ssyncset.done $0x0  }
0xac: {  	[sflag:s21] =	ssyncadd.s32 $0xFFFFC000  }
0xad: {  	[hbm4b:s16+s4] =	stream.linear.scatter [tilespmem:s20], [sflag:$0x2], $0x4000, $0x38;
	[tilespmem:$0x1BD00] =	vst v63  }
0xae: {  	_ =	swait.ge [sflag:s21], $0x4000  }
0xaf: {  	[sflag:s21] =	ssyncset.done $0x0  }
0xb0: {  	[sflag:s21] =	ssyncadd.s32 $0xFFFFC000  }
0xb1: {  	[tilespmem:s20], [sflag:$0x2] =	stream.linear.gather [spmem:s10], $0x4000, $0x38;
	[tilespmem:$0x1BD00] =	vst v63  }
0xb2: {  	_ =	swait.ge [sflag:s21], $0x4000  }
0xb3: {  	[sflag:s21] =	ssyncset.done $0x0  }
0xb4: {  	[sflag:s21] =	ssyncadd.s32 $0xFFFFC000  }
0xb5: {  	[hbm4b:s17+s4] =	stream.linear.scatter [tilespmem:s20], [sflag:$0x2], $0x4000, $0x38;
	[tilespmem:$0x1BD00] =	vst v63  }
0xb6: {  	_ =	swait.ge [sflag:s21], $0x4000  }
0xb7: {  	[sflag:s21] =	ssyncset.done $0x0  }
0xb8: {  	[sflag:s21] =	ssyncadd.s32 $0xFFFFC000  }
0xb9: {  	[tilespmem:s20], [sflag:$0x2] =	stream.linear.gather [spmem:s11], $0x4000, $0x38;
	[tilespmem:$0x1BD00] =	vst v63  }
0xba: {  	s28 =	sadd.s32 $0x1, s28;
	_ =	swait.ge [sflag:s21], $0x4000  }
0xbb: {  	p0 =	sne.s32 s28, s19;
	[sflag:s21] =	ssyncset.done $0x0  }
.Ltmp3:
0xbc: {  	[sflag:s21] =	ssyncadd.s32 $0xFFFFC000;
	(pc) =	sbr.rel @p0 .LBB2_1-.Ltmp3, $4  }
0xbd: {  	[hbm4b:s18+s4] =	stream.linear.scatter [tilespmem:s20], [sflag:$0x2], $0x4000, $0x38;
	[tilespmem:$0x1BD00] =	vst v63  }
0xbe: {  	_ =	swait.ge [sflag:s21], $0x4000  }
0xbf: {  	[sflag:s21] =	ssyncset.done $0x0  }
0xc0: {  	[sflag:s21] =	ssyncadd.s32 $0xFFFFC000  }
0xc1: {  	_ =	sfence.sel $0x180000  }
0xc2: {  	[bflag:$0x0] =	sbarrier.arrive $0xFFFF  }
0xc3: {  	_ =	strace $0x9000004D  }
0xc4: {  	s0 =	stileid.u32;
	[bflag:$0x2] =	sbarrier.arrive $0xFFFF  }
0xc5: {  	p0 =	sne.s32 s0, $0x0;
	s0 =	rddreg [dreg:$0x3]  }
0xc6: {  	s0 =	sadd.s32 @!p0 $0x100000, s0  }
0xc7: {  	[sflag:s0] =	ssyncadd.tile.s32 @!p0 $0x1;
	_ =	shalt  }
.Lfunc_end2:
_tile_overlayer_lowered:
.L_overlay_start_2:
0xc8: {  	(tag) =	ssettag $0x2  }
0xc9: {  	s0 =	rddreg [dreg:$0x0];
	s2 =	stileid.u32  }
0xca: {  	s1 =	rddreg [dreg:$0x1];
	p0 =	sne.s32 s2, $0x0  }
0xcb: {  	s3 =	rddreg [dreg:$0x2];
	[bflag:$0x3] =	sbarrier.arrive $0xFFFF;
	s2 =	simm.s32 @!p0 $0x1C02  }
0xcc: {  	[timem:s3], [sflag:s2] =	dma.local @!p0 [hbm:s0], s1  }
0xcd: {  	s0 =	simm.s32 @!p0 $0x2  }
0xce: {  	_ =	swait.ge @!p0 [sflag:s0], s1  }
0xcf: {  	s1 =	ssub.s32 @!p0 $0x0, s1;
	[sflag:s0] =	ssyncset.done @!p0 $0x0  }
0xd0: {  	[sflag:s0] =	ssyncadd.s32 @!p0 s1  }
0xd1: {  	[bflag:$0x3] =	sbarrier.arrive $0xFFFF  }
0xd2: {  	_ =	shalt  }

// kernel: kernel.24.cloned.1.call-start
scs
__scs_entry_jumppad:
0x0: {  	(pc) =	sbr.rel $0x88, $3  }
0x1: {  	(tag) =	ssettag $0x0;
	lr =	simm.s32 $0x1  }
0x2: {  	[smem:$0x3F7E] =	sst lr;
	_ =	strace $0xD0000000  }
0x3: {  	_ = 	snop  }
0x4: {  	_ = 	snop  }
0x5: {  	_ = 	snop  }
0x6: {  	_ = 	snop  }
0x7: {  	_ = 	snop  }
__scs_overlays_trampoline_lowered:
0x8: {  	[smem:$0x3F8D] =	sst s0  }
0x9: {  	[smem:$0x3F8E] =	sst s1  }
0xa: {  	[smem:$0x3F8F] =	sst s2  }
0xb: {  	[smem:$0x3F90] =	sst s3  }
0xc: {  	[smem:$0x3F91] =	sst s4  }
0xd: {  	[smem:$0x3F92] =	sst s5  }
0xe: {  	[smem:$0x3F93] =	sst s6  }
0xf: {  	[smem:$0x3F94] =	sst s7  }
0x10: {  	[smem:$0x3F95] =	sst s8  }
0x11: {  	[smem:$0x3F96] =	sst s9;
	s0 =	simm.s32 @!p0 $0x0  }
0x12: {  	s1 =	sld [smem:$0x3F7C];
	s0 =	simm.s32 @p0 $0x1  }
0x13: {  	[smem:$0x3F97] =	sst s0;
	s0 =	simm.s32 @!p1 $0x0  }
0x14: {  	s2 =	sld [smem:$0x3F7B];
	s0 =	simm.s32 @p1 $0x1  }
0x15: {  	[smem:$0x3F98] =	sst s0;
	s0 =	simm.s32 @!p2 $0x0  }
0x16: {  	s3 =	sld [smem:$0x3FDB];
	s0 =	simm.s32 @p2 $0x1  }
0x17: {  	s4 =	simm.s32 $0x1BF5;
	[smem:$0x3F9A] =	sst s0  }
0x18: {  	s0 =	sld [smem:$0x3F7D];
	_ =	swait.ge [sflag:s4], $0x0  }
0x19: {  	s7 =	sld [smem:$0x3F7E]  }
0x1a: {  	s8 =	sadd.s32 $0xFFFFE003, lr  }
0x1b: {  	s9 =	sadd.s32 $0xFFFFFEF7, lr;
	s5 =	simm.s32 $0xFFFFFFFF;
	p2 =	slt.u32 s8, $0xFFFFF086  }
0x1c: {  	p1 =	slt.u32 s9, $0xF7A;
	s5 =	simm.s32 @!p2 $0x0  }
0x1d: {  	s5 =	simm.s32 @p1 $0x1;
	p0 =	seq.s32 s7, s2  }
0x1e: {  	s7 =	smul.u32 @!p0 $0xF7A, s2;
	p2 =	seq.s32 @!p0 s5, $0x0  }
0x1f: {  	s9 =	smul.u32 $0xF7A, s1;
	s8 =	simm.s32 @!p0 $0x1BF5;
	p2 =	por !p2, p0  }
0x20: {  	[sflag:s8] =	ssyncset.s32 @!p0 $0xFFFFF086;
	s6 =	sadd.s32 @!p0 s3, s7;
	s7 =	simm.s32 @!p0 $0x108  }
0x21: {  	s3 =	sadd.s32 s3, s9;
	s6 =	sadd.s32 @!p0 $0x88, s6;
	s7 =	simm.s32 @p2 $0x1082  }
0x22: {  	[simem:s7], [sflag:s8] =	dma.local @!p0 [hbm:s6], $0xF7A  }
0x23: {  	s9 =	sor.u32 $0xD0000000, s2;
	s6 =	simm.s32 $0x108;
	_ =	swait.ge @!p0 [sflag:s8], $0x0  }
0x24: {  	s3 =	sadd.s32 $0x88, s3;
	s6 =	simm.s32 @!p1 $0x1082;
	[sflag:s4] =	ssyncset.s32 $0xFFFFF086  }
0x25: {  	[simem:s6], [sflag:s4] =	dma.local [hbm:s3], $0xF7A  }
0x26: {  	[smem:$0x3F7E] =	sst s1;
	(tag) =	ssettag s2;
	_ =	strace s9  }
0x27: {  	s1 =	sld [smem:$0x3F8E]  }
0x28: {  	s2 =	sld [smem:$0x3F8F]  }
0x29: {  	s4 =	sld [smem:$0x3F91]  }
0x2a: {  	p0 =	seq.s32 s5, $0x0;
	s5 =	sld [smem:$0x3F92]  }
0x2b: {  	s6 =	sld [smem:$0x3F93]  }
0x2c: {  	s7 =	sld [smem:$0x3F94]  }
0x2d: {  	s3 =	simm.s32 $0x108;
	s8 =	sld [smem:$0x3F95]  }
0x2e: {  	s3 =	simm.s32 @!p0 $0x1082;
	s9 =	sld [smem:$0x3F96]  }
0x2f: {  	lr =	sadd.s32 s0, s3;
	s0 =	sld [smem:$0x3F8D]  }
0x30: {  	s3 =	sld [smem:$0x3F90]  }
0x31: {  	[smem:$0x3F99] =	sst s10  }
0x32: {  	s10 =	sld [smem:$0x3F97];
	_ =	sdelay $0x3  }
0x33: {  	p0 =	seq.s32 s10, $0x1;
	s10 =	sld [smem:$0x3F99];
	_ =	sdelay $0x3  }
0x34: {  	[smem:$0x3F99] =	sst s10  }
0x35: {  	s10 =	sld [smem:$0x3F98];
	_ =	sdelay $0x3  }
0x36: {  	p1 =	seq.s32 s10, $0x1;
	s10 =	sld [smem:$0x3F99];
	_ =	sdelay $0x3  }
0x37: {  	[smem:$0x3F99] =	sst s10  }
0x38: {  	s10 =	sld [smem:$0x3F9A]  }
0x39: {  	_ = 	snop;
	(pc) =	sbr.ind lr, $3  }
0x3a: {  	_ = 	snop  }
0x3b: {  	_ = 	snop  }
0x3c: {  	p2 =	seq.s32 s10, $0x1;
	s10 =	sld [smem:$0x3F99]  }
0x3d: {  	_ =	shalt  }
0x3e: {  	_ =	shalt  }
0x3f: {  	_ =	shalt  }
0x40: {  	_ =	shalt  }
0x41: {  	_ =	shalt  }
0x42: {  	_ =	shalt  }
0x43: {  	_ =	shalt  }
0x44: {  	_ =	shalt  }
0x45: {  	_ =	shalt  }
0x46: {  	_ =	shalt  }
0x47: {  	_ =	shalt  }
0x48: {  	_ =	shalt  }
0x49: {  	_ =	shalt  }
0x4a: {  	_ =	shalt  }
0x4b: {  	_ =	shalt  }
0x4c: {  	_ =	shalt  }
0x4d: {  	_ =	shalt  }
0x4e: {  	_ =	shalt  }
0x4f: {  	_ =	shalt  }
0x50: {  	_ =	shalt  }
0x51: {  	_ =	shalt  }
0x52: {  	_ =	shalt  }
0x53: {  	_ =	shalt  }
0x54: {  	_ =	shalt  }
0x55: {  	_ =	shalt  }
0x56: {  	_ =	shalt  }
0x57: {  	_ =	shalt  }
0x58: {  	_ =	shalt  }
0x59: {  	_ =	shalt  }
0x5a: {  	_ =	shalt  }
0x5b: {  	_ =	shalt  }
0x5c: {  	_ =	shalt  }
0x5d: {  	_ =	shalt  }
0x5e: {  	_ =	shalt  }
0x5f: {  	_ =	shalt  }
0x60: {  	_ =	shalt  }
0x61: {  	_ =	shalt  }
0x62: {  	_ =	shalt  }
0x63: {  	_ =	shalt  }
0x64: {  	_ =	shalt  }
0x65: {  	_ =	shalt  }
0x66: {  	_ =	shalt  }
0x67: {  	_ =	shalt  }
0x68: {  	_ =	shalt  }
0x69: {  	_ =	shalt  }
0x6a: {  	_ =	shalt  }
0x6b: {  	_ =	shalt  }
0x6c: {  	_ =	shalt  }
0x6d: {  	_ =	shalt  }
0x6e: {  	_ =	shalt  }
0x6f: {  	_ =	shalt  }
0x70: {  	_ =	shalt  }
0x71: {  	_ =	shalt  }
0x72: {  	_ =	shalt  }
0x73: {  	_ =	shalt  }
0x74: {  	_ =	shalt  }
0x75: {  	_ =	shalt  }
0x76: {  	_ =	shalt  }
0x77: {  	_ =	shalt  }
0x78: {  	_ =	shalt  }
0x79: {  	_ =	shalt  }
0x7a: {  	_ =	shalt  }
0x7b: {  	_ =	shalt  }
0x7c: {  	_ =	shalt  }
0x7d: {  	_ =	shalt  }
0x7e: {  	_ =	shalt  }
0x7f: {  	_ =	shalt  }
0x80: {  	_ =	shalt  }
0x81: {  	_ =	shalt  }
0x82: {  	_ =	shalt  }
0x83: {  	_ =	shalt  }
0x84: {  	_ =	shalt  }
0x85: {  	_ =	shalt  }
0x86: {  	_ =	shalt  }
0x87: {  	_ =	shalt  }
.Lfunc_end0:
.L_simem_size_0:
called_computation.3_lowered:
.L_overlay_start_0:
0x88: {  	s2 =	sld [smem:$0x3FD9]  }
0x89: {  	s3 =	sld [smem:$0x3FFE];
	_ =	sdelay $0x1  }
0x8a: {  	s1 =	srdreg.scid  }
0x8b: {  	s0 =	sand.u32 $0x1, s1  }
0x8c: {  	s17 =	sshll.u32 s0, $0xA;
	s2 =	sadd.s32 s3, s2  }
0x8d: {  	s2 =	sadd.s32 s2, s17  }
0x8e: {  	[smem:$0x3FA5] =	sst s2  }
0x8f: {  	_ = 	snop  }
0x90: {  	s2 =	sld [smem:$0x3FD0];
	(tm) =	ssettm $0x1  }
0x91: {  	s18 =	sld [smem:$0x3FFB];
	_ =	sdelay $0x3  }
0x92: {  	_ =	strace s18  }
0x93: {  	s3 =	sld [smem:$0x3FFC];
	_ =	sdelay $0x3  }
0x94: {  	_ =	strace s3  }
0x95: {  	s3 =	sld [smem:$0x3FFD];
	_ =	sdelay $0x3  }
0x96: {  	_ =	strace s3  }
0x97: {  	_ =	strace $0x8FFFFFFF  }
0x98: {  	s19 =	sld [smem:$0x3FDB];
	_ =	sdelay $0x1  }
0x99: {  	s4 =	simm.s32 $_scs_section_size  }
0x9a: {  	s5 =	simm.s32 $_size__tile_overlayer_lowered;
	s6 =	simm.s32 $_tile_overlayer_lowered  }
0x9b: {  	s22 =	simm.s32 $0x1BFF;
	s21 =	sshll.u32 s6, $0x1;
	s3 =	sadd.s32 s4, s19  }
0x9c: {  	s7 =	simm.s32 $0x0;
	s20 =	sshll.u32 s5, $0x1;
	s5 =	sadd.s32 s21, s3  }
0x9d: {  	[timem:s7], [sflag:s22] =	dma.local [hbm:s5], s20  }
0x9e: {  	_ =	swait.ge [sflag:s22], s20  }
0x9f: {  	s4 =	ssub.s32 $0x0, s20;
	[sflag:s22] =	ssyncset.done $0x0  }
0xa0: {  	[sflag:s22] =	ssyncadd.s32 s4;
	_ =	sdelay $0x1  }
0xa1: {  	s23 =	simm.s32 $0x1B8B  }
0xa2: {  	_ =	swait.ge [sflag:s23], $0x1  }
0xa3: {  	[sflag:s23] =	ssyncset.done $0x0  }
0xa4: {  	s25 =	simm.s32 $0x1B8E;
	s24 =	sld [smem:$0x3FFE];
	[sflag:s23] =	ssyncadd.s32 $0xFFFFFFFF  }
0xa5: {  	s26 =	simm.s32 $execute0_lowered;
	[smem:$0x3FD2] =	sst s25  }
0xa6: {  	s5 =	sshll.u32 s26, $0x1;
	_ =	strace $0x8000004F;
	[dreg:$0x1] =	wrdreg $0xFFFFFFFF  }
0xa7: {  	s28 =	simm.s32 $_size_execute0_lowered;
	s3 =	sadd.s32 s3, s5;
	[dreg:$0x0] =	wrdreg $0x0  }
0xa8: {  	s5 =	sshll.u32 s28, $0x1;
	[dreg:$0x2] =	wrdreg s3  }
0xa9: {  	[dreg:$0x3] =	wrdreg s5  }
0xaa: {  	[dreg:$0x4] =	wrdreg $0xC0  }
0xab: {  	_ =	task [dreg:s7], $0x5FFFF  }
0xac: {  	[dreg:$0x1] =	wrdreg $0xFFFFFFFF  }
0xad: {  	[dreg:$0x0] =	wrdreg $0x60  }
0xae: {  	[dreg:$0x2] =	wrdreg s24  }
0xaf: {  	[dreg:$0x3] =	wrdreg s2  }
0xb0: {  	[dreg:$0x4] =	wrdreg $0x9  }
0xb1: {  	_ =	task.clear_ibuf [dreg:s7], $0x5FFFF;
	_ =	strace $0x9000004F  }
0xb2: {  	s29 =	simm.s32 $0x9;
	_ =	strace $0x80000051  }
0xb3: {  	_ =	swait.ge [sflag:s29], $0x1  }
0xb4: {  	[sflag:s29] =	ssyncadd.s32 $0xFFFFFFFF  }
0xb5: {  	_ =	strace $0x90000051  }
0xb6: {  	_ =	sfence  }
0xb7: {  	s30 =	sld [smem:$0x0];
	_ =	sdelay $0x2  }
0xb8: {  	s31 =	sshll.u32 s1, $0xD;
	s1 =	sshrl.u32 s1, $0x2  }
0xb9: {  	s3 =	sand.u32 $0x4000, s31;
	s1 =	sadd.s32 s1, s30  }
0xba: {  	s0 =	sor.u32 s3, s0;
	s1 =	sshll.u32 s1, $0x11  }
0xbb: {  	s0 =	sor.u32 s1, s0  }
0xbc: {  	s0 =	sadd.s32 $0x8F2B, s0  }
0xbd: {  	[sflag:s0] =	ssyncadd.remote.s32 $0x1  }
0xbe: {  	_ =	sfence.sel $0xFFFF  }
0xbf: {  	[dreg:$0x0] =	wrdreg $0xFFFFFFFF;
	(pc) =	sbr.abs _section_cstart, $3  }
0xc0: {  	[dreg:$0x1] =	wrdreg $0xFFFFFFFF  }
0xc1: {  	_ =	task.clear_ibuf [dreg:s7], $0x2FFFF;
	_ =	strace $0x9FFFFFFF  }
0xc2: {  	(tm) =	ssettm $0x7FFFFFFF  }
0xc3: {  	_ =	shalt  }
tec
execute0_lowered:
.L_overlay_start_1:
0x0: {  	(tag) =	ssettag $0x1  }
0x1: {  	s6 =	rddreg [dreg:$0x0]  }
0x2: {  	s1 =	rddreg [dreg:$0x1]  }
0x3: {  	s0 =	rddreg [dreg:$0x2];
	s2 =	simm.s32 $0x0  }
0x4: {  	s3 =	srdreg.scid;
	s11 =	simm.s32 $0x200;
	s12 =	simm.s32 $0x1  }
0x5: {  	s13 =	simm.s32 $0xCA00;
	s14 =	simm.s32 $0x0;
	[smem:$0x7FF] =	sst s2  }
0x6: {  	s7 =	sand.u32 $0x1, s3;
	s3 =	stileid.u32;
	s4 =	sadd.s32 $0x10400, s6  }
0x7: {  	s5 =	sadd.s32 $0x6600, s6;
	s6 =	sadd.s32 $0x9D4400, s6;
	s8 =	ssub.s32 $0x2, s7  }
0x8: {  	_ =	strace $0x80000050;
	s10 =	sshll.u32 s3, $0x1;
	s9 =	sshrl.u32 s8, $0x1  }
0x9: {  	s7 =	sor.u32 s7, s10;
	s10 =	simm.s32 $0x190;
	s8 =	ssub.s32 s8, s9  }
0xa: {  	s7 =	smul.u32 $0x2710, s7;
	s9 =	simm.s32 $0x2;
	s8 =	smax.u32 s8, $0x1  }
.LBB2_1:
0xb: {  	s15 =	simm.s32 $0x0  }
.LBB2_2:
0xc: {  	s16 =	smul.u32 $0x190, s15;
	_ =	sdelay $0x1  }
0xd: {  	s16 =	sadd.s32 s7, s16  }
0xe: {  	s17 =	sshrl.u32 s16, $0x3  }
0xf: {  	s19 =	simm.s32 $0x0;
	s18 =	sadd.s32 s5, s17  }
0x10: {  	[tilespmem:s19], [sflag:$0x2] =	stream.linear.gather [hbm4b:s18+s19], $0x190, $0x38;
	[tilespmem:$0x19200] =	vst v63  }
0x11: {  	_ =	swait.ge [sflag:s9], $0x190  }
0x12: {  	[sflag:s9] =	ssyncset.done $0x0  }
0x13: {  	[sflag:s9] =	ssyncadd.s32 $0xFFFFFE70  }
0x14: {  	[tilespmem:s11], [sflag:$0x1] =	stream.indirect.gather [hbm4b:s4+s10], $0x80, s19, s10, $0xb8;
	[tilespmem:$0x19200] =	vst v63  }
0x15: {  	_ =	swait.ge [sflag:s12], $0xC800  }
0x16: {  	[sflag:s12] =	ssyncset.done $0x0  }
0x17: {  	s17 =	sadd.s32 s1, s17;
	[sflag:s12] =	ssyncadd.s32 $0xFFFF3800  }
0x18: {  	[tilespmem:s19], [sflag:$0x2] =	stream.linear.gather [hbm4b:s17+s19], $0x190, $0x38;
	[tilespmem:$0x19200] =	vst v63  }
0x19: {  	_ =	swait.ge [sflag:s9], $0x190  }
0x1a: {  	[sflag:s9] =	ssyncset.done $0x0  }
0x1b: {  	[sflag:s9] =	ssyncadd.s32 $0xFFFFFE70  }
0x1c: {  	[tilespmem:s13], [sflag:$0x1] =	stream.indirect.gather [hbm4b:s4+s10], $0x80, s19, s10, $0xb8;
	[tilespmem:$0x19200] =	vst v63  }
0x1d: {  	_ =	swait.ge [sflag:s12], $0xC800  }
0x1e: {  	[sflag:s12] =	ssyncset.done $0x0  }
0x1f: {  	s17 =	simm.s32 $0x0;
	[sflag:s12] =	ssyncadd.s32 $0xFFFF3800  }
0x20: {  	v0 =	vld [tilespmem:s17+$0xCA30]  }
0x21: {  	v1 =	vld [tilespmem:s17+$0xCA00]  }
0x22: {  	v2 =	vld [tilespmem:s17+$0xCA10]  }
0x23: {  	s18 =	simm.s32 $0x200;
	v3 =	vld [tilespmem:s17+$0xCA20]  }
.LBB2_3:
0x24: {  	p0 =	sne.s32 s18, $0x31E00  }
.Ltmp0:
0x25: {  	s19 =	sshra.s32 s18, $0x2;
	s18 =	sadd.s32 $0x200, s18;
	[tilespmem:s17+$0x270] =	vst v0;
	(pc) =	sbr.rel @p0 .LBB2_3-.Ltmp0, $4  }
0x26: {  	v0 =	vld [tilespmem:s19+$0xCA30];
	[tilespmem:s17+$0x240] =	vst v1  }
0x27: {  	v1 =	vld [tilespmem:s19+$0xCA00];
	[tilespmem:s17+$0x250] =	vst v2  }
0x28: {  	v2 =	vld [tilespmem:s19+$0xCA10];
	[tilespmem:s17+$0x260] =	vst v3;
	s17 =	smov.u32 s19  }
0x29: {  	v3 =	vld [tilespmem:s17+$0xCA20]  }
0x2a: {  	_ = 	snop  }
0x2b: {  	[tilespmem:s17+$0x270] =	vst v0  }
0x2c: {  	s15 =	sadd.s32 $0x1, s15;
	[tilespmem:s17+$0x240] =	vst v1  }
0x2d: {  	s16 =	sshll.u32 s16, $0x4;
	p0 =	sne.s32 s15, $0x19;
	[tilespmem:s17+$0x250] =	vst v2  }
.Ltmp1:
0x2e: {  	s16 =	sadd.s32 s6, s16;
	[tilespmem:s17+$0x260] =	vst v3;
	(pc) =	sbr.rel @p0 .LBB2_2-.Ltmp1, $4  }
0x2f: {  	[hbm4b:s16+s2] =	stream.linear.scatter [tilespmem:s11], [sflag:$0x2], $0xC800, $0x38;
	[tilespmem:$0x19200] =	vst v63  }
0x30: {  	_ =	swait.ge [sflag:s9], $0xC800  }
0x31: {  	[sflag:s9] =	ssyncset.done $0x0  }
0x32: {  	[sflag:s9] =	ssyncadd.s32 $0xFFFF3800  }
0x33: {  	s14 =	sadd.s32 $0x1, s14  }
0x34: {  	p0 =	sne.s32 s14, s8  }
.Ltmp2:
0x35: {  	_ = 	snop;
	(pc) =	sbr.rel @p0 .LBB2_1-.Ltmp2, $1  }
0x36: {  	_ =	sdelay $0x3  }
0x37: {  	_ =	sfence.sel $0x180000  }
0x38: {  	[bflag:$0x0] =	sbarrier.arrive $0xFFFF  }
0x39: {  	p0 =	sne.s32 s3, $0x0;
	_ =	strace $0x90000050  }
0x3a: {  	s0 =	sadd.s32 @!p0 $0x100000, s0;
	[bflag:$0x2] =	sbarrier.arrive $0xFFFF  }
0x3b: {  	[sflag:s0] =	ssyncadd.tile.s32 @!p0 $0x1;
	_ =	shalt  }
.Lfunc_end2:
_tile_overlayer_lowered:
.L_overlay_start_2:
0x3c: {  	(tag) =	ssettag $0x2  }
0x3d: {  	s0 =	rddreg [dreg:$0x0];
	s2 =	stileid.u32  }
0x3e: {  	s1 =	rddreg [dreg:$0x1];
	p0 =	sne.s32 s2, $0x0  }
0x3f: {  	s3 =	rddreg [dreg:$0x2];
	[bflag:$0x3] =	sbarrier.arrive $0xFFFF;
	s2 =	simm.s32 @!p0 $0x1C02  }
0x40: {  	[timem:s3], [sflag:s2] =	dma.local @!p0 [hbm:s0], s1  }
0x41: {  	s0 =	simm.s32 @!p0 $0x2  }
0x42: {  	_ =	swait.ge @!p0 [sflag:s0], s1  }
0x43: {  	s1 =	ssub.s32 @!p0 $0x0, s1;
	[sflag:s0] =	ssyncset.done @!p0 $0x0  }
0x44: {  	[sflag:s0] =	ssyncadd.s32 @!p0 s1  }
0x45: {  	[bflag:$0x3] =	sbarrier.arrive $0xFFFF  }
0x46: {  	_ =	shalt  }

</sc_bundles>
